<compile_context>
chip_gen: v7x
topology: tpu7x:2x2x1
jax: 0.10.2.dev20260603
libtpu: 0.0.44.dev20260713+nightly
codegen_flags: <defaults>
</compile_context>

<pallas_src>
import jax
import jax.numpy as jnp
from jax import lax
from jax.experimental import pallas as pl
from jax.experimental.pallas import tpu as pltpu
from jax.experimental.pallas import tpu_sc as plsc

N_NODES = 10000
N_EDGES = 320000
DIM = 128
EDGE_NUM = 3000

_NC = 2
_NS = 16
_NW = _NC * _NS
_EW = N_EDGES // _NW
_C = 80
_NCH = _EW // _C
_CV = _C // 16


def _etype(s_t, d_t):
    diff = jnp.abs(s_t - d_t) - 1
    return s_t * d_t + (diff * diff) // 4


_NB = 5


def _edge_emb_kernel(node_hbm, edge_hbm, emb_hbm, out_hbm,
                     node_v, src_v, dst_v, et_v, rows_v,
                     sem_in, gsem, ssem):
    wid = lax.axis_index("s") * _NC + lax.axis_index("c")
    base = wid * _EW

    cp_n = pltpu.async_copy(node_hbm, node_v, sem_in)
    cp_s = pltpu.async_copy(edge_hbm.at[pl.ds(base, _EW)], src_v, sem_in)
    cp_d = pltpu.async_copy(edge_hbm.at[pl.ds(N_EDGES + base, _EW)], dst_v,
                            sem_in)
    cp_n.wait()
    cp_s.wait()
    cp_d.wait()

    def compute_row(j):
        for k in range(_CV):
            off = j * _C + k * 16
            si = src_v[pl.ds(off, 16)]
            di = dst_v[pl.ds(off, 16)]
            s_t = plsc.load_gather(node_v, [si])
            d_t = plsc.load_gather(node_v, [di])
            et_v[j, pl.ds(k * 16, 16)] = _etype(s_t, d_t)

    def fire_g(j, b):
        pltpu.async_copy(emb_hbm.at[et_v.at[j]], rows_v.at[b], gsem.at[b])

    def wait_g(j, b):
        pltpu.make_async_copy(emb_hbm.at[et_v.at[j]], rows_v.at[b],
                              gsem.at[b]).wait()

    def fire_s(j, b):
        pltpu.async_copy(rows_v.at[b], out_hbm.at[pl.ds(base + j * _C, _C)],
                         ssem.at[b])

    def wait_s(j, b):
        pltpu.make_async_copy(rows_v.at[b],
                              out_hbm.at[pl.ds(base + j * _C, _C)],
                              ssem.at[b]).wait()

    for b in range(_NB):
        compute_row(b)
        fire_g(b, b)

    def group(g, _):
        j0 = g * _NB
        for b in range(_NB):
            compute_row(j0 + _NB + b)
        for b in range(_NB):
            wait_g(j0 + b, b)
            fire_s(j0 + b, b)
            wait_s(j0 + b, b)
            fire_g(j0 + _NB + b, b)
        return 0

    lax.fori_loop(0, _NCH // _NB - 1, group, 0)
    j0 = _NCH - _NB
    for b in range(_NB):
        wait_g(j0 + b, b)
        fire_s(j0 + b, b)
        wait_s(j0 + b, b)


@jax.jit
def _edge_emb(node_type, edge_index, emb):
    mesh = plsc.VectorSubcoreMesh(core_axis_name="c", subcore_axis_name="s",
                                  num_cores=_NC, num_subcores=_NS)
    return pl.kernel(
        _edge_emb_kernel,
        out_type=jax.ShapeDtypeStruct((N_EDGES, DIM), jnp.float32),
        mesh=mesh,
        scratch_types=[
            pltpu.VMEM((N_NODES,), jnp.int32),
            pltpu.VMEM((_EW,), jnp.int32),
            pltpu.VMEM((_EW,), jnp.int32),
            pltpu.VMEM((_NCH, _C), jnp.int32),
            pltpu.VMEM((_NB, _C, DIM), jnp.float32),
            pltpu.SemaphoreType.DMA,
            pltpu.SemaphoreType.DMA((_NB,)),
            pltpu.SemaphoreType.DMA((_NB,)),
        ],
        compiler_params=pltpu.CompilerParams(needs_layout_passes=False, skip_device_barrier=True),
    )(node_type, edge_index.reshape(2 * N_EDGES), emb)


def kernel(node_type, edge_index, emb):
    return _edge_emb(node_type, edge_index, emb)

# --- scband reference (transcript-rebuilt; emitter-appended) ---
"""Pipeline reference for scband-edge-embedding-47614007443629 (READ-ONLY COPY).

The authoritative reference and input builder live on the scoring server;
editing this copy changes nothing except your own understanding.
"""

import jax, jax.numpy as jnp
import numpy as np

N_NODES = 10000
N_EDGES = 320000
DIM = 128
EDGE_NUM = 3000
MAX_ATOM = 54

def setup_inputs(seed: int = 0) -> dict:
    key = jax.random.key(seed)
    k1, k2, k3 = jax.random.split(key, 3)
    node_type = jax.random.randint(k1, (N_NODES,), 0, MAX_ATOM, dtype=jnp.int32)
    edge_index = jax.random.randint(k2, (2, N_EDGES), 0, N_NODES, dtype=jnp.int32)
    emb = jax.random.normal(k3, (EDGE_NUM, DIM), dtype=jnp.float32)
    emb = emb.at[0].set(0.0)  # padding_idx=0
    return {"node_type": node_type, "edge_index": edge_index, "emb": emb}

def reference(node_type, edge_index, emb):
    # apply_edges(generate_edge_type): unordered pairing of src/dst atom types
    src_t = jnp.take(node_type, edge_index[0], axis=0)
    dst_t = jnp.take(node_type, edge_index[1], axis=0)
    etype = src_t * dst_t + ((jnp.abs(src_t - dst_t) - 1) ** 2) // 4
    etype = etype.astype(jnp.int32)
    # g.edata['edge_f'] = embedding(type)
    edge_f = jnp.take(emb, etype, axis=0)
    return edge_f

if __name__ == "__main__":
    import jax
    _d = setup_inputs()
    print(jax.jit(kernel)(*tuple(_d.values())))

</pallas_src>

<mosaic_0001>
#map = affine_map<(d0, d1) -> (0)>
#map1 = affine_map<(d0, d1) -> (0, 0)>
module attributes {stable_mosaic.version = 14 : i64} {
  func.func @_edge_emb_kernel(%arg0: i32, %arg1: i32, %arg2: memref<10000xi32, #tpu.memory_space<hbm>>, %arg3: memref<640000xi32, #tpu.memory_space<hbm>>, %arg4: memref<3000x128xf32, #tpu.memory_space<hbm>>, %arg5: memref<320000x128xf32, #tpu.memory_space<hbm>>, %arg6: memref<10000xi32, #tpu.memory_space<vmem>>, %arg7: memref<10000xi32, #tpu.memory_space<vmem>>, %arg8: memref<10000xi32, #tpu.memory_space<vmem>>, %arg9: memref<125x80xi32, #tpu.memory_space<vmem>>, %arg10: memref<5x80x128xf32, #tpu.memory_space<vmem>>, %arg11: memref<!tpu.dma_semaphore, #tpu.memory_space<semaphore_mem>>, %arg12: memref<5x!tpu.dma_semaphore, #tpu.memory_space<semaphore_mem>>, %arg13: memref<5x!tpu.dma_semaphore, #tpu.memory_space<semaphore_mem>>) attributes {dimension_semantics = [#tpu.dimension_semantics<core_parallel>, #tpu.dimension_semantics<subcore_parallel>], iteration_bounds = array<i64: 2, 16>, scalar_prefetch = 0 : i64, scratch_operands = 8 : i64, tpu.core_type = #tpu.core_type<sc_vector_subcore>, window_params = [{transform_indices = #map}, {transform_indices = #map}, {transform_indices = #map1}, {transform_indices = #map1}]} {
    %mul3A = arith.constant 2 : i32
    %mul3A_0 = arith.muli %arg1, %mul3A : i32
    %add3A = arith.addi %mul3A_0, %arg0 : i32
    %mul3A_1 = arith.constant 10000 : i32
    %mul3A_2 = arith.muli %add3A, %mul3A_1 : i32
    tpu.enqueue_dma source(%arg2 : memref<10000xi32, #tpu.memory_space<hbm>>) target(%arg6 : memref<10000xi32, #tpu.memory_space<vmem>>) target_semaphore(%arg11 : memref<!tpu.dma_semaphore, #tpu.memory_space<semaphore_mem>>)
    %dma_start3A = tpu.memref_slice %arg3[%mul3A_2] : memref<640000xi32, #tpu.memory_space<hbm>> -> memref<10000xi32, #tpu.memory_space<hbm>>
    %dma_start3A_3 = tpu.memref_slice %arg3[%mul3A_2] : memref<640000xi32, #tpu.memory_space<hbm>> -> memref<10000xi32, #tpu.memory_space<hbm>>
    tpu.enqueue_dma source(%dma_start3A_3 : memref<10000xi32, #tpu.memory_space<hbm>>) target(%arg7 : memref<10000xi32, #tpu.memory_space<vmem>>) target_semaphore(%arg11 : memref<!tpu.dma_semaphore, #tpu.memory_space<semaphore_mem>>)
    %add3A_4 = arith.constant 320000 : i32
    %add3A_5 = arith.addi %add3A_4, %mul3A_2 : i32
    %dma_start3A_6 = tpu.memref_slice %arg3[%add3A_5] : memref<640000xi32, #tpu.memory_space<hbm>> -> memref<10000xi32, #tpu.memory_space<hbm>>
    %dma_start3A_7 = tpu.memref_slice %arg3[%add3A_5] : memref<640000xi32, #tpu.memory_space<hbm>> -> memref<10000xi32, #tpu.memory_space<hbm>>
    tpu.enqueue_dma source(%dma_start3A_7 : memref<10000xi32, #tpu.memory_space<hbm>>) target(%arg8 : memref<10000xi32, #tpu.memory_space<vmem>>) target_semaphore(%arg11 : memref<!tpu.dma_semaphore, #tpu.memory_space<semaphore_mem>>)
    tpu.wait_dma2 semaphore(%arg11 : memref<!tpu.dma_semaphore, #tpu.memory_space<semaphore_mem>>) src(%arg2 : memref<10000xi32, #tpu.memory_space<hbm>>) dst(%arg6 : memref<10000xi32, #tpu.memory_space<vmem>>)
    %dma_wait3A = tpu.memref_slice %arg3[%mul3A_2] : memref<640000xi32, #tpu.memory_space<hbm>> -> memref<10000xi32, #tpu.memory_space<hbm>>
    %dma_wait3A_8 = tpu.memref_slice %arg3[%mul3A_2] : memref<640000xi32, #tpu.memory_space<hbm>> -> memref<10000xi32, #tpu.memory_space<hbm>>
    tpu.wait_dma2 semaphore(%arg11 : memref<!tpu.dma_semaphore, #tpu.memory_space<semaphore_mem>>) src(%dma_wait3A_8 : memref<10000xi32, #tpu.memory_space<hbm>>) dst(%arg7 : memref<10000xi32, #tpu.memory_space<vmem>>)
    %dma_wait3A_9 = tpu.memref_slice %arg3[%add3A_5] : memref<640000xi32, #tpu.memory_space<hbm>> -> memref<10000xi32, #tpu.memory_space<hbm>>
    %dma_wait3A_10 = tpu.memref_slice %arg3[%add3A_5] : memref<640000xi32, #tpu.memory_space<hbm>> -> memref<10000xi32, #tpu.memory_space<hbm>>
    tpu.wait_dma2 semaphore(%arg11 : memref<!tpu.dma_semaphore, #tpu.memory_space<semaphore_mem>>) src(%dma_wait3A_10 : memref<10000xi32, #tpu.memory_space<hbm>>) dst(%arg8 : memref<10000xi32, #tpu.memory_space<vmem>>)
    %get3A = arith.constant 0 : index
    %get3A_11 = tpu.vector_load %arg7[%get3A] {strides = array<i32>} : memref<10000xi32, #tpu.memory_space<vmem>>, vector<16xi32>,
    %get3A_12 = arith.constant 0 : index
    %get3A_13 = tpu.vector_load %arg8[%get3A_12] {strides = array<i32>} : memref<10000xi32, #tpu.memory_space<vmem>>, vector<16xi32>,
    %gather3A = tpu.vector_load_idx %arg6[%get3A_11] : memref<10000xi32, #tpu.memory_space<vmem>>[vector<16xi32>], vector<16xi32>,
    %gather3A_14 = tpu.vector_load_idx %arg6[%get3A_13] : memref<10000xi32, #tpu.memory_space<vmem>>[vector<16xi32>], vector<16xi32>,
    %sub3A = arith.subi %gather3A, %gather3A_14 : vector<16xi32>
    %abs3A = math.absi %sub3A : vector<16xi32>
    %sub3A_15 = arith.constant 1 : i32
    %sub3A_16 = vector.broadcast %sub3A_15 : i32 to vector<16xi32>
    %sub3A_17 = arith.subi %abs3A, %sub3A_16 : vector<16xi32>
    %mul3A_18 = arith.muli %gather3A, %gather3A_14 : vector<16xi32>
    %mul3A_19 = arith.muli %sub3A_17, %sub3A_17 : vector<16xi32>
    %jit3A = arith.constant 4 : i32
    %div3A = vector.broadcast %jit3A : i32 to vector<16xi32>
    %div3A_20 = arith.divsi %mul3A_19, %div3A : vector<16xi32>
    %sign3A = arith.constant 0 : i32
    %sign3A_21 = vector.broadcast %sign3A : i32 to vector<16xi32>
    %sign3A_22 = arith.cmpi sgt, %mul3A_19, %sign3A_21 : vector<16xi32>
    %sign3A_23 = arith.extui %sign3A_22 : vector<16xi1> to vector<16xi32>
    %sign3A_24 = arith.constant 0 : i32
    %sign3A_25 = vector.broadcast %sign3A_24 : i32 to vector<16xi32>
    %sign3A_26 = arith.cmpi slt, %mul3A_19, %sign3A_25 : vector<16xi32>
    %sign3A_27 = arith.extui %sign3A_26 : vector<16xi1> to vector<16xi32>
    %sign3A_28 = arith.subi %sign3A_23, %sign3A_27 : vector<16xi32>
    %sign3A_29 = arith.constant 0 : i32
    %sign3A_30 = arith.cmpi sgt, %jit3A, %sign3A_29 : i32
    %sign3A_31 = arith.extui %sign3A_30 : i1 to i32
    %sign3A_32 = arith.constant 0 : i32
    %sign3A_33 = arith.cmpi slt, %jit3A, %sign3A_32 : i32
    %sign3A_34 = arith.extui %sign3A_33 : i1 to i32
    %sign3A_35 = arith.subi %sign3A_31, %sign3A_34 : i32
    %ne3A = vector.broadcast %sign3A_35 : i32 to vector<16xi32>
    %ne3A_36 = arith.cmpi ne, %sign3A_28, %ne3A : vector<16xi32>
    %rem3A = vector.broadcast %jit3A : i32 to vector<16xi32>
    %rem3A_37 = arith.remsi %mul3A_19, %rem3A : vector<16xi32>
    %ne3A_38 = arith.constant 0 : i32
    %ne3A_39 = vector.broadcast %ne3A_38 : i32 to vector<16xi32>
    %ne3A_40 = arith.cmpi ne, %rem3A_37, %ne3A_39 : vector<16xi32>
    %and3A = arith.andi %ne3A_36, %ne3A_40 : vector<16xi1>
    %sub3A_41 = arith.constant 1 : i32
    %sub3A_42 = vector.broadcast %sub3A_41 : i32 to vector<16xi32>
    %sub3A_43 = arith.subi %div3A_20, %sub3A_42 : vector<16xi32>
    %select_n3A = arith.select %and3A, %sub3A_43, %div3A_20 : vector<16xi1>, vector<16xi32>
    %add3A_44 = arith.addi %mul3A_18, %select_n3A : vector<16xi32>
    %swap3A = arith.constant 0 : i32
    %swap3A_45 = arith.index_cast %swap3A : i32 to index
    %swap3A_46 = arith.constant 0 : index
    %swap3A_47 = tpu.vector_load %arg9[%swap3A_45, %swap3A_46] {strides = array<i32>} : memref<125x80xi32, #tpu.memory_space<vmem>>, vector<16xi32>,
    tpu.vector_store %arg9[%swap3A_45, %swap3A_46], %add3A_44 {strides = array<i32>} : memref<125x80xi32, #tpu.memory_space<vmem>>, vector<16xi32>,
    %get3A_48 = arith.constant 16 : index
    %get3A_49 = tpu.vector_load %arg7[%get3A_48] {strides = array<i32>} : memref<10000xi32, #tpu.memory_space<vmem>>, vector<16xi32>,
    %get3A_50 = arith.constant 16 : index
    %get3A_51 = tpu.vector_load %arg8[%get3A_50] {strides = array<i32>} : memref<10000xi32, #tpu.memory_space<vmem>>, vector<16xi32>,
    %gather3A_52 = tpu.vector_load_idx %arg6[%get3A_49] : memref<10000xi32, #tpu.memory_space<vmem>>[vector<16xi32>], vector<16xi32>,
    %gather3A_53 = tpu.vector_load_idx %arg6[%get3A_51] : memref<10000xi32, #tpu.memory_space<vmem>>[vector<16xi32>], vector<16xi32>,
    %sub3A_54 = arith.subi %gather3A_52, %gather3A_53 : vector<16xi32>
    %abs3A_55 = math.absi %sub3A_54 : vector<16xi32>
    %sub3A_56 = arith.constant 1 : i32
    %sub3A_57 = vector.broadcast %sub3A_56 : i32 to vector<16xi32>
    %sub3A_58 = arith.subi %abs3A_55, %sub3A_57 : vector<16xi32>
    %mul3A_59 = arith.muli %gather3A_52, %gather3A_53 : vector<16xi32>
    %mul3A_60 = arith.muli %sub3A_58, %sub3A_58 : vector<16xi32>
    %jit3A_61 = arith.constant 4 : i32
    %div3A_62 = vector.broadcast %jit3A_61 : i32 to vector<16xi32>
    %div3A_63 = arith.divsi %mul3A_60, %div3A_62 : vector<16xi32>
    %sign3A_64 = arith.constant 0 : i32
    %sign3A_65 = vector.broadcast %sign3A_64 : i32 to vector<16xi32>
    %sign3A_66 = arith.cmpi sgt, %mul3A_60, %sign3A_65 : vector<16xi32>
    %sign3A_67 = arith.extui %sign3A_66 : vector<16xi1> to vector<16xi32>
    %sign3A_68 = arith.constant 0 : i32
    %sign3A_69 = vector.broadcast %sign3A_68 : i32 to vector<16xi32>
    %sign3A_70 = arith.cmpi slt, %mul3A_60, %sign3A_69 : vector<16xi32>
    %sign3A_71 = arith.extui %sign3A_70 : vector<16xi1> to vector<16xi32>
    %sign3A_72 = arith.subi %sign3A_67, %sign3A_71 : vector<16xi32>
    %sign3A_73 = arith.constant 0 : i32
    %sign3A_74 = arith.cmpi sgt, %jit3A_61, %sign3A_73 : i32
    %sign3A_75 = arith.extui %sign3A_74 : i1 to i32
    %sign3A_76 = arith.constant 0 : i32
    %sign3A_77 = arith.cmpi slt, %jit3A_61, %sign3A_76 : i32
    %sign3A_78 = arith.extui %sign3A_77 : i1 to i32
    %sign3A_79 = arith.subi %sign3A_75, %sign3A_78 : i32
    %ne3A_80 = vector.broadcast %sign3A_79 : i32 to vector<16xi32>
    %ne3A_81 = arith.cmpi ne, %sign3A_72, %ne3A_80 : vector<16xi32>
    %rem3A_82 = vector.broadcast %jit3A_61 : i32 to vector<16xi32>
    %rem3A_83 = arith.remsi %mul3A_60, %rem3A_82 : vector<16xi32>
    %ne3A_84 = arith.constant 0 : i32
    %ne3A_85 = vector.broadcast %ne3A_84 : i32 to vector<16xi32>
    %ne3A_86 = arith.cmpi ne, %rem3A_83, %ne3A_85 : vector<16xi32>
    %and3A_87 = arith.andi %ne3A_81, %ne3A_86 : vector<16xi1>
    %sub3A_88 = arith.constant 1 : i32
    %sub3A_89 = vector.broadcast %sub3A_88 : i32 to vector<16xi32>
    %sub3A_90 = arith.subi %div3A_63, %sub3A_89 : vector<16xi32>
    %select_n3A_91 = arith.select %and3A_87, %sub3A_90, %div3A_63 : vector<16xi1>, vector<16xi32>
    %add3A_92 = arith.addi %mul3A_59, %select_n3A_91 : vector<16xi32>
    %swap3A_93 = arith.constant 0 : i32
    %swap3A_94 = arith.index_cast %swap3A_93 : i32 to index
    %swap3A_95 = arith.constant 16 : index
    %swap3A_96 = tpu.vector_load %arg9[%swap3A_94, %swap3A_95] {strides = array<i32>} : memref<125x80xi32, #tpu.memory_space<vmem>>, vector<16xi32>,
    tpu.vector_store %arg9[%swap3A_94, %swap3A_95], %add3A_92 {strides = array<i32>} : memref<125x80xi32, #tpu.memory_space<vmem>>, vector<16xi32>,
    %get3A_97 = arith.constant 32 : index
    %get3A_98 = tpu.vector_load %arg7[%get3A_97] {strides = array<i32>} : memref<10000xi32, #tpu.memory_space<vmem>>, vector<16xi32>,
    %get3A_99 = arith.constant 32 : index
    %get3A_100 = tpu.vector_load %arg8[%get3A_99] {strides = array<i32>} : memref<10000xi32, #tpu.memory_space<vmem>>, vector<16xi32>,
    %gather3A_101 = tpu.vector_load_idx %arg6[%get3A_98] : memref<10000xi32, #tpu.memory_space<vmem>>[vector<16xi32>], vector<16xi32>,
    %gather3A_102 = tpu.vector_load_idx %arg6[%get3A_100] : memref<10000xi32, #tpu.memory_space<vmem>>[vector<16xi32>], vector<16xi32>,
    %sub3A_103 = arith.subi %gather3A_101, %gather3A_102 : vector<16xi32>
    %abs3A_104 = math.absi %sub3A_103 : vector<16xi32>
    %sub3A_105 = arith.constant 1 : i32
    %sub3A_106 = vector.broadcast %sub3A_105 : i32 to vector<16xi32>
    %sub3A_107 = arith.subi %abs3A_104, %sub3A_106 : vector<16xi32>
    %mul3A_108 = arith.muli %gather3A_101, %gather3A_102 : vector<16xi32>
    %mul3A_109 = arith.muli %sub3A_107, %sub3A_107 : vector<16xi32>
    %jit3A_110 = arith.constant 4 : i32
    %div3A_111 = vector.broadcast %jit3A_110 : i32 to vector<16xi32>
    %div3A_112 = arith.divsi %mul3A_109, %div3A_111 : vector<16xi32>
    %sign3A_113 = arith.constant 0 : i32
    %sign3A_114 = vector.broadcast %sign3A_113 : i32 to vector<16xi32>
    %sign3A_115 = arith.cmpi sgt, %mul3A_109, %sign3A_114 : vector<16xi32>
    %sign3A_116 = arith.extui %sign3A_115 : vector<16xi1> to vector<16xi32>
    %sign3A_117 = arith.constant 0 : i32
    %sign3A_118 = vector.broadcast %sign3A_117 : i32 to vector<16xi32>
    %sign3A_119 = arith.cmpi slt, %mul3A_109, %sign3A_118 : vector<16xi32>
    %sign3A_120 = arith.extui %sign3A_119 : vector<16xi1> to vector<16xi32>
    %sign3A_121 = arith.subi %sign3A_116, %sign3A_120 : vector<16xi32>
    %sign3A_122 = arith.constant 0 : i32
    %sign3A_123 = arith.cmpi sgt, %jit3A_110, %sign3A_122 : i32
    %sign3A_124 = arith.extui %sign3A_123 : i1 to i32
    %sign3A_125 = arith.constant 0 : i32
    %sign3A_126 = arith.cmpi slt, %jit3A_110, %sign3A_125 : i32
    %sign3A_127 = arith.extui %sign3A_126 : i1 to i32
    %sign3A_128 = arith.subi %sign3A_124, %sign3A_127 : i32
    %ne3A_129 = vector.broadcast %sign3A_128 : i32 to vector<16xi32>
    %ne3A_130 = arith.cmpi ne, %sign3A_121, %ne3A_129 : vector<16xi32>
    %rem3A_131 = vector.broadcast %jit3A_110 : i32 to vector<16xi32>
    %rem3A_132 = arith.remsi %mul3A_109, %rem3A_131 : vector<16xi32>
    %ne3A_133 = arith.constant 0 : i32
    %ne3A_134 = vector.broadcast %ne3A_133 : i32 to vector<16xi32>
    %ne3A_135 = arith.cmpi ne, %rem3A_132, %ne3A_134 : vector<16xi32>
    %and3A_136 = arith.andi %ne3A_130, %ne3A_135 : vector<16xi1>
    %sub3A_137 = arith.constant 1 : i32
    %sub3A_138 = vector.broadcast %sub3A_137 : i32 to vector<16xi32>
    %sub3A_139 = arith.subi %div3A_112, %sub3A_138 : vector<16xi32>
    %select_n3A_140 = arith.select %and3A_136, %sub3A_139, %div3A_112 : vector<16xi1>, vector<16xi32>
    %add3A_141 = arith.addi %mul3A_108, %select_n3A_140 : vector<16xi32>
    %swap3A_142 = arith.constant 0 : i32
    %swap3A_143 = arith.index_cast %swap3A_142 : i32 to index
    %swap3A_144 = arith.constant 32 : index
    %swap3A_145 = tpu.vector_load %arg9[%swap3A_143, %swap3A_144] {strides = array<i32>} : memref<125x80xi32, #tpu.memory_space<vmem>>, vector<16xi32>,
    tpu.vector_store %arg9[%swap3A_143, %swap3A_144], %add3A_141 {strides = array<i32>} : memref<125x80xi32, #tpu.memory_space<vmem>>, vector<16xi32>,
    %get3A_146 = arith.constant 48 : index
    %get3A_147 = tpu.vector_load %arg7[%get3A_146] {strides = array<i32>} : memref<10000xi32, #tpu.memory_space<vmem>>, vector<16xi32>,
    %get3A_148 = arith.constant 48 : index
    %get3A_149 = tpu.vector_load %arg8[%get3A_148] {strides = array<i32>} : memref<10000xi32, #tpu.memory_space<vmem>>, vector<16xi32>,
    %gather3A_150 = tpu.vector_load_idx %arg6[%get3A_147] : memref<10000xi32, #tpu.memory_space<vmem>>[vector<16xi32>], vector<16xi32>,
    %gather3A_151 = tpu.vector_load_idx %arg6[%get3A_149] : memref<10000xi32, #tpu.memory_space<vmem>>[vector<16xi32>], vector<16xi32>,
    %sub3A_152 = arith.subi %gather3A_150, %gather3A_151 : vector<16xi32>
    %abs3A_153 = math.absi %sub3A_152 : vector<16xi32>
    %sub3A_154 = arith.constant 1 : i32
    %sub3A_155 = vector.broadcast %sub3A_154 : i32 to vector<16xi32>
    %sub3A_156 = arith.subi %abs3A_153, %sub3A_155 : vector<16xi32>
    %mul3A_157 = arith.muli %gather3A_150, %gather3A_151 : vector<16xi32>
    %mul3A_158 = arith.muli %sub3A_156, %sub3A_156 : vector<16xi32>
    %jit3A_159 = arith.constant 4 : i32
    %div3A_160 = vector.broadcast %jit3A_159 : i32 to vector<16xi32>
    %div3A_161 = arith.divsi %mul3A_158, %div3A_160 : vector<16xi32>
    %sign3A_162 = arith.constant 0 : i32
    %sign3A_163 = vector.broadcast %sign3A_162 : i32 to vector<16xi32>
    %sign3A_164 = arith.cmpi sgt, %mul3A_158, %sign3A_163 : vector<16xi32>
    %sign3A_165 = arith.extui %sign3A_164 : vector<16xi1> to vector<16xi32>
    %sign3A_166 = arith.constant 0 : i32
    %sign3A_167 = vector.broadcast %sign3A_166 : i32 to vector<16xi32>
    %sign3A_168 = arith.cmpi slt, %mul3A_158, %sign3A_167 : vector<16xi32>
    %sign3A_169 = arith.extui %sign3A_168 : vector<16xi1> to vector<16xi32>
    %sign3A_170 = arith.subi %sign3A_165, %sign3A_169 : vector<16xi32>
    %sign3A_171 = arith.constant 0 : i32
    %sign3A_172 = arith.cmpi sgt, %jit3A_159, %sign3A_171 : i32
    %sign3A_173 = arith.extui %sign3A_172 : i1 to i32
    %sign3A_174 = arith.constant 0 : i32
    %sign3A_175 = arith.cmpi slt, %jit3A_159, %sign3A_174 : i32
    %sign3A_176 = arith.extui %sign3A_175 : i1 to i32
    %sign3A_177 = arith.subi %sign3A_173, %sign3A_176 : i32
    %ne3A_178 = vector.broadcast %sign3A_177 : i32 to vector<16xi32>
    %ne3A_179 = arith.cmpi ne, %sign3A_170, %ne3A_178 : vector<16xi32>
    %rem3A_180 = vector.broadcast %jit3A_159 : i32 to vector<16xi32>
    %rem3A_181 = arith.remsi %mul3A_158, %rem3A_180 : vector<16xi32>
    %ne3A_182 = arith.constant 0 : i32
    %ne3A_183 = vector.broadcast %ne3A_182 : i32 to vector<16xi32>
    %ne3A_184 = arith.cmpi ne, %rem3A_181, %ne3A_183 : vector<16xi32>
    %and3A_185 = arith.andi %ne3A_179, %ne3A_184 : vector<16xi1>
    %sub3A_186 = arith.constant 1 : i32
    %sub3A_187 = vector.broadcast %sub3A_186 : i32 to vector<16xi32>
    %sub3A_188 = arith.subi %div3A_161, %sub3A_187 : vector<16xi32>
    %select_n3A_189 = arith.select %and3A_185, %sub3A_188, %div3A_161 : vector<16xi1>, vector<16xi32>
    %add3A_190 = arith.addi %mul3A_157, %select_n3A_189 : vector<16xi32>
    %swap3A_191 = arith.constant 0 : i32
    %swap3A_192 = arith.index_cast %swap3A_191 : i32 to index
    %swap3A_193 = arith.constant 48 : index
    %swap3A_194 = tpu.vector_load %arg9[%swap3A_192, %swap3A_193] {strides = array<i32>} : memref<125x80xi32, #tpu.memory_space<vmem>>, vector<16xi32>,
    tpu.vector_store %arg9[%swap3A_192, %swap3A_193], %add3A_190 {strides = array<i32>} : memref<125x80xi32, #tpu.memory_space<vmem>>, vector<16xi32>,
    %get3A_195 = arith.constant 64 : index
    %get3A_196 = tpu.vector_load %arg7[%get3A_195] {strides = array<i32>} : memref<10000xi32, #tpu.memory_space<vmem>>, vector<16xi32>,
    %get3A_197 = arith.constant 64 : index
    %get3A_198 = tpu.vector_load %arg8[%get3A_197] {strides = array<i32>} : memref<10000xi32, #tpu.memory_space<vmem>>, vector<16xi32>,
    %gather3A_199 = tpu.vector_load_idx %arg6[%get3A_196] : memref<10000xi32, #tpu.memory_space<vmem>>[vector<16xi32>], vector<16xi32>,
    %gather3A_200 = tpu.vector_load_idx %arg6[%get3A_198] : memref<10000xi32, #tpu.memory_space<vmem>>[vector<16xi32>], vector<16xi32>,
    %sub3A_201 = arith.subi %gather3A_199, %gather3A_200 : vector<16xi32>
    %abs3A_202 = math.absi %sub3A_201 : vector<16xi32>
    %sub3A_203 = arith.constant 1 : i32
    %sub3A_204 = vector.broadcast %sub3A_203 : i32 to vector<16xi32>
    %sub3A_205 = arith.subi %abs3A_202, %sub3A_204 : vector<16xi32>
    %mul3A_206 = arith.muli %gather3A_199, %gather3A_200 : vector<16xi32>
    %mul3A_207 = arith.muli %sub3A_205, %sub3A_205 : vector<16xi32>
    %jit3A_208 = arith.constant 4 : i32
    %div3A_209 = vector.broadcast %jit3A_208 : i32 to vector<16xi32>
    %div3A_210 = arith.divsi %mul3A_207, %div3A_209 : vector<16xi32>
    %sign3A_211 = arith.constant 0 : i32
    %sign3A_212 = vector.broadcast %sign3A_211 : i32 to vector<16xi32>
    %sign3A_213 = arith.cmpi sgt, %mul3A_207, %sign3A_212 : vector<16xi32>
    %sign3A_214 = arith.extui %sign3A_213 : vector<16xi1> to vector<16xi32>
    %sign3A_215 = arith.constant 0 : i32
    %sign3A_216 = vector.broadcast %sign3A_215 : i32 to vector<16xi32>
    %sign3A_217 = arith.cmpi slt, %mul3A_207, %sign3A_216 : vector<16xi32>
    %sign3A_218 = arith.extui %sign3A_217 : vector<16xi1> to vector<16xi32>
    %sign3A_219 = arith.subi %sign3A_214, %sign3A_218 : vector<16xi32>
    %sign3A_220 = arith.constant 0 : i32
    %sign3A_221 = arith.cmpi sgt, %jit3A_208, %sign3A_220 : i32
    %sign3A_222 = arith.extui %sign3A_221 : i1 to i32
    %sign3A_223 = arith.constant 0 : i32
    %sign3A_224 = arith.cmpi slt, %jit3A_208, %sign3A_223 : i32
    %sign3A_225 = arith.extui %sign3A_224 : i1 to i32
    %sign3A_226 = arith.subi %sign3A_222, %sign3A_225 : i32
    %ne3A_227 = vector.broadcast %sign3A_226 : i32 to vector<16xi32>
    %ne3A_228 = arith.cmpi ne, %sign3A_219, %ne3A_227 : vector<16xi32>
    %rem3A_229 = vector.broadcast %jit3A_208 : i32 to vector<16xi32>
    %rem3A_230 = arith.remsi %mul3A_207, %rem3A_229 : vector<16xi32>
    %ne3A_231 = arith.constant 0 : i32
    %ne3A_232 = vector.broadcast %ne3A_231 : i32 to vector<16xi32>
    %ne3A_233 = arith.cmpi ne, %rem3A_230, %ne3A_232 : vector<16xi32>
    %and3A_234 = arith.andi %ne3A_228, %ne3A_233 : vector<16xi1>
    %sub3A_235 = arith.constant 1 : i32
    %sub3A_236 = vector.broadcast %sub3A_235 : i32 to vector<16xi32>
    %sub3A_237 = arith.subi %div3A_210, %sub3A_236 : vector<16xi32>
    %select_n3A_238 = arith.select %and3A_234, %sub3A_237, %div3A_210 : vector<16xi1>, vector<16xi32>
    %add3A_239 = arith.addi %mul3A_206, %select_n3A_238 : vector<16xi32>
    %swap3A_240 = arith.constant 0 : i32
    %swap3A_241 = arith.index_cast %swap3A_240 : i32 to index
    %swap3A_242 = arith.constant 64 : index
    %swap3A_243 = tpu.vector_load %arg9[%swap3A_241, %swap3A_242] {strides = array<i32>} : memref<125x80xi32, #tpu.memory_space<vmem>>, vector<16xi32>,
    tpu.vector_store %arg9[%swap3A_241, %swap3A_242], %add3A_239 {strides = array<i32>} : memref<125x80xi32, #tpu.memory_space<vmem>>, vector<16xi32>,
    %dma_start3A_244 = arith.constant 0 : i32
    %dma_start3A_245 = arith.constant 0 : i32
    %dma_start3A_246 = arith.constant 0 : i32
    %dma_start3A_247 = arith.constant 0 : i32
    %dma_start3A_248 = arith.constant 0 : i32
    %dma_start3A_249 = tpu.memref_slice %arg10[%dma_start3A_245, %dma_start3A_247, %dma_start3A_248] : memref<5x80x128xf32, #tpu.memory_space<vmem>> -> memref<1x80x128xf32, #tpu.memory_space<vmem>>
    %dma_start3A_250 = tpu.memref_squeeze %dma_start3A_249 : memref<1x80x128xf32, #tpu.memory_space<vmem>> -> memref<80x128xf32, #tpu.memory_space<vmem>>
    %dma_start3A_251 = arith.constant 0 : i32
    %dma_start3A_252 = tpu.memref_slice %arg9[%dma_start3A_244, %dma_start3A_251] : memref<125x80xi32, #tpu.memory_space<vmem>> -> memref<1x80xi32, #tpu.memory_space<vmem>>
    %dma_start3A_253 = tpu.memref_squeeze %dma_start3A_252 : memref<1x80xi32, #tpu.memory_space<vmem>> -> memref<80xi32, #tpu.memory_space<vmem>>
    %dma_start3A_254 = arith.constant 0 : i32
    %dma_start3A_255 = arith.constant 0 : i32
    %dma_start3A_256 = tpu.memref_slice %arg4[%dma_start3A_254, %dma_start3A_255] : memref<3000x128xf32, #tpu.memory_space<hbm>> -> memref<3000x128xf32, #tpu.memory_space<hbm>>
    %dma_start3A_257 = tpu.memref_slice %arg12[%dma_start3A_246] : memref<5x!tpu.dma_semaphore, #tpu.memory_space<semaphore_mem>> -> memref<1x!tpu.dma_semaphore, #tpu.memory_space<semaphore_mem>>
    %dma_start3A_258 = tpu.memref_squeeze %dma_start3A_257 : memref<1x!tpu.dma_semaphore, #tpu.memory_space<semaphore_mem>> -> memref<!tpu.dma_semaphore, #tpu.memory_space<semaphore_mem>>
    tpu.enqueue_indirect_dma source(%dma_start3A_256 : memref<3000x128xf32, #tpu.memory_space<hbm>>) target(%dma_start3A_250 : memref<80x128xf32, #tpu.memory_space<vmem>>) offsets(%dma_start3A_253 : memref<80xi32, #tpu.memory_space<vmem>>) semaphore(%dma_start3A_258 : memref<!tpu.dma_semaphore, #tpu.memory_space<semaphore_mem>>)
    %get3A_259 = arith.constant 80 : index
    %get3A_260 = tpu.vector_load %arg7[%get3A_259] {strides = array<i32>} : memref<10000xi32, #tpu.memory_space<vmem>>, vector<16xi32>,
    %get3A_261 = arith.constant 80 : index
    %get3A_262 = tpu.vector_load %arg8[%get3A_261] {strides = array<i32>} : memref<10000xi32, #tpu.memory_space<vmem>>, vector<16xi32>,
    %gather3A_263 = tpu.vector_load_idx %arg6[%get3A_260] : memref<10000xi32, #tpu.memory_space<vmem>>[vector<16xi32>], vector<16xi32>,
    %gather3A_264 = tpu.vector_load_idx %arg6[%get3A_262] : memref<10000xi32, #tpu.memory_space<vmem>>[vector<16xi32>], vector<16xi32>,
    %sub3A_265 = arith.subi %gather3A_263, %gather3A_264 : vector<16xi32>
    %abs3A_266 = math.absi %sub3A_265 : vector<16xi32>
    %sub3A_267 = arith.constant 1 : i32
    %sub3A_268 = vector.broadcast %sub3A_267 : i32 to vector<16xi32>
    %sub3A_269 = arith.subi %abs3A_266, %sub3A_268 : vector<16xi32>
    %mul3A_270 = arith.muli %gather3A_263, %gather3A_264 : vector<16xi32>
    %mul3A_271 = arith.muli %sub3A_269, %sub3A_269 : vector<16xi32>
    %jit3A_272 = arith.constant 4 : i32
    %div3A_273 = vector.broadcast %jit3A_272 : i32 to vector<16xi32>
    %div3A_274 = arith.divsi %mul3A_271, %div3A_273 : vector<16xi32>
    %sign3A_275 = arith.constant 0 : i32
    %sign3A_276 = vector.broadcast %sign3A_275 : i32 to vector<16xi32>
    %sign3A_277 = arith.cmpi sgt, %mul3A_271, %sign3A_276 : vector<16xi32>
    %sign3A_278 = arith.extui %sign3A_277 : vector<16xi1> to vector<16xi32>
    %sign3A_279 = arith.constant 0 : i32
    %sign3A_280 = vector.broadcast %sign3A_279 : i32 to vector<16xi32>
    %sign3A_281 = arith.cmpi slt, %mul3A_271, %sign3A_280 : vector<16xi32>
    %sign3A_282 = arith.extui %sign3A_281 : vector<16xi1> to vector<16xi32>
    %sign3A_283 = arith.subi %sign3A_278, %sign3A_282 : vector<16xi32>
    %sign3A_284 = arith.constant 0 : i32
    %sign3A_285 = arith.cmpi sgt, %jit3A_272, %sign3A_284 : i32
    %sign3A_286 = arith.extui %sign3A_285 : i1 to i32
    %sign3A_287 = arith.constant 0 : i32
    %sign3A_288 = arith.cmpi slt, %jit3A_272, %sign3A_287 : i32
    %sign3A_289 = arith.extui %sign3A_288 : i1 to i32
    %sign3A_290 = arith.subi %sign3A_286, %sign3A_289 : i32
    %ne3A_291 = vector.broadcast %sign3A_290 : i32 to vector<16xi32>
    %ne3A_292 = arith.cmpi ne, %sign3A_283, %ne3A_291 : vector<16xi32>
    %rem3A_293 = vector.broadcast %jit3A_272 : i32 to vector<16xi32>
    %rem3A_294 = arith.remsi %mul3A_271, %rem3A_293 : vector<16xi32>
    %ne3A_295 = arith.constant 0 : i32
    %ne3A_296 = vector.broadcast %ne3A_295 : i32 to vector<16xi32>
    %ne3A_297 = arith.cmpi ne, %rem3A_294, %ne3A_296 : vector<16xi32>
    %and3A_298 = arith.andi %ne3A_292, %ne3A_297 : vector<16xi1>
    %sub3A_299 = arith.constant 1 : i32
    %sub3A_300 = vector.broadcast %sub3A_299 : i32 to vector<16xi32>
    %sub3A_301 = arith.subi %div3A_274, %sub3A_300 : vector<16xi32>
    %select_n3A_302 = arith.select %and3A_298, %sub3A_301, %div3A_274 : vector<16xi1>, vector<16xi32>
    %add3A_303 = arith.addi %mul3A_270, %select_n3A_302 : vector<16xi32>
    %swap3A_304 = arith.constant 1 : i32
    %swap3A_305 = arith.index_cast %swap3A_304 : i32 to index
    %swap3A_306 = arith.constant 0 : index
    %swap3A_307 = tpu.vector_load %arg9[%swap3A_305, %swap3A_306] {strides = array<i32>} : memref<125x80xi32, #tpu.memory_space<vmem>>, vector<16xi32>,
    tpu.vector_store %arg9[%swap3A_305, %swap3A_306], %add3A_303 {strides = array<i32>} : memref<125x80xi32, #tpu.memory_space<vmem>>, vector<16xi32>,
    %get3A_308 = arith.constant 96 : index
    %get3A_309 = tpu.vector_load %arg7[%get3A_308] {strides = array<i32>} : memref<10000xi32, #tpu.memory_space<vmem>>, vector<16xi32>,
    %get3A_310 = arith.constant 96 : index
    %get3A_311 = tpu.vector_load %arg8[%get3A_310] {strides = array<i32>} : memref<10000xi32, #tpu.memory_space<vmem>>, vector<16xi32>,
    %gather3A_312 = tpu.vector_load_idx %arg6[%get3A_309] : memref<10000xi32, #tpu.memory_space<vmem>>[vector<16xi32>], vector<16xi32>,
    %gather3A_313 = tpu.vector_load_idx %arg6[%get3A_311] : memref<10000xi32, #tpu.memory_space<vmem>>[vector<16xi32>], vector<16xi32>,
    %sub3A_314 = arith.subi %gather3A_312, %gather3A_313 : vector<16xi32>
    %abs3A_315 = math.absi %sub3A_314 : vector<16xi32>
    %sub3A_316 = arith.constant 1 : i32
    %sub3A_317 = vector.broadcast %sub3A_316 : i32 to vector<16xi32>
    %sub3A_318 = arith.subi %abs3A_315, %sub3A_317 : vector<16xi32>
    %mul3A_319 = arith.muli %gather3A_312, %gather3A_313 : vector<16xi32>
    %mul3A_320 = arith.muli %sub3A_318, %sub3A_318 : vector<16xi32>
    %jit3A_321 = arith.constant 4 : i32
    %div3A_322 = vector.broadcast %jit3A_321 : i32 to vector<16xi32>
    %div3A_323 = arith.divsi %mul3A_320, %div3A_322 : vector<16xi32>
    %sign3A_324 = arith.constant 0 : i32
    %sign3A_325 = vector.broadcast %sign3A_324 : i32 to vector<16xi32>
    %sign3A_326 = arith.cmpi sgt, %mul3A_320, %sign3A_325 : vector<16xi32>
    %sign3A_327 = arith.extui %sign3A_326 : vector<16xi1> to vector<16xi32>
    %sign3A_328 = arith.constant 0 : i32
    %sign3A_329 = vector.broadcast %sign3A_328 : i32 to vector<16xi32>
    %sign3A_330 = arith.cmpi slt, %mul3A_320, %sign3A_329 : vector<16xi32>
    %sign3A_331 = arith.extui %sign3A_330 : vector<16xi1> to vector<16xi32>
    %sign3A_332 = arith.subi %sign3A_327, %sign3A_331 : vector<16xi32>
    %sign3A_333 = arith.constant 0 : i32
    %sign3A_334 = arith.cmpi sgt, %jit3A_321, %sign3A_333 : i32
    %sign3A_335 = arith.extui %sign3A_334 : i1 to i32
    %sign3A_336 = arith.constant 0 : i32
    %sign3A_337 = arith.cmpi slt, %jit3A_321, %sign3A_336 : i32
    %sign3A_338 = arith.extui %sign3A_337 : i1 to i32
    %sign3A_339 = arith.subi %sign3A_335, %sign3A_338 : i32
    %ne3A_340 = vector.broadcast %sign3A_339 : i32 to vector<16xi32>
    %ne3A_341 = arith.cmpi ne, %sign3A_332, %ne3A_340 : vector<16xi32>
    %rem3A_342 = vector.broadcast %jit3A_321 : i32 to vector<16xi32>
    %rem3A_343 = arith.remsi %mul3A_320, %rem3A_342 : vector<16xi32>
    %ne3A_344 = arith.constant 0 : i32
    %ne3A_345 = vector.broadcast %ne3A_344 : i32 to vector<16xi32>
    %ne3A_346 = arith.cmpi ne, %rem3A_343, %ne3A_345 : vector<16xi32>
    %and3A_347 = arith.andi %ne3A_341, %ne3A_346 : vector<16xi1>
    %sub3A_348 = arith.constant 1 : i32
    %sub3A_349 = vector.broadcast %sub3A_348 : i32 to vector<16xi32>
    %sub3A_350 = arith.subi %div3A_323, %sub3A_349 : vector<16xi32>
    %select_n3A_351 = arith.select %and3A_347, %sub3A_350, %div3A_323 : vector<16xi1>, vector<16xi32>
    %add3A_352 = arith.addi %mul3A_319, %select_n3A_351 : vector<16xi32>
    %swap3A_353 = arith.constant 1 : i32
    %swap3A_354 = arith.index_cast %swap3A_353 : i32 to index
    %swap3A_355 = arith.constant 16 : index
    %swap3A_356 = tpu.vector_load %arg9[%swap3A_354, %swap3A_355] {strides = array<i32>} : memref<125x80xi32, #tpu.memory_space<vmem>>, vector<16xi32>,
    tpu.vector_store %arg9[%swap3A_354, %swap3A_355], %add3A_352 {strides = array<i32>} : memref<125x80xi32, #tpu.memory_space<vmem>>, vector<16xi32>,
    %get3A_357 = arith.constant 112 : index
    %get3A_358 = tpu.vector_load %arg7[%get3A_357] {strides = array<i32>} : memref<10000xi32, #tpu.memory_space<vmem>>, vector<16xi32>,
    %get3A_359 = arith.constant 112 : index
    %get3A_360 = tpu.vector_load %arg8[%get3A_359] {strides = array<i32>} : memref<10000xi32, #tpu.memory_space<vmem>>, vector<16xi32>,
    %gather3A_361 = tpu.vector_load_idx %arg6[%get3A_358] : memref<10000xi32, #tpu.memory_space<vmem>>[vector<16xi32>], vector<16xi32>,
    %gather3A_362 = tpu.vector_load_idx %arg6[%get3A_360] : memref<10000xi32, #tpu.memory_space<vmem>>[vector<16xi32>], vector<16xi32>,
    %sub3A_363 = arith.subi %gather3A_361, %gather3A_362 : vector<16xi32>
    %abs3A_364 = math.absi %sub3A_363 : vector<16xi32>
    %sub3A_365 = arith.constant 1 : i32
    %sub3A_366 = vector.broadcast %sub3A_365 : i32 to vector<16xi32>
    %sub3A_367 = arith.subi %abs3A_364, %sub3A_366 : vector<16xi32>
    %mul3A_368 = arith.muli %gather3A_361, %gather3A_362 : vector<16xi32>
    %mul3A_369 = arith.muli %sub3A_367, %sub3A_367 : vector<16xi32>
    %jit3A_370 = arith.constant 4 : i32
    %div3A_371 = vector.broadcast %jit3A_370 : i32 to vector<16xi32>
    %div3A_372 = arith.divsi %mul3A_369, %div3A_371 : vector<16xi32>
    %sign3A_373 = arith.constant 0 : i32
    %sign3A_374 = vector.broadcast %sign3A_373 : i32 to vector<16xi32>
    %sign3A_375 = arith.cmpi sgt, %mul3A_369, %sign3A_374 : vector<16xi32>
    %sign3A_376 = arith.extui %sign3A_375 : vector<16xi1> to vector<16xi32>
    %sign3A_377 = arith.constant 0 : i32
    %sign3A_378 = vector.broadcast %sign3A_377 : i32 to vector<16xi32>
    %sign3A_379 = arith.cmpi slt, %mul3A_369, %sign3A_378 : vector<16xi32>
    %sign3A_380 = arith.extui %sign3A_379 : vector<16xi1> to vector<16xi32>
    %sign3A_381 = arith.subi %sign3A_376, %sign3A_380 : vector<16xi32>
    %sign3A_382 = arith.constant 0 : i32
    %sign3A_383 = arith.cmpi sgt, %jit3A_370, %sign3A_382 : i32
    %sign3A_384 = arith.extui %sign3A_383 : i1 to i32
    %sign3A_385 = arith.constant 0 : i32
    %sign3A_386 = arith.cmpi slt, %jit3A_370, %sign3A_385 : i32
    %sign3A_387 = arith.extui %sign3A_386 : i1 to i32
    %sign3A_388 = arith.subi %sign3A_384, %sign3A_387 : i32
    %ne3A_389 = vector.broadcast %sign3A_388 : i32 to vector<16xi32>
    %ne3A_390 = arith.cmpi ne, %sign3A_381, %ne3A_389 : vector<16xi32>
    %rem3A_391 = vector.broadcast %jit3A_370 : i32 to vector<16xi32>
    %rem3A_392 = arith.remsi %mul3A_369, %rem3A_391 : vector<16xi32>
    %ne3A_393 = arith.constant 0 : i32
    %ne3A_394 = vector.broadcast %ne3A_393 : i32 to vector<16xi32>
    %ne3A_395 = arith.cmpi ne, %rem3A_392, %ne3A_394 : vector<16xi32>
    %and3A_396 = arith.andi %ne3A_390, %ne3A_395 : vector<16xi1>
    %sub3A_397 = arith.constant 1 : i32
    %sub3A_398 = vector.broadcast %sub3A_397 : i32 to vector<16xi32>
    %sub3A_399 = arith.subi %div3A_372, %sub3A_398 : vector<16xi32>
    %select_n3A_400 = arith.select %and3A_396, %sub3A_399, %div3A_372 : vector<16xi1>, vector<16xi32>
    %add3A_401 = arith.addi %mul3A_368, %select_n3A_400 : vector<16xi32>
    %swap3A_402 = arith.constant 1 : i32
    %swap3A_403 = arith.index_cast %swap3A_402 : i32 to index
    %swap3A_404 = arith.constant 32 : index
    %swap3A_405 = tpu.vector_load %arg9[%swap3A_403, %swap3A_404] {strides = array<i32>} : memref<125x80xi32, #tpu.memory_space<vmem>>, vector<16xi32>,
    tpu.vector_store %arg9[%swap3A_403, %swap3A_404], %add3A_401 {strides = array<i32>} : memref<125x80xi32, #tpu.memory_space<vmem>>, vector<16xi32>,
    %get3A_406 = arith.constant 128 : index
    %get3A_407 = tpu.vector_load %arg7[%get3A_406] {strides = array<i32>} : memref<10000xi32, #tpu.memory_space<vmem>>, vector<16xi32>,
    %get3A_408 = arith.constant 128 : index
    %get3A_409 = tpu.vector_load %arg8[%get3A_408] {strides = array<i32>} : memref<10000xi32, #tpu.memory_space<vmem>>, vector<16xi32>,
    %gather3A_410 = tpu.vector_load_idx %arg6[%get3A_407] : memref<10000xi32, #tpu.memory_space<vmem>>[vector<16xi32>], vector<16xi32>,
    %gather3A_411 = tpu.vector_load_idx %arg6[%get3A_409] : memref<10000xi32, #tpu.memory_space<vmem>>[vector<16xi32>], vector<16xi32>,
    %sub3A_412 = arith.subi %gather3A_410, %gather3A_411 : vector<16xi32>
    %abs3A_413 = math.absi %sub3A_412 : vector<16xi32>
    %sub3A_414 = arith.constant 1 : i32
    %sub3A_415 = vector.broadcast %sub3A_414 : i32 to vector<16xi32>
    %sub3A_416 = arith.subi %abs3A_413, %sub3A_415 : vector<16xi32>
    %mul3A_417 = arith.muli %gather3A_410, %gather3A_411 : vector<16xi32>
    %mul3A_418 = arith.muli %sub3A_416, %sub3A_416 : vector<16xi32>
    %jit3A_419 = arith.constant 4 : i32
    %div3A_420 = vector.broadcast %jit3A_419 : i32 to vector<16xi32>
    %div3A_421 = arith.divsi %mul3A_418, %div3A_420 : vector<16xi32>
    %sign3A_422 = arith.constant 0 : i32
    %sign3A_423 = vector.broadcast %sign3A_422 : i32 to vector<16xi32>
    %sign3A_424 = arith.cmpi sgt, %mul3A_418, %sign3A_423 : vector<16xi32>
    %sign3A_425 = arith.extui %sign3A_424 : vector<16xi1> to vector<16xi32>
    %sign3A_426 = arith.constant 0 : i32
    %sign3A_427 = vector.broadcast %sign3A_426 : i32 to vector<16xi32>
    %sign3A_428 = arith.cmpi slt, %mul3A_418, %sign3A_427 : vector<16xi32>
    %sign3A_429 = arith.extui %sign3A_428 : vector<16xi1> to vector<16xi32>
    %sign3A_430 = arith.subi %sign3A_425, %sign3A_429 : vector<16xi32>
    %sign3A_431 = arith.constant 0 : i32
    %sign3A_432 = arith.cmpi sgt, %jit3A_419, %sign3A_431 : i32
    %sign3A_433 = arith.extui %sign3A_432 : i1 to i32
    %sign3A_434 = arith.constant 0 : i32
    %sign3A_435 = arith.cmpi slt, %jit3A_419, %sign3A_434 : i32
    %sign3A_436 = arith.extui %sign3A_435 : i1 to i32
    %sign3A_437 = arith.subi %sign3A_433, %sign3A_436 : i32
    %ne3A_438 = vector.broadcast %sign3A_437 : i32 to vector<16xi32>
    %ne3A_439 = arith.cmpi ne, %sign3A_430, %ne3A_438 : vector<16xi32>
    %rem3A_440 = vector.broadcast %jit3A_419 : i32 to vector<16xi32>
    %rem3A_441 = arith.remsi %mul3A_418, %rem3A_440 : vector<16xi32>
    %ne3A_442 = arith.constant 0 : i32
    %ne3A_443 = vector.broadcast %ne3A_442 : i32 to vector<16xi32>
    %ne3A_444 = arith.cmpi ne, %rem3A_441, %ne3A_443 : vector<16xi32>
    %and3A_445 = arith.andi %ne3A_439, %ne3A_444 : vector<16xi1>
    %sub3A_446 = arith.constant 1 : i32
    %sub3A_447 = vector.broadcast %sub3A_446 : i32 to vector<16xi32>
    %sub3A_448 = arith.subi %div3A_421, %sub3A_447 : vector<16xi32>
    %select_n3A_449 = arith.select %and3A_445, %sub3A_448, %div3A_421 : vector<16xi1>, vector<16xi32>
    %add3A_450 = arith.addi %mul3A_417, %select_n3A_449 : vector<16xi32>
    %swap3A_451 = arith.constant 1 : i32
    %swap3A_452 = arith.index_cast %swap3A_451 : i32 to index
    %swap3A_453 = arith.constant 48 : index
    %swap3A_454 = tpu.vector_load %arg9[%swap3A_452, %swap3A_453] {strides = array<i32>} : memref<125x80xi32, #tpu.memory_space<vmem>>, vector<16xi32>,
    tpu.vector_store %arg9[%swap3A_452, %swap3A_453], %add3A_450 {strides = array<i32>} : memref<125x80xi32, #tpu.memory_space<vmem>>, vector<16xi32>,
    %get3A_455 = arith.constant 144 : index
    %get3A_456 = tpu.vector_load %arg7[%get3A_455] {strides = array<i32>} : memref<10000xi32, #tpu.memory_space<vmem>>, vector<16xi32>,
    %get3A_457 = arith.constant 144 : index
    %get3A_458 = tpu.vector_load %arg8[%get3A_457] {strides = array<i32>} : memref<10000xi32, #tpu.memory_space<vmem>>, vector<16xi32>,
    %gather3A_459 = tpu.vector_load_idx %arg6[%get3A_456] : memref<10000xi32, #tpu.memory_space<vmem>>[vector<16xi32>], vector<16xi32>,
    %gather3A_460 = tpu.vector_load_idx %arg6[%get3A_458] : memref<10000xi32, #tpu.memory_space<vmem>>[vector<16xi32>], vector<16xi32>,
    %sub3A_461 = arith.subi %gather3A_459, %gather3A_460 : vector<16xi32>
    %abs3A_462 = math.absi %sub3A_461 : vector<16xi32>
    %sub3A_463 = arith.constant 1 : i32
    %sub3A_464 = vector.broadcast %sub3A_463 : i32 to vector<16xi32>
    %sub3A_465 = arith.subi %abs3A_462, %sub3A_464 : vector<16xi32>
    %mul3A_466 = arith.muli %gather3A_459, %gather3A_460 : vector<16xi32>
    %mul3A_467 = arith.muli %sub3A_465, %sub3A_465 : vector<16xi32>
    %jit3A_468 = arith.constant 4 : i32
    %div3A_469 = vector.broadcast %jit3A_468 : i32 to vector<16xi32>
    %div3A_470 = arith.divsi %mul3A_467, %div3A_469 : vector<16xi32>
    %sign3A_471 = arith.constant 0 : i32
    %sign3A_472 = vector.broadcast %sign3A_471 : i32 to vector<16xi32>
    %sign3A_473 = arith.cmpi sgt, %mul3A_467, %sign3A_472 : vector<16xi32>
    %sign3A_474 = arith.extui %sign3A_473 : vector<16xi1> to vector<16xi32>
    %sign3A_475 = arith.constant 0 : i32
    %sign3A_476 = vector.broadcast %sign3A_475 : i32 to vector<16xi32>
    %sign3A_477 = arith.cmpi slt, %mul3A_467, %sign3A_476 : vector<16xi32>
    %sign3A_478 = arith.extui %sign3A_477 : vector<16xi1> to vector<16xi32>
    %sign3A_479 = arith.subi %sign3A_474, %sign3A_478 : vector<16xi32>
    %sign3A_480 = arith.constant 0 : i32
    %sign3A_481 = arith.cmpi sgt, %jit3A_468, %sign3A_480 : i32
    %sign3A_482 = arith.extui %sign3A_481 : i1 to i32
    %sign3A_483 = arith.constant 0 : i32
    %sign3A_484 = arith.cmpi slt, %jit3A_468, %sign3A_483 : i32
    %sign3A_485 = arith.extui %sign3A_484 : i1 to i32
    %sign3A_486 = arith.subi %sign3A_482, %sign3A_485 : i32
    %ne3A_487 = vector.broadcast %sign3A_486 : i32 to vector<16xi32>
    %ne3A_488 = arith.cmpi ne, %sign3A_479, %ne3A_487 : vector<16xi32>
    %rem3A_489 = vector.broadcast %jit3A_468 : i32 to vector<16xi32>
    %rem3A_490 = arith.remsi %mul3A_467, %rem3A_489 : vector<16xi32>
    %ne3A_491 = arith.constant 0 : i32
    %ne3A_492 = vector.broadcast %ne3A_491 : i32 to vector<16xi32>
    %ne3A_493 = arith.cmpi ne, %rem3A_490, %ne3A_492 : vector<16xi32>
    %and3A_494 = arith.andi %ne3A_488, %ne3A_493 : vector<16xi1>
    %sub3A_495 = arith.constant 1 : i32
    %sub3A_496 = vector.broadcast %sub3A_495 : i32 to vector<16xi32>
    %sub3A_497 = arith.subi %div3A_470, %sub3A_496 : vector<16xi32>
    %select_n3A_498 = arith.select %and3A_494, %sub3A_497, %div3A_470 : vector<16xi1>, vector<16xi32>
    %add3A_499 = arith.addi %mul3A_466, %select_n3A_498 : vector<16xi32>
    %swap3A_500 = arith.constant 1 : i32
    %swap3A_501 = arith.index_cast %swap3A_500 : i32 to index
    %swap3A_502 = arith.constant 64 : index
    %swap3A_503 = tpu.vector_load %arg9[%swap3A_501, %swap3A_502] {strides = array<i32>} : memref<125x80xi32, #tpu.memory_space<vmem>>, vector<16xi32>,
    tpu.vector_store %arg9[%swap3A_501, %swap3A_502], %add3A_499 {strides = array<i32>} : memref<125x80xi32, #tpu.memory_space<vmem>>, vector<16xi32>,
    %dma_start3A_504 = arith.constant 1 : i32
    %dma_start3A_505 = arith.constant 1 : i32
    %dma_start3A_506 = arith.constant 1 : i32
    %dma_start3A_507 = arith.constant 0 : i32
    %dma_start3A_508 = arith.constant 0 : i32
    %dma_start3A_509 = tpu.memref_slice %arg10[%dma_start3A_505, %dma_start3A_507, %dma_start3A_508] : memref<5x80x128xf32, #tpu.memory_space<vmem>> -> memref<1x80x128xf32, #tpu.memory_space<vmem>>
    %dma_start3A_510 = tpu.memref_squeeze %dma_start3A_509 : memref<1x80x128xf32, #tpu.memory_space<vmem>> -> memref<80x128xf32, #tpu.memory_space<vmem>>
    %dma_start3A_511 = arith.constant 0 : i32
    %dma_start3A_512 = tpu.memref_slice %arg9[%dma_start3A_504, %dma_start3A_511] : memref<125x80xi32, #tpu.memory_space<vmem>> -> memref<1x80xi32, #tpu.memory_space<vmem>>
    %dma_start3A_513 = tpu.memref_squeeze %dma_start3A_512 : memref<1x80xi32, #tpu.memory_space<vmem>> -> memref<80xi32, #tpu.memory_space<vmem>>
    %dma_start3A_514 = arith.constant 0 : i32
    %dma_start3A_515 = arith.constant 0 : i32
    %dma_start3A_516 = tpu.memref_slice %arg4[%dma_start3A_514, %dma_start3A_515] : memref<3000x128xf32, #tpu.memory_space<hbm>> -> memref<3000x128xf32, #tpu.memory_space<hbm>>
    %dma_start3A_517 = tpu.memref_slice %arg12[%dma_start3A_506] : memref<5x!tpu.dma_semaphore, #tpu.memory_space<semaphore_mem>> -> memref<1x!tpu.dma_semaphore, #tpu.memory_space<semaphore_mem>>
    %dma_start3A_518 = tpu.memref_squeeze %dma_start3A_517 : memref<1x!tpu.dma_semaphore, #tpu.memory_space<semaphore_mem>> -> memref<!tpu.dma_semaphore, #tpu.memory_space<semaphore_mem>>
    tpu.enqueue_indirect_dma source(%dma_start3A_516 : memref<3000x128xf32, #tpu.memory_space<hbm>>) target(%dma_start3A_510 : memref<80x128xf32, #tpu.memory_space<vmem>>) offsets(%dma_start3A_513 : memref<80xi32, #tpu.memory_space<vmem>>) semaphore(%dma_start3A_518 : memref<!tpu.dma_semaphore, #tpu.memory_space<semaphore_mem>>)
    %get3A_519 = arith.constant 160 : index
    %get3A_520 = tpu.vector_load %arg7[%get3A_519] {strides = array<i32>} : memref<10000xi32, #tpu.memory_space<vmem>>, vector<16xi32>,
    %get3A_521 = arith.constant 160 : index
    %get3A_522 = tpu.vector_load %arg8[%get3A_521] {strides = array<i32>} : memref<10000xi32, #tpu.memory_space<vmem>>, vector<16xi32>,
    %gather3A_523 = tpu.vector_load_idx %arg6[%get3A_520] : memref<10000xi32, #tpu.memory_space<vmem>>[vector<16xi32>], vector<16xi32>,
    %gather3A_524 = tpu.vector_load_idx %arg6[%get3A_522] : memref<10000xi32, #tpu.memory_space<vmem>>[vector<16xi32>], vector<16xi32>,
    %sub3A_525 = arith.subi %gather3A_523, %gather3A_524 : vector<16xi32>
    %abs3A_526 = math.absi %sub3A_525 : vector<16xi32>
    %sub3A_527 = arith.constant 1 : i32
    %sub3A_528 = vector.broadcast %sub3A_527 : i32 to vector<16xi32>
    %sub3A_529 = arith.subi %abs3A_526, %sub3A_528 : vector<16xi32>
    %mul3A_530 = arith.muli %gather3A_523, %gather3A_524 : vector<16xi32>
    %mul3A_531 = arith.muli %sub3A_529, %sub3A_529 : vector<16xi32>
    %jit3A_532 = arith.constant 4 : i32
    %div3A_533 = vector.broadcast %jit3A_532 : i32 to vector<16xi32>
    %div3A_534 = arith.divsi %mul3A_531, %div3A_533 : vector<16xi32>
    %sign3A_535 = arith.constant 0 : i32
    %sign3A_536 = vector.broadcast %sign3A_535 : i32 to vector<16xi32>
    %sign3A_537 = arith.cmpi sgt, %mul3A_531, %sign3A_536 : vector<16xi32>
    %sign3A_538 = arith.extui %sign3A_537 : vector<16xi1> to vector<16xi32>
    %sign3A_539 = arith.constant 0 : i32
    %sign3A_540 = vector.broadcast %sign3A_539 : i32 to vector<16xi32>
    %sign3A_541 = arith.cmpi slt, %mul3A_531, %sign3A_540 : vector<16xi32>
    %sign3A_542 = arith.extui %sign3A_541 : vector<16xi1> to vector<16xi32>
    %sign3A_543 = arith.subi %sign3A_538, %sign3A_542 : vector<16xi32>
    %sign3A_544 = arith.constant 0 : i32
    %sign3A_545 = arith.cmpi sgt, %jit3A_532, %sign3A_544 : i32
    %sign3A_546 = arith.extui %sign3A_545 : i1 to i32
    %sign3A_547 = arith.constant 0 : i32
    %sign3A_548 = arith.cmpi slt, %jit3A_532, %sign3A_547 : i32
    %sign3A_549 = arith.extui %sign3A_548 : i1 to i32
    %sign3A_550 = arith.subi %sign3A_546, %sign3A_549 : i32
    %ne3A_551 = vector.broadcast %sign3A_550 : i32 to vector<16xi32>
    %ne3A_552 = arith.cmpi ne, %sign3A_543, %ne3A_551 : vector<16xi32>
    %rem3A_553 = vector.broadcast %jit3A_532 : i32 to vector<16xi32>
    %rem3A_554 = arith.remsi %mul3A_531, %rem3A_553 : vector<16xi32>
    %ne3A_555 = arith.constant 0 : i32
    %ne3A_556 = vector.broadcast %ne3A_555 : i32 to vector<16xi32>
    %ne3A_557 = arith.cmpi ne, %rem3A_554, %ne3A_556 : vector<16xi32>
    %and3A_558 = arith.andi %ne3A_552, %ne3A_557 : vector<16xi1>
    %sub3A_559 = arith.constant 1 : i32
    %sub3A_560 = vector.broadcast %sub3A_559 : i32 to vector<16xi32>
    %sub3A_561 = arith.subi %div3A_534, %sub3A_560 : vector<16xi32>
    %select_n3A_562 = arith.select %and3A_558, %sub3A_561, %div3A_534 : vector<16xi1>, vector<16xi32>
    %add3A_563 = arith.addi %mul3A_530, %select_n3A_562 : vector<16xi32>
    %swap3A_564 = arith.constant 2 : i32
    %swap3A_565 = arith.index_cast %swap3A_564 : i32 to index
    %swap3A_566 = arith.constant 0 : index
    %swap3A_567 = tpu.vector_load %arg9[%swap3A_565, %swap3A_566] {strides = array<i32>} : memref<125x80xi32, #tpu.memory_space<vmem>>, vector<16xi32>,
    tpu.vector_store %arg9[%swap3A_565, %swap3A_566], %add3A_563 {strides = array<i32>} : memref<125x80xi32, #tpu.memory_space<vmem>>, vector<16xi32>,
    %get3A_568 = arith.constant 176 : index
    %get3A_569 = tpu.vector_load %arg7[%get3A_568] {strides = array<i32>} : memref<10000xi32, #tpu.memory_space<vmem>>, vector<16xi32>,
    %get3A_570 = arith.constant 176 : index
    %get3A_571 = tpu.vector_load %arg8[%get3A_570] {strides = array<i32>} : memref<10000xi32, #tpu.memory_space<vmem>>, vector<16xi32>,
    %gather3A_572 = tpu.vector_load_idx %arg6[%get3A_569] : memref<10000xi32, #tpu.memory_space<vmem>>[vector<16xi32>], vector<16xi32>,
    %gather3A_573 = tpu.vector_load_idx %arg6[%get3A_571] : memref<10000xi32, #tpu.memory_space<vmem>>[vector<16xi32>], vector<16xi32>,
    %sub3A_574 = arith.subi %gather3A_572, %gather3A_573 : vector<16xi32>
    %abs3A_575 = math.absi %sub3A_574 : vector<16xi32>
    %sub3A_576 = arith.constant 1 : i32
    %sub3A_577 = vector.broadcast %sub3A_576 : i32 to vector<16xi32>
    %sub3A_578 = arith.subi %abs3A_575, %sub3A_577 : vector<16xi32>
    %mul3A_579 = arith.muli %gather3A_572, %gather3A_573 : vector<16xi32>
    %mul3A_580 = arith.muli %sub3A_578, %sub3A_578 : vector<16xi32>
    %jit3A_581 = arith.constant 4 : i32
    %div3A_582 = vector.broadcast %jit3A_581 : i32 to vector<16xi32>
    %div3A_583 = arith.divsi %mul3A_580, %div3A_582 : vector<16xi32>
    %sign3A_584 = arith.constant 0 : i32
    %sign3A_585 = vector.broadcast %sign3A_584 : i32 to vector<16xi32>
    %sign3A_586 = arith.cmpi sgt, %mul3A_580, %sign3A_585 : vector<16xi32>
    %sign3A_587 = arith.extui %sign3A_586 : vector<16xi1> to vector<16xi32>
    %sign3A_588 = arith.constant 0 : i32
    %sign3A_589 = vector.broadcast %sign3A_588 : i32 to vector<16xi32>
    %sign3A_590 = arith.cmpi slt, %mul3A_580, %sign3A_589 : vector<16xi32>
    %sign3A_591 = arith.extui %sign3A_590 : vector<16xi1> to vector<16xi32>
    %sign3A_592 = arith.subi %sign3A_587, %sign3A_591 : vector<16xi32>
    %sign3A_593 = arith.constant 0 : i32
    %sign3A_594 = arith.cmpi sgt, %jit3A_581, %sign3A_593 : i32
    %sign3A_595 = arith.extui %sign3A_594 : i1 to i32
    %sign3A_596 = arith.constant 0 : i32
    %sign3A_597 = arith.cmpi slt, %jit3A_581, %sign3A_596 : i32
    %sign3A_598 = arith.extui %sign3A_597 : i1 to i32
    %sign3A_599 = arith.subi %sign3A_595, %sign3A_598 : i32
    %ne3A_600 = vector.broadcast %sign3A_599 : i32 to vector<16xi32>
    %ne3A_601 = arith.cmpi ne, %sign3A_592, %ne3A_600 : vector<16xi32>
    %rem3A_602 = vector.broadcast %jit3A_581 : i32 to vector<16xi32>
    %rem3A_603 = arith.remsi %mul3A_580, %rem3A_602 : vector<16xi32>
    %ne3A_604 = arith.constant 0 : i32
    %ne3A_605 = vector.broadcast %ne3A_604 : i32 to vector<16xi32>
    %ne3A_606 = arith.cmpi ne, %rem3A_603, %ne3A_605 : vector<16xi32>
    %and3A_607 = arith.andi %ne3A_601, %ne3A_606 : vector<16xi1>
    %sub3A_608 = arith.constant 1 : i32
    %sub3A_609 = vector.broadcast %sub3A_608 : i32 to vector<16xi32>
    %sub3A_610 = arith.subi %div3A_583, %sub3A_609 : vector<16xi32>
    %select_n3A_611 = arith.select %and3A_607, %sub3A_610, %div3A_583 : vector<16xi1>, vector<16xi32>
    %add3A_612 = arith.addi %mul3A_579, %select_n3A_611 : vector<16xi32>
    %swap3A_613 = arith.constant 2 : i32
    %swap3A_614 = arith.index_cast %swap3A_613 : i32 to index
    %swap3A_615 = arith.constant 16 : index
    %swap3A_616 = tpu.vector_load %arg9[%swap3A_614, %swap3A_615] {strides = array<i32>} : memref<125x80xi32, #tpu.memory_space<vmem>>, vector<16xi32>,
    tpu.vector_store %arg9[%swap3A_614, %swap3A_615], %add3A_612 {strides = array<i32>} : memref<125x80xi32, #tpu.memory_space<vmem>>, vector<16xi32>,
    %get3A_617 = arith.constant 192 : index
    %get3A_618 = tpu.vector_load %arg7[%get3A_617] {strides = array<i32>} : memref<10000xi32, #tpu.memory_space<vmem>>, vector<16xi32>,
    %get3A_619 = arith.constant 192 : index
    %get3A_620 = tpu.vector_load %arg8[%get3A_619] {strides = array<i32>} : memref<10000xi32, #tpu.memory_space<vmem>>, vector<16xi32>,
    %gather3A_621 = tpu.vector_load_idx %arg6[%get3A_618] : memref<10000xi32, #tpu.memory_space<vmem>>[vector<16xi32>], vector<16xi32>,
    %gather3A_622 = tpu.vector_load_idx %arg6[%get3A_620] : memref<10000xi32, #tpu.memory_space<vmem>>[vector<16xi32>], vector<16xi32>,
    %sub3A_623 = arith.subi %gather3A_621, %gather3A_622 : vector<16xi32>
    %abs3A_624 = math.absi %sub3A_623 : vector<16xi32>
    %sub3A_625 = arith.constant 1 : i32
    %sub3A_626 = vector.broadcast %sub3A_625 : i32 to vector<16xi32>
    %sub3A_627 = arith.subi %abs3A_624, %sub3A_626 : vector<16xi32>
    %mul3A_628 = arith.muli %gather3A_621, %gather3A_622 : vector<16xi32>
    %mul3A_629 = arith.muli %sub3A_627, %sub3A_627 : vector<16xi32>
    %jit3A_630 = arith.constant 4 : i32
    %div3A_631 = vector.broadcast %jit3A_630 : i32 to vector<16xi32>
    %div3A_632 = arith.divsi %mul3A_629, %div3A_631 : vector<16xi32>
    %sign3A_633 = arith.constant 0 : i32
    %sign3A_634 = vector.broadcast %sign3A_633 : i32 to vector<16xi32>
    %sign3A_635 = arith.cmpi sgt, %mul3A_629, %sign3A_634 : vector<16xi32>
    %sign3A_636 = arith.extui %sign3A_635 : vector<16xi1> to vector<16xi32>
    %sign3A_637 = arith.constant 0 : i32
    %sign3A_638 = vector.broadcast %sign3A_637 : i32 to vector<16xi32>
    %sign3A_639 = arith.cmpi slt, %mul3A_629, %sign3A_638 : vector<16xi32>
    %sign3A_640 = arith.extui %sign3A_639 : vector<16xi1> to vector<16xi32>
    %sign3A_641 = arith.subi %sign3A_636, %sign3A_640 : vector<16xi32>
    %sign3A_642 = arith.constant 0 : i32
    %sign3A_643 = arith.cmpi sgt, %jit3A_630, %sign3A_642 : i32
    %sign3A_644 = arith.extui %sign3A_643 : i1 to i32
    %sign3A_645 = arith.constant 0 : i32
    %sign3A_646 = arith.cmpi slt, %jit3A_630, %sign3A_645 : i32
    %sign3A_647 = arith.extui %sign3A_646 : i1 to i32
    %sign3A_648 = arith.subi %sign3A_644, %sign3A_647 : i32
    %ne3A_649 = vector.broadcast %sign3A_648 : i32 to vector<16xi32>
    %ne3A_650 = arith.cmpi ne, %sign3A_641, %ne3A_649 : vector<16xi32>
    %rem3A_651 = vector.broadcast %jit3A_630 : i32 to vector<16xi32>
    %rem3A_652 = arith.remsi %mul3A_629, %rem3A_651 : vector<16xi32>
    %ne3A_653 = arith.constant 0 : i32
    %ne3A_654 = vector.broadcast %ne3A_653 : i32 to vector<16xi32>
    %ne3A_655 = arith.cmpi ne, %rem3A_652, %ne3A_654 : vector<16xi32>
    %and3A_656 = arith.andi %ne3A_650, %ne3A_655 : vector<16xi1>
    %sub3A_657 = arith.constant 1 : i32
    %sub3A_658 = vector.broadcast %sub3A_657 : i32 to vector<16xi32>
    %sub3A_659 = arith.subi %div3A_632, %sub3A_658 : vector<16xi32>
    %select_n3A_660 = arith.select %and3A_656, %sub3A_659, %div3A_632 : vector<16xi1>, vector<16xi32>
    %add3A_661 = arith.addi %mul3A_628, %select_n3A_660 : vector<16xi32>
    %swap3A_662 = arith.constant 2 : i32
    %swap3A_663 = arith.index_cast %swap3A_662 : i32 to index
    %swap3A_664 = arith.constant 32 : index
    %swap3A_665 = tpu.vector_load %arg9[%swap3A_663, %swap3A_664] {strides = array<i32>} : memref<125x80xi32, #tpu.memory_space<vmem>>, vector<16xi32>,
    tpu.vector_store %arg9[%swap3A_663, %swap3A_664], %add3A_661 {strides = array<i32>} : memref<125x80xi32, #tpu.memory_space<vmem>>, vector<16xi32>,
    %get3A_666 = arith.constant 208 : index
    %get3A_667 = tpu.vector_load %arg7[%get3A_666] {strides = array<i32>} : memref<10000xi32, #tpu.memory_space<vmem>>, vector<16xi32>,
    %get3A_668 = arith.constant 208 : index
    %get3A_669 = tpu.vector_load %arg8[%get3A_668] {strides = array<i32>} : memref<10000xi32, #tpu.memory_space<vmem>>, vector<16xi32>,
    %gather3A_670 = tpu.vector_load_idx %arg6[%get3A_667] : memref<10000xi32, #tpu.memory_space<vmem>>[vector<16xi32>], vector<16xi32>,
    %gather3A_671 = tpu.vector_load_idx %arg6[%get3A_669] : memref<10000xi32, #tpu.memory_space<vmem>>[vector<16xi32>], vector<16xi32>,
    %sub3A_672 = arith.subi %gather3A_670, %gather3A_671 : vector<16xi32>
    %abs3A_673 = math.absi %sub3A_672 : vector<16xi32>
    %sub3A_674 = arith.constant 1 : i32
    %sub3A_675 = vector.broadcast %sub3A_674 : i32 to vector<16xi32>
    %sub3A_676 = arith.subi %abs3A_673, %sub3A_675 : vector<16xi32>
    %mul3A_677 = arith.muli %gather3A_670, %gather3A_671 : vector<16xi32>
    %mul3A_678 = arith.muli %sub3A_676, %sub3A_676 : vector<16xi32>
    %jit3A_679 = arith.constant 4 : i32
    %div3A_680 = vector.broadcast %jit3A_679 : i32 to vector<16xi32>
    %div3A_681 = arith.divsi %mul3A_678, %div3A_680 : vector<16xi32>
    %sign3A_682 = arith.constant 0 : i32
    %sign3A_683 = vector.broadcast %sign3A_682 : i32 to vector<16xi32>
    %sign3A_684 = arith.cmpi sgt, %mul3A_678, %sign3A_683 : vector<16xi32>
    %sign3A_685 = arith.extui %sign3A_684 : vector<16xi1> to vector<16xi32>
    %sign3A_686 = arith.constant 0 : i32
    %sign3A_687 = vector.broadcast %sign3A_686 : i32 to vector<16xi32>
    %sign3A_688 = arith.cmpi slt, %mul3A_678, %sign3A_687 : vector<16xi32>
    %sign3A_689 = arith.extui %sign3A_688 : vector<16xi1> to vector<16xi32>
    %sign3A_690 = arith.subi %sign3A_685, %sign3A_689 : vector<16xi32>
    %sign3A_691 = arith.constant 0 : i32
    %sign3A_692 = arith.cmpi sgt, %jit3A_679, %sign3A_691 : i32
    %sign3A_693 = arith.extui %sign3A_692 : i1 to i32
    %sign3A_694 = arith.constant 0 : i32
    %sign3A_695 = arith.cmpi slt, %jit3A_679, %sign3A_694 : i32
    %sign3A_696 = arith.extui %sign3A_695 : i1 to i32
    %sign3A_697 = arith.subi %sign3A_693, %sign3A_696 : i32
    %ne3A_698 = vector.broadcast %sign3A_697 : i32 to vector<16xi32>
    %ne3A_699 = arith.cmpi ne, %sign3A_690, %ne3A_698 : vector<16xi32>
    %rem3A_700 = vector.broadcast %jit3A_679 : i32 to vector<16xi32>
    %rem3A_701 = arith.remsi %mul3A_678, %rem3A_700 : vector<16xi32>
    %ne3A_702 = arith.constant 0 : i32
    %ne3A_703 = vector.broadcast %ne3A_702 : i32 to vector<16xi32>
    %ne3A_704 = arith.cmpi ne, %rem3A_701, %ne3A_703 : vector<16xi32>
    %and3A_705 = arith.andi %ne3A_699, %ne3A_704 : vector<16xi1>
    %sub3A_706 = arith.constant 1 : i32
    %sub3A_707 = vector.broadcast %sub3A_706 : i32 to vector<16xi32>
    %sub3A_708 = arith.subi %div3A_681, %sub3A_707 : vector<16xi32>
    %select_n3A_709 = arith.select %and3A_705, %sub3A_708, %div3A_681 : vector<16xi1>, vector<16xi32>
    %add3A_710 = arith.addi %mul3A_677, %select_n3A_709 : vector<16xi32>
    %swap3A_711 = arith.constant 2 : i32
    %swap3A_712 = arith.index_cast %swap3A_711 : i32 to index
    %swap3A_713 = arith.constant 48 : index
    %swap3A_714 = tpu.vector_load %arg9[%swap3A_712, %swap3A_713] {strides = array<i32>} : memref<125x80xi32, #tpu.memory_space<vmem>>, vector<16xi32>,
    tpu.vector_store %arg9[%swap3A_712, %swap3A_713], %add3A_710 {strides = array<i32>} : memref<125x80xi32, #tpu.memory_space<vmem>>, vector<16xi32>,
    %get3A_715 = arith.constant 224 : index
    %get3A_716 = tpu.vector_load %arg7[%get3A_715] {strides = array<i32>} : memref<10000xi32, #tpu.memory_space<vmem>>, vector<16xi32>,
    %get3A_717 = arith.constant 224 : index
    %get3A_718 = tpu.vector_load %arg8[%get3A_717] {strides = array<i32>} : memref<10000xi32, #tpu.memory_space<vmem>>, vector<16xi32>,
    %gather3A_719 = tpu.vector_load_idx %arg6[%get3A_716] : memref<10000xi32, #tpu.memory_space<vmem>>[vector<16xi32>], vector<16xi32>,
    %gather3A_720 = tpu.vector_load_idx %arg6[%get3A_718] : memref<10000xi32, #tpu.memory_space<vmem>>[vector<16xi32>], vector<16xi32>,
    %sub3A_721 = arith.subi %gather3A_719, %gather3A_720 : vector<16xi32>
    %abs3A_722 = math.absi %sub3A_721 : vector<16xi32>
    %sub3A_723 = arith.constant 1 : i32
    %sub3A_724 = vector.broadcast %sub3A_723 : i32 to vector<16xi32>
    %sub3A_725 = arith.subi %abs3A_722, %sub3A_724 : vector<16xi32>
    %mul3A_726 = arith.muli %gather3A_719, %gather3A_720 : vector<16xi32>
    %mul3A_727 = arith.muli %sub3A_725, %sub3A_725 : vector<16xi32>
    %jit3A_728 = arith.constant 4 : i32
    %div3A_729 = vector.broadcast %jit3A_728 : i32 to vector<16xi32>
    %div3A_730 = arith.divsi %mul3A_727, %div3A_729 : vector<16xi32>
    %sign3A_731 = arith.constant 0 : i32
    %sign3A_732 = vector.broadcast %sign3A_731 : i32 to vector<16xi32>
    %sign3A_733 = arith.cmpi sgt, %mul3A_727, %sign3A_732 : vector<16xi32>
    %sign3A_734 = arith.extui %sign3A_733 : vector<16xi1> to vector<16xi32>
    %sign3A_735 = arith.constant 0 : i32
    %sign3A_736 = vector.broadcast %sign3A_735 : i32 to vector<16xi32>
    %sign3A_737 = arith.cmpi slt, %mul3A_727, %sign3A_736 : vector<16xi32>
    %sign3A_738 = arith.extui %sign3A_737 : vector<16xi1> to vector<16xi32>
    %sign3A_739 = arith.subi %sign3A_734, %sign3A_738 : vector<16xi32>
    %sign3A_740 = arith.constant 0 : i32
    %sign3A_741 = arith.cmpi sgt, %jit3A_728, %sign3A_740 : i32
    %sign3A_742 = arith.extui %sign3A_741 : i1 to i32
    %sign3A_743 = arith.constant 0 : i32
    %sign3A_744 = arith.cmpi slt, %jit3A_728, %sign3A_743 : i32
    %sign3A_745 = arith.extui %sign3A_744 : i1 to i32
    %sign3A_746 = arith.subi %sign3A_742, %sign3A_745 : i32
    %ne3A_747 = vector.broadcast %sign3A_746 : i32 to vector<16xi32>
    %ne3A_748 = arith.cmpi ne, %sign3A_739, %ne3A_747 : vector<16xi32>
    %rem3A_749 = vector.broadcast %jit3A_728 : i32 to vector<16xi32>
    %rem3A_750 = arith.remsi %mul3A_727, %rem3A_749 : vector<16xi32>
    %ne3A_751 = arith.constant 0 : i32
    %ne3A_752 = vector.broadcast %ne3A_751 : i32 to vector<16xi32>
    %ne3A_753 = arith.cmpi ne, %rem3A_750, %ne3A_752 : vector<16xi32>
    %and3A_754 = arith.andi %ne3A_748, %ne3A_753 : vector<16xi1>
    %sub3A_755 = arith.constant 1 : i32
    %sub3A_756 = vector.broadcast %sub3A_755 : i32 to vector<16xi32>
    %sub3A_757 = arith.subi %div3A_730, %sub3A_756 : vector<16xi32>
    %select_n3A_758 = arith.select %and3A_754, %sub3A_757, %div3A_730 : vector<16xi1>, vector<16xi32>
    %add3A_759 = arith.addi %mul3A_726, %select_n3A_758 : vector<16xi32>
    %swap3A_760 = arith.constant 2 : i32
    %swap3A_761 = arith.index_cast %swap3A_760 : i32 to index
    %swap3A_762 = arith.constant 64 : index
    %swap3A_763 = tpu.vector_load %arg9[%swap3A_761, %swap3A_762] {strides = array<i32>} : memref<125x80xi32, #tpu.memory_space<vmem>>, vector<16xi32>,
    tpu.vector_store %arg9[%swap3A_761, %swap3A_762], %add3A_759 {strides = array<i32>} : memref<125x80xi32, #tpu.memory_space<vmem>>, vector<16xi32>,
    %dma_start3A_764 = arith.constant 2 : i32
    %dma_start3A_765 = arith.constant 2 : i32
    %dma_start3A_766 = arith.constant 2 : i32
    %dma_start3A_767 = arith.constant 0 : i32
    %dma_start3A_768 = arith.constant 0 : i32
    %dma_start3A_769 = tpu.memref_slice %arg10[%dma_start3A_765, %dma_start3A_767, %dma_start3A_768] : memref<5x80x128xf32, #tpu.memory_space<vmem>> -> memref<1x80x128xf32, #tpu.memory_space<vmem>>
    %dma_start3A_770 = tpu.memref_squeeze %dma_start3A_769 : memref<1x80x128xf32, #tpu.memory_space<vmem>> -> memref<80x128xf32, #tpu.memory_space<vmem>>
    %dma_start3A_771 = arith.constant 0 : i32
    %dma_start3A_772 = tpu.memref_slice %arg9[%dma_start3A_764, %dma_start3A_771] : memref<125x80xi32, #tpu.memory_space<vmem>> -> memref<1x80xi32, #tpu.memory_space<vmem>>
    %dma_start3A_773 = tpu.memref_squeeze %dma_start3A_772 : memref<1x80xi32, #tpu.memory_space<vmem>> -> memref<80xi32, #tpu.memory_space<vmem>>
    %dma_start3A_774 = arith.constant 0 : i32
    %dma_start3A_775 = arith.constant 0 : i32
    %dma_start3A_776 = tpu.memref_slice %arg4[%dma_start3A_774, %dma_start3A_775] : memref<3000x128xf32, #tpu.memory_space<hbm>> -> memref<3000x128xf32, #tpu.memory_space<hbm>>
    %dma_start3A_777 = tpu.memref_slice %arg12[%dma_start3A_766] : memref<5x!tpu.dma_semaphore, #tpu.memory_space<semaphore_mem>> -> memref<1x!tpu.dma_semaphore, #tpu.memory_space<semaphore_mem>>
    %dma_start3A_778 = tpu.memref_squeeze %dma_start3A_777 : memref<1x!tpu.dma_semaphore, #tpu.memory_space<semaphore_mem>> -> memref<!tpu.dma_semaphore, #tpu.memory_space<semaphore_mem>>
    tpu.enqueue_indirect_dma source(%dma_start3A_776 : memref<3000x128xf32, #tpu.memory_space<hbm>>) target(%dma_start3A_770 : memref<80x128xf32, #tpu.memory_space<vmem>>) offsets(%dma_start3A_773 : memref<80xi32, #tpu.memory_space<vmem>>) semaphore(%dma_start3A_778 : memref<!tpu.dma_semaphore, #tpu.memory_space<semaphore_mem>>)
    %get3A_779 = arith.constant 240 : index
    %get3A_780 = tpu.vector_load %arg7[%get3A_779] {strides = array<i32>} : memref<10000xi32, #tpu.memory_space<vmem>>, vector<16xi32>,
    %get3A_781 = arith.constant 240 : index
    %get3A_782 = tpu.vector_load %arg8[%get3A_781] {strides = array<i32>} : memref<10000xi32, #tpu.memory_space<vmem>>, vector<16xi32>,
    %gather3A_783 = tpu.vector_load_idx %arg6[%get3A_780] : memref<10000xi32, #tpu.memory_space<vmem>>[vector<16xi32>], vector<16xi32>,
    %gather3A_784 = tpu.vector_load_idx %arg6[%get3A_782] : memref<10000xi32, #tpu.memory_space<vmem>>[vector<16xi32>], vector<16xi32>,
    %sub3A_785 = arith.subi %gather3A_783, %gather3A_784 : vector<16xi32>
    %abs3A_786 = math.absi %sub3A_785 : vector<16xi32>
    %sub3A_787 = arith.constant 1 : i32
    %sub3A_788 = vector.broadcast %sub3A_787 : i32 to vector<16xi32>
    %sub3A_789 = arith.subi %abs3A_786, %sub3A_788 : vector<16xi32>
    %mul3A_790 = arith.muli %gather3A_783, %gather3A_784 : vector<16xi32>
    %mul3A_791 = arith.muli %sub3A_789, %sub3A_789 : vector<16xi32>
    %jit3A_792 = arith.constant 4 : i32
    %div3A_793 = vector.broadcast %jit3A_792 : i32 to vector<16xi32>
    %div3A_794 = arith.divsi %mul3A_791, %div3A_793 : vector<16xi32>
    %sign3A_795 = arith.constant 0 : i32
    %sign3A_796 = vector.broadcast %sign3A_795 : i32 to vector<16xi32>
    %sign3A_797 = arith.cmpi sgt, %mul3A_791, %sign3A_796 : vector<16xi32>
    %sign3A_798 = arith.extui %sign3A_797 : vector<16xi1> to vector<16xi32>
    %sign3A_799 = arith.constant 0 : i32
    %sign3A_800 = vector.broadcast %sign3A_799 : i32 to vector<16xi32>
    %sign3A_801 = arith.cmpi slt, %mul3A_791, %sign3A_800 : vector<16xi32>
    %sign3A_802 = arith.extui %sign3A_801 : vector<16xi1> to vector<16xi32>
    %sign3A_803 = arith.subi %sign3A_798, %sign3A_802 : vector<16xi32>
    %sign3A_804 = arith.constant 0 : i32
    %sign3A_805 = arith.cmpi sgt, %jit3A_792, %sign3A_804 : i32
    %sign3A_806 = arith.extui %sign3A_805 : i1 to i32
    %sign3A_807 = arith.constant 0 : i32
    %sign3A_808 = arith.cmpi slt, %jit3A_792, %sign3A_807 : i32
    %sign3A_809 = arith.extui %sign3A_808 : i1 to i32
    %sign3A_810 = arith.subi %sign3A_806, %sign3A_809 : i32
    %ne3A_811 = vector.broadcast %sign3A_810 : i32 to vector<16xi32>
    %ne3A_812 = arith.cmpi ne, %sign3A_803, %ne3A_811 : vector<16xi32>
    %rem3A_813 = vector.broadcast %jit3A_792 : i32 to vector<16xi32>
    %rem3A_814 = arith.remsi %mul3A_791, %rem3A_813 : vector<16xi32>
    %ne3A_815 = arith.constant 0 : i32
    %ne3A_816 = vector.broadcast %ne3A_815 : i32 to vector<16xi32>
    %ne3A_817 = arith.cmpi ne, %rem3A_814, %ne3A_816 : vector<16xi32>
    %and3A_818 = arith.andi %ne3A_812, %ne3A_817 : vector<16xi1>
    %sub3A_819 = arith.constant 1 : i32
    %sub3A_820 = vector.broadcast %sub3A_819 : i32 to vector<16xi32>
    %sub3A_821 = arith.subi %div3A_794, %sub3A_820 : vector<16xi32>
    %select_n3A_822 = arith.select %and3A_818, %sub3A_821, %div3A_794 : vector<16xi1>, vector<16xi32>
    %add3A_823 = arith.addi %mul3A_790, %select_n3A_822 : vector<16xi32>
    %swap3A_824 = arith.constant 3 : i32
    %swap3A_825 = arith.index_cast %swap3A_824 : i32 to index
    %swap3A_826 = arith.constant 0 : index
    %swap3A_827 = tpu.vector_load %arg9[%swap3A_825, %swap3A_826] {strides = array<i32>} : memref<125x80xi32, #tpu.memory_space<vmem>>, vector<16xi32>,
    tpu.vector_store %arg9[%swap3A_825, %swap3A_826], %add3A_823 {strides = array<i32>} : memref<125x80xi32, #tpu.memory_space<vmem>>, vector<16xi32>,
    %get3A_828 = arith.constant 256 : index
    %get3A_829 = tpu.vector_load %arg7[%get3A_828] {strides = array<i32>} : memref<10000xi32, #tpu.memory_space<vmem>>, vector<16xi32>,
    %get3A_830 = arith.constant 256 : index
    %get3A_831 = tpu.vector_load %arg8[%get3A_830] {strides = array<i32>} : memref<10000xi32, #tpu.memory_space<vmem>>, vector<16xi32>,
    %gather3A_832 = tpu.vector_load_idx %arg6[%get3A_829] : memref<10000xi32, #tpu.memory_space<vmem>>[vector<16xi32>], vector<16xi32>,
    %gather3A_833 = tpu.vector_load_idx %arg6[%get3A_831] : memref<10000xi32, #tpu.memory_space<vmem>>[vector<16xi32>], vector<16xi32>,
    %sub3A_834 = arith.subi %gather3A_832, %gather3A_833 : vector<16xi32>
    %abs3A_835 = math.absi %sub3A_834 : vector<16xi32>
    %sub3A_836 = arith.constant 1 : i32
    %sub3A_837 = vector.broadcast %sub3A_836 : i32 to vector<16xi32>
    %sub3A_838 = arith.subi %abs3A_835, %sub3A_837 : vector<16xi32>
    %mul3A_839 = arith.muli %gather3A_832, %gather3A_833 : vector<16xi32>
    %mul3A_840 = arith.muli %sub3A_838, %sub3A_838 : vector<16xi32>
    %jit3A_841 = arith.constant 4 : i32
    %div3A_842 = vector.broadcast %jit3A_841 : i32 to vector<16xi32>
    %div3A_843 = arith.divsi %mul3A_840, %div3A_842 : vector<16xi32>
    %sign3A_844 = arith.constant 0 : i32
    %sign3A_845 = vector.broadcast %sign3A_844 : i32 to vector<16xi32>
    %sign3A_846 = arith.cmpi sgt, %mul3A_840, %sign3A_845 : vector<16xi32>
    %sign3A_847 = arith.extui %sign3A_846 : vector<16xi1> to vector<16xi32>
    %sign3A_848 = arith.constant 0 : i32
    %sign3A_849 = vector.broadcast %sign3A_848 : i32 to vector<16xi32>
    %sign3A_850 = arith.cmpi slt, %mul3A_840, %sign3A_849 : vector<16xi32>
    %sign3A_851 = arith.extui %sign3A_850 : vector<16xi1> to vector<16xi32>
    %sign3A_852 = arith.subi %sign3A_847, %sign3A_851 : vector<16xi32>
    %sign3A_853 = arith.constant 0 : i32
    %sign3A_854 = arith.cmpi sgt, %jit3A_841, %sign3A_853 : i32
    %sign3A_855 = arith.extui %sign3A_854 : i1 to i32
    %sign3A_856 = arith.constant 0 : i32
    %sign3A_857 = arith.cmpi slt, %jit3A_841, %sign3A_856 : i32
    %sign3A_858 = arith.extui %sign3A_857 : i1 to i32
    %sign3A_859 = arith.subi %sign3A_855, %sign3A_858 : i32
    %ne3A_860 = vector.broadcast %sign3A_859 : i32 to vector<16xi32>
    %ne3A_861 = arith.cmpi ne, %sign3A_852, %ne3A_860 : vector<16xi32>
    %rem3A_862 = vector.broadcast %jit3A_841 : i32 to vector<16xi32>
    %rem3A_863 = arith.remsi %mul3A_840, %rem3A_862 : vector<16xi32>
    %ne3A_864 = arith.constant 0 : i32
    %ne3A_865 = vector.broadcast %ne3A_864 : i32 to vector<16xi32>
    %ne3A_866 = arith.cmpi ne, %rem3A_863, %ne3A_865 : vector<16xi32>
    %and3A_867 = arith.andi %ne3A_861, %ne3A_866 : vector<16xi1>
    %sub3A_868 = arith.constant 1 : i32
    %sub3A_869 = vector.broadcast %sub3A_868 : i32 to vector<16xi32>
    %sub3A_870 = arith.subi %div3A_843, %sub3A_869 : vector<16xi32>
    %select_n3A_871 = arith.select %and3A_867, %sub3A_870, %div3A_843 : vector<16xi1>, vector<16xi32>
    %add3A_872 = arith.addi %mul3A_839, %select_n3A_871 : vector<16xi32>
    %swap3A_873 = arith.constant 3 : i32
    %swap3A_874 = arith.index_cast %swap3A_873 : i32 to index
    %swap3A_875 = arith.constant 16 : index
    %swap3A_876 = tpu.vector_load %arg9[%swap3A_874, %swap3A_875] {strides = array<i32>} : memref<125x80xi32, #tpu.memory_space<vmem>>, vector<16xi32>,
    tpu.vector_store %arg9[%swap3A_874, %swap3A_875], %add3A_872 {strides = array<i32>} : memref<125x80xi32, #tpu.memory_space<vmem>>, vector<16xi32>,
    %get3A_877 = arith.constant 272 : index
    %get3A_878 = tpu.vector_load %arg7[%get3A_877] {strides = array<i32>} : memref<10000xi32, #tpu.memory_space<vmem>>, vector<16xi32>,
    %get3A_879 = arith.constant 272 : index
    %get3A_880 = tpu.vector_load %arg8[%get3A_879] {strides = array<i32>} : memref<10000xi32, #tpu.memory_space<vmem>>, vector<16xi32>,
    %gather3A_881 = tpu.vector_load_idx %arg6[%get3A_878] : memref<10000xi32, #tpu.memory_space<vmem>>[vector<16xi32>], vector<16xi32>,
    %gather3A_882 = tpu.vector_load_idx %arg6[%get3A_880] : memref<10000xi32, #tpu.memory_space<vmem>>[vector<16xi32>], vector<16xi32>,
    %sub3A_883 = arith.subi %gather3A_881, %gather3A_882 : vector<16xi32>
    %abs3A_884 = math.absi %sub3A_883 : vector<16xi32>
    %sub3A_885 = arith.constant 1 : i32
    %sub3A_886 = vector.broadcast %sub3A_885 : i32 to vector<16xi32>
    %sub3A_887 = arith.subi %abs3A_884, %sub3A_886 : vector<16xi32>
    %mul3A_888 = arith.muli %gather3A_881, %gather3A_882 : vector<16xi32>
    %mul3A_889 = arith.muli %sub3A_887, %sub3A_887 : vector<16xi32>
    %jit3A_890 = arith.constant 4 : i32
    %div3A_891 = vector.broadcast %jit3A_890 : i32 to vector<16xi32>
    %div3A_892 = arith.divsi %mul3A_889, %div3A_891 : vector<16xi32>
    %sign3A_893 = arith.constant 0 : i32
    %sign3A_894 = vector.broadcast %sign3A_893 : i32 to vector<16xi32>
    %sign3A_895 = arith.cmpi sgt, %mul3A_889, %sign3A_894 : vector<16xi32>
    %sign3A_896 = arith.extui %sign3A_895 : vector<16xi1> to vector<16xi32>
    %sign3A_897 = arith.constant 0 : i32
    %sign3A_898 = vector.broadcast %sign3A_897 : i32 to vector<16xi32>
    %sign3A_899 = arith.cmpi slt, %mul3A_889, %sign3A_898 : vector<16xi32>
    %sign3A_900 = arith.extui %sign3A_899 : vector<16xi1> to vector<16xi32>
    %sign3A_901 = arith.subi %sign3A_896, %sign3A_900 : vector<16xi32>
    %sign3A_902 = arith.constant 0 : i32
    %sign3A_903 = arith.cmpi sgt, %jit3A_890, %sign3A_902 : i32
    %sign3A_904 = arith.extui %sign3A_903 : i1 to i32
    %sign3A_905 = arith.constant 0 : i32
    %sign3A_906 = arith.cmpi slt, %jit3A_890, %sign3A_905 : i32
    %sign3A_907 = arith.extui %sign3A_906 : i1 to i32
    %sign3A_908 = arith.subi %sign3A_904, %sign3A_907 : i32
    %ne3A_909 = vector.broadcast %sign3A_908 : i32 to vector<16xi32>
    %ne3A_910 = arith.cmpi ne, %sign3A_901, %ne3A_909 : vector<16xi32>
    %rem3A_911 = vector.broadcast %jit3A_890 : i32 to vector<16xi32>
    %rem3A_912 = arith.remsi %mul3A_889, %rem3A_911 : vector<16xi32>
    %ne3A_913 = arith.constant 0 : i32
    %ne3A_914 = vector.broadcast %ne3A_913 : i32 to vector<16xi32>
    %ne3A_915 = arith.cmpi ne, %rem3A_912, %ne3A_914 : vector<16xi32>
    %and3A_916 = arith.andi %ne3A_910, %ne3A_915 : vector<16xi1>
    %sub3A_917 = arith.constant 1 : i32
    %sub3A_918 = vector.broadcast %sub3A_917 : i32 to vector<16xi32>
    %sub3A_919 = arith.subi %div3A_892, %sub3A_918 : vector<16xi32>
    %select_n3A_920 = arith.select %and3A_916, %sub3A_919, %div3A_892 : vector<16xi1>, vector<16xi32>
    %add3A_921 = arith.addi %mul3A_888, %select_n3A_920 : vector<16xi32>
    %swap3A_922 = arith.constant 3 : i32
    %swap3A_923 = arith.index_cast %swap3A_922 : i32 to index
    %swap3A_924 = arith.constant 32 : index
    %swap3A_925 = tpu.vector_load %arg9[%swap3A_923, %swap3A_924] {strides = array<i32>} : memref<125x80xi32, #tpu.memory_space<vmem>>, vector<16xi32>,
    tpu.vector_store %arg9[%swap3A_923, %swap3A_924], %add3A_921 {strides = array<i32>} : memref<125x80xi32, #tpu.memory_space<vmem>>, vector<16xi32>,
    %get3A_926 = arith.constant 288 : index
    %get3A_927 = tpu.vector_load %arg7[%get3A_926] {strides = array<i32>} : memref<10000xi32, #tpu.memory_space<vmem>>, vector<16xi32>,
    %get3A_928 = arith.constant 288 : index
    %get3A_929 = tpu.vector_load %arg8[%get3A_928] {strides = array<i32>} : memref<10000xi32, #tpu.memory_space<vmem>>, vector<16xi32>,
    %gather3A_930 = tpu.vector_load_idx %arg6[%get3A_927] : memref<10000xi32, #tpu.memory_space<vmem>>[vector<16xi32>], vector<16xi32>,
    %gather3A_931 = tpu.vector_load_idx %arg6[%get3A_929] : memref<10000xi32, #tpu.memory_space<vmem>>[vector<16xi32>], vector<16xi32>,
    %sub3A_932 = arith.subi %gather3A_930, %gather3A_931 : vector<16xi32>
    %abs3A_933 = math.absi %sub3A_932 : vector<16xi32>
    %sub3A_934 = arith.constant 1 : i32
    %sub3A_935 = vector.broadcast %sub3A_934 : i32 to vector<16xi32>
    %sub3A_936 = arith.subi %abs3A_933, %sub3A_935 : vector<16xi32>
    %mul3A_937 = arith.muli %gather3A_930, %gather3A_931 : vector<16xi32>
    %mul3A_938 = arith.muli %sub3A_936, %sub3A_936 : vector<16xi32>
    %jit3A_939 = arith.constant 4 : i32
    %div3A_940 = vector.broadcast %jit3A_939 : i32 to vector<16xi32>
    %div3A_941 = arith.divsi %mul3A_938, %div3A_940 : vector<16xi32>
    %sign3A_942 = arith.constant 0 : i32
    %sign3A_943 = vector.broadcast %sign3A_942 : i32 to vector<16xi32>
    %sign3A_944 = arith.cmpi sgt, %mul3A_938, %sign3A_943 : vector<16xi32>
    %sign3A_945 = arith.extui %sign3A_944 : vector<16xi1> to vector<16xi32>
    %sign3A_946 = arith.constant 0 : i32
    %sign3A_947 = vector.broadcast %sign3A_946 : i32 to vector<16xi32>
    %sign3A_948 = arith.cmpi slt, %mul3A_938, %sign3A_947 : vector<16xi32>
    %sign3A_949 = arith.extui %sign3A_948 : vector<16xi1> to vector<16xi32>
    %sign3A_950 = arith.subi %sign3A_945, %sign3A_949 : vector<16xi32>
    %sign3A_951 = arith.constant 0 : i32
    %sign3A_952 = arith.cmpi sgt, %jit3A_939, %sign3A_951 : i32
    %sign3A_953 = arith.extui %sign3A_952 : i1 to i32
    %sign3A_954 = arith.constant 0 : i32
    %sign3A_955 = arith.cmpi slt, %jit3A_939, %sign3A_954 : i32
    %sign3A_956 = arith.extui %sign3A_955 : i1 to i32
    %sign3A_957 = arith.subi %sign3A_953, %sign3A_956 : i32
    %ne3A_958 = vector.broadcast %sign3A_957 : i32 to vector<16xi32>
    %ne3A_959 = arith.cmpi ne, %sign3A_950, %ne3A_958 : vector<16xi32>
    %rem3A_960 = vector.broadcast %jit3A_939 : i32 to vector<16xi32>
    %rem3A_961 = arith.remsi %mul3A_938, %rem3A_960 : vector<16xi32>
    %ne3A_962 = arith.constant 0 : i32
    %ne3A_963 = vector.broadcast %ne3A_962 : i32 to vector<16xi32>
    %ne3A_964 = arith.cmpi ne, %rem3A_961, %ne3A_963 : vector<16xi32>
    %and3A_965 = arith.andi %ne3A_959, %ne3A_964 : vector<16xi1>
    %sub3A_966 = arith.constant 1 : i32
    %sub3A_967 = vector.broadcast %sub3A_966 : i32 to vector<16xi32>
    %sub3A_968 = arith.subi %div3A_941, %sub3A_967 : vector<16xi32>
    %select_n3A_969 = arith.select %and3A_965, %sub3A_968, %div3A_941 : vector<16xi1>, vector<16xi32>
    %add3A_970 = arith.addi %mul3A_937, %select_n3A_969 : vector<16xi32>
    %swap3A_971 = arith.constant 3 : i32
    %swap3A_972 = arith.index_cast %swap3A_971 : i32 to index
    %swap3A_973 = arith.constant 48 : index
    %swap3A_974 = tpu.vector_load %arg9[%swap3A_972, %swap3A_973] {strides = array<i32>} : memref<125x80xi32, #tpu.memory_space<vmem>>, vector<16xi32>,
    tpu.vector_store %arg9[%swap3A_972, %swap3A_973], %add3A_970 {strides = array<i32>} : memref<125x80xi32, #tpu.memory_space<vmem>>, vector<16xi32>,
    %get3A_975 = arith.constant 304 : index
    %get3A_976 = tpu.vector_load %arg7[%get3A_975] {strides = array<i32>} : memref<10000xi32, #tpu.memory_space<vmem>>, vector<16xi32>,
    %get3A_977 = arith.constant 304 : index
    %get3A_978 = tpu.vector_load %arg8[%get3A_977] {strides = array<i32>} : memref<10000xi32, #tpu.memory_space<vmem>>, vector<16xi32>,
    %gather3A_979 = tpu.vector_load_idx %arg6[%get3A_976] : memref<10000xi32, #tpu.memory_space<vmem>>[vector<16xi32>], vector<16xi32>,
    %gather3A_980 = tpu.vector_load_idx %arg6[%get3A_978] : memref<10000xi32, #tpu.memory_space<vmem>>[vector<16xi32>], vector<16xi32>,
    %sub3A_981 = arith.subi %gather3A_979, %gather3A_980 : vector<16xi32>
    %abs3A_982 = math.absi %sub3A_981 : vector<16xi32>
    %sub3A_983 = arith.constant 1 : i32
    %sub3A_984 = vector.broadcast %sub3A_983 : i32 to vector<16xi32>
    %sub3A_985 = arith.subi %abs3A_982, %sub3A_984 : vector<16xi32>
    %mul3A_986 = arith.muli %gather3A_979, %gather3A_980 : vector<16xi32>
    %mul3A_987 = arith.muli %sub3A_985, %sub3A_985 : vector<16xi32>
    %jit3A_988 = arith.constant 4 : i32
    %div3A_989 = vector.broadcast %jit3A_988 : i32 to vector<16xi32>
    %div3A_990 = arith.divsi %mul3A_987, %div3A_989 : vector<16xi32>
    %sign3A_991 = arith.constant 0 : i32
    %sign3A_992 = vector.broadcast %sign3A_991 : i32 to vector<16xi32>
    %sign3A_993 = arith.cmpi sgt, %mul3A_987, %sign3A_992 : vector<16xi32>
    %sign3A_994 = arith.extui %sign3A_993 : vector<16xi1> to vector<16xi32>
    %sign3A_995 = arith.constant 0 : i32
    %sign3A_996 = vector.broadcast %sign3A_995 : i32 to vector<16xi32>
    %sign3A_997 = arith.cmpi slt, %mul3A_987, %sign3A_996 : vector<16xi32>
    %sign3A_998 = arith.extui %sign3A_997 : vector<16xi1> to vector<16xi32>
    %sign3A_999 = arith.subi %sign3A_994, %sign3A_998 : vector<16xi32>
    %sign3A_1000 = arith.constant 0 : i32
    %sign3A_1001 = arith.cmpi sgt, %jit3A_988, %sign3A_1000 : i32
    %sign3A_1002 = arith.extui %sign3A_1001 : i1 to i32
    %sign3A_1003 = arith.constant 0 : i32
    %sign3A_1004 = arith.cmpi slt, %jit3A_988, %sign3A_1003 : i32
    %sign3A_1005 = arith.extui %sign3A_1004 : i1 to i32
    %sign3A_1006 = arith.subi %sign3A_1002, %sign3A_1005 : i32
    %ne3A_1007 = vector.broadcast %sign3A_1006 : i32 to vector<16xi32>
    %ne3A_1008 = arith.cmpi ne, %sign3A_999, %ne3A_1007 : vector<16xi32>
    %rem3A_1009 = vector.broadcast %jit3A_988 : i32 to vector<16xi32>
    %rem3A_1010 = arith.remsi %mul3A_987, %rem3A_1009 : vector<16xi32>
    %ne3A_1011 = arith.constant 0 : i32
    %ne3A_1012 = vector.broadcast %ne3A_1011 : i32 to vector<16xi32>
    %ne3A_1013 = arith.cmpi ne, %rem3A_1010, %ne3A_1012 : vector<16xi32>
    %and3A_1014 = arith.andi %ne3A_1008, %ne3A_1013 : vector<16xi1>
    %sub3A_1015 = arith.constant 1 : i32
    %sub3A_1016 = vector.broadcast %sub3A_1015 : i32 to vector<16xi32>
    %sub3A_1017 = arith.subi %div3A_990, %sub3A_1016 : vector<16xi32>
    %select_n3A_1018 = arith.select %and3A_1014, %sub3A_1017, %div3A_990 : vector<16xi1>, vector<16xi32>
    %add3A_1019 = arith.addi %mul3A_986, %select_n3A_1018 : vector<16xi32>
    %swap3A_1020 = arith.constant 3 : i32
    %swap3A_1021 = arith.index_cast %swap3A_1020 : i32 to index
    %swap3A_1022 = arith.constant 64 : index
    %swap3A_1023 = tpu.vector_load %arg9[%swap3A_1021, %swap3A_1022] {strides = array<i32>} : memref<125x80xi32, #tpu.memory_space<vmem>>, vector<16xi32>,
    tpu.vector_store %arg9[%swap3A_1021, %swap3A_1022], %add3A_1019 {strides = array<i32>} : memref<125x80xi32, #tpu.memory_space<vmem>>, vector<16xi32>,
    %dma_start3A_1024 = arith.constant 3 : i32
    %dma_start3A_1025 = arith.constant 3 : i32
    %dma_start3A_1026 = arith.constant 3 : i32
    %dma_start3A_1027 = arith.constant 0 : i32
    %dma_start3A_1028 = arith.constant 0 : i32
    %dma_start3A_1029 = tpu.memref_slice %arg10[%dma_start3A_1025, %dma_start3A_1027, %dma_start3A_1028] : memref<5x80x128xf32, #tpu.memory_space<vmem>> -> memref<1x80x128xf32, #tpu.memory_space<vmem>>
    %dma_start3A_1030 = tpu.memref_squeeze %dma_start3A_1029 : memref<1x80x128xf32, #tpu.memory_space<vmem>> -> memref<80x128xf32, #tpu.memory_space<vmem>>
    %dma_start3A_1031 = arith.constant 0 : i32
    %dma_start3A_1032 = tpu.memref_slice %arg9[%dma_start3A_1024, %dma_start3A_1031] : memref<125x80xi32, #tpu.memory_space<vmem>> -> memref<1x80xi32, #tpu.memory_space<vmem>>
    %dma_start3A_1033 = tpu.memref_squeeze %dma_start3A_1032 : memref<1x80xi32, #tpu.memory_space<vmem>> -> memref<80xi32, #tpu.memory_space<vmem>>
    %dma_start3A_1034 = arith.constant 0 : i32
    %dma_start3A_1035 = arith.constant 0 : i32
    %dma_start3A_1036 = tpu.memref_slice %arg4[%dma_start3A_1034, %dma_start3A_1035] : memref<3000x128xf32, #tpu.memory_space<hbm>> -> memref<3000x128xf32, #tpu.memory_space<hbm>>
    %dma_start3A_1037 = tpu.memref_slice %arg12[%dma_start3A_1026] : memref<5x!tpu.dma_semaphore, #tpu.memory_space<semaphore_mem>> -> memref<1x!tpu.dma_semaphore, #tpu.memory_space<semaphore_mem>>
    %dma_start3A_1038 = tpu.memref_squeeze %dma_start3A_1037 : memref<1x!tpu.dma_semaphore, #tpu.memory_space<semaphore_mem>> -> memref<!tpu.dma_semaphore, #tpu.memory_space<semaphore_mem>>
    tpu.enqueue_indirect_dma source(%dma_start3A_1036 : memref<3000x128xf32, #tpu.memory_space<hbm>>) target(%dma_start3A_1030 : memref<80x128xf32, #tpu.memory_space<vmem>>) offsets(%dma_start3A_1033 : memref<80xi32, #tpu.memory_space<vmem>>) semaphore(%dma_start3A_1038 : memref<!tpu.dma_semaphore, #tpu.memory_space<semaphore_mem>>)
    %get3A_1039 = arith.constant 320 : index
    %get3A_1040 = tpu.vector_load %arg7[%get3A_1039] {strides = array<i32>} : memref<10000xi32, #tpu.memory_space<vmem>>, vector<16xi32>,
    %get3A_1041 = arith.constant 320 : index
    %get3A_1042 = tpu.vector_load %arg8[%get3A_1041] {strides = array<i32>} : memref<10000xi32, #tpu.memory_space<vmem>>, vector<16xi32>,
    %gather3A_1043 = tpu.vector_load_idx %arg6[%get3A_1040] : memref<10000xi32, #tpu.memory_space<vmem>>[vector<16xi32>], vector<16xi32>,
    %gather3A_1044 = tpu.vector_load_idx %arg6[%get3A_1042] : memref<10000xi32, #tpu.memory_space<vmem>>[vector<16xi32>], vector<16xi32>,
    %sub3A_1045 = arith.subi %gather3A_1043, %gather3A_1044 : vector<16xi32>
    %abs3A_1046 = math.absi %sub3A_1045 : vector<16xi32>
    %sub3A_1047 = arith.constant 1 : i32
    %sub3A_1048 = vector.broadcast %sub3A_1047 : i32 to vector<16xi32>
    %sub3A_1049 = arith.subi %abs3A_1046, %sub3A_1048 : vector<16xi32>
    %mul3A_1050 = arith.muli %gather3A_1043, %gather3A_1044 : vector<16xi32>
    %mul3A_1051 = arith.muli %sub3A_1049, %sub3A_1049 : vector<16xi32>
    %jit3A_1052 = arith.constant 4 : i32
    %div3A_1053 = vector.broadcast %jit3A_1052 : i32 to vector<16xi32>
    %div3A_1054 = arith.divsi %mul3A_1051, %div3A_1053 : vector<16xi32>
    %sign3A_1055 = arith.constant 0 : i32
    %sign3A_1056 = vector.broadcast %sign3A_1055 : i32 to vector<16xi32>
    %sign3A_1057 = arith.cmpi sgt, %mul3A_1051, %sign3A_1056 : vector<16xi32>
    %sign3A_1058 = arith.extui %sign3A_1057 : vector<16xi1> to vector<16xi32>
    %sign3A_1059 = arith.constant 0 : i32
    %sign3A_1060 = vector.broadcast %sign3A_1059 : i32 to vector<16xi32>
    %sign3A_1061 = arith.cmpi slt, %mul3A_1051, %sign3A_1060 : vector<16xi32>
    %sign3A_1062 = arith.extui %sign3A_1061 : vector<16xi1> to vector<16xi32>
    %sign3A_1063 = arith.subi %sign3A_1058, %sign3A_1062 : vector<16xi32>
    %sign3A_1064 = arith.constant 0 : i32
    %sign3A_1065 = arith.cmpi sgt, %jit3A_1052, %sign3A_1064 : i32
    %sign3A_1066 = arith.extui %sign3A_1065 : i1 to i32
    %sign3A_1067 = arith.constant 0 : i32
    %sign3A_1068 = arith.cmpi slt, %jit3A_1052, %sign3A_1067 : i32
    %sign3A_1069 = arith.extui %sign3A_1068 : i1 to i32
    %sign3A_1070 = arith.subi %sign3A_1066, %sign3A_1069 : i32
    %ne3A_1071 = vector.broadcast %sign3A_1070 : i32 to vector<16xi32>
    %ne3A_1072 = arith.cmpi ne, %sign3A_1063, %ne3A_1071 : vector<16xi32>
    %rem3A_1073 = vector.broadcast %jit3A_1052 : i32 to vector<16xi32>
    %rem3A_1074 = arith.remsi %mul3A_1051, %rem3A_1073 : vector<16xi32>
    %ne3A_1075 = arith.constant 0 : i32
    %ne3A_1076 = vector.broadcast %ne3A_1075 : i32 to vector<16xi32>
    %ne3A_1077 = arith.cmpi ne, %rem3A_1074, %ne3A_1076 : vector<16xi32>
    %and3A_1078 = arith.andi %ne3A_1072, %ne3A_1077 : vector<16xi1>
    %sub3A_1079 = arith.constant 1 : i32
    %sub3A_1080 = vector.broadcast %sub3A_1079 : i32 to vector<16xi32>
    %sub3A_1081 = arith.subi %div3A_1054, %sub3A_1080 : vector<16xi32>
    %select_n3A_1082 = arith.select %and3A_1078, %sub3A_1081, %div3A_1054 : vector<16xi1>, vector<16xi32>
    %add3A_1083 = arith.addi %mul3A_1050, %select_n3A_1082 : vector<16xi32>
    %swap3A_1084 = arith.constant 4 : i32
    %swap3A_1085 = arith.index_cast %swap3A_1084 : i32 to index
    %swap3A_1086 = arith.constant 0 : index
    %swap3A_1087 = tpu.vector_load %arg9[%swap3A_1085, %swap3A_1086] {strides = array<i32>} : memref<125x80xi32, #tpu.memory_space<vmem>>, vector<16xi32>,
    tpu.vector_store %arg9[%swap3A_1085, %swap3A_1086], %add3A_1083 {strides = array<i32>} : memref<125x80xi32, #tpu.memory_space<vmem>>, vector<16xi32>,
    %get3A_1088 = arith.constant 336 : index
    %get3A_1089 = tpu.vector_load %arg7[%get3A_1088] {strides = array<i32>} : memref<10000xi32, #tpu.memory_space<vmem>>, vector<16xi32>,
    %get3A_1090 = arith.constant 336 : index
    %get3A_1091 = tpu.vector_load %arg8[%get3A_1090] {strides = array<i32>} : memref<10000xi32, #tpu.memory_space<vmem>>, vector<16xi32>,
    %gather3A_1092 = tpu.vector_load_idx %arg6[%get3A_1089] : memref<10000xi32, #tpu.memory_space<vmem>>[vector<16xi32>], vector<16xi32>,
    %gather3A_1093 = tpu.vector_load_idx %arg6[%get3A_1091] : memref<10000xi32, #tpu.memory_space<vmem>>[vector<16xi32>], vector<16xi32>,
    %sub3A_1094 = arith.subi %gather3A_1092, %gather3A_1093 : vector<16xi32>
    %abs3A_1095 = math.absi %sub3A_1094 : vector<16xi32>
    %sub3A_1096 = arith.constant 1 : i32
    %sub3A_1097 = vector.broadcast %sub3A_1096 : i32 to vector<16xi32>
    %sub3A_1098 = arith.subi %abs3A_1095, %sub3A_1097 : vector<16xi32>
    %mul3A_1099 = arith.muli %gather3A_1092, %gather3A_1093 : vector<16xi32>
    %mul3A_1100 = arith.muli %sub3A_1098, %sub3A_1098 : vector<16xi32>
    %jit3A_1101 = arith.constant 4 : i32
    %div3A_1102 = vector.broadcast %jit3A_1101 : i32 to vector<16xi32>
    %div3A_1103 = arith.divsi %mul3A_1100, %div3A_1102 : vector<16xi32>
    %sign3A_1104 = arith.constant 0 : i32
    %sign3A_1105 = vector.broadcast %sign3A_1104 : i32 to vector<16xi32>
    %sign3A_1106 = arith.cmpi sgt, %mul3A_1100, %sign3A_1105 : vector<16xi32>
    %sign3A_1107 = arith.extui %sign3A_1106 : vector<16xi1> to vector<16xi32>
    %sign3A_1108 = arith.constant 0 : i32
    %sign3A_1109 = vector.broadcast %sign3A_1108 : i32 to vector<16xi32>
    %sign3A_1110 = arith.cmpi slt, %mul3A_1100, %sign3A_1109 : vector<16xi32>
    %sign3A_1111 = arith.extui %sign3A_1110 : vector<16xi1> to vector<16xi32>
    %sign3A_1112 = arith.subi %sign3A_1107, %sign3A_1111 : vector<16xi32>
    %sign3A_1113 = arith.constant 0 : i32
    %sign3A_1114 = arith.cmpi sgt, %jit3A_1101, %sign3A_1113 : i32
    %sign3A_1115 = arith.extui %sign3A_1114 : i1 to i32
    %sign3A_1116 = arith.constant 0 : i32
    %sign3A_1117 = arith.cmpi slt, %jit3A_1101, %sign3A_1116 : i32
    %sign3A_1118 = arith.extui %sign3A_1117 : i1 to i32
    %sign3A_1119 = arith.subi %sign3A_1115, %sign3A_1118 : i32
    %ne3A_1120 = vector.broadcast %sign3A_1119 : i32 to vector<16xi32>
    %ne3A_1121 = arith.cmpi ne, %sign3A_1112, %ne3A_1120 : vector<16xi32>
    %rem3A_1122 = vector.broadcast %jit3A_1101 : i32 to vector<16xi32>
    %rem3A_1123 = arith.remsi %mul3A_1100, %rem3A_1122 : vector<16xi32>
    %ne3A_1124 = arith.constant 0 : i32
    %ne3A_1125 = vector.broadcast %ne3A_1124 : i32 to vector<16xi32>
    %ne3A_1126 = arith.cmpi ne, %rem3A_1123, %ne3A_1125 : vector<16xi32>
    %and3A_1127 = arith.andi %ne3A_1121, %ne3A_1126 : vector<16xi1>
    %sub3A_1128 = arith.constant 1 : i32
    %sub3A_1129 = vector.broadcast %sub3A_1128 : i32 to vector<16xi32>
    %sub3A_1130 = arith.subi %div3A_1103, %sub3A_1129 : vector<16xi32>
    %select_n3A_1131 = arith.select %and3A_1127, %sub3A_1130, %div3A_1103 : vector<16xi1>, vector<16xi32>
    %add3A_1132 = arith.addi %mul3A_1099, %select_n3A_1131 : vector<16xi32>
    %swap3A_1133 = arith.constant 4 : i32
    %swap3A_1134 = arith.index_cast %swap3A_1133 : i32 to index
    %swap3A_1135 = arith.constant 16 : index
    %swap3A_1136 = tpu.vector_load %arg9[%swap3A_1134, %swap3A_1135] {strides = array<i32>} : memref<125x80xi32, #tpu.memory_space<vmem>>, vector<16xi32>,
    tpu.vector_store %arg9[%swap3A_1134, %swap3A_1135], %add3A_1132 {strides = array<i32>} : memref<125x80xi32, #tpu.memory_space<vmem>>, vector<16xi32>,
    %get3A_1137 = arith.constant 352 : index
    %get3A_1138 = tpu.vector_load %arg7[%get3A_1137] {strides = array<i32>} : memref<10000xi32, #tpu.memory_space<vmem>>, vector<16xi32>,
    %get3A_1139 = arith.constant 352 : index
    %get3A_1140 = tpu.vector_load %arg8[%get3A_1139] {strides = array<i32>} : memref<10000xi32, #tpu.memory_space<vmem>>, vector<16xi32>,
    %gather3A_1141 = tpu.vector_load_idx %arg6[%get3A_1138] : memref<10000xi32, #tpu.memory_space<vmem>>[vector<16xi32>], vector<16xi32>,
    %gather3A_1142 = tpu.vector_load_idx %arg6[%get3A_1140] : memref<10000xi32, #tpu.memory_space<vmem>>[vector<16xi32>], vector<16xi32>,
    %sub3A_1143 = arith.subi %gather3A_1141, %gather3A_1142 : vector<16xi32>
    %abs3A_1144 = math.absi %sub3A_1143 : vector<16xi32>
    %sub3A_1145 = arith.constant 1 : i32
    %sub3A_1146 = vector.broadcast %sub3A_1145 : i32 to vector<16xi32>
    %sub3A_1147 = arith.subi %abs3A_1144, %sub3A_1146 : vector<16xi32>
    %mul3A_1148 = arith.muli %gather3A_1141, %gather3A_1142 : vector<16xi32>
    %mul3A_1149 = arith.muli %sub3A_1147, %sub3A_1147 : vector<16xi32>
    %jit3A_1150 = arith.constant 4 : i32
    %div3A_1151 = vector.broadcast %jit3A_1150 : i32 to vector<16xi32>
    %div3A_1152 = arith.divsi %mul3A_1149, %div3A_1151 : vector<16xi32>
    %sign3A_1153 = arith.constant 0 : i32
    %sign3A_1154 = vector.broadcast %sign3A_1153 : i32 to vector<16xi32>
    %sign3A_1155 = arith.cmpi sgt, %mul3A_1149, %sign3A_1154 : vector<16xi32>
    %sign3A_1156 = arith.extui %sign3A_1155 : vector<16xi1> to vector<16xi32>
    %sign3A_1157 = arith.constant 0 : i32
    %sign3A_1158 = vector.broadcast %sign3A_1157 : i32 to vector<16xi32>
    %sign3A_1159 = arith.cmpi slt, %mul3A_1149, %sign3A_1158 : vector<16xi32>
    %sign3A_1160 = arith.extui %sign3A_1159 : vector<16xi1> to vector<16xi32>
    %sign3A_1161 = arith.subi %sign3A_1156, %sign3A_1160 : vector<16xi32>
    %sign3A_1162 = arith.constant 0 : i32
    %sign3A_1163 = arith.cmpi sgt, %jit3A_1150, %sign3A_1162 : i32
    %sign3A_1164 = arith.extui %sign3A_1163 : i1 to i32
    %sign3A_1165 = arith.constant 0 : i32
    %sign3A_1166 = arith.cmpi slt, %jit3A_1150, %sign3A_1165 : i32
    %sign3A_1167 = arith.extui %sign3A_1166 : i1 to i32
    %sign3A_1168 = arith.subi %sign3A_1164, %sign3A_1167 : i32
    %ne3A_1169 = vector.broadcast %sign3A_1168 : i32 to vector<16xi32>
    %ne3A_1170 = arith.cmpi ne, %sign3A_1161, %ne3A_1169 : vector<16xi32>
    %rem3A_1171 = vector.broadcast %jit3A_1150 : i32 to vector<16xi32>
    %rem3A_1172 = arith.remsi %mul3A_1149, %rem3A_1171 : vector<16xi32>
    %ne3A_1173 = arith.constant 0 : i32
    %ne3A_1174 = vector.broadcast %ne3A_1173 : i32 to vector<16xi32>
    %ne3A_1175 = arith.cmpi ne, %rem3A_1172, %ne3A_1174 : vector<16xi32>
    %and3A_1176 = arith.andi %ne3A_1170, %ne3A_1175 : vector<16xi1>
    %sub3A_1177 = arith.constant 1 : i32
    %sub3A_1178 = vector.broadcast %sub3A_1177 : i32 to vector<16xi32>
    %sub3A_1179 = arith.subi %div3A_1152, %sub3A_1178 : vector<16xi32>
    %select_n3A_1180 = arith.select %and3A_1176, %sub3A_1179, %div3A_1152 : vector<16xi1>, vector<16xi32>
    %add3A_1181 = arith.addi %mul3A_1148, %select_n3A_1180 : vector<16xi32>
    %swap3A_1182 = arith.constant 4 : i32
    %swap3A_1183 = arith.index_cast %swap3A_1182 : i32 to index
    %swap3A_1184 = arith.constant 32 : index
    %swap3A_1185 = tpu.vector_load %arg9[%swap3A_1183, %swap3A_1184] {strides = array<i32>} : memref<125x80xi32, #tpu.memory_space<vmem>>, vector<16xi32>,
    tpu.vector_store %arg9[%swap3A_1183, %swap3A_1184], %add3A_1181 {strides = array<i32>} : memref<125x80xi32, #tpu.memory_space<vmem>>, vector<16xi32>,
    %get3A_1186 = arith.constant 368 : index
    %get3A_1187 = tpu.vector_load %arg7[%get3A_1186] {strides = array<i32>} : memref<10000xi32, #tpu.memory_space<vmem>>, vector<16xi32>,
    %get3A_1188 = arith.constant 368 : index
    %get3A_1189 = tpu.vector_load %arg8[%get3A_1188] {strides = array<i32>} : memref<10000xi32, #tpu.memory_space<vmem>>, vector<16xi32>,
    %gather3A_1190 = tpu.vector_load_idx %arg6[%get3A_1187] : memref<10000xi32, #tpu.memory_space<vmem>>[vector<16xi32>], vector<16xi32>,
    %gather3A_1191 = tpu.vector_load_idx %arg6[%get3A_1189] : memref<10000xi32, #tpu.memory_space<vmem>>[vector<16xi32>], vector<16xi32>,
    %sub3A_1192 = arith.subi %gather3A_1190, %gather3A_1191 : vector<16xi32>
    %abs3A_1193 = math.absi %sub3A_1192 : vector<16xi32>
    %sub3A_1194 = arith.constant 1 : i32
    %sub3A_1195 = vector.broadcast %sub3A_1194 : i32 to vector<16xi32>
    %sub3A_1196 = arith.subi %abs3A_1193, %sub3A_1195 : vector<16xi32>
    %mul3A_1197 = arith.muli %gather3A_1190, %gather3A_1191 : vector<16xi32>
    %mul3A_1198 = arith.muli %sub3A_1196, %sub3A_1196 : vector<16xi32>
    %jit3A_1199 = arith.constant 4 : i32
    %div3A_1200 = vector.broadcast %jit3A_1199 : i32 to vector<16xi32>
    %div3A_1201 = arith.divsi %mul3A_1198, %div3A_1200 : vector<16xi32>
    %sign3A_1202 = arith.constant 0 : i32
    %sign3A_1203 = vector.broadcast %sign3A_1202 : i32 to vector<16xi32>
    %sign3A_1204 = arith.cmpi sgt, %mul3A_1198, %sign3A_1203 : vector<16xi32>
    %sign3A_1205 = arith.extui %sign3A_1204 : vector<16xi1> to vector<16xi32>
    %sign3A_1206 = arith.constant 0 : i32
    %sign3A_1207 = vector.broadcast %sign3A_1206 : i32 to vector<16xi32>
    %sign3A_1208 = arith.cmpi slt, %mul3A_1198, %sign3A_1207 : vector<16xi32>
    %sign3A_1209 = arith.extui %sign3A_1208 : vector<16xi1> to vector<16xi32>
    %sign3A_1210 = arith.subi %sign3A_1205, %sign3A_1209 : vector<16xi32>
    %sign3A_1211 = arith.constant 0 : i32
    %sign3A_1212 = arith.cmpi sgt, %jit3A_1199, %sign3A_1211 : i32
    %sign3A_1213 = arith.extui %sign3A_1212 : i1 to i32
    %sign3A_1214 = arith.constant 0 : i32
    %sign3A_1215 = arith.cmpi slt, %jit3A_1199, %sign3A_1214 : i32
    %sign3A_1216 = arith.extui %sign3A_1215 : i1 to i32
    %sign3A_1217 = arith.subi %sign3A_1213, %sign3A_1216 : i32
    %ne3A_1218 = vector.broadcast %sign3A_1217 : i32 to vector<16xi32>
    %ne3A_1219 = arith.cmpi ne, %sign3A_1210, %ne3A_1218 : vector<16xi32>
    %rem3A_1220 = vector.broadcast %jit3A_1199 : i32 to vector<16xi32>
    %rem3A_1221 = arith.remsi %mul3A_1198, %rem3A_1220 : vector<16xi32>
    %ne3A_1222 = arith.constant 0 : i32
    %ne3A_1223 = vector.broadcast %ne3A_1222 : i32 to vector<16xi32>
    %ne3A_1224 = arith.cmpi ne, %rem3A_1221, %ne3A_1223 : vector<16xi32>
    %and3A_1225 = arith.andi %ne3A_1219, %ne3A_1224 : vector<16xi1>
    %sub3A_1226 = arith.constant 1 : i32
    %sub3A_1227 = vector.broadcast %sub3A_1226 : i32 to vector<16xi32>
    %sub3A_1228 = arith.subi %div3A_1201, %sub3A_1227 : vector<16xi32>
    %select_n3A_1229 = arith.select %and3A_1225, %sub3A_1228, %div3A_1201 : vector<16xi1>, vector<16xi32>
    %add3A_1230 = arith.addi %mul3A_1197, %select_n3A_1229 : vector<16xi32>
    %swap3A_1231 = arith.constant 4 : i32
    %swap3A_1232 = arith.index_cast %swap3A_1231 : i32 to index
    %swap3A_1233 = arith.constant 48 : index
    %swap3A_1234 = tpu.vector_load %arg9[%swap3A_1232, %swap3A_1233] {strides = array<i32>} : memref<125x80xi32, #tpu.memory_space<vmem>>, vector<16xi32>,
    tpu.vector_store %arg9[%swap3A_1232, %swap3A_1233], %add3A_1230 {strides = array<i32>} : memref<125x80xi32, #tpu.memory_space<vmem>>, vector<16xi32>,
    %get3A_1235 = arith.constant 384 : index
    %get3A_1236 = tpu.vector_load %arg7[%get3A_1235] {strides = array<i32>} : memref<10000xi32, #tpu.memory_space<vmem>>, vector<16xi32>,
    %get3A_1237 = arith.constant 384 : index
    %get3A_1238 = tpu.vector_load %arg8[%get3A_1237] {strides = array<i32>} : memref<10000xi32, #tpu.memory_space<vmem>>, vector<16xi32>,
    %gather3A_1239 = tpu.vector_load_idx %arg6[%get3A_1236] : memref<10000xi32, #tpu.memory_space<vmem>>[vector<16xi32>], vector<16xi32>,
    %gather3A_1240 = tpu.vector_load_idx %arg6[%get3A_1238] : memref<10000xi32, #tpu.memory_space<vmem>>[vector<16xi32>], vector<16xi32>,
    %sub3A_1241 = arith.subi %gather3A_1239, %gather3A_1240 : vector<16xi32>
    %abs3A_1242 = math.absi %sub3A_1241 : vector<16xi32>
    %sub3A_1243 = arith.constant 1 : i32
    %sub3A_1244 = vector.broadcast %sub3A_1243 : i32 to vector<16xi32>
    %sub3A_1245 = arith.subi %abs3A_1242, %sub3A_1244 : vector<16xi32>
    %mul3A_1246 = arith.muli %gather3A_1239, %gather3A_1240 : vector<16xi32>
    %mul3A_1247 = arith.muli %sub3A_1245, %sub3A_1245 : vector<16xi32>
    %jit3A_1248 = arith.constant 4 : i32
    %div3A_1249 = vector.broadcast %jit3A_1248 : i32 to vector<16xi32>
    %div3A_1250 = arith.divsi %mul3A_1247, %div3A_1249 : vector<16xi32>
    %sign3A_1251 = arith.constant 0 : i32
    %sign3A_1252 = vector.broadcast %sign3A_1251 : i32 to vector<16xi32>
    %sign3A_1253 = arith.cmpi sgt, %mul3A_1247, %sign3A_1252 : vector<16xi32>
    %sign3A_1254 = arith.extui %sign3A_1253 : vector<16xi1> to vector<16xi32>
    %sign3A_1255 = arith.constant 0 : i32
    %sign3A_1256 = vector.broadcast %sign3A_1255 : i32 to vector<16xi32>
    %sign3A_1257 = arith.cmpi slt, %mul3A_1247, %sign3A_1256 : vector<16xi32>
    %sign3A_1258 = arith.extui %sign3A_1257 : vector<16xi1> to vector<16xi32>
    %sign3A_1259 = arith.subi %sign3A_1254, %sign3A_1258 : vector<16xi32>
    %sign3A_1260 = arith.constant 0 : i32
    %sign3A_1261 = arith.cmpi sgt, %jit3A_1248, %sign3A_1260 : i32
    %sign3A_1262 = arith.extui %sign3A_1261 : i1 to i32
    %sign3A_1263 = arith.constant 0 : i32
    %sign3A_1264 = arith.cmpi slt, %jit3A_1248, %sign3A_1263 : i32
    %sign3A_1265 = arith.extui %sign3A_1264 : i1 to i32
    %sign3A_1266 = arith.subi %sign3A_1262, %sign3A_1265 : i32
    %ne3A_1267 = vector.broadcast %sign3A_1266 : i32 to vector<16xi32>
    %ne3A_1268 = arith.cmpi ne, %sign3A_1259, %ne3A_1267 : vector<16xi32>
    %rem3A_1269 = vector.broadcast %jit3A_1248 : i32 to vector<16xi32>
    %rem3A_1270 = arith.remsi %mul3A_1247, %rem3A_1269 : vector<16xi32>
    %ne3A_1271 = arith.constant 0 : i32
    %ne3A_1272 = vector.broadcast %ne3A_1271 : i32 to vector<16xi32>
    %ne3A_1273 = arith.cmpi ne, %rem3A_1270, %ne3A_1272 : vector<16xi32>
    %and3A_1274 = arith.andi %ne3A_1268, %ne3A_1273 : vector<16xi1>
    %sub3A_1275 = arith.constant 1 : i32
    %sub3A_1276 = vector.broadcast %sub3A_1275 : i32 to vector<16xi32>
    %sub3A_1277 = arith.subi %div3A_1250, %sub3A_1276 : vector<16xi32>
    %select_n3A_1278 = arith.select %and3A_1274, %sub3A_1277, %div3A_1250 : vector<16xi1>, vector<16xi32>
    %add3A_1279 = arith.addi %mul3A_1246, %select_n3A_1278 : vector<16xi32>
    %swap3A_1280 = arith.constant 4 : i32
    %swap3A_1281 = arith.index_cast %swap3A_1280 : i32 to index
    %swap3A_1282 = arith.constant 64 : index
    %swap3A_1283 = tpu.vector_load %arg9[%swap3A_1281, %swap3A_1282] {strides = array<i32>} : memref<125x80xi32, #tpu.memory_space<vmem>>, vector<16xi32>,
    tpu.vector_store %arg9[%swap3A_1281, %swap3A_1282], %add3A_1279 {strides = array<i32>} : memref<125x80xi32, #tpu.memory_space<vmem>>, vector<16xi32>,
    %dma_start3A_1284 = arith.constant 4 : i32
    %dma_start3A_1285 = arith.constant 4 : i32
    %dma_start3A_1286 = arith.constant 4 : i32
    %dma_start3A_1287 = arith.constant 0 : i32
    %dma_start3A_1288 = arith.constant 0 : i32
    %dma_start3A_1289 = tpu.memref_slice %arg10[%dma_start3A_1285, %dma_start3A_1287, %dma_start3A_1288] : memref<5x80x128xf32, #tpu.memory_space<vmem>> -> memref<1x80x128xf32, #tpu.memory_space<vmem>>
    %dma_start3A_1290 = tpu.memref_squeeze %dma_start3A_1289 : memref<1x80x128xf32, #tpu.memory_space<vmem>> -> memref<80x128xf32, #tpu.memory_space<vmem>>
    %dma_start3A_1291 = arith.constant 0 : i32
    %dma_start3A_1292 = tpu.memref_slice %arg9[%dma_start3A_1284, %dma_start3A_1291] : memref<125x80xi32, #tpu.memory_space<vmem>> -> memref<1x80xi32, #tpu.memory_space<vmem>>
    %dma_start3A_1293 = tpu.memref_squeeze %dma_start3A_1292 : memref<1x80xi32, #tpu.memory_space<vmem>> -> memref<80xi32, #tpu.memory_space<vmem>>
    %dma_start3A_1294 = arith.constant 0 : i32
    %dma_start3A_1295 = arith.constant 0 : i32
    %dma_start3A_1296 = tpu.memref_slice %arg4[%dma_start3A_1294, %dma_start3A_1295] : memref<3000x128xf32, #tpu.memory_space<hbm>> -> memref<3000x128xf32, #tpu.memory_space<hbm>>
    %dma_start3A_1297 = tpu.memref_slice %arg12[%dma_start3A_1286] : memref<5x!tpu.dma_semaphore, #tpu.memory_space<semaphore_mem>> -> memref<1x!tpu.dma_semaphore, #tpu.memory_space<semaphore_mem>>
    %dma_start3A_1298 = tpu.memref_squeeze %dma_start3A_1297 : memref<1x!tpu.dma_semaphore, #tpu.memory_space<semaphore_mem>> -> memref<!tpu.dma_semaphore, #tpu.memory_space<semaphore_mem>>
    tpu.enqueue_indirect_dma source(%dma_start3A_1296 : memref<3000x128xf32, #tpu.memory_space<hbm>>) target(%dma_start3A_1290 : memref<80x128xf32, #tpu.memory_space<vmem>>) offsets(%dma_start3A_1293 : memref<80xi32, #tpu.memory_space<vmem>>) semaphore(%dma_start3A_1298 : memref<!tpu.dma_semaphore, #tpu.memory_space<semaphore_mem>>)
    %scan3A = arith.constant 0 : i32
    %scan3A_1299 = arith.constant 0 : i32
    %scan3A_1300 = arith.constant 24 : i32
    %scan3A_1301 = arith.addi %scan3A_1299, %scan3A_1300 : i32
    %scan3A_1302 = arith.constant 1 : i32
    %scan3A_1303 = scf.for %scan3A_1560 = %scan3A_1299 to %scan3A_1301 step %scan3A_1302 iter_args(%scan3A_1561 = %scan3A) -> (i32)  : i32 {
      %mul3A_1562 = arith.constant 5 : i32
      %mul3A_1563 = arith.muli %scan3A_1560, %mul3A_1562 : i32
      %add3A_1564 = arith.constant 5 : i32
      %add3A_1565 = arith.addi %mul3A_1563, %add3A_1564 : i32
      %add3A_1566 = arith.constant 0 : i32
      %add3A_1567 = arith.addi %add3A_1565, %add3A_1566 : i32
      %mul3A_1568 = arith.constant 80 : i32
      %mul3A_1569 = arith.muli %add3A_1567, %mul3A_1568 : i32
      %add3A_1570 = arith.constant 0 : i32
      %add3A_1571 = arith.addi %mul3A_1569, %add3A_1570 : i32
      %get3A_1572 = arith.index_cast %add3A_1571 : i32 to index
      %get3A_1573 = tpu.vector_load %arg7[%get3A_1572] {strides = array<i32>} : memref<10000xi32, #tpu.memory_space<vmem>>, vector<16xi32>,
      %get3A_1574 = arith.index_cast %add3A_1571 : i32 to index
      %get3A_1575 = tpu.vector_load %arg8[%get3A_1574] {strides = array<i32>} : memref<10000xi32, #tpu.memory_space<vmem>>, vector<16xi32>,
      %gather3A_1576 = tpu.vector_load_idx %arg6[%get3A_1573] : memref<10000xi32, #tpu.memory_space<vmem>>[vector<16xi32>], vector<16xi32>,
      %gather3A_1577 = tpu.vector_load_idx %arg6[%get3A_1575] : memref<10000xi32, #tpu.memory_space<vmem>>[vector<16xi32>], vector<16xi32>,
      %sub3A_1578 = arith.subi %gather3A_1576, %gather3A_1577 : vector<16xi32>
      %abs3A_1579 = math.absi %sub3A_1578 : vector<16xi32>
      %sub3A_1580 = arith.constant 1 : i32
      %sub3A_1581 = vector.broadcast %sub3A_1580 : i32 to vector<16xi32>
      %sub3A_1582 = arith.subi %abs3A_1579, %sub3A_1581 : vector<16xi32>
      %mul3A_1583 = arith.muli %gather3A_1576, %gather3A_1577 : vector<16xi32>
      %mul3A_1584 = arith.muli %sub3A_1582, %sub3A_1582 : vector<16xi32>
      %jit3A_1585 = arith.constant 4 : i32
      %div3A_1586 = vector.broadcast %jit3A_1585 : i32 to vector<16xi32>
      %div3A_1587 = arith.divsi %mul3A_1584, %div3A_1586 : vector<16xi32>
      %sign3A_1588 = arith.constant 0 : i32
      %sign3A_1589 = vector.broadcast %sign3A_1588 : i32 to vector<16xi32>
      %sign3A_1590 = arith.cmpi sgt, %mul3A_1584, %sign3A_1589 : vector<16xi32>
      %sign3A_1591 = arith.extui %sign3A_1590 : vector<16xi1> to vector<16xi32>
      %sign3A_1592 = arith.constant 0 : i32
      %sign3A_1593 = vector.broadcast %sign3A_1592 : i32 to vector<16xi32>
      %sign3A_1594 = arith.cmpi slt, %mul3A_1584, %sign3A_1593 : vector<16xi32>
      %sign3A_1595 = arith.extui %sign3A_1594 : vector<16xi1> to vector<16xi32>
      %sign3A_1596 = arith.subi %sign3A_1591, %sign3A_1595 : vector<16xi32>
      %sign3A_1597 = arith.constant 0 : i32
      %sign3A_1598 = arith.cmpi sgt, %jit3A_1585, %sign3A_1597 : i32
      %sign3A_1599 = arith.extui %sign3A_1598 : i1 to i32
      %sign3A_1600 = arith.constant 0 : i32
      %sign3A_1601 = arith.cmpi slt, %jit3A_1585, %sign3A_1600 : i32
      %sign3A_1602 = arith.extui %sign3A_1601 : i1 to i32
      %sign3A_1603 = arith.subi %sign3A_1599, %sign3A_1602 : i32
      %ne3A_1604 = vector.broadcast %sign3A_1603 : i32 to vector<16xi32>
      %ne3A_1605 = arith.cmpi ne, %sign3A_1596, %ne3A_1604 : vector<16xi32>
      %rem3A_1606 = vector.broadcast %jit3A_1585 : i32 to vector<16xi32>
      %rem3A_1607 = arith.remsi %mul3A_1584, %rem3A_1606 : vector<16xi32>
      %ne3A_1608 = arith.constant 0 : i32
      %ne3A_1609 = vector.broadcast %ne3A_1608 : i32 to vector<16xi32>
      %ne3A_1610 = arith.cmpi ne, %rem3A_1607, %ne3A_1609 : vector<16xi32>
      %and3A_1611 = arith.andi %ne3A_1605, %ne3A_1610 : vector<16xi1>
      %sub3A_1612 = arith.constant 1 : i32
      %sub3A_1613 = vector.broadcast %sub3A_1612 : i32 to vector<16xi32>
      %sub3A_1614 = arith.subi %div3A_1587, %sub3A_1613 : vector<16xi32>
      %select_n3A_1615 = arith.select %and3A_1611, %sub3A_1614, %div3A_1587 : vector<16xi1>, vector<16xi32>
      %add3A_1616 = arith.addi %mul3A_1583, %select_n3A_1615 : vector<16xi32>
      %swap3A_1617 = arith.index_cast %add3A_1567 : i32 to index
      %swap3A_1618 = arith.constant 0 : index
      %swap3A_1619 = tpu.vector_load %arg9[%swap3A_1617, %swap3A_1618] {strides = array<i32>} : memref<125x80xi32, #tpu.memory_space<vmem>>, vector<16xi32>,
      tpu.vector_store %arg9[%swap3A_1617, %swap3A_1618], %add3A_1616 {strides = array<i32>} : memref<125x80xi32, #tpu.memory_space<vmem>>, vector<16xi32>,
      %mul3A_1620 = arith.constant 80 : i32
      %mul3A_1621 = arith.muli %add3A_1567, %mul3A_1620 : i32
      %add3A_1622 = arith.constant 16 : i32
      %add3A_1623 = arith.addi %mul3A_1621, %add3A_1622 : i32
      %get3A_1624 = arith.index_cast %add3A_1623 : i32 to index
      %get3A_1625 = tpu.vector_load %arg7[%get3A_1624] {strides = array<i32>} : memref<10000xi32, #tpu.memory_space<vmem>>, vector<16xi32>,
      %get3A_1626 = arith.index_cast %add3A_1623 : i32 to index
      %get3A_1627 = tpu.vector_load %arg8[%get3A_1626] {strides = array<i32>} : memref<10000xi32, #tpu.memory_space<vmem>>, vector<16xi32>,
      %gather3A_1628 = tpu.vector_load_idx %arg6[%get3A_1625] : memref<10000xi32, #tpu.memory_space<vmem>>[vector<16xi32>], vector<16xi32>,
      %gather3A_1629 = tpu.vector_load_idx %arg6[%get3A_1627] : memref<10000xi32, #tpu.memory_space<vmem>>[vector<16xi32>], vector<16xi32>,
      %sub3A_1630 = arith.subi %gather3A_1628, %gather3A_1629 : vector<16xi32>
      %abs3A_1631 = math.absi %sub3A_1630 : vector<16xi32>
      %sub3A_1632 = arith.constant 1 : i32
      %sub3A_1633 = vector.broadcast %sub3A_1632 : i32 to vector<16xi32>
      %sub3A_1634 = arith.subi %abs3A_1631, %sub3A_1633 : vector<16xi32>
      %mul3A_1635 = arith.muli %gather3A_1628, %gather3A_1629 : vector<16xi32>
      %mul3A_1636 = arith.muli %sub3A_1634, %sub3A_1634 : vector<16xi32>
      %jit3A_1637 = arith.constant 4 : i32
      %div3A_1638 = vector.broadcast %jit3A_1637 : i32 to vector<16xi32>
      %div3A_1639 = arith.divsi %mul3A_1636, %div3A_1638 : vector<16xi32>
      %sign3A_1640 = arith.constant 0 : i32
      %sign3A_1641 = vector.broadcast %sign3A_1640 : i32 to vector<16xi32>
      %sign3A_1642 = arith.cmpi sgt, %mul3A_1636, %sign3A_1641 : vector<16xi32>
      %sign3A_1643 = arith.extui %sign3A_1642 : vector<16xi1> to vector<16xi32>
      %sign3A_1644 = arith.constant 0 : i32
      %sign3A_1645 = vector.broadcast %sign3A_1644 : i32 to vector<16xi32>
      %sign3A_1646 = arith.cmpi slt, %mul3A_1636, %sign3A_1645 : vector<16xi32>
      %sign3A_1647 = arith.extui %sign3A_1646 : vector<16xi1> to vector<16xi32>
      %sign3A_1648 = arith.subi %sign3A_1643, %sign3A_1647 : vector<16xi32>
      %sign3A_1649 = arith.constant 0 : i32
      %sign3A_1650 = arith.cmpi sgt, %jit3A_1637, %sign3A_1649 : i32
      %sign3A_1651 = arith.extui %sign3A_1650 : i1 to i32
      %sign3A_1652 = arith.constant 0 : i32
      %sign3A_1653 = arith.cmpi slt, %jit3A_1637, %sign3A_1652 : i32
      %sign3A_1654 = arith.extui %sign3A_1653 : i1 to i32
      %sign3A_1655 = arith.subi %sign3A_1651, %sign3A_1654 : i32
      %ne3A_1656 = vector.broadcast %sign3A_1655 : i32 to vector<16xi32>
      %ne3A_1657 = arith.cmpi ne, %sign3A_1648, %ne3A_1656 : vector<16xi32>
      %rem3A_1658 = vector.broadcast %jit3A_1637 : i32 to vector<16xi32>
      %rem3A_1659 = arith.remsi %mul3A_1636, %rem3A_1658 : vector<16xi32>
      %ne3A_1660 = arith.constant 0 : i32
      %ne3A_1661 = vector.broadcast %ne3A_1660 : i32 to vector<16xi32>
      %ne3A_1662 = arith.cmpi ne, %rem3A_1659, %ne3A_1661 : vector<16xi32>
      %and3A_1663 = arith.andi %ne3A_1657, %ne3A_1662 : vector<16xi1>
      %sub3A_1664 = arith.constant 1 : i32
      %sub3A_1665 = vector.broadcast %sub3A_1664 : i32 to vector<16xi32>
      %sub3A_1666 = arith.subi %div3A_1639, %sub3A_1665 : vector<16xi32>
      %select_n3A_1667 = arith.select %and3A_1663, %sub3A_1666, %div3A_1639 : vector<16xi1>, vector<16xi32>
      %add3A_1668 = arith.addi %mul3A_1635, %select_n3A_1667 : vector<16xi32>
      %swap3A_1669 = arith.index_cast %add3A_1567 : i32 to index
      %swap3A_1670 = arith.constant 16 : index
      %swap3A_1671 = tpu.vector_load %arg9[%swap3A_1669, %swap3A_1670] {strides = array<i32>} : memref<125x80xi32, #tpu.memory_space<vmem>>, vector<16xi32>,
      tpu.vector_store %arg9[%swap3A_1669, %swap3A_1670], %add3A_1668 {strides = array<i32>} : memref<125x80xi32, #tpu.memory_space<vmem>>, vector<16xi32>,
      %mul3A_1672 = arith.constant 80 : i32
      %mul3A_1673 = arith.muli %add3A_1567, %mul3A_1672 : i32
      %add3A_1674 = arith.constant 32 : i32
      %add3A_1675 = arith.addi %mul3A_1673, %add3A_1674 : i32
      %get3A_1676 = arith.index_cast %add3A_1675 : i32 to index
      %get3A_1677 = tpu.vector_load %arg7[%get3A_1676] {strides = array<i32>} : memref<10000xi32, #tpu.memory_space<vmem>>, vector<16xi32>,
      %get3A_1678 = arith.index_cast %add3A_1675 : i32 to index
      %get3A_1679 = tpu.vector_load %arg8[%get3A_1678] {strides = array<i32>} : memref<10000xi32, #tpu.memory_space<vmem>>, vector<16xi32>,
      %gather3A_1680 = tpu.vector_load_idx %arg6[%get3A_1677] : memref<10000xi32, #tpu.memory_space<vmem>>[vector<16xi32>], vector<16xi32>,
      %gather3A_1681 = tpu.vector_load_idx %arg6[%get3A_1679] : memref<10000xi32, #tpu.memory_space<vmem>>[vector<16xi32>], vector<16xi32>,
      %sub3A_1682 = arith.subi %gather3A_1680, %gather3A_1681 : vector<16xi32>
      %abs3A_1683 = math.absi %sub3A_1682 : vector<16xi32>
      %sub3A_1684 = arith.constant 1 : i32
      %sub3A_1685 = vector.broadcast %sub3A_1684 : i32 to vector<16xi32>
      %sub3A_1686 = arith.subi %abs3A_1683, %sub3A_1685 : vector<16xi32>
      %mul3A_1687 = arith.muli %gather3A_1680, %gather3A_1681 : vector<16xi32>
      %mul3A_1688 = arith.muli %sub3A_1686, %sub3A_1686 : vector<16xi32>
      %jit3A_1689 = arith.constant 4 : i32
      %div3A_1690 = vector.broadcast %jit3A_1689 : i32 to vector<16xi32>
      %div3A_1691 = arith.divsi %mul3A_1688, %div3A_1690 : vector<16xi32>
      %sign3A_1692 = arith.constant 0 : i32
      %sign3A_1693 = vector.broadcast %sign3A_1692 : i32 to vector<16xi32>
      %sign3A_1694 = arith.cmpi sgt, %mul3A_1688, %sign3A_1693 : vector<16xi32>
      %sign3A_1695 = arith.extui %sign3A_1694 : vector<16xi1> to vector<16xi32>
      %sign3A_1696 = arith.constant 0 : i32
      %sign3A_1697 = vector.broadcast %sign3A_1696 : i32 to vector<16xi32>
      %sign3A_1698 = arith.cmpi slt, %mul3A_1688, %sign3A_1697 : vector<16xi32>
      %sign3A_1699 = arith.extui %sign3A_1698 : vector<16xi1> to vector<16xi32>
      %sign3A_1700 = arith.subi %sign3A_1695, %sign3A_1699 : vector<16xi32>
      %sign3A_1701 = arith.constant 0 : i32
      %sign3A_1702 = arith.cmpi sgt, %jit3A_1689, %sign3A_1701 : i32
      %sign3A_1703 = arith.extui %sign3A_1702 : i1 to i32
      %sign3A_1704 = arith.constant 0 : i32
      %sign3A_1705 = arith.cmpi slt, %jit3A_1689, %sign3A_1704 : i32
      %sign3A_1706 = arith.extui %sign3A_1705 : i1 to i32
      %sign3A_1707 = arith.subi %sign3A_1703, %sign3A_1706 : i32
      %ne3A_1708 = vector.broadcast %sign3A_1707 : i32 to vector<16xi32>
      %ne3A_1709 = arith.cmpi ne, %sign3A_1700, %ne3A_1708 : vector<16xi32>
      %rem3A_1710 = vector.broadcast %jit3A_1689 : i32 to vector<16xi32>
      %rem3A_1711 = arith.remsi %mul3A_1688, %rem3A_1710 : vector<16xi32>
      %ne3A_1712 = arith.constant 0 : i32
      %ne3A_1713 = vector.broadcast %ne3A_1712 : i32 to vector<16xi32>
      %ne3A_1714 = arith.cmpi ne, %rem3A_1711, %ne3A_1713 : vector<16xi32>
      %and3A_1715 = arith.andi %ne3A_1709, %ne3A_1714 : vector<16xi1>
      %sub3A_1716 = arith.constant 1 : i32
      %sub3A_1717 = vector.broadcast %sub3A_1716 : i32 to vector<16xi32>
      %sub3A_1718 = arith.subi %div3A_1691, %sub3A_1717 : vector<16xi32>
      %select_n3A_1719 = arith.select %and3A_1715, %sub3A_1718, %div3A_1691 : vector<16xi1>, vector<16xi32>
      %add3A_1720 = arith.addi %mul3A_1687, %select_n3A_1719 : vector<16xi32>
      %swap3A_1721 = arith.index_cast %add3A_1567 : i32 to index
      %swap3A_1722 = arith.constant 32 : index
      %swap3A_1723 = tpu.vector_load %arg9[%swap3A_1721, %swap3A_1722] {strides = array<i32>} : memref<125x80xi32, #tpu.memory_space<vmem>>, vector<16xi32>,
      tpu.vector_store %arg9[%swap3A_1721, %swap3A_1722], %add3A_1720 {strides = array<i32>} : memref<125x80xi32, #tpu.memory_space<vmem>>, vector<16xi32>,
      %mul3A_1724 = arith.constant 80 : i32
      %mul3A_1725 = arith.muli %add3A_1567, %mul3A_1724 : i32
      %add3A_1726 = arith.constant 48 : i32
      %add3A_1727 = arith.addi %mul3A_1725, %add3A_1726 : i32
      %get3A_1728 = arith.index_cast %add3A_1727 : i32 to index
      %get3A_1729 = tpu.vector_load %arg7[%get3A_1728] {strides = array<i32>} : memref<10000xi32, #tpu.memory_space<vmem>>, vector<16xi32>,
      %get3A_1730 = arith.index_cast %add3A_1727 : i32 to index
      %get3A_1731 = tpu.vector_load %arg8[%get3A_1730] {strides = array<i32>} : memref<10000xi32, #tpu.memory_space<vmem>>, vector<16xi32>,
      %gather3A_1732 = tpu.vector_load_idx %arg6[%get3A_1729] : memref<10000xi32, #tpu.memory_space<vmem>>[vector<16xi32>], vector<16xi32>,
      %gather3A_1733 = tpu.vector_load_idx %arg6[%get3A_1731] : memref<10000xi32, #tpu.memory_space<vmem>>[vector<16xi32>], vector<16xi32>,
      %sub3A_1734 = arith.subi %gather3A_1732, %gather3A_1733 : vector<16xi32>
      %abs3A_1735 = math.absi %sub3A_1734 : vector<16xi32>
      %sub3A_1736 = arith.constant 1 : i32
      %sub3A_1737 = vector.broadcast %sub3A_1736 : i32 to vector<16xi32>
      %sub3A_1738 = arith.subi %abs3A_1735, %sub3A_1737 : vector<16xi32>
      %mul3A_1739 = arith.muli %gather3A_1732, %gather3A_1733 : vector<16xi32>
      %mul3A_1740 = arith.muli %sub3A_1738, %sub3A_1738 : vector<16xi32>
      %jit3A_1741 = arith.constant 4 : i32
      %div3A_1742 = vector.broadcast %jit3A_1741 : i32 to vector<16xi32>
      %div3A_1743 = arith.divsi %mul3A_1740, %div3A_1742 : vector<16xi32>
      %sign3A_1744 = arith.constant 0 : i32
      %sign3A_1745 = vector.broadcast %sign3A_1744 : i32 to vector<16xi32>
      %sign3A_1746 = arith.cmpi sgt, %mul3A_1740, %sign3A_1745 : vector<16xi32>
      %sign3A_1747 = arith.extui %sign3A_1746 : vector<16xi1> to vector<16xi32>
      %sign3A_1748 = arith.constant 0 : i32
      %sign3A_1749 = vector.broadcast %sign3A_1748 : i32 to vector<16xi32>
      %sign3A_1750 = arith.cmpi slt, %mul3A_1740, %sign3A_1749 : vector<16xi32>
      %sign3A_1751 = arith.extui %sign3A_1750 : vector<16xi1> to vector<16xi32>
      %sign3A_1752 = arith.subi %sign3A_1747, %sign3A_1751 : vector<16xi32>
      %sign3A_1753 = arith.constant 0 : i32
      %sign3A_1754 = arith.cmpi sgt, %jit3A_1741, %sign3A_1753 : i32
      %sign3A_1755 = arith.extui %sign3A_1754 : i1 to i32
      %sign3A_1756 = arith.constant 0 : i32
      %sign3A_1757 = arith.cmpi slt, %jit3A_1741, %sign3A_1756 : i32
      %sign3A_1758 = arith.extui %sign3A_1757 : i1 to i32
      %sign3A_1759 = arith.subi %sign3A_1755, %sign3A_1758 : i32
      %ne3A_1760 = vector.broadcast %sign3A_1759 : i32 to vector<16xi32>
      %ne3A_1761 = arith.cmpi ne, %sign3A_1752, %ne3A_1760 : vector<16xi32>
      %rem3A_1762 = vector.broadcast %jit3A_1741 : i32 to vector<16xi32>
      %rem3A_1763 = arith.remsi %mul3A_1740, %rem3A_1762 : vector<16xi32>
      %ne3A_1764 = arith.constant 0 : i32
      %ne3A_1765 = vector.broadcast %ne3A_1764 : i32 to vector<16xi32>
      %ne3A_1766 = arith.cmpi ne, %rem3A_1763, %ne3A_1765 : vector<16xi32>
      %and3A_1767 = arith.andi %ne3A_1761, %ne3A_1766 : vector<16xi1>
      %sub3A_1768 = arith.constant 1 : i32
      %sub3A_1769 = vector.broadcast %sub3A_1768 : i32 to vector<16xi32>
      %sub3A_1770 = arith.subi %div3A_1743, %sub3A_1769 : vector<16xi32>
      %select_n3A_1771 = arith.select %and3A_1767, %sub3A_1770, %div3A_1743 : vector<16xi1>, vector<16xi32>
      %add3A_1772 = arith.addi %mul3A_1739, %select_n3A_1771 : vector<16xi32>
      %swap3A_1773 = arith.index_cast %add3A_1567 : i32 to index
      %swap3A_1774 = arith.constant 48 : index
      %swap3A_1775 = tpu.vector_load %arg9[%swap3A_1773, %swap3A_1774] {strides = array<i32>} : memref<125x80xi32, #tpu.memory_space<vmem>>, vector<16xi32>,
      tpu.vector_store %arg9[%swap3A_1773, %swap3A_1774], %add3A_1772 {strides = array<i32>} : memref<125x80xi32, #tpu.memory_space<vmem>>, vector<16xi32>,
      %mul3A_1776 = arith.constant 80 : i32
      %mul3A_1777 = arith.muli %add3A_1567, %mul3A_1776 : i32
      %add3A_1778 = arith.constant 64 : i32
      %add3A_1779 = arith.addi %mul3A_1777, %add3A_1778 : i32
      %get3A_1780 = arith.index_cast %add3A_1779 : i32 to index
      %get3A_1781 = tpu.vector_load %arg7[%get3A_1780] {strides = array<i32>} : memref<10000xi32, #tpu.memory_space<vmem>>, vector<16xi32>,
      %get3A_1782 = arith.index_cast %add3A_1779 : i32 to index
      %get3A_1783 = tpu.vector_load %arg8[%get3A_1782] {strides = array<i32>} : memref<10000xi32, #tpu.memory_space<vmem>>, vector<16xi32>,
      %gather3A_1784 = tpu.vector_load_idx %arg6[%get3A_1781] : memref<10000xi32, #tpu.memory_space<vmem>>[vector<16xi32>], vector<16xi32>,
      %gather3A_1785 = tpu.vector_load_idx %arg6[%get3A_1783] : memref<10000xi32, #tpu.memory_space<vmem>>[vector<16xi32>], vector<16xi32>,
      %sub3A_1786 = arith.subi %gather3A_1784, %gather3A_1785 : vector<16xi32>
      %abs3A_1787 = math.absi %sub3A_1786 : vector<16xi32>
      %sub3A_1788 = arith.constant 1 : i32
      %sub3A_1789 = vector.broadcast %sub3A_1788 : i32 to vector<16xi32>
      %sub3A_1790 = arith.subi %abs3A_1787, %sub3A_1789 : vector<16xi32>
      %mul3A_1791 = arith.muli %gather3A_1784, %gather3A_1785 : vector<16xi32>
      %mul3A_1792 = arith.muli %sub3A_1790, %sub3A_1790 : vector<16xi32>
      %jit3A_1793 = arith.constant 4 : i32
      %div3A_1794 = vector.broadcast %jit3A_1793 : i32 to vector<16xi32>
      %div3A_1795 = arith.divsi %mul3A_1792, %div3A_1794 : vector<16xi32>
      %sign3A_1796 = arith.constant 0 : i32
      %sign3A_1797 = vector.broadcast %sign3A_1796 : i32 to vector<16xi32>
      %sign3A_1798 = arith.cmpi sgt, %mul3A_1792, %sign3A_1797 : vector<16xi32>
      %sign3A_1799 = arith.extui %sign3A_1798 : vector<16xi1> to vector<16xi32>
      %sign3A_1800 = arith.constant 0 : i32
      %sign3A_1801 = vector.broadcast %sign3A_1800 : i32 to vector<16xi32>
      %sign3A_1802 = arith.cmpi slt, %mul3A_1792, %sign3A_1801 : vector<16xi32>
      %sign3A_1803 = arith.extui %sign3A_1802 : vector<16xi1> to vector<16xi32>
      %sign3A_1804 = arith.subi %sign3A_1799, %sign3A_1803 : vector<16xi32>
      %sign3A_1805 = arith.constant 0 : i32
      %sign3A_1806 = arith.cmpi sgt, %jit3A_1793, %sign3A_1805 : i32
      %sign3A_1807 = arith.extui %sign3A_1806 : i1 to i32
      %sign3A_1808 = arith.constant 0 : i32
      %sign3A_1809 = arith.cmpi slt, %jit3A_1793, %sign3A_1808 : i32
      %sign3A_1810 = arith.extui %sign3A_1809 : i1 to i32
      %sign3A_1811 = arith.subi %sign3A_1807, %sign3A_1810 : i32
      %ne3A_1812 = vector.broadcast %sign3A_1811 : i32 to vector<16xi32>
      %ne3A_1813 = arith.cmpi ne, %sign3A_1804, %ne3A_1812 : vector<16xi32>
      %rem3A_1814 = vector.broadcast %jit3A_1793 : i32 to vector<16xi32>
      %rem3A_1815 = arith.remsi %mul3A_1792, %rem3A_1814 : vector<16xi32>
      %ne3A_1816 = arith.constant 0 : i32
      %ne3A_1817 = vector.broadcast %ne3A_1816 : i32 to vector<16xi32>
      %ne3A_1818 = arith.cmpi ne, %rem3A_1815, %ne3A_1817 : vector<16xi32>
      %and3A_1819 = arith.andi %ne3A_1813, %ne3A_1818 : vector<16xi1>
      %sub3A_1820 = arith.constant 1 : i32
      %sub3A_1821 = vector.broadcast %sub3A_1820 : i32 to vector<16xi32>
      %sub3A_1822 = arith.subi %div3A_1795, %sub3A_1821 : vector<16xi32>
      %select_n3A_1823 = arith.select %and3A_1819, %sub3A_1822, %div3A_1795 : vector<16xi1>, vector<16xi32>
      %add3A_1824 = arith.addi %mul3A_1791, %select_n3A_1823 : vector<16xi32>
      %swap3A_1825 = arith.index_cast %add3A_1567 : i32 to index
      %swap3A_1826 = arith.constant 64 : index
      %swap3A_1827 = tpu.vector_load %arg9[%swap3A_1825, %swap3A_1826] {strides = array<i32>} : memref<125x80xi32, #tpu.memory_space<vmem>>, vector<16xi32>,
      tpu.vector_store %arg9[%swap3A_1825, %swap3A_1826], %add3A_1824 {strides = array<i32>} : memref<125x80xi32, #tpu.memory_space<vmem>>, vector<16xi32>,
      %add3A_1828 = arith.constant 5 : i32
      %add3A_1829 = arith.addi %mul3A_1563, %add3A_1828 : i32
      %add3A_1830 = arith.constant 1 : i32
      %add3A_1831 = arith.addi %add3A_1829, %add3A_1830 : i32
      %mul3A_1832 = arith.constant 80 : i32
      %mul3A_1833 = arith.muli %add3A_1831, %mul3A_1832 : i32
      %add3A_1834 = arith.constant 0 : i32
      %add3A_1835 = arith.addi %mul3A_1833, %add3A_1834 : i32
      %get3A_1836 = arith.index_cast %add3A_1835 : i32 to index
      %get3A_1837 = tpu.vector_load %arg7[%get3A_1836] {strides = array<i32>} : memref<10000xi32, #tpu.memory_space<vmem>>, vector<16xi32>,
      %get3A_1838 = arith.index_cast %add3A_1835 : i32 to index
      %get3A_1839 = tpu.vector_load %arg8[%get3A_1838] {strides = array<i32>} : memref<10000xi32, #tpu.memory_space<vmem>>, vector<16xi32>,
      %gather3A_1840 = tpu.vector_load_idx %arg6[%get3A_1837] : memref<10000xi32, #tpu.memory_space<vmem>>[vector<16xi32>], vector<16xi32>,
      %gather3A_1841 = tpu.vector_load_idx %arg6[%get3A_1839] : memref<10000xi32, #tpu.memory_space<vmem>>[vector<16xi32>], vector<16xi32>,
      %sub3A_1842 = arith.subi %gather3A_1840, %gather3A_1841 : vector<16xi32>
      %abs3A_1843 = math.absi %sub3A_1842 : vector<16xi32>
      %sub3A_1844 = arith.constant 1 : i32
      %sub3A_1845 = vector.broadcast %sub3A_1844 : i32 to vector<16xi32>
      %sub3A_1846 = arith.subi %abs3A_1843, %sub3A_1845 : vector<16xi32>
      %mul3A_1847 = arith.muli %gather3A_1840, %gather3A_1841 : vector<16xi32>
      %mul3A_1848 = arith.muli %sub3A_1846, %sub3A_1846 : vector<16xi32>
      %jit3A_1849 = arith.constant 4 : i32
      %div3A_1850 = vector.broadcast %jit3A_1849 : i32 to vector<16xi32>
      %div3A_1851 = arith.divsi %mul3A_1848, %div3A_1850 : vector<16xi32>
      %sign3A_1852 = arith.constant 0 : i32
      %sign3A_1853 = vector.broadcast %sign3A_1852 : i32 to vector<16xi32>
      %sign3A_1854 = arith.cmpi sgt, %mul3A_1848, %sign3A_1853 : vector<16xi32>
      %sign3A_1855 = arith.extui %sign3A_1854 : vector<16xi1> to vector<16xi32>
      %sign3A_1856 = arith.constant 0 : i32
      %sign3A_1857 = vector.broadcast %sign3A_1856 : i32 to vector<16xi32>
      %sign3A_1858 = arith.cmpi slt, %mul3A_1848, %sign3A_1857 : vector<16xi32>
      %sign3A_1859 = arith.extui %sign3A_1858 : vector<16xi1> to vector<16xi32>
      %sign3A_1860 = arith.subi %sign3A_1855, %sign3A_1859 : vector<16xi32>
      %sign3A_1861 = arith.constant 0 : i32
      %sign3A_1862 = arith.cmpi sgt, %jit3A_1849, %sign3A_1861 : i32
      %sign3A_1863 = arith.extui %sign3A_1862 : i1 to i32
      %sign3A_1864 = arith.constant 0 : i32
      %sign3A_1865 = arith.cmpi slt, %jit3A_1849, %sign3A_1864 : i32
      %sign3A_1866 = arith.extui %sign3A_1865 : i1 to i32
      %sign3A_1867 = arith.subi %sign3A_1863, %sign3A_1866 : i32
      %ne3A_1868 = vector.broadcast %sign3A_1867 : i32 to vector<16xi32>
      %ne3A_1869 = arith.cmpi ne, %sign3A_1860, %ne3A_1868 : vector<16xi32>
      %rem3A_1870 = vector.broadcast %jit3A_1849 : i32 to vector<16xi32>
      %rem3A_1871 = arith.remsi %mul3A_1848, %rem3A_1870 : vector<16xi32>
      %ne3A_1872 = arith.constant 0 : i32
      %ne3A_1873 = vector.broadcast %ne3A_1872 : i32 to vector<16xi32>
      %ne3A_1874 = arith.cmpi ne, %rem3A_1871, %ne3A_1873 : vector<16xi32>
      %and3A_1875 = arith.andi %ne3A_1869, %ne3A_1874 : vector<16xi1>
      %sub3A_1876 = arith.constant 1 : i32
      %sub3A_1877 = vector.broadcast %sub3A_1876 : i32 to vector<16xi32>
      %sub3A_1878 = arith.subi %div3A_1851, %sub3A_1877 : vector<16xi32>
      %select_n3A_1879 = arith.select %and3A_1875, %sub3A_1878, %div3A_1851 : vector<16xi1>, vector<16xi32>
      %add3A_1880 = arith.addi %mul3A_1847, %select_n3A_1879 : vector<16xi32>
      %swap3A_1881 = arith.index_cast %add3A_1831 : i32 to index
      %swap3A_1882 = arith.constant 0 : index
      %swap3A_1883 = tpu.vector_load %arg9[%swap3A_1881, %swap3A_1882] {strides = array<i32>} : memref<125x80xi32, #tpu.memory_space<vmem>>, vector<16xi32>,
      tpu.vector_store %arg9[%swap3A_1881, %swap3A_1882], %add3A_1880 {strides = array<i32>} : memref<125x80xi32, #tpu.memory_space<vmem>>, vector<16xi32>,
      %mul3A_1884 = arith.constant 80 : i32
      %mul3A_1885 = arith.muli %add3A_1831, %mul3A_1884 : i32
      %add3A_1886 = arith.constant 16 : i32
      %add3A_1887 = arith.addi %mul3A_1885, %add3A_1886 : i32
      %get3A_1888 = arith.index_cast %add3A_1887 : i32 to index
      %get3A_1889 = tpu.vector_load %arg7[%get3A_1888] {strides = array<i32>} : memref<10000xi32, #tpu.memory_space<vmem>>, vector<16xi32>,
      %get3A_1890 = arith.index_cast %add3A_1887 : i32 to index
      %get3A_1891 = tpu.vector_load %arg8[%get3A_1890] {strides = array<i32>} : memref<10000xi32, #tpu.memory_space<vmem>>, vector<16xi32>,
      %gather3A_1892 = tpu.vector_load_idx %arg6[%get3A_1889] : memref<10000xi32, #tpu.memory_space<vmem>>[vector<16xi32>], vector<16xi32>,
      %gather3A_1893 = tpu.vector_load_idx %arg6[%get3A_1891] : memref<10000xi32, #tpu.memory_space<vmem>>[vector<16xi32>], vector<16xi32>,
      %sub3A_1894 = arith.subi %gather3A_1892, %gather3A_1893 : vector<16xi32>
      %abs3A_1895 = math.absi %sub3A_1894 : vector<16xi32>
      %sub3A_1896 = arith.constant 1 : i32
      %sub3A_1897 = vector.broadcast %sub3A_1896 : i32 to vector<16xi32>
      %sub3A_1898 = arith.subi %abs3A_1895, %sub3A_1897 : vector<16xi32>
      %mul3A_1899 = arith.muli %gather3A_1892, %gather3A_1893 : vector<16xi32>
      %mul3A_1900 = arith.muli %sub3A_1898, %sub3A_1898 : vector<16xi32>
      %jit3A_1901 = arith.constant 4 : i32
      %div3A_1902 = vector.broadcast %jit3A_1901 : i32 to vector<16xi32>
      %div3A_1903 = arith.divsi %mul3A_1900, %div3A_1902 : vector<16xi32>
      %sign3A_1904 = arith.constant 0 : i32
      %sign3A_1905 = vector.broadcast %sign3A_1904 : i32 to vector<16xi32>
      %sign3A_1906 = arith.cmpi sgt, %mul3A_1900, %sign3A_1905 : vector<16xi32>
      %sign3A_1907 = arith.extui %sign3A_1906 : vector<16xi1> to vector<16xi32>
      %sign3A_1908 = arith.constant 0 : i32
      %sign3A_1909 = vector.broadcast %sign3A_1908 : i32 to vector<16xi32>
      %sign3A_1910 = arith.cmpi slt, %mul3A_1900, %sign3A_1909 : vector<16xi32>
      %sign3A_1911 = arith.extui %sign3A_1910 : vector<16xi1> to vector<16xi32>
      %sign3A_1912 = arith.subi %sign3A_1907, %sign3A_1911 : vector<16xi32>
      %sign3A_1913 = arith.constant 0 : i32
      %sign3A_1914 = arith.cmpi sgt, %jit3A_1901, %sign3A_1913 : i32
      %sign3A_1915 = arith.extui %sign3A_1914 : i1 to i32
      %sign3A_1916 = arith.constant 0 : i32
      %sign3A_1917 = arith.cmpi slt, %jit3A_1901, %sign3A_1916 : i32
      %sign3A_1918 = arith.extui %sign3A_1917 : i1 to i32
      %sign3A_1919 = arith.subi %sign3A_1915, %sign3A_1918 : i32
      %ne3A_1920 = vector.broadcast %sign3A_1919 : i32 to vector<16xi32>
      %ne3A_1921 = arith.cmpi ne, %sign3A_1912, %ne3A_1920 : vector<16xi32>
      %rem3A_1922 = vector.broadcast %jit3A_1901 : i32 to vector<16xi32>
      %rem3A_1923 = arith.remsi %mul3A_1900, %rem3A_1922 : vector<16xi32>
      %ne3A_1924 = arith.constant 0 : i32
      %ne3A_1925 = vector.broadcast %ne3A_1924 : i32 to vector<16xi32>
      %ne3A_1926 = arith.cmpi ne, %rem3A_1923, %ne3A_1925 : vector<16xi32>
      %and3A_1927 = arith.andi %ne3A_1921, %ne3A_1926 : vector<16xi1>
      %sub3A_1928 = arith.constant 1 : i32
      %sub3A_1929 = vector.broadcast %sub3A_1928 : i32 to vector<16xi32>
      %sub3A_1930 = arith.subi %div3A_1903, %sub3A_1929 : vector<16xi32>
      %select_n3A_1931 = arith.select %and3A_1927, %sub3A_1930, %div3A_1903 : vector<16xi1>, vector<16xi32>
      %add3A_1932 = arith.addi %mul3A_1899, %select_n3A_1931 : vector<16xi32>
      %swap3A_1933 = arith.index_cast %add3A_1831 : i32 to index
      %swap3A_1934 = arith.constant 16 : index
      %swap3A_1935 = tpu.vector_load %arg9[%swap3A_1933, %swap3A_1934] {strides = array<i32>} : memref<125x80xi32, #tpu.memory_space<vmem>>, vector<16xi32>,
      tpu.vector_store %arg9[%swap3A_1933, %swap3A_1934], %add3A_1932 {strides = array<i32>} : memref<125x80xi32, #tpu.memory_space<vmem>>, vector<16xi32>,
      %mul3A_1936 = arith.constant 80 : i32
      %mul3A_1937 = arith.muli %add3A_1831, %mul3A_1936 : i32
      %add3A_1938 = arith.constant 32 : i32
      %add3A_1939 = arith.addi %mul3A_1937, %add3A_1938 : i32
      %get3A_1940 = arith.index_cast %add3A_1939 : i32 to index
      %get3A_1941 = tpu.vector_load %arg7[%get3A_1940] {strides = array<i32>} : memref<10000xi32, #tpu.memory_space<vmem>>, vector<16xi32>,
      %get3A_1942 = arith.index_cast %add3A_1939 : i32 to index
      %get3A_1943 = tpu.vector_load %arg8[%get3A_1942] {strides = array<i32>} : memref<10000xi32, #tpu.memory_space<vmem>>, vector<16xi32>,
      %gather3A_1944 = tpu.vector_load_idx %arg6[%get3A_1941] : memref<10000xi32, #tpu.memory_space<vmem>>[vector<16xi32>], vector<16xi32>,
      %gather3A_1945 = tpu.vector_load_idx %arg6[%get3A_1943] : memref<10000xi32, #tpu.memory_space<vmem>>[vector<16xi32>], vector<16xi32>,
      %sub3A_1946 = arith.subi %gather3A_1944, %gather3A_1945 : vector<16xi32>
      %abs3A_1947 = math.absi %sub3A_1946 : vector<16xi32>
      %sub3A_1948 = arith.constant 1 : i32
      %sub3A_1949 = vector.broadcast %sub3A_1948 : i32 to vector<16xi32>
      %sub3A_1950 = arith.subi %abs3A_1947, %sub3A_1949 : vector<16xi32>
      %mul3A_1951 = arith.muli %gather3A_1944, %gather3A_1945 : vector<16xi32>
      %mul3A_1952 = arith.muli %sub3A_1950, %sub3A_1950 : vector<16xi32>
      %jit3A_1953 = arith.constant 4 : i32
      %div3A_1954 = vector.broadcast %jit3A_1953 : i32 to vector<16xi32>
      %div3A_1955 = arith.divsi %mul3A_1952, %div3A_1954 : vector<16xi32>
      %sign3A_1956 = arith.constant 0 : i32
      %sign3A_1957 = vector.broadcast %sign3A_1956 : i32 to vector<16xi32>
      %sign3A_1958 = arith.cmpi sgt, %mul3A_1952, %sign3A_1957 : vector<16xi32>
      %sign3A_1959 = arith.extui %sign3A_1958 : vector<16xi1> to vector<16xi32>
      %sign3A_1960 = arith.constant 0 : i32
      %sign3A_1961 = vector.broadcast %sign3A_1960 : i32 to vector<16xi32>
      %sign3A_1962 = arith.cmpi slt, %mul3A_1952, %sign3A_1961 : vector<16xi32>
      %sign3A_1963 = arith.extui %sign3A_1962 : vector<16xi1> to vector<16xi32>
      %sign3A_1964 = arith.subi %sign3A_1959, %sign3A_1963 : vector<16xi32>
      %sign3A_1965 = arith.constant 0 : i32
      %sign3A_1966 = arith.cmpi sgt, %jit3A_1953, %sign3A_1965 : i32
      %sign3A_1967 = arith.extui %sign3A_1966 : i1 to i32
      %sign3A_1968 = arith.constant 0 : i32
      %sign3A_1969 = arith.cmpi slt, %jit3A_1953, %sign3A_1968 : i32
      %sign3A_1970 = arith.extui %sign3A_1969 : i1 to i32
      %sign3A_1971 = arith.subi %sign3A_1967, %sign3A_1970 : i32
      %ne3A_1972 = vector.broadcast %sign3A_1971 : i32 to vector<16xi32>
      %ne3A_1973 = arith.cmpi ne, %sign3A_1964, %ne3A_1972 : vector<16xi32>
      %rem3A_1974 = vector.broadcast %jit3A_1953 : i32 to vector<16xi32>
      %rem3A_1975 = arith.remsi %mul3A_1952, %rem3A_1974 : vector<16xi32>
      %ne3A_1976 = arith.constant 0 : i32
      %ne3A_1977 = vector.broadcast %ne3A_1976 : i32 to vector<16xi32>
      %ne3A_1978 = arith.cmpi ne, %rem3A_1975, %ne3A_1977 : vector<16xi32>
      %and3A_1979 = arith.andi %ne3A_1973, %ne3A_1978 : vector<16xi1>
      %sub3A_1980 = arith.constant 1 : i32
      %sub3A_1981 = vector.broadcast %sub3A_1980 : i32 to vector<16xi32>
      %sub3A_1982 = arith.subi %div3A_1955, %sub3A_1981 : vector<16xi32>
      %select_n3A_1983 = arith.select %and3A_1979, %sub3A_1982, %div3A_1955 : vector<16xi1>, vector<16xi32>
      %add3A_1984 = arith.addi %mul3A_1951, %select_n3A_1983 : vector<16xi32>
      %swap3A_1985 = arith.index_cast %add3A_1831 : i32 to index
      %swap3A_1986 = arith.constant 32 : index
      %swap3A_1987 = tpu.vector_load %arg9[%swap3A_1985, %swap3A_1986] {strides = array<i32>} : memref<125x80xi32, #tpu.memory_space<vmem>>, vector<16xi32>,
      tpu.vector_store %arg9[%swap3A_1985, %swap3A_1986], %add3A_1984 {strides = array<i32>} : memref<125x80xi32, #tpu.memory_space<vmem>>, vector<16xi32>,
      %mul3A_1988 = arith.constant 80 : i32
      %mul3A_1989 = arith.muli %add3A_1831, %mul3A_1988 : i32
      %add3A_1990 = arith.constant 48 : i32
      %add3A_1991 = arith.addi %mul3A_1989, %add3A_1990 : i32
      %get3A_1992 = arith.index_cast %add3A_1991 : i32 to index
      %get3A_1993 = tpu.vector_load %arg7[%get3A_1992] {strides = array<i32>} : memref<10000xi32, #tpu.memory_space<vmem>>, vector<16xi32>,
      %get3A_1994 = arith.index_cast %add3A_1991 : i32 to index
      %get3A_1995 = tpu.vector_load %arg8[%get3A_1994] {strides = array<i32>} : memref<10000xi32, #tpu.memory_space<vmem>>, vector<16xi32>,
      %gather3A_1996 = tpu.vector_load_idx %arg6[%get3A_1993] : memref<10000xi32, #tpu.memory_space<vmem>>[vector<16xi32>], vector<16xi32>,
      %gather3A_1997 = tpu.vector_load_idx %arg6[%get3A_1995] : memref<10000xi32, #tpu.memory_space<vmem>>[vector<16xi32>], vector<16xi32>,
      %sub3A_1998 = arith.subi %gather3A_1996, %gather3A_1997 : vector<16xi32>
      %abs3A_1999 = math.absi %sub3A_1998 : vector<16xi32>
      %sub3A_2000 = arith.constant 1 : i32
      %sub3A_2001 = vector.broadcast %sub3A_2000 : i32 to vector<16xi32>
      %sub3A_2002 = arith.subi %abs3A_1999, %sub3A_2001 : vector<16xi32>
      %mul3A_2003 = arith.muli %gather3A_1996, %gather3A_1997 : vector<16xi32>
      %mul3A_2004 = arith.muli %sub3A_2002, %sub3A_2002 : vector<16xi32>
      %jit3A_2005 = arith.constant 4 : i32
      %div3A_2006 = vector.broadcast %jit3A_2005 : i32 to vector<16xi32>
      %div3A_2007 = arith.divsi %mul3A_2004, %div3A_2006 : vector<16xi32>
      %sign3A_2008 = arith.constant 0 : i32
      %sign3A_2009 = vector.broadcast %sign3A_2008 : i32 to vector<16xi32>
      %sign3A_2010 = arith.cmpi sgt, %mul3A_2004, %sign3A_2009 : vector<16xi32>
      %sign3A_2011 = arith.extui %sign3A_2010 : vector<16xi1> to vector<16xi32>
      %sign3A_2012 = arith.constant 0 : i32
      %sign3A_2013 = vector.broadcast %sign3A_2012 : i32 to vector<16xi32>
      %sign3A_2014 = arith.cmpi slt, %mul3A_2004, %sign3A_2013 : vector<16xi32>
      %sign3A_2015 = arith.extui %sign3A_2014 : vector<16xi1> to vector<16xi32>
      %sign3A_2016 = arith.subi %sign3A_2011, %sign3A_2015 : vector<16xi32>
      %sign3A_2017 = arith.constant 0 : i32
      %sign3A_2018 = arith.cmpi sgt, %jit3A_2005, %sign3A_2017 : i32
      %sign3A_2019 = arith.extui %sign3A_2018 : i1 to i32
      %sign3A_2020 = arith.constant 0 : i32
      %sign3A_2021 = arith.cmpi slt, %jit3A_2005, %sign3A_2020 : i32
      %sign3A_2022 = arith.extui %sign3A_2021 : i1 to i32
      %sign3A_2023 = arith.subi %sign3A_2019, %sign3A_2022 : i32
      %ne3A_2024 = vector.broadcast %sign3A_2023 : i32 to vector<16xi32>
      %ne3A_2025 = arith.cmpi ne, %sign3A_2016, %ne3A_2024 : vector<16xi32>
      %rem3A_2026 = vector.broadcast %jit3A_2005 : i32 to vector<16xi32>
      %rem3A_2027 = arith.remsi %mul3A_2004, %rem3A_2026 : vector<16xi32>
      %ne3A_2028 = arith.constant 0 : i32
      %ne3A_2029 = vector.broadcast %ne3A_2028 : i32 to vector<16xi32>
      %ne3A_2030 = arith.cmpi ne, %rem3A_2027, %ne3A_2029 : vector<16xi32>
      %and3A_2031 = arith.andi %ne3A_2025, %ne3A_2030 : vector<16xi1>
      %sub3A_2032 = arith.constant 1 : i32
      %sub3A_2033 = vector.broadcast %sub3A_2032 : i32 to vector<16xi32>
      %sub3A_2034 = arith.subi %div3A_2007, %sub3A_2033 : vector<16xi32>
      %select_n3A_2035 = arith.select %and3A_2031, %sub3A_2034, %div3A_2007 : vector<16xi1>, vector<16xi32>
      %add3A_2036 = arith.addi %mul3A_2003, %select_n3A_2035 : vector<16xi32>
      %swap3A_2037 = arith.index_cast %add3A_1831 : i32 to index
      %swap3A_2038 = arith.constant 48 : index
      %swap3A_2039 = tpu.vector_load %arg9[%swap3A_2037, %swap3A_2038] {strides = array<i32>} : memref<125x80xi32, #tpu.memory_space<vmem>>, vector<16xi32>,
      tpu.vector_store %arg9[%swap3A_2037, %swap3A_2038], %add3A_2036 {strides = array<i32>} : memref<125x80xi32, #tpu.memory_space<vmem>>, vector<16xi32>,
      %mul3A_2040 = arith.constant 80 : i32
      %mul3A_2041 = arith.muli %add3A_1831, %mul3A_2040 : i32
      %add3A_2042 = arith.constant 64 : i32
      %add3A_2043 = arith.addi %mul3A_2041, %add3A_2042 : i32
      %get3A_2044 = arith.index_cast %add3A_2043 : i32 to index
      %get3A_2045 = tpu.vector_load %arg7[%get3A_2044] {strides = array<i32>} : memref<10000xi32, #tpu.memory_space<vmem>>, vector<16xi32>,
      %get3A_2046 = arith.index_cast %add3A_2043 : i32 to index
      %get3A_2047 = tpu.vector_load %arg8[%get3A_2046] {strides = array<i32>} : memref<10000xi32, #tpu.memory_space<vmem>>, vector<16xi32>,
      %gather3A_2048 = tpu.vector_load_idx %arg6[%get3A_2045] : memref<10000xi32, #tpu.memory_space<vmem>>[vector<16xi32>], vector<16xi32>,
      %gather3A_2049 = tpu.vector_load_idx %arg6[%get3A_2047] : memref<10000xi32, #tpu.memory_space<vmem>>[vector<16xi32>], vector<16xi32>,
      %sub3A_2050 = arith.subi %gather3A_2048, %gather3A_2049 : vector<16xi32>
      %abs3A_2051 = math.absi %sub3A_2050 : vector<16xi32>
      %sub3A_2052 = arith.constant 1 : i32
      %sub3A_2053 = vector.broadcast %sub3A_2052 : i32 to vector<16xi32>
      %sub3A_2054 = arith.subi %abs3A_2051, %sub3A_2053 : vector<16xi32>
      %mul3A_2055 = arith.muli %gather3A_2048, %gather3A_2049 : vector<16xi32>
      %mul3A_2056 = arith.muli %sub3A_2054, %sub3A_2054 : vector<16xi32>
      %jit3A_2057 = arith.constant 4 : i32
      %div3A_2058 = vector.broadcast %jit3A_2057 : i32 to vector<16xi32>
      %div3A_2059 = arith.divsi %mul3A_2056, %div3A_2058 : vector<16xi32>
      %sign3A_2060 = arith.constant 0 : i32
      %sign3A_2061 = vector.broadcast %sign3A_2060 : i32 to vector<16xi32>
      %sign3A_2062 = arith.cmpi sgt, %mul3A_2056, %sign3A_2061 : vector<16xi32>
      %sign3A_2063 = arith.extui %sign3A_2062 : vector<16xi1> to vector<16xi32>
      %sign3A_2064 = arith.constant 0 : i32
      %sign3A_2065 = vector.broadcast %sign3A_2064 : i32 to vector<16xi32>
      %sign3A_2066 = arith.cmpi slt, %mul3A_2056, %sign3A_2065 : vector<16xi32>
      %sign3A_2067 = arith.extui %sign3A_2066 : vector<16xi1> to vector<16xi32>
      %sign3A_2068 = arith.subi %sign3A_2063, %sign3A_2067 : vector<16xi32>
      %sign3A_2069 = arith.constant 0 : i32
      %sign3A_2070 = arith.cmpi sgt, %jit3A_2057, %sign3A_2069 : i32
      %sign3A_2071 = arith.extui %sign3A_2070 : i1 to i32
      %sign3A_2072 = arith.constant 0 : i32
      %sign3A_2073 = arith.cmpi slt, %jit3A_2057, %sign3A_2072 : i32
      %sign3A_2074 = arith.extui %sign3A_2073 : i1 to i32
      %sign3A_2075 = arith.subi %sign3A_2071, %sign3A_2074 : i32
      %ne3A_2076 = vector.broadcast %sign3A_2075 : i32 to vector<16xi32>
      %ne3A_2077 = arith.cmpi ne, %sign3A_2068, %ne3A_2076 : vector<16xi32>
      %rem3A_2078 = vector.broadcast %jit3A_2057 : i32 to vector<16xi32>
      %rem3A_2079 = arith.remsi %mul3A_2056, %rem3A_2078 : vector<16xi32>
      %ne3A_2080 = arith.constant 0 : i32
      %ne3A_2081 = vector.broadcast %ne3A_2080 : i32 to vector<16xi32>
      %ne3A_2082 = arith.cmpi ne, %rem3A_2079, %ne3A_2081 : vector<16xi32>
      %and3A_2083 = arith.andi %ne3A_2077, %ne3A_2082 : vector<16xi1>
      %sub3A_2084 = arith.constant 1 : i32
      %sub3A_2085 = vector.broadcast %sub3A_2084 : i32 to vector<16xi32>
      %sub3A_2086 = arith.subi %div3A_2059, %sub3A_2085 : vector<16xi32>
      %select_n3A_2087 = arith.select %and3A_2083, %sub3A_2086, %div3A_2059 : vector<16xi1>, vector<16xi32>
      %add3A_2088 = arith.addi %mul3A_2055, %select_n3A_2087 : vector<16xi32>
      %swap3A_2089 = arith.index_cast %add3A_1831 : i32 to index
      %swap3A_2090 = arith.constant 64 : index
      %swap3A_2091 = tpu.vector_load %arg9[%swap3A_2089, %swap3A_2090] {strides = array<i32>} : memref<125x80xi32, #tpu.memory_space<vmem>>, vector<16xi32>,
      tpu.vector_store %arg9[%swap3A_2089, %swap3A_2090], %add3A_2088 {strides = array<i32>} : memref<125x80xi32, #tpu.memory_space<vmem>>, vector<16xi32>,
      %add3A_2092 = arith.constant 5 : i32
      %add3A_2093 = arith.addi %mul3A_1563, %add3A_2092 : i32
      %add3A_2094 = arith.constant 2 : i32
      %add3A_2095 = arith.addi %add3A_2093, %add3A_2094 : i32
      %mul3A_2096 = arith.constant 80 : i32
      %mul3A_2097 = arith.muli %add3A_2095, %mul3A_2096 : i32
      %add3A_2098 = arith.constant 0 : i32
      %add3A_2099 = arith.addi %mul3A_2097, %add3A_2098 : i32
      %get3A_2100 = arith.index_cast %add3A_2099 : i32 to index
      %get3A_2101 = tpu.vector_load %arg7[%get3A_2100] {strides = array<i32>} : memref<10000xi32, #tpu.memory_space<vmem>>, vector<16xi32>,
      %get3A_2102 = arith.index_cast %add3A_2099 : i32 to index
      %get3A_2103 = tpu.vector_load %arg8[%get3A_2102] {strides = array<i32>} : memref<10000xi32, #tpu.memory_space<vmem>>, vector<16xi32>,
      %gather3A_2104 = tpu.vector_load_idx %arg6[%get3A_2101] : memref<10000xi32, #tpu.memory_space<vmem>>[vector<16xi32>], vector<16xi32>,
      %gather3A_2105 = tpu.vector_load_idx %arg6[%get3A_2103] : memref<10000xi32, #tpu.memory_space<vmem>>[vector<16xi32>], vector<16xi32>,
      %sub3A_2106 = arith.subi %gather3A_2104, %gather3A_2105 : vector<16xi32>
      %abs3A_2107 = math.absi %sub3A_2106 : vector<16xi32>
      %sub3A_2108 = arith.constant 1 : i32
      %sub3A_2109 = vector.broadcast %sub3A_2108 : i32 to vector<16xi32>
      %sub3A_2110 = arith.subi %abs3A_2107, %sub3A_2109 : vector<16xi32>
      %mul3A_2111 = arith.muli %gather3A_2104, %gather3A_2105 : vector<16xi32>
      %mul3A_2112 = arith.muli %sub3A_2110, %sub3A_2110 : vector<16xi32>
      %jit3A_2113 = arith.constant 4 : i32
      %div3A_2114 = vector.broadcast %jit3A_2113 : i32 to vector<16xi32>
      %div3A_2115 = arith.divsi %mul3A_2112, %div3A_2114 : vector<16xi32>
      %sign3A_2116 = arith.constant 0 : i32
      %sign3A_2117 = vector.broadcast %sign3A_2116 : i32 to vector<16xi32>
      %sign3A_2118 = arith.cmpi sgt, %mul3A_2112, %sign3A_2117 : vector<16xi32>
      %sign3A_2119 = arith.extui %sign3A_2118 : vector<16xi1> to vector<16xi32>
      %sign3A_2120 = arith.constant 0 : i32
      %sign3A_2121 = vector.broadcast %sign3A_2120 : i32 to vector<16xi32>
      %sign3A_2122 = arith.cmpi slt, %mul3A_2112, %sign3A_2121 : vector<16xi32>
      %sign3A_2123 = arith.extui %sign3A_2122 : vector<16xi1> to vector<16xi32>
      %sign3A_2124 = arith.subi %sign3A_2119, %sign3A_2123 : vector<16xi32>
      %sign3A_2125 = arith.constant 0 : i32
      %sign3A_2126 = arith.cmpi sgt, %jit3A_2113, %sign3A_2125 : i32
      %sign3A_2127 = arith.extui %sign3A_2126 : i1 to i32
      %sign3A_2128 = arith.constant 0 : i32
      %sign3A_2129 = arith.cmpi slt, %jit3A_2113, %sign3A_2128 : i32
      %sign3A_2130 = arith.extui %sign3A_2129 : i1 to i32
      %sign3A_2131 = arith.subi %sign3A_2127, %sign3A_2130 : i32
      %ne3A_2132 = vector.broadcast %sign3A_2131 : i32 to vector<16xi32>
      %ne3A_2133 = arith.cmpi ne, %sign3A_2124, %ne3A_2132 : vector<16xi32>
      %rem3A_2134 = vector.broadcast %jit3A_2113 : i32 to vector<16xi32>
      %rem3A_2135 = arith.remsi %mul3A_2112, %rem3A_2134 : vector<16xi32>
      %ne3A_2136 = arith.constant 0 : i32
      %ne3A_2137 = vector.broadcast %ne3A_2136 : i32 to vector<16xi32>
      %ne3A_2138 = arith.cmpi ne, %rem3A_2135, %ne3A_2137 : vector<16xi32>
      %and3A_2139 = arith.andi %ne3A_2133, %ne3A_2138 : vector<16xi1>
      %sub3A_2140 = arith.constant 1 : i32
      %sub3A_2141 = vector.broadcast %sub3A_2140 : i32 to vector<16xi32>
      %sub3A_2142 = arith.subi %div3A_2115, %sub3A_2141 : vector<16xi32>
      %select_n3A_2143 = arith.select %and3A_2139, %sub3A_2142, %div3A_2115 : vector<16xi1>, vector<16xi32>
      %add3A_2144 = arith.addi %mul3A_2111, %select_n3A_2143 : vector<16xi32>
      %swap3A_2145 = arith.index_cast %add3A_2095 : i32 to index
      %swap3A_2146 = arith.constant 0 : index
      %swap3A_2147 = tpu.vector_load %arg9[%swap3A_2145, %swap3A_2146] {strides = array<i32>} : memref<125x80xi32, #tpu.memory_space<vmem>>, vector<16xi32>,
      tpu.vector_store %arg9[%swap3A_2145, %swap3A_2146], %add3A_2144 {strides = array<i32>} : memref<125x80xi32, #tpu.memory_space<vmem>>, vector<16xi32>,
      %mul3A_2148 = arith.constant 80 : i32
      %mul3A_2149 = arith.muli %add3A_2095, %mul3A_2148 : i32
      %add3A_2150 = arith.constant 16 : i32
      %add3A_2151 = arith.addi %mul3A_2149, %add3A_2150 : i32
      %get3A_2152 = arith.index_cast %add3A_2151 : i32 to index
      %get3A_2153 = tpu.vector_load %arg7[%get3A_2152] {strides = array<i32>} : memref<10000xi32, #tpu.memory_space<vmem>>, vector<16xi32>,
      %get3A_2154 = arith.index_cast %add3A_2151 : i32 to index
      %get3A_2155 = tpu.vector_load %arg8[%get3A_2154] {strides = array<i32>} : memref<10000xi32, #tpu.memory_space<vmem>>, vector<16xi32>,
      %gather3A_2156 = tpu.vector_load_idx %arg6[%get3A_2153] : memref<10000xi32, #tpu.memory_space<vmem>>[vector<16xi32>], vector<16xi32>,
      %gather3A_2157 = tpu.vector_load_idx %arg6[%get3A_2155] : memref<10000xi32, #tpu.memory_space<vmem>>[vector<16xi32>], vector<16xi32>,
      %sub3A_2158 = arith.subi %gather3A_2156, %gather3A_2157 : vector<16xi32>
      %abs3A_2159 = math.absi %sub3A_2158 : vector<16xi32>
      %sub3A_2160 = arith.constant 1 : i32
      %sub3A_2161 = vector.broadcast %sub3A_2160 : i32 to vector<16xi32>
      %sub3A_2162 = arith.subi %abs3A_2159, %sub3A_2161 : vector<16xi32>
      %mul3A_2163 = arith.muli %gather3A_2156, %gather3A_2157 : vector<16xi32>
      %mul3A_2164 = arith.muli %sub3A_2162, %sub3A_2162 : vector<16xi32>
      %jit3A_2165 = arith.constant 4 : i32
      %div3A_2166 = vector.broadcast %jit3A_2165 : i32 to vector<16xi32>
      %div3A_2167 = arith.divsi %mul3A_2164, %div3A_2166 : vector<16xi32>
      %sign3A_2168 = arith.constant 0 : i32
      %sign3A_2169 = vector.broadcast %sign3A_2168 : i32 to vector<16xi32>
      %sign3A_2170 = arith.cmpi sgt, %mul3A_2164, %sign3A_2169 : vector<16xi32>
      %sign3A_2171 = arith.extui %sign3A_2170 : vector<16xi1> to vector<16xi32>
      %sign3A_2172 = arith.constant 0 : i32
      %sign3A_2173 = vector.broadcast %sign3A_2172 : i32 to vector<16xi32>
      %sign3A_2174 = arith.cmpi slt, %mul3A_2164, %sign3A_2173 : vector<16xi32>
      %sign3A_2175 = arith.extui %sign3A_2174 : vector<16xi1> to vector<16xi32>
      %sign3A_2176 = arith.subi %sign3A_2171, %sign3A_2175 : vector<16xi32>
      %sign3A_2177 = arith.constant 0 : i32
      %sign3A_2178 = arith.cmpi sgt, %jit3A_2165, %sign3A_2177 : i32
      %sign3A_2179 = arith.extui %sign3A_2178 : i1 to i32
      %sign3A_2180 = arith.constant 0 : i32
      %sign3A_2181 = arith.cmpi slt, %jit3A_2165, %sign3A_2180 : i32
      %sign3A_2182 = arith.extui %sign3A_2181 : i1 to i32
      %sign3A_2183 = arith.subi %sign3A_2179, %sign3A_2182 : i32
      %ne3A_2184 = vector.broadcast %sign3A_2183 : i32 to vector<16xi32>
      %ne3A_2185 = arith.cmpi ne, %sign3A_2176, %ne3A_2184 : vector<16xi32>
      %rem3A_2186 = vector.broadcast %jit3A_2165 : i32 to vector<16xi32>
      %rem3A_2187 = arith.remsi %mul3A_2164, %rem3A_2186 : vector<16xi32>
      %ne3A_2188 = arith.constant 0 : i32
      %ne3A_2189 = vector.broadcast %ne3A_2188 : i32 to vector<16xi32>
      %ne3A_2190 = arith.cmpi ne, %rem3A_2187, %ne3A_2189 : vector<16xi32>
      %and3A_2191 = arith.andi %ne3A_2185, %ne3A_2190 : vector<16xi1>
      %sub3A_2192 = arith.constant 1 : i32
      %sub3A_2193 = vector.broadcast %sub3A_2192 : i32 to vector<16xi32>
      %sub3A_2194 = arith.subi %div3A_2167, %sub3A_2193 : vector<16xi32>
      %select_n3A_2195 = arith.select %and3A_2191, %sub3A_2194, %div3A_2167 : vector<16xi1>, vector<16xi32>
      %add3A_2196 = arith.addi %mul3A_2163, %select_n3A_2195 : vector<16xi32>
      %swap3A_2197 = arith.index_cast %add3A_2095 : i32 to index
      %swap3A_2198 = arith.constant 16 : index
      %swap3A_2199 = tpu.vector_load %arg9[%swap3A_2197, %swap3A_2198] {strides = array<i32>} : memref<125x80xi32, #tpu.memory_space<vmem>>, vector<16xi32>,
      tpu.vector_store %arg9[%swap3A_2197, %swap3A_2198], %add3A_2196 {strides = array<i32>} : memref<125x80xi32, #tpu.memory_space<vmem>>, vector<16xi32>,
      %mul3A_2200 = arith.constant 80 : i32
      %mul3A_2201 = arith.muli %add3A_2095, %mul3A_2200 : i32
      %add3A_2202 = arith.constant 32 : i32
      %add3A_2203 = arith.addi %mul3A_2201, %add3A_2202 : i32
      %get3A_2204 = arith.index_cast %add3A_2203 : i32 to index
      %get3A_2205 = tpu.vector_load %arg7[%get3A_2204] {strides = array<i32>} : memref<10000xi32, #tpu.memory_space<vmem>>, vector<16xi32>,
      %get3A_2206 = arith.index_cast %add3A_2203 : i32 to index
      %get3A_2207 = tpu.vector_load %arg8[%get3A_2206] {strides = array<i32>} : memref<10000xi32, #tpu.memory_space<vmem>>, vector<16xi32>,
      %gather3A_2208 = tpu.vector_load_idx %arg6[%get3A_2205] : memref<10000xi32, #tpu.memory_space<vmem>>[vector<16xi32>], vector<16xi32>,
      %gather3A_2209 = tpu.vector_load_idx %arg6[%get3A_2207] : memref<10000xi32, #tpu.memory_space<vmem>>[vector<16xi32>], vector<16xi32>,
      %sub3A_2210 = arith.subi %gather3A_2208, %gather3A_2209 : vector<16xi32>
      %abs3A_2211 = math.absi %sub3A_2210 : vector<16xi32>
      %sub3A_2212 = arith.constant 1 : i32
      %sub3A_2213 = vector.broadcast %sub3A_2212 : i32 to vector<16xi32>
      %sub3A_2214 = arith.subi %abs3A_2211, %sub3A_2213 : vector<16xi32>
      %mul3A_2215 = arith.muli %gather3A_2208, %gather3A_2209 : vector<16xi32>
      %mul3A_2216 = arith.muli %sub3A_2214, %sub3A_2214 : vector<16xi32>
      %jit3A_2217 = arith.constant 4 : i32
      %div3A_2218 = vector.broadcast %jit3A_2217 : i32 to vector<16xi32>
      %div3A_2219 = arith.divsi %mul3A_2216, %div3A_2218 : vector<16xi32>
      %sign3A_2220 = arith.constant 0 : i32
      %sign3A_2221 = vector.broadcast %sign3A_2220 : i32 to vector<16xi32>
      %sign3A_2222 = arith.cmpi sgt, %mul3A_2216, %sign3A_2221 : vector<16xi32>
      %sign3A_2223 = arith.extui %sign3A_2222 : vector<16xi1> to vector<16xi32>
      %sign3A_2224 = arith.constant 0 : i32
      %sign3A_2225 = vector.broadcast %sign3A_2224 : i32 to vector<16xi32>
      %sign3A_2226 = arith.cmpi slt, %mul3A_2216, %sign3A_2225 : vector<16xi32>
      %sign3A_2227 = arith.extui %sign3A_2226 : vector<16xi1> to vector<16xi32>
      %sign3A_2228 = arith.subi %sign3A_2223, %sign3A_2227 : vector<16xi32>
      %sign3A_2229 = arith.constant 0 : i32
      %sign3A_2230 = arith.cmpi sgt, %jit3A_2217, %sign3A_2229 : i32
      %sign3A_2231 = arith.extui %sign3A_2230 : i1 to i32
      %sign3A_2232 = arith.constant 0 : i32
      %sign3A_2233 = arith.cmpi slt, %jit3A_2217, %sign3A_2232 : i32
      %sign3A_2234 = arith.extui %sign3A_2233 : i1 to i32
      %sign3A_2235 = arith.subi %sign3A_2231, %sign3A_2234 : i32
      %ne3A_2236 = vector.broadcast %sign3A_2235 : i32 to vector<16xi32>
      %ne3A_2237 = arith.cmpi ne, %sign3A_2228, %ne3A_2236 : vector<16xi32>
      %rem3A_2238 = vector.broadcast %jit3A_2217 : i32 to vector<16xi32>
      %rem3A_2239 = arith.remsi %mul3A_2216, %rem3A_2238 : vector<16xi32>
      %ne3A_2240 = arith.constant 0 : i32
      %ne3A_2241 = vector.broadcast %ne3A_2240 : i32 to vector<16xi32>
      %ne3A_2242 = arith.cmpi ne, %rem3A_2239, %ne3A_2241 : vector<16xi32>
      %and3A_2243 = arith.andi %ne3A_2237, %ne3A_2242 : vector<16xi1>
      %sub3A_2244 = arith.constant 1 : i32
      %sub3A_2245 = vector.broadcast %sub3A_2244 : i32 to vector<16xi32>
      %sub3A_2246 = arith.subi %div3A_2219, %sub3A_2245 : vector<16xi32>
      %select_n3A_2247 = arith.select %and3A_2243, %sub3A_2246, %div3A_2219 : vector<16xi1>, vector<16xi32>
      %add3A_2248 = arith.addi %mul3A_2215, %select_n3A_2247 : vector<16xi32>
      %swap3A_2249 = arith.index_cast %add3A_2095 : i32 to index
      %swap3A_2250 = arith.constant 32 : index
      %swap3A_2251 = tpu.vector_load %arg9[%swap3A_2249, %swap3A_2250] {strides = array<i32>} : memref<125x80xi32, #tpu.memory_space<vmem>>, vector<16xi32>,
      tpu.vector_store %arg9[%swap3A_2249, %swap3A_2250], %add3A_2248 {strides = array<i32>} : memref<125x80xi32, #tpu.memory_space<vmem>>, vector<16xi32>,
      %mul3A_2252 = arith.constant 80 : i32
      %mul3A_2253 = arith.muli %add3A_2095, %mul3A_2252 : i32
      %add3A_2254 = arith.constant 48 : i32
      %add3A_2255 = arith.addi %mul3A_2253, %add3A_2254 : i32
      %get3A_2256 = arith.index_cast %add3A_2255 : i32 to index
      %get3A_2257 = tpu.vector_load %arg7[%get3A_2256] {strides = array<i32>} : memref<10000xi32, #tpu.memory_space<vmem>>, vector<16xi32>,
      %get3A_2258 = arith.index_cast %add3A_2255 : i32 to index
      %get3A_2259 = tpu.vector_load %arg8[%get3A_2258] {strides = array<i32>} : memref<10000xi32, #tpu.memory_space<vmem>>, vector<16xi32>,
      %gather3A_2260 = tpu.vector_load_idx %arg6[%get3A_2257] : memref<10000xi32, #tpu.memory_space<vmem>>[vector<16xi32>], vector<16xi32>,
      %gather3A_2261 = tpu.vector_load_idx %arg6[%get3A_2259] : memref<10000xi32, #tpu.memory_space<vmem>>[vector<16xi32>], vector<16xi32>,
      %sub3A_2262 = arith.subi %gather3A_2260, %gather3A_2261 : vector<16xi32>
      %abs3A_2263 = math.absi %sub3A_2262 : vector<16xi32>
      %sub3A_2264 = arith.constant 1 : i32
      %sub3A_2265 = vector.broadcast %sub3A_2264 : i32 to vector<16xi32>
      %sub3A_2266 = arith.subi %abs3A_2263, %sub3A_2265 : vector<16xi32>
      %mul3A_2267 = arith.muli %gather3A_2260, %gather3A_2261 : vector<16xi32>
      %mul3A_2268 = arith.muli %sub3A_2266, %sub3A_2266 : vector<16xi32>
      %jit3A_2269 = arith.constant 4 : i32
      %div3A_2270 = vector.broadcast %jit3A_2269 : i32 to vector<16xi32>
      %div3A_2271 = arith.divsi %mul3A_2268, %div3A_2270 : vector<16xi32>
      %sign3A_2272 = arith.constant 0 : i32
      %sign3A_2273 = vector.broadcast %sign3A_2272 : i32 to vector<16xi32>
      %sign3A_2274 = arith.cmpi sgt, %mul3A_2268, %sign3A_2273 : vector<16xi32>
      %sign3A_2275 = arith.extui %sign3A_2274 : vector<16xi1> to vector<16xi32>
      %sign3A_2276 = arith.constant 0 : i32
      %sign3A_2277 = vector.broadcast %sign3A_2276 : i32 to vector<16xi32>
      %sign3A_2278 = arith.cmpi slt, %mul3A_2268, %sign3A_2277 : vector<16xi32>
      %sign3A_2279 = arith.extui %sign3A_2278 : vector<16xi1> to vector<16xi32>
      %sign3A_2280 = arith.subi %sign3A_2275, %sign3A_2279 : vector<16xi32>
      %sign3A_2281 = arith.constant 0 : i32
      %sign3A_2282 = arith.cmpi sgt, %jit3A_2269, %sign3A_2281 : i32
      %sign3A_2283 = arith.extui %sign3A_2282 : i1 to i32
      %sign3A_2284 = arith.constant 0 : i32
      %sign3A_2285 = arith.cmpi slt, %jit3A_2269, %sign3A_2284 : i32
      %sign3A_2286 = arith.extui %sign3A_2285 : i1 to i32
      %sign3A_2287 = arith.subi %sign3A_2283, %sign3A_2286 : i32
      %ne3A_2288 = vector.broadcast %sign3A_2287 : i32 to vector<16xi32>
      %ne3A_2289 = arith.cmpi ne, %sign3A_2280, %ne3A_2288 : vector<16xi32>
      %rem3A_2290 = vector.broadcast %jit3A_2269 : i32 to vector<16xi32>
      %rem3A_2291 = arith.remsi %mul3A_2268, %rem3A_2290 : vector<16xi32>
      %ne3A_2292 = arith.constant 0 : i32
      %ne3A_2293 = vector.broadcast %ne3A_2292 : i32 to vector<16xi32>
      %ne3A_2294 = arith.cmpi ne, %rem3A_2291, %ne3A_2293 : vector<16xi32>
      %and3A_2295 = arith.andi %ne3A_2289, %ne3A_2294 : vector<16xi1>
      %sub3A_2296 = arith.constant 1 : i32
      %sub3A_2297 = vector.broadcast %sub3A_2296 : i32 to vector<16xi32>
      %sub3A_2298 = arith.subi %div3A_2271, %sub3A_2297 : vector<16xi32>
      %select_n3A_2299 = arith.select %and3A_2295, %sub3A_2298, %div3A_2271 : vector<16xi1>, vector<16xi32>
      %add3A_2300 = arith.addi %mul3A_2267, %select_n3A_2299 : vector<16xi32>
      %swap3A_2301 = arith.index_cast %add3A_2095 : i32 to index
      %swap3A_2302 = arith.constant 48 : index
      %swap3A_2303 = tpu.vector_load %arg9[%swap3A_2301, %swap3A_2302] {strides = array<i32>} : memref<125x80xi32, #tpu.memory_space<vmem>>, vector<16xi32>,
      tpu.vector_store %arg9[%swap3A_2301, %swap3A_2302], %add3A_2300 {strides = array<i32>} : memref<125x80xi32, #tpu.memory_space<vmem>>, vector<16xi32>,
      %mul3A_2304 = arith.constant 80 : i32
      %mul3A_2305 = arith.muli %add3A_2095, %mul3A_2304 : i32
      %add3A_2306 = arith.constant 64 : i32
      %add3A_2307 = arith.addi %mul3A_2305, %add3A_2306 : i32
      %get3A_2308 = arith.index_cast %add3A_2307 : i32 to index
      %get3A_2309 = tpu.vector_load %arg7[%get3A_2308] {strides = array<i32>} : memref<10000xi32, #tpu.memory_space<vmem>>, vector<16xi32>,
      %get3A_2310 = arith.index_cast %add3A_2307 : i32 to index
      %get3A_2311 = tpu.vector_load %arg8[%get3A_2310] {strides = array<i32>} : memref<10000xi32, #tpu.memory_space<vmem>>, vector<16xi32>,
      %gather3A_2312 = tpu.vector_load_idx %arg6[%get3A_2309] : memref<10000xi32, #tpu.memory_space<vmem>>[vector<16xi32>], vector<16xi32>,
      %gather3A_2313 = tpu.vector_load_idx %arg6[%get3A_2311] : memref<10000xi32, #tpu.memory_space<vmem>>[vector<16xi32>], vector<16xi32>,
      %sub3A_2314 = arith.subi %gather3A_2312, %gather3A_2313 : vector<16xi32>
      %abs3A_2315 = math.absi %sub3A_2314 : vector<16xi32>
      %sub3A_2316 = arith.constant 1 : i32
      %sub3A_2317 = vector.broadcast %sub3A_2316 : i32 to vector<16xi32>
      %sub3A_2318 = arith.subi %abs3A_2315, %sub3A_2317 : vector<16xi32>
      %mul3A_2319 = arith.muli %gather3A_2312, %gather3A_2313 : vector<16xi32>
      %mul3A_2320 = arith.muli %sub3A_2318, %sub3A_2318 : vector<16xi32>
      %jit3A_2321 = arith.constant 4 : i32
      %div3A_2322 = vector.broadcast %jit3A_2321 : i32 to vector<16xi32>
      %div3A_2323 = arith.divsi %mul3A_2320, %div3A_2322 : vector<16xi32>
      %sign3A_2324 = arith.constant 0 : i32
      %sign3A_2325 = vector.broadcast %sign3A_2324 : i32 to vector<16xi32>
      %sign3A_2326 = arith.cmpi sgt, %mul3A_2320, %sign3A_2325 : vector<16xi32>
      %sign3A_2327 = arith.extui %sign3A_2326 : vector<16xi1> to vector<16xi32>
      %sign3A_2328 = arith.constant 0 : i32
      %sign3A_2329 = vector.broadcast %sign3A_2328 : i32 to vector<16xi32>
      %sign3A_2330 = arith.cmpi slt, %mul3A_2320, %sign3A_2329 : vector<16xi32>
      %sign3A_2331 = arith.extui %sign3A_2330 : vector<16xi1> to vector<16xi32>
      %sign3A_2332 = arith.subi %sign3A_2327, %sign3A_2331 : vector<16xi32>
      %sign3A_2333 = arith.constant 0 : i32
      %sign3A_2334 = arith.cmpi sgt, %jit3A_2321, %sign3A_2333 : i32
      %sign3A_2335 = arith.extui %sign3A_2334 : i1 to i32
      %sign3A_2336 = arith.constant 0 : i32
      %sign3A_2337 = arith.cmpi slt, %jit3A_2321, %sign3A_2336 : i32
      %sign3A_2338 = arith.extui %sign3A_2337 : i1 to i32
      %sign3A_2339 = arith.subi %sign3A_2335, %sign3A_2338 : i32
      %ne3A_2340 = vector.broadcast %sign3A_2339 : i32 to vector<16xi32>
      %ne3A_2341 = arith.cmpi ne, %sign3A_2332, %ne3A_2340 : vector<16xi32>
      %rem3A_2342 = vector.broadcast %jit3A_2321 : i32 to vector<16xi32>
      %rem3A_2343 = arith.remsi %mul3A_2320, %rem3A_2342 : vector<16xi32>
      %ne3A_2344 = arith.constant 0 : i32
      %ne3A_2345 = vector.broadcast %ne3A_2344 : i32 to vector<16xi32>
      %ne3A_2346 = arith.cmpi ne, %rem3A_2343, %ne3A_2345 : vector<16xi32>
      %and3A_2347 = arith.andi %ne3A_2341, %ne3A_2346 : vector<16xi1>
      %sub3A_2348 = arith.constant 1 : i32
      %sub3A_2349 = vector.broadcast %sub3A_2348 : i32 to vector<16xi32>
      %sub3A_2350 = arith.subi %div3A_2323, %sub3A_2349 : vector<16xi32>
      %select_n3A_2351 = arith.select %and3A_2347, %sub3A_2350, %div3A_2323 : vector<16xi1>, vector<16xi32>
      %add3A_2352 = arith.addi %mul3A_2319, %select_n3A_2351 : vector<16xi32>
      %swap3A_2353 = arith.index_cast %add3A_2095 : i32 to index
      %swap3A_2354 = arith.constant 64 : index
      %swap3A_2355 = tpu.vector_load %arg9[%swap3A_2353, %swap3A_2354] {strides = array<i32>} : memref<125x80xi32, #tpu.memory_space<vmem>>, vector<16xi32>,
      tpu.vector_store %arg9[%swap3A_2353, %swap3A_2354], %add3A_2352 {strides = array<i32>} : memref<125x80xi32, #tpu.memory_space<vmem>>, vector<16xi32>,
      %add3A_2356 = arith.constant 5 : i32
      %add3A_2357 = arith.addi %mul3A_1563, %add3A_2356 : i32
      %add3A_2358 = arith.constant 3 : i32
      %add3A_2359 = arith.addi %add3A_2357, %add3A_2358 : i32
      %mul3A_2360 = arith.constant 80 : i32
      %mul3A_2361 = arith.muli %add3A_2359, %mul3A_2360 : i32
      %add3A_2362 = arith.constant 0 : i32
      %add3A_2363 = arith.addi %mul3A_2361, %add3A_2362 : i32
      %get3A_2364 = arith.index_cast %add3A_2363 : i32 to index
      %get3A_2365 = tpu.vector_load %arg7[%get3A_2364] {strides = array<i32>} : memref<10000xi32, #tpu.memory_space<vmem>>, vector<16xi32>,
      %get3A_2366 = arith.index_cast %add3A_2363 : i32 to index
      %get3A_2367 = tpu.vector_load %arg8[%get3A_2366] {strides = array<i32>} : memref<10000xi32, #tpu.memory_space<vmem>>, vector<16xi32>,
      %gather3A_2368 = tpu.vector_load_idx %arg6[%get3A_2365] : memref<10000xi32, #tpu.memory_space<vmem>>[vector<16xi32>], vector<16xi32>,
      %gather3A_2369 = tpu.vector_load_idx %arg6[%get3A_2367] : memref<10000xi32, #tpu.memory_space<vmem>>[vector<16xi32>], vector<16xi32>,
      %sub3A_2370 = arith.subi %gather3A_2368, %gather3A_2369 : vector<16xi32>
      %abs3A_2371 = math.absi %sub3A_2370 : vector<16xi32>
      %sub3A_2372 = arith.constant 1 : i32
      %sub3A_2373 = vector.broadcast %sub3A_2372 : i32 to vector<16xi32>
      %sub3A_2374 = arith.subi %abs3A_2371, %sub3A_2373 : vector<16xi32>
      %mul3A_2375 = arith.muli %gather3A_2368, %gather3A_2369 : vector<16xi32>
      %mul3A_2376 = arith.muli %sub3A_2374, %sub3A_2374 : vector<16xi32>
      %jit3A_2377 = arith.constant 4 : i32
      %div3A_2378 = vector.broadcast %jit3A_2377 : i32 to vector<16xi32>
      %div3A_2379 = arith.divsi %mul3A_2376, %div3A_2378 : vector<16xi32>
      %sign3A_2380 = arith.constant 0 : i32
      %sign3A_2381 = vector.broadcast %sign3A_2380 : i32 to vector<16xi32>
      %sign3A_2382 = arith.cmpi sgt, %mul3A_2376, %sign3A_2381 : vector<16xi32>
      %sign3A_2383 = arith.extui %sign3A_2382 : vector<16xi1> to vector<16xi32>
      %sign3A_2384 = arith.constant 0 : i32
      %sign3A_2385 = vector.broadcast %sign3A_2384 : i32 to vector<16xi32>
      %sign3A_2386 = arith.cmpi slt, %mul3A_2376, %sign3A_2385 : vector<16xi32>
      %sign3A_2387 = arith.extui %sign3A_2386 : vector<16xi1> to vector<16xi32>
      %sign3A_2388 = arith.subi %sign3A_2383, %sign3A_2387 : vector<16xi32>
      %sign3A_2389 = arith.constant 0 : i32
      %sign3A_2390 = arith.cmpi sgt, %jit3A_2377, %sign3A_2389 : i32
      %sign3A_2391 = arith.extui %sign3A_2390 : i1 to i32
      %sign3A_2392 = arith.constant 0 : i32
      %sign3A_2393 = arith.cmpi slt, %jit3A_2377, %sign3A_2392 : i32
      %sign3A_2394 = arith.extui %sign3A_2393 : i1 to i32
      %sign3A_2395 = arith.subi %sign3A_2391, %sign3A_2394 : i32
      %ne3A_2396 = vector.broadcast %sign3A_2395 : i32 to vector<16xi32>
      %ne3A_2397 = arith.cmpi ne, %sign3A_2388, %ne3A_2396 : vector<16xi32>
      %rem3A_2398 = vector.broadcast %jit3A_2377 : i32 to vector<16xi32>
      %rem3A_2399 = arith.remsi %mul3A_2376, %rem3A_2398 : vector<16xi32>
      %ne3A_2400 = arith.constant 0 : i32
      %ne3A_2401 = vector.broadcast %ne3A_2400 : i32 to vector<16xi32>
      %ne3A_2402 = arith.cmpi ne, %rem3A_2399, %ne3A_2401 : vector<16xi32>
      %and3A_2403 = arith.andi %ne3A_2397, %ne3A_2402 : vector<16xi1>
      %sub3A_2404 = arith.constant 1 : i32
      %sub3A_2405 = vector.broadcast %sub3A_2404 : i32 to vector<16xi32>
      %sub3A_2406 = arith.subi %div3A_2379, %sub3A_2405 : vector<16xi32>
      %select_n3A_2407 = arith.select %and3A_2403, %sub3A_2406, %div3A_2379 : vector<16xi1>, vector<16xi32>
      %add3A_2408 = arith.addi %mul3A_2375, %select_n3A_2407 : vector<16xi32>
      %swap3A_2409 = arith.index_cast %add3A_2359 : i32 to index
      %swap3A_2410 = arith.constant 0 : index
      %swap3A_2411 = tpu.vector_load %arg9[%swap3A_2409, %swap3A_2410] {strides = array<i32>} : memref<125x80xi32, #tpu.memory_space<vmem>>, vector<16xi32>,
      tpu.vector_store %arg9[%swap3A_2409, %swap3A_2410], %add3A_2408 {strides = array<i32>} : memref<125x80xi32, #tpu.memory_space<vmem>>, vector<16xi32>,
      %mul3A_2412 = arith.constant 80 : i32
      %mul3A_2413 = arith.muli %add3A_2359, %mul3A_2412 : i32
      %add3A_2414 = arith.constant 16 : i32
      %add3A_2415 = arith.addi %mul3A_2413, %add3A_2414 : i32
      %get3A_2416 = arith.index_cast %add3A_2415 : i32 to index
      %get3A_2417 = tpu.vector_load %arg7[%get3A_2416] {strides = array<i32>} : memref<10000xi32, #tpu.memory_space<vmem>>, vector<16xi32>,
      %get3A_2418 = arith.index_cast %add3A_2415 : i32 to index
      %get3A_2419 = tpu.vector_load %arg8[%get3A_2418] {strides = array<i32>} : memref<10000xi32, #tpu.memory_space<vmem>>, vector<16xi32>,
      %gather3A_2420 = tpu.vector_load_idx %arg6[%get3A_2417] : memref<10000xi32, #tpu.memory_space<vmem>>[vector<16xi32>], vector<16xi32>,
      %gather3A_2421 = tpu.vector_load_idx %arg6[%get3A_2419] : memref<10000xi32, #tpu.memory_space<vmem>>[vector<16xi32>], vector<16xi32>,
      %sub3A_2422 = arith.subi %gather3A_2420, %gather3A_2421 : vector<16xi32>
      %abs3A_2423 = math.absi %sub3A_2422 : vector<16xi32>
      %sub3A_2424 = arith.constant 1 : i32
      %sub3A_2425 = vector.broadcast %sub3A_2424 : i32 to vector<16xi32>
      %sub3A_2426 = arith.subi %abs3A_2423, %sub3A_2425 : vector<16xi32>
      %mul3A_2427 = arith.muli %gather3A_2420, %gather3A_2421 : vector<16xi32>
      %mul3A_2428 = arith.muli %sub3A_2426, %sub3A_2426 : vector<16xi32>
      %jit3A_2429 = arith.constant 4 : i32
      %div3A_2430 = vector.broadcast %jit3A_2429 : i32 to vector<16xi32>
      %div3A_2431 = arith.divsi %mul3A_2428, %div3A_2430 : vector<16xi32>
      %sign3A_2432 = arith.constant 0 : i32
      %sign3A_2433 = vector.broadcast %sign3A_2432 : i32 to vector<16xi32>
      %sign3A_2434 = arith.cmpi sgt, %mul3A_2428, %sign3A_2433 : vector<16xi32>
      %sign3A_2435 = arith.extui %sign3A_2434 : vector<16xi1> to vector<16xi32>
      %sign3A_2436 = arith.constant 0 : i32
      %sign3A_2437 = vector.broadcast %sign3A_2436 : i32 to vector<16xi32>
      %sign3A_2438 = arith.cmpi slt, %mul3A_2428, %sign3A_2437 : vector<16xi32>
      %sign3A_2439 = arith.extui %sign3A_2438 : vector<16xi1> to vector<16xi32>
      %sign3A_2440 = arith.subi %sign3A_2435, %sign3A_2439 : vector<16xi32>
      %sign3A_2441 = arith.constant 0 : i32
      %sign3A_2442 = arith.cmpi sgt, %jit3A_2429, %sign3A_2441 : i32
      %sign3A_2443 = arith.extui %sign3A_2442 : i1 to i32
      %sign3A_2444 = arith.constant 0 : i32
      %sign3A_2445 = arith.cmpi slt, %jit3A_2429, %sign3A_2444 : i32
      %sign3A_2446 = arith.extui %sign3A_2445 : i1 to i32
      %sign3A_2447 = arith.subi %sign3A_2443, %sign3A_2446 : i32
      %ne3A_2448 = vector.broadcast %sign3A_2447 : i32 to vector<16xi32>
      %ne3A_2449 = arith.cmpi ne, %sign3A_2440, %ne3A_2448 : vector<16xi32>
      %rem3A_2450 = vector.broadcast %jit3A_2429 : i32 to vector<16xi32>
      %rem3A_2451 = arith.remsi %mul3A_2428, %rem3A_2450 : vector<16xi32>
      %ne3A_2452 = arith.constant 0 : i32
      %ne3A_2453 = vector.broadcast %ne3A_2452 : i32 to vector<16xi32>
      %ne3A_2454 = arith.cmpi ne, %rem3A_2451, %ne3A_2453 : vector<16xi32>
      %and3A_2455 = arith.andi %ne3A_2449, %ne3A_2454 : vector<16xi1>
      %sub3A_2456 = arith.constant 1 : i32
      %sub3A_2457 = vector.broadcast %sub3A_2456 : i32 to vector<16xi32>
      %sub3A_2458 = arith.subi %div3A_2431, %sub3A_2457 : vector<16xi32>
      %select_n3A_2459 = arith.select %and3A_2455, %sub3A_2458, %div3A_2431 : vector<16xi1>, vector<16xi32>
      %add3A_2460 = arith.addi %mul3A_2427, %select_n3A_2459 : vector<16xi32>
      %swap3A_2461 = arith.index_cast %add3A_2359 : i32 to index
      %swap3A_2462 = arith.constant 16 : index
      %swap3A_2463 = tpu.vector_load %arg9[%swap3A_2461, %swap3A_2462] {strides = array<i32>} : memref<125x80xi32, #tpu.memory_space<vmem>>, vector<16xi32>,
      tpu.vector_store %arg9[%swap3A_2461, %swap3A_2462], %add3A_2460 {strides = array<i32>} : memref<125x80xi32, #tpu.memory_space<vmem>>, vector<16xi32>,
      %mul3A_2464 = arith.constant 80 : i32
      %mul3A_2465 = arith.muli %add3A_2359, %mul3A_2464 : i32
      %add3A_2466 = arith.constant 32 : i32
      %add3A_2467 = arith.addi %mul3A_2465, %add3A_2466 : i32
      %get3A_2468 = arith.index_cast %add3A_2467 : i32 to index
      %get3A_2469 = tpu.vector_load %arg7[%get3A_2468] {strides = array<i32>} : memref<10000xi32, #tpu.memory_space<vmem>>, vector<16xi32>,
      %get3A_2470 = arith.index_cast %add3A_2467 : i32 to index
      %get3A_2471 = tpu.vector_load %arg8[%get3A_2470] {strides = array<i32>} : memref<10000xi32, #tpu.memory_space<vmem>>, vector<16xi32>,
      %gather3A_2472 = tpu.vector_load_idx %arg6[%get3A_2469] : memref<10000xi32, #tpu.memory_space<vmem>>[vector<16xi32>], vector<16xi32>,
      %gather3A_2473 = tpu.vector_load_idx %arg6[%get3A_2471] : memref<10000xi32, #tpu.memory_space<vmem>>[vector<16xi32>], vector<16xi32>,
      %sub3A_2474 = arith.subi %gather3A_2472, %gather3A_2473 : vector<16xi32>
      %abs3A_2475 = math.absi %sub3A_2474 : vector<16xi32>
      %sub3A_2476 = arith.constant 1 : i32
      %sub3A_2477 = vector.broadcast %sub3A_2476 : i32 to vector<16xi32>
      %sub3A_2478 = arith.subi %abs3A_2475, %sub3A_2477 : vector<16xi32>
      %mul3A_2479 = arith.muli %gather3A_2472, %gather3A_2473 : vector<16xi32>
      %mul3A_2480 = arith.muli %sub3A_2478, %sub3A_2478 : vector<16xi32>
      %jit3A_2481 = arith.constant 4 : i32
      %div3A_2482 = vector.broadcast %jit3A_2481 : i32 to vector<16xi32>
      %div3A_2483 = arith.divsi %mul3A_2480, %div3A_2482 : vector<16xi32>
      %sign3A_2484 = arith.constant 0 : i32
      %sign3A_2485 = vector.broadcast %sign3A_2484 : i32 to vector<16xi32>
      %sign3A_2486 = arith.cmpi sgt, %mul3A_2480, %sign3A_2485 : vector<16xi32>
      %sign3A_2487 = arith.extui %sign3A_2486 : vector<16xi1> to vector<16xi32>
      %sign3A_2488 = arith.constant 0 : i32
      %sign3A_2489 = vector.broadcast %sign3A_2488 : i32 to vector<16xi32>
      %sign3A_2490 = arith.cmpi slt, %mul3A_2480, %sign3A_2489 : vector<16xi32>
      %sign3A_2491 = arith.extui %sign3A_2490 : vector<16xi1> to vector<16xi32>
      %sign3A_2492 = arith.subi %sign3A_2487, %sign3A_2491 : vector<16xi32>
      %sign3A_2493 = arith.constant 0 : i32
      %sign3A_2494 = arith.cmpi sgt, %jit3A_2481, %sign3A_2493 : i32
      %sign3A_2495 = arith.extui %sign3A_2494 : i1 to i32
      %sign3A_2496 = arith.constant 0 : i32
      %sign3A_2497 = arith.cmpi slt, %jit3A_2481, %sign3A_2496 : i32
      %sign3A_2498 = arith.extui %sign3A_2497 : i1 to i32
      %sign3A_2499 = arith.subi %sign3A_2495, %sign3A_2498 : i32
      %ne3A_2500 = vector.broadcast %sign3A_2499 : i32 to vector<16xi32>
      %ne3A_2501 = arith.cmpi ne, %sign3A_2492, %ne3A_2500 : vector<16xi32>
      %rem3A_2502 = vector.broadcast %jit3A_2481 : i32 to vector<16xi32>
      %rem3A_2503 = arith.remsi %mul3A_2480, %rem3A_2502 : vector<16xi32>
      %ne3A_2504 = arith.constant 0 : i32
      %ne3A_2505 = vector.broadcast %ne3A_2504 : i32 to vector<16xi32>
      %ne3A_2506 = arith.cmpi ne, %rem3A_2503, %ne3A_2505 : vector<16xi32>
      %and3A_2507 = arith.andi %ne3A_2501, %ne3A_2506 : vector<16xi1>
      %sub3A_2508 = arith.constant 1 : i32
      %sub3A_2509 = vector.broadcast %sub3A_2508 : i32 to vector<16xi32>
      %sub3A_2510 = arith.subi %div3A_2483, %sub3A_2509 : vector<16xi32>
      %select_n3A_2511 = arith.select %and3A_2507, %sub3A_2510, %div3A_2483 : vector<16xi1>, vector<16xi32>
      %add3A_2512 = arith.addi %mul3A_2479, %select_n3A_2511 : vector<16xi32>
      %swap3A_2513 = arith.index_cast %add3A_2359 : i32 to index
      %swap3A_2514 = arith.constant 32 : index
      %swap3A_2515 = tpu.vector_load %arg9[%swap3A_2513, %swap3A_2514] {strides = array<i32>} : memref<125x80xi32, #tpu.memory_space<vmem>>, vector<16xi32>,
      tpu.vector_store %arg9[%swap3A_2513, %swap3A_2514], %add3A_2512 {strides = array<i32>} : memref<125x80xi32, #tpu.memory_space<vmem>>, vector<16xi32>,
      %mul3A_2516 = arith.constant 80 : i32
      %mul3A_2517 = arith.muli %add3A_2359, %mul3A_2516 : i32
      %add3A_2518 = arith.constant 48 : i32
      %add3A_2519 = arith.addi %mul3A_2517, %add3A_2518 : i32
      %get3A_2520 = arith.index_cast %add3A_2519 : i32 to index
      %get3A_2521 = tpu.vector_load %arg7[%get3A_2520] {strides = array<i32>} : memref<10000xi32, #tpu.memory_space<vmem>>, vector<16xi32>,
      %get3A_2522 = arith.index_cast %add3A_2519 : i32 to index
      %get3A_2523 = tpu.vector_load %arg8[%get3A_2522] {strides = array<i32>} : memref<10000xi32, #tpu.memory_space<vmem>>, vector<16xi32>,
      %gather3A_2524 = tpu.vector_load_idx %arg6[%get3A_2521] : memref<10000xi32, #tpu.memory_space<vmem>>[vector<16xi32>], vector<16xi32>,
      %gather3A_2525 = tpu.vector_load_idx %arg6[%get3A_2523] : memref<10000xi32, #tpu.memory_space<vmem>>[vector<16xi32>], vector<16xi32>,
      %sub3A_2526 = arith.subi %gather3A_2524, %gather3A_2525 : vector<16xi32>
      %abs3A_2527 = math.absi %sub3A_2526 : vector<16xi32>
      %sub3A_2528 = arith.constant 1 : i32
      %sub3A_2529 = vector.broadcast %sub3A_2528 : i32 to vector<16xi32>
      %sub3A_2530 = arith.subi %abs3A_2527, %sub3A_2529 : vector<16xi32>
      %mul3A_2531 = arith.muli %gather3A_2524, %gather3A_2525 : vector<16xi32>
      %mul3A_2532 = arith.muli %sub3A_2530, %sub3A_2530 : vector<16xi32>
      %jit3A_2533 = arith.constant 4 : i32
      %div3A_2534 = vector.broadcast %jit3A_2533 : i32 to vector<16xi32>
      %div3A_2535 = arith.divsi %mul3A_2532, %div3A_2534 : vector<16xi32>
      %sign3A_2536 = arith.constant 0 : i32
      %sign3A_2537 = vector.broadcast %sign3A_2536 : i32 to vector<16xi32>
      %sign3A_2538 = arith.cmpi sgt, %mul3A_2532, %sign3A_2537 : vector<16xi32>
      %sign3A_2539 = arith.extui %sign3A_2538 : vector<16xi1> to vector<16xi32>
      %sign3A_2540 = arith.constant 0 : i32
      %sign3A_2541 = vector.broadcast %sign3A_2540 : i32 to vector<16xi32>
      %sign3A_2542 = arith.cmpi slt, %mul3A_2532, %sign3A_2541 : vector<16xi32>
      %sign3A_2543 = arith.extui %sign3A_2542 : vector<16xi1> to vector<16xi32>
      %sign3A_2544 = arith.subi %sign3A_2539, %sign3A_2543 : vector<16xi32>
      %sign3A_2545 = arith.constant 0 : i32
      %sign3A_2546 = arith.cmpi sgt, %jit3A_2533, %sign3A_2545 : i32
      %sign3A_2547 = arith.extui %sign3A_2546 : i1 to i32
      %sign3A_2548 = arith.constant 0 : i32
      %sign3A_2549 = arith.cmpi slt, %jit3A_2533, %sign3A_2548 : i32
      %sign3A_2550 = arith.extui %sign3A_2549 : i1 to i32
      %sign3A_2551 = arith.subi %sign3A_2547, %sign3A_2550 : i32
      %ne3A_2552 = vector.broadcast %sign3A_2551 : i32 to vector<16xi32>
      %ne3A_2553 = arith.cmpi ne, %sign3A_2544, %ne3A_2552 : vector<16xi32>
      %rem3A_2554 = vector.broadcast %jit3A_2533 : i32 to vector<16xi32>
      %rem3A_2555 = arith.remsi %mul3A_2532, %rem3A_2554 : vector<16xi32>
      %ne3A_2556 = arith.constant 0 : i32
      %ne3A_2557 = vector.broadcast %ne3A_2556 : i32 to vector<16xi32>
      %ne3A_2558 = arith.cmpi ne, %rem3A_2555, %ne3A_2557 : vector<16xi32>
      %and3A_2559 = arith.andi %ne3A_2553, %ne3A_2558 : vector<16xi1>
      %sub3A_2560 = arith.constant 1 : i32
      %sub3A_2561 = vector.broadcast %sub3A_2560 : i32 to vector<16xi32>
      %sub3A_2562 = arith.subi %div3A_2535, %sub3A_2561 : vector<16xi32>
      %select_n3A_2563 = arith.select %and3A_2559, %sub3A_2562, %div3A_2535 : vector<16xi1>, vector<16xi32>
      %add3A_2564 = arith.addi %mul3A_2531, %select_n3A_2563 : vector<16xi32>
      %swap3A_2565 = arith.index_cast %add3A_2359 : i32 to index
      %swap3A_2566 = arith.constant 48 : index
      %swap3A_2567 = tpu.vector_load %arg9[%swap3A_2565, %swap3A_2566] {strides = array<i32>} : memref<125x80xi32, #tpu.memory_space<vmem>>, vector<16xi32>,
      tpu.vector_store %arg9[%swap3A_2565, %swap3A_2566], %add3A_2564 {strides = array<i32>} : memref<125x80xi32, #tpu.memory_space<vmem>>, vector<16xi32>,
      %mul3A_2568 = arith.constant 80 : i32
      %mul3A_2569 = arith.muli %add3A_2359, %mul3A_2568 : i32
      %add3A_2570 = arith.constant 64 : i32
      %add3A_2571 = arith.addi %mul3A_2569, %add3A_2570 : i32
      %get3A_2572 = arith.index_cast %add3A_2571 : i32 to index
      %get3A_2573 = tpu.vector_load %arg7[%get3A_2572] {strides = array<i32>} : memref<10000xi32, #tpu.memory_space<vmem>>, vector<16xi32>,
      %get3A_2574 = arith.index_cast %add3A_2571 : i32 to index
      %get3A_2575 = tpu.vector_load %arg8[%get3A_2574] {strides = array<i32>} : memref<10000xi32, #tpu.memory_space<vmem>>, vector<16xi32>,
      %gather3A_2576 = tpu.vector_load_idx %arg6[%get3A_2573] : memref<10000xi32, #tpu.memory_space<vmem>>[vector<16xi32>], vector<16xi32>,
      %gather3A_2577 = tpu.vector_load_idx %arg6[%get3A_2575] : memref<10000xi32, #tpu.memory_space<vmem>>[vector<16xi32>], vector<16xi32>,
      %sub3A_2578 = arith.subi %gather3A_2576, %gather3A_2577 : vector<16xi32>
      %abs3A_2579 = math.absi %sub3A_2578 : vector<16xi32>
      %sub3A_2580 = arith.constant 1 : i32
      %sub3A_2581 = vector.broadcast %sub3A_2580 : i32 to vector<16xi32>
      %sub3A_2582 = arith.subi %abs3A_2579, %sub3A_2581 : vector<16xi32>
      %mul3A_2583 = arith.muli %gather3A_2576, %gather3A_2577 : vector<16xi32>
      %mul3A_2584 = arith.muli %sub3A_2582, %sub3A_2582 : vector<16xi32>
      %jit3A_2585 = arith.constant 4 : i32
      %div3A_2586 = vector.broadcast %jit3A_2585 : i32 to vector<16xi32>
      %div3A_2587 = arith.divsi %mul3A_2584, %div3A_2586 : vector<16xi32>
      %sign3A_2588 = arith.constant 0 : i32
      %sign3A_2589 = vector.broadcast %sign3A_2588 : i32 to vector<16xi32>
      %sign3A_2590 = arith.cmpi sgt, %mul3A_2584, %sign3A_2589 : vector<16xi32>
      %sign3A_2591 = arith.extui %sign3A_2590 : vector<16xi1> to vector<16xi32>
      %sign3A_2592 = arith.constant 0 : i32
      %sign3A_2593 = vector.broadcast %sign3A_2592 : i32 to vector<16xi32>
      %sign3A_2594 = arith.cmpi slt, %mul3A_2584, %sign3A_2593 : vector<16xi32>
      %sign3A_2595 = arith.extui %sign3A_2594 : vector<16xi1> to vector<16xi32>
      %sign3A_2596 = arith.subi %sign3A_2591, %sign3A_2595 : vector<16xi32>
      %sign3A_2597 = arith.constant 0 : i32
      %sign3A_2598 = arith.cmpi sgt, %jit3A_2585, %sign3A_2597 : i32
      %sign3A_2599 = arith.extui %sign3A_2598 : i1 to i32
      %sign3A_2600 = arith.constant 0 : i32
      %sign3A_2601 = arith.cmpi slt, %jit3A_2585, %sign3A_2600 : i32
      %sign3A_2602 = arith.extui %sign3A_2601 : i1 to i32
      %sign3A_2603 = arith.subi %sign3A_2599, %sign3A_2602 : i32
      %ne3A_2604 = vector.broadcast %sign3A_2603 : i32 to vector<16xi32>
      %ne3A_2605 = arith.cmpi ne, %sign3A_2596, %ne3A_2604 : vector<16xi32>
      %rem3A_2606 = vector.broadcast %jit3A_2585 : i32 to vector<16xi32>
      %rem3A_2607 = arith.remsi %mul3A_2584, %rem3A_2606 : vector<16xi32>
      %ne3A_2608 = arith.constant 0 : i32
      %ne3A_2609 = vector.broadcast %ne3A_2608 : i32 to vector<16xi32>
      %ne3A_2610 = arith.cmpi ne, %rem3A_2607, %ne3A_2609 : vector<16xi32>
      %and3A_2611 = arith.andi %ne3A_2605, %ne3A_2610 : vector<16xi1>
      %sub3A_2612 = arith.constant 1 : i32
      %sub3A_2613 = vector.broadcast %sub3A_2612 : i32 to vector<16xi32>
      %sub3A_2614 = arith.subi %div3A_2587, %sub3A_2613 : vector<16xi32>
      %select_n3A_2615 = arith.select %and3A_2611, %sub3A_2614, %div3A_2587 : vector<16xi1>, vector<16xi32>
      %add3A_2616 = arith.addi %mul3A_2583, %select_n3A_2615 : vector<16xi32>
      %swap3A_2617 = arith.index_cast %add3A_2359 : i32 to index
      %swap3A_2618 = arith.constant 64 : index
      %swap3A_2619 = tpu.vector_load %arg9[%swap3A_2617, %swap3A_2618] {strides = array<i32>} : memref<125x80xi32, #tpu.memory_space<vmem>>, vector<16xi32>,
      tpu.vector_store %arg9[%swap3A_2617, %swap3A_2618], %add3A_2616 {strides = array<i32>} : memref<125x80xi32, #tpu.memory_space<vmem>>, vector<16xi32>,
      %add3A_2620 = arith.constant 5 : i32
      %add3A_2621 = arith.addi %mul3A_1563, %add3A_2620 : i32
      %add3A_2622 = arith.constant 4 : i32
      %add3A_2623 = arith.addi %add3A_2621, %add3A_2622 : i32
      %mul3A_2624 = arith.constant 80 : i32
      %mul3A_2625 = arith.muli %add3A_2623, %mul3A_2624 : i32
      %add3A_2626 = arith.constant 0 : i32
      %add3A_2627 = arith.addi %mul3A_2625, %add3A_2626 : i32
      %get3A_2628 = arith.index_cast %add3A_2627 : i32 to index
      %get3A_2629 = tpu.vector_load %arg7[%get3A_2628] {strides = array<i32>} : memref<10000xi32, #tpu.memory_space<vmem>>, vector<16xi32>,
      %get3A_2630 = arith.index_cast %add3A_2627 : i32 to index
      %get3A_2631 = tpu.vector_load %arg8[%get3A_2630] {strides = array<i32>} : memref<10000xi32, #tpu.memory_space<vmem>>, vector<16xi32>,
      %gather3A_2632 = tpu.vector_load_idx %arg6[%get3A_2629] : memref<10000xi32, #tpu.memory_space<vmem>>[vector<16xi32>], vector<16xi32>,
      %gather3A_2633 = tpu.vector_load_idx %arg6[%get3A_2631] : memref<10000xi32, #tpu.memory_space<vmem>>[vector<16xi32>], vector<16xi32>,
      %sub3A_2634 = arith.subi %gather3A_2632, %gather3A_2633 : vector<16xi32>
      %abs3A_2635 = math.absi %sub3A_2634 : vector<16xi32>
      %sub3A_2636 = arith.constant 1 : i32
      %sub3A_2637 = vector.broadcast %sub3A_2636 : i32 to vector<16xi32>
      %sub3A_2638 = arith.subi %abs3A_2635, %sub3A_2637 : vector<16xi32>
      %mul3A_2639 = arith.muli %gather3A_2632, %gather3A_2633 : vector<16xi32>
      %mul3A_2640 = arith.muli %sub3A_2638, %sub3A_2638 : vector<16xi32>
      %jit3A_2641 = arith.constant 4 : i32
      %div3A_2642 = vector.broadcast %jit3A_2641 : i32 to vector<16xi32>
      %div3A_2643 = arith.divsi %mul3A_2640, %div3A_2642 : vector<16xi32>
      %sign3A_2644 = arith.constant 0 : i32
      %sign3A_2645 = vector.broadcast %sign3A_2644 : i32 to vector<16xi32>
      %sign3A_2646 = arith.cmpi sgt, %mul3A_2640, %sign3A_2645 : vector<16xi32>
      %sign3A_2647 = arith.extui %sign3A_2646 : vector<16xi1> to vector<16xi32>
      %sign3A_2648 = arith.constant 0 : i32
      %sign3A_2649 = vector.broadcast %sign3A_2648 : i32 to vector<16xi32>
      %sign3A_2650 = arith.cmpi slt, %mul3A_2640, %sign3A_2649 : vector<16xi32>
      %sign3A_2651 = arith.extui %sign3A_2650 : vector<16xi1> to vector<16xi32>
      %sign3A_2652 = arith.subi %sign3A_2647, %sign3A_2651 : vector<16xi32>
      %sign3A_2653 = arith.constant 0 : i32
      %sign3A_2654 = arith.cmpi sgt, %jit3A_2641, %sign3A_2653 : i32
      %sign3A_2655 = arith.extui %sign3A_2654 : i1 to i32
      %sign3A_2656 = arith.constant 0 : i32
      %sign3A_2657 = arith.cmpi slt, %jit3A_2641, %sign3A_2656 : i32
      %sign3A_2658 = arith.extui %sign3A_2657 : i1 to i32
      %sign3A_2659 = arith.subi %sign3A_2655, %sign3A_2658 : i32
      %ne3A_2660 = vector.broadcast %sign3A_2659 : i32 to vector<16xi32>
      %ne3A_2661 = arith.cmpi ne, %sign3A_2652, %ne3A_2660 : vector<16xi32>
      %rem3A_2662 = vector.broadcast %jit3A_2641 : i32 to vector<16xi32>
      %rem3A_2663 = arith.remsi %mul3A_2640, %rem3A_2662 : vector<16xi32>
      %ne3A_2664 = arith.constant 0 : i32
      %ne3A_2665 = vector.broadcast %ne3A_2664 : i32 to vector<16xi32>
      %ne3A_2666 = arith.cmpi ne, %rem3A_2663, %ne3A_2665 : vector<16xi32>
      %and3A_2667 = arith.andi %ne3A_2661, %ne3A_2666 : vector<16xi1>
      %sub3A_2668 = arith.constant 1 : i32
      %sub3A_2669 = vector.broadcast %sub3A_2668 : i32 to vector<16xi32>
      %sub3A_2670 = arith.subi %div3A_2643, %sub3A_2669 : vector<16xi32>
      %select_n3A_2671 = arith.select %and3A_2667, %sub3A_2670, %div3A_2643 : vector<16xi1>, vector<16xi32>
      %add3A_2672 = arith.addi %mul3A_2639, %select_n3A_2671 : vector<16xi32>
      %swap3A_2673 = arith.index_cast %add3A_2623 : i32 to index
      %swap3A_2674 = arith.constant 0 : index
      %swap3A_2675 = tpu.vector_load %arg9[%swap3A_2673, %swap3A_2674] {strides = array<i32>} : memref<125x80xi32, #tpu.memory_space<vmem>>, vector<16xi32>,
      tpu.vector_store %arg9[%swap3A_2673, %swap3A_2674], %add3A_2672 {strides = array<i32>} : memref<125x80xi32, #tpu.memory_space<vmem>>, vector<16xi32>,
      %mul3A_2676 = arith.constant 80 : i32
      %mul3A_2677 = arith.muli %add3A_2623, %mul3A_2676 : i32
      %add3A_2678 = arith.constant 16 : i32
      %add3A_2679 = arith.addi %mul3A_2677, %add3A_2678 : i32
      %get3A_2680 = arith.index_cast %add3A_2679 : i32 to index
      %get3A_2681 = tpu.vector_load %arg7[%get3A_2680] {strides = array<i32>} : memref<10000xi32, #tpu.memory_space<vmem>>, vector<16xi32>,
      %get3A_2682 = arith.index_cast %add3A_2679 : i32 to index
      %get3A_2683 = tpu.vector_load %arg8[%get3A_2682] {strides = array<i32>} : memref<10000xi32, #tpu.memory_space<vmem>>, vector<16xi32>,
      %gather3A_2684 = tpu.vector_load_idx %arg6[%get3A_2681] : memref<10000xi32, #tpu.memory_space<vmem>>[vector<16xi32>], vector<16xi32>,
      %gather3A_2685 = tpu.vector_load_idx %arg6[%get3A_2683] : memref<10000xi32, #tpu.memory_space<vmem>>[vector<16xi32>], vector<16xi32>,
      %sub3A_2686 = arith.subi %gather3A_2684, %gather3A_2685 : vector<16xi32>
      %abs3A_2687 = math.absi %sub3A_2686 : vector<16xi32>
      %sub3A_2688 = arith.constant 1 : i32
      %sub3A_2689 = vector.broadcast %sub3A_2688 : i32 to vector<16xi32>
      %sub3A_2690 = arith.subi %abs3A_2687, %sub3A_2689 : vector<16xi32>
      %mul3A_2691 = arith.muli %gather3A_2684, %gather3A_2685 : vector<16xi32>
      %mul3A_2692 = arith.muli %sub3A_2690, %sub3A_2690 : vector<16xi32>
      %jit3A_2693 = arith.constant 4 : i32
      %div3A_2694 = vector.broadcast %jit3A_2693 : i32 to vector<16xi32>
      %div3A_2695 = arith.divsi %mul3A_2692, %div3A_2694 : vector<16xi32>
      %sign3A_2696 = arith.constant 0 : i32
      %sign3A_2697 = vector.broadcast %sign3A_2696 : i32 to vector<16xi32>
      %sign3A_2698 = arith.cmpi sgt, %mul3A_2692, %sign3A_2697 : vector<16xi32>
      %sign3A_2699 = arith.extui %sign3A_2698 : vector<16xi1> to vector<16xi32>
      %sign3A_2700 = arith.constant 0 : i32
      %sign3A_2701 = vector.broadcast %sign3A_2700 : i32 to vector<16xi32>
      %sign3A_2702 = arith.cmpi slt, %mul3A_2692, %sign3A_2701 : vector<16xi32>
      %sign3A_2703 = arith.extui %sign3A_2702 : vector<16xi1> to vector<16xi32>
      %sign3A_2704 = arith.subi %sign3A_2699, %sign3A_2703 : vector<16xi32>
      %sign3A_2705 = arith.constant 0 : i32
      %sign3A_2706 = arith.cmpi sgt, %jit3A_2693, %sign3A_2705 : i32
      %sign3A_2707 = arith.extui %sign3A_2706 : i1 to i32
      %sign3A_2708 = arith.constant 0 : i32
      %sign3A_2709 = arith.cmpi slt, %jit3A_2693, %sign3A_2708 : i32
      %sign3A_2710 = arith.extui %sign3A_2709 : i1 to i32
      %sign3A_2711 = arith.subi %sign3A_2707, %sign3A_2710 : i32
      %ne3A_2712 = vector.broadcast %sign3A_2711 : i32 to vector<16xi32>
      %ne3A_2713 = arith.cmpi ne, %sign3A_2704, %ne3A_2712 : vector<16xi32>
      %rem3A_2714 = vector.broadcast %jit3A_2693 : i32 to vector<16xi32>
      %rem3A_2715 = arith.remsi %mul3A_2692, %rem3A_2714 : vector<16xi32>
      %ne3A_2716 = arith.constant 0 : i32
      %ne3A_2717 = vector.broadcast %ne3A_2716 : i32 to vector<16xi32>
      %ne3A_2718 = arith.cmpi ne, %rem3A_2715, %ne3A_2717 : vector<16xi32>
      %and3A_2719 = arith.andi %ne3A_2713, %ne3A_2718 : vector<16xi1>
      %sub3A_2720 = arith.constant 1 : i32
      %sub3A_2721 = vector.broadcast %sub3A_2720 : i32 to vector<16xi32>
      %sub3A_2722 = arith.subi %div3A_2695, %sub3A_2721 : vector<16xi32>
      %select_n3A_2723 = arith.select %and3A_2719, %sub3A_2722, %div3A_2695 : vector<16xi1>, vector<16xi32>
      %add3A_2724 = arith.addi %mul3A_2691, %select_n3A_2723 : vector<16xi32>
      %swap3A_2725 = arith.index_cast %add3A_2623 : i32 to index
      %swap3A_2726 = arith.constant 16 : index
      %swap3A_2727 = tpu.vector_load %arg9[%swap3A_2725, %swap3A_2726] {strides = array<i32>} : memref<125x80xi32, #tpu.memory_space<vmem>>, vector<16xi32>,
      tpu.vector_store %arg9[%swap3A_2725, %swap3A_2726], %add3A_2724 {strides = array<i32>} : memref<125x80xi32, #tpu.memory_space<vmem>>, vector<16xi32>,
      %mul3A_2728 = arith.constant 80 : i32
      %mul3A_2729 = arith.muli %add3A_2623, %mul3A_2728 : i32
      %add3A_2730 = arith.constant 32 : i32
      %add3A_2731 = arith.addi %mul3A_2729, %add3A_2730 : i32
      %get3A_2732 = arith.index_cast %add3A_2731 : i32 to index
      %get3A_2733 = tpu.vector_load %arg7[%get3A_2732] {strides = array<i32>} : memref<10000xi32, #tpu.memory_space<vmem>>, vector<16xi32>,
      %get3A_2734 = arith.index_cast %add3A_2731 : i32 to index
      %get3A_2735 = tpu.vector_load %arg8[%get3A_2734] {strides = array<i32>} : memref<10000xi32, #tpu.memory_space<vmem>>, vector<16xi32>,
      %gather3A_2736 = tpu.vector_load_idx %arg6[%get3A_2733] : memref<10000xi32, #tpu.memory_space<vmem>>[vector<16xi32>], vector<16xi32>,
      %gather3A_2737 = tpu.vector_load_idx %arg6[%get3A_2735] : memref<10000xi32, #tpu.memory_space<vmem>>[vector<16xi32>], vector<16xi32>,
      %sub3A_2738 = arith.subi %gather3A_2736, %gather3A_2737 : vector<16xi32>
      %abs3A_2739 = math.absi %sub3A_2738 : vector<16xi32>
      %sub3A_2740 = arith.constant 1 : i32
      %sub3A_2741 = vector.broadcast %sub3A_2740 : i32 to vector<16xi32>
      %sub3A_2742 = arith.subi %abs3A_2739, %sub3A_2741 : vector<16xi32>
      %mul3A_2743 = arith.muli %gather3A_2736, %gather3A_2737 : vector<16xi32>
      %mul3A_2744 = arith.muli %sub3A_2742, %sub3A_2742 : vector<16xi32>
      %jit3A_2745 = arith.constant 4 : i32
      %div3A_2746 = vector.broadcast %jit3A_2745 : i32 to vector<16xi32>
      %div3A_2747 = arith.divsi %mul3A_2744, %div3A_2746 : vector<16xi32>
      %sign3A_2748 = arith.constant 0 : i32
      %sign3A_2749 = vector.broadcast %sign3A_2748 : i32 to vector<16xi32>
      %sign3A_2750 = arith.cmpi sgt, %mul3A_2744, %sign3A_2749 : vector<16xi32>
      %sign3A_2751 = arith.extui %sign3A_2750 : vector<16xi1> to vector<16xi32>
      %sign3A_2752 = arith.constant 0 : i32
      %sign3A_2753 = vector.broadcast %sign3A_2752 : i32 to vector<16xi32>
      %sign3A_2754 = arith.cmpi slt, %mul3A_2744, %sign3A_2753 : vector<16xi32>
      %sign3A_2755 = arith.extui %sign3A_2754 : vector<16xi1> to vector<16xi32>
      %sign3A_2756 = arith.subi %sign3A_2751, %sign3A_2755 : vector<16xi32>
      %sign3A_2757 = arith.constant 0 : i32
      %sign3A_2758 = arith.cmpi sgt, %jit3A_2745, %sign3A_2757 : i32
      %sign3A_2759 = arith.extui %sign3A_2758 : i1 to i32
      %sign3A_2760 = arith.constant 0 : i32
      %sign3A_2761 = arith.cmpi slt, %jit3A_2745, %sign3A_2760 : i32
      %sign3A_2762 = arith.extui %sign3A_2761 : i1 to i32
      %sign3A_2763 = arith.subi %sign3A_2759, %sign3A_2762 : i32
      %ne3A_2764 = vector.broadcast %sign3A_2763 : i32 to vector<16xi32>
      %ne3A_2765 = arith.cmpi ne, %sign3A_2756, %ne3A_2764 : vector<16xi32>
      %rem3A_2766 = vector.broadcast %jit3A_2745 : i32 to vector<16xi32>
      %rem3A_2767 = arith.remsi %mul3A_2744, %rem3A_2766 : vector<16xi32>
      %ne3A_2768 = arith.constant 0 : i32
      %ne3A_2769 = vector.broadcast %ne3A_2768 : i32 to vector<16xi32>
      %ne3A_2770 = arith.cmpi ne, %rem3A_2767, %ne3A_2769 : vector<16xi32>
      %and3A_2771 = arith.andi %ne3A_2765, %ne3A_2770 : vector<16xi1>
      %sub3A_2772 = arith.constant 1 : i32
      %sub3A_2773 = vector.broadcast %sub3A_2772 : i32 to vector<16xi32>
      %sub3A_2774 = arith.subi %div3A_2747, %sub3A_2773 : vector<16xi32>
      %select_n3A_2775 = arith.select %and3A_2771, %sub3A_2774, %div3A_2747 : vector<16xi1>, vector<16xi32>
      %add3A_2776 = arith.addi %mul3A_2743, %select_n3A_2775 : vector<16xi32>
      %swap3A_2777 = arith.index_cast %add3A_2623 : i32 to index
      %swap3A_2778 = arith.constant 32 : index
      %swap3A_2779 = tpu.vector_load %arg9[%swap3A_2777, %swap3A_2778] {strides = array<i32>} : memref<125x80xi32, #tpu.memory_space<vmem>>, vector<16xi32>,
      tpu.vector_store %arg9[%swap3A_2777, %swap3A_2778], %add3A_2776 {strides = array<i32>} : memref<125x80xi32, #tpu.memory_space<vmem>>, vector<16xi32>,
      %mul3A_2780 = arith.constant 80 : i32
      %mul3A_2781 = arith.muli %add3A_2623, %mul3A_2780 : i32
      %add3A_2782 = arith.constant 48 : i32
      %add3A_2783 = arith.addi %mul3A_2781, %add3A_2782 : i32
      %get3A_2784 = arith.index_cast %add3A_2783 : i32 to index
      %get3A_2785 = tpu.vector_load %arg7[%get3A_2784] {strides = array<i32>} : memref<10000xi32, #tpu.memory_space<vmem>>, vector<16xi32>,
      %get3A_2786 = arith.index_cast %add3A_2783 : i32 to index
      %get3A_2787 = tpu.vector_load %arg8[%get3A_2786] {strides = array<i32>} : memref<10000xi32, #tpu.memory_space<vmem>>, vector<16xi32>,
      %gather3A_2788 = tpu.vector_load_idx %arg6[%get3A_2785] : memref<10000xi32, #tpu.memory_space<vmem>>[vector<16xi32>], vector<16xi32>,
      %gather3A_2789 = tpu.vector_load_idx %arg6[%get3A_2787] : memref<10000xi32, #tpu.memory_space<vmem>>[vector<16xi32>], vector<16xi32>,
      %sub3A_2790 = arith.subi %gather3A_2788, %gather3A_2789 : vector<16xi32>
      %abs3A_2791 = math.absi %sub3A_2790 : vector<16xi32>
      %sub3A_2792 = arith.constant 1 : i32
      %sub3A_2793 = vector.broadcast %sub3A_2792 : i32 to vector<16xi32>
      %sub3A_2794 = arith.subi %abs3A_2791, %sub3A_2793 : vector<16xi32>
      %mul3A_2795 = arith.muli %gather3A_2788, %gather3A_2789 : vector<16xi32>
      %mul3A_2796 = arith.muli %sub3A_2794, %sub3A_2794 : vector<16xi32>
      %jit3A_2797 = arith.constant 4 : i32
      %div3A_2798 = vector.broadcast %jit3A_2797 : i32 to vector<16xi32>
      %div3A_2799 = arith.divsi %mul3A_2796, %div3A_2798 : vector<16xi32>
      %sign3A_2800 = arith.constant 0 : i32
      %sign3A_2801 = vector.broadcast %sign3A_2800 : i32 to vector<16xi32>
      %sign3A_2802 = arith.cmpi sgt, %mul3A_2796, %sign3A_2801 : vector<16xi32>
      %sign3A_2803 = arith.extui %sign3A_2802 : vector<16xi1> to vector<16xi32>
      %sign3A_2804 = arith.constant 0 : i32
      %sign3A_2805 = vector.broadcast %sign3A_2804 : i32 to vector<16xi32>
      %sign3A_2806 = arith.cmpi slt, %mul3A_2796, %sign3A_2805 : vector<16xi32>
      %sign3A_2807 = arith.extui %sign3A_2806 : vector<16xi1> to vector<16xi32>
      %sign3A_2808 = arith.subi %sign3A_2803, %sign3A_2807 : vector<16xi32>
      %sign3A_2809 = arith.constant 0 : i32
      %sign3A_2810 = arith.cmpi sgt, %jit3A_2797, %sign3A_2809 : i32
      %sign3A_2811 = arith.extui %sign3A_2810 : i1 to i32
      %sign3A_2812 = arith.constant 0 : i32
      %sign3A_2813 = arith.cmpi slt, %jit3A_2797, %sign3A_2812 : i32
      %sign3A_2814 = arith.extui %sign3A_2813 : i1 to i32
      %sign3A_2815 = arith.subi %sign3A_2811, %sign3A_2814 : i32
      %ne3A_2816 = vector.broadcast %sign3A_2815 : i32 to vector<16xi32>
      %ne3A_2817 = arith.cmpi ne, %sign3A_2808, %ne3A_2816 : vector<16xi32>
      %rem3A_2818 = vector.broadcast %jit3A_2797 : i32 to vector<16xi32>
      %rem3A_2819 = arith.remsi %mul3A_2796, %rem3A_2818 : vector<16xi32>
      %ne3A_2820 = arith.constant 0 : i32
      %ne3A_2821 = vector.broadcast %ne3A_2820 : i32 to vector<16xi32>
      %ne3A_2822 = arith.cmpi ne, %rem3A_2819, %ne3A_2821 : vector<16xi32>
      %and3A_2823 = arith.andi %ne3A_2817, %ne3A_2822 : vector<16xi1>
      %sub3A_2824 = arith.constant 1 : i32
      %sub3A_2825 = vector.broadcast %sub3A_2824 : i32 to vector<16xi32>
      %sub3A_2826 = arith.subi %div3A_2799, %sub3A_2825 : vector<16xi32>
      %select_n3A_2827 = arith.select %and3A_2823, %sub3A_2826, %div3A_2799 : vector<16xi1>, vector<16xi32>
      %add3A_2828 = arith.addi %mul3A_2795, %select_n3A_2827 : vector<16xi32>
      %swap3A_2829 = arith.index_cast %add3A_2623 : i32 to index
      %swap3A_2830 = arith.constant 48 : index
      %swap3A_2831 = tpu.vector_load %arg9[%swap3A_2829, %swap3A_2830] {strides = array<i32>} : memref<125x80xi32, #tpu.memory_space<vmem>>, vector<16xi32>,
      tpu.vector_store %arg9[%swap3A_2829, %swap3A_2830], %add3A_2828 {strides = array<i32>} : memref<125x80xi32, #tpu.memory_space<vmem>>, vector<16xi32>,
      %mul3A_2832 = arith.constant 80 : i32
      %mul3A_2833 = arith.muli %add3A_2623, %mul3A_2832 : i32
      %add3A_2834 = arith.constant 64 : i32
      %add3A_2835 = arith.addi %mul3A_2833, %add3A_2834 : i32
      %get3A_2836 = arith.index_cast %add3A_2835 : i32 to index
      %get3A_2837 = tpu.vector_load %arg7[%get3A_2836] {strides = array<i32>} : memref<10000xi32, #tpu.memory_space<vmem>>, vector<16xi32>,
      %get3A_2838 = arith.index_cast %add3A_2835 : i32 to index
      %get3A_2839 = tpu.vector_load %arg8[%get3A_2838] {strides = array<i32>} : memref<10000xi32, #tpu.memory_space<vmem>>, vector<16xi32>,
      %gather3A_2840 = tpu.vector_load_idx %arg6[%get3A_2837] : memref<10000xi32, #tpu.memory_space<vmem>>[vector<16xi32>], vector<16xi32>,
      %gather3A_2841 = tpu.vector_load_idx %arg6[%get3A_2839] : memref<10000xi32, #tpu.memory_space<vmem>>[vector<16xi32>], vector<16xi32>,
      %sub3A_2842 = arith.subi %gather3A_2840, %gather3A_2841 : vector<16xi32>
      %abs3A_2843 = math.absi %sub3A_2842 : vector<16xi32>
      %sub3A_2844 = arith.constant 1 : i32
      %sub3A_2845 = vector.broadcast %sub3A_2844 : i32 to vector<16xi32>
      %sub3A_2846 = arith.subi %abs3A_2843, %sub3A_2845 : vector<16xi32>
      %mul3A_2847 = arith.muli %gather3A_2840, %gather3A_2841 : vector<16xi32>
      %mul3A_2848 = arith.muli %sub3A_2846, %sub3A_2846 : vector<16xi32>
      %jit3A_2849 = arith.constant 4 : i32
      %div3A_2850 = vector.broadcast %jit3A_2849 : i32 to vector<16xi32>
      %div3A_2851 = arith.divsi %mul3A_2848, %div3A_2850 : vector<16xi32>
      %sign3A_2852 = arith.constant 0 : i32
      %sign3A_2853 = vector.broadcast %sign3A_2852 : i32 to vector<16xi32>
      %sign3A_2854 = arith.cmpi sgt, %mul3A_2848, %sign3A_2853 : vector<16xi32>
      %sign3A_2855 = arith.extui %sign3A_2854 : vector<16xi1> to vector<16xi32>
      %sign3A_2856 = arith.constant 0 : i32
      %sign3A_2857 = vector.broadcast %sign3A_2856 : i32 to vector<16xi32>
      %sign3A_2858 = arith.cmpi slt, %mul3A_2848, %sign3A_2857 : vector<16xi32>
      %sign3A_2859 = arith.extui %sign3A_2858 : vector<16xi1> to vector<16xi32>
      %sign3A_2860 = arith.subi %sign3A_2855, %sign3A_2859 : vector<16xi32>
      %sign3A_2861 = arith.constant 0 : i32
      %sign3A_2862 = arith.cmpi sgt, %jit3A_2849, %sign3A_2861 : i32
      %sign3A_2863 = arith.extui %sign3A_2862 : i1 to i32
      %sign3A_2864 = arith.constant 0 : i32
      %sign3A_2865 = arith.cmpi slt, %jit3A_2849, %sign3A_2864 : i32
      %sign3A_2866 = arith.extui %sign3A_2865 : i1 to i32
      %sign3A_2867 = arith.subi %sign3A_2863, %sign3A_2866 : i32
      %ne3A_2868 = vector.broadcast %sign3A_2867 : i32 to vector<16xi32>
      %ne3A_2869 = arith.cmpi ne, %sign3A_2860, %ne3A_2868 : vector<16xi32>
      %rem3A_2870 = vector.broadcast %jit3A_2849 : i32 to vector<16xi32>
      %rem3A_2871 = arith.remsi %mul3A_2848, %rem3A_2870 : vector<16xi32>
      %ne3A_2872 = arith.constant 0 : i32
      %ne3A_2873 = vector.broadcast %ne3A_2872 : i32 to vector<16xi32>
      %ne3A_2874 = arith.cmpi ne, %rem3A_2871, %ne3A_2873 : vector<16xi32>
      %and3A_2875 = arith.andi %ne3A_2869, %ne3A_2874 : vector<16xi1>
      %sub3A_2876 = arith.constant 1 : i32
      %sub3A_2877 = vector.broadcast %sub3A_2876 : i32 to vector<16xi32>
      %sub3A_2878 = arith.subi %div3A_2851, %sub3A_2877 : vector<16xi32>
      %select_n3A_2879 = arith.select %and3A_2875, %sub3A_2878, %div3A_2851 : vector<16xi1>, vector<16xi32>
      %add3A_2880 = arith.addi %mul3A_2847, %select_n3A_2879 : vector<16xi32>
      %swap3A_2881 = arith.index_cast %add3A_2623 : i32 to index
      %swap3A_2882 = arith.constant 64 : index
      %swap3A_2883 = tpu.vector_load %arg9[%swap3A_2881, %swap3A_2882] {strides = array<i32>} : memref<125x80xi32, #tpu.memory_space<vmem>>, vector<16xi32>,
      tpu.vector_store %arg9[%swap3A_2881, %swap3A_2882], %add3A_2880 {strides = array<i32>} : memref<125x80xi32, #tpu.memory_space<vmem>>, vector<16xi32>,
      %add3A_2884 = arith.constant 0 : i32
      %add3A_2885 = arith.addi %mul3A_1563, %add3A_2884 : i32
      %dma_wait3A_2886 = arith.constant 0 : i32
      %dma_wait3A_2887 = arith.constant 0 : i32
      %dma_wait3A_2888 = arith.constant 0 : i32
      %dma_wait3A_2889 = arith.constant 0 : i32
      %dma_wait3A_2890 = tpu.memref_slice %arg10[%dma_wait3A_2886, %dma_wait3A_2888, %dma_wait3A_2889] : memref<5x80x128xf32, #tpu.memory_space<vmem>> -> memref<1x80x128xf32, #tpu.memory_space<vmem>>
      %dma_wait3A_2891 = tpu.memref_squeeze %dma_wait3A_2890 : memref<1x80x128xf32, #tpu.memory_space<vmem>> -> memref<80x128xf32, #tpu.memory_space<vmem>>
      %dma_wait3A_2892 = arith.constant 0 : i32
      %dma_wait3A_2893 = tpu.memref_slice %arg9[%add3A_2885, %dma_wait3A_2892] : memref<125x80xi32, #tpu.memory_space<vmem>> -> memref<1x80xi32, #tpu.memory_space<vmem>>
      %dma_wait3A_2894 = tpu.memref_squeeze %dma_wait3A_2893 : memref<1x80xi32, #tpu.memory_space<vmem>> -> memref<80xi32, #tpu.memory_space<vmem>>
      %dma_wait3A_2895 = arith.constant 0 : i32
      %dma_wait3A_2896 = arith.constant 0 : i32
      %dma_wait3A_2897 = tpu.memref_slice %arg4[%dma_wait3A_2895, %dma_wait3A_2896] : memref<3000x128xf32, #tpu.memory_space<hbm>> -> memref<3000x128xf32, #tpu.memory_space<hbm>>
      %dma_wait3A_2898 = tpu.memref_slice %arg12[%dma_wait3A_2887] : memref<5x!tpu.dma_semaphore, #tpu.memory_space<semaphore_mem>> -> memref<1x!tpu.dma_semaphore, #tpu.memory_space<semaphore_mem>>
      %dma_wait3A_2899 = tpu.memref_squeeze %dma_wait3A_2898 : memref<1x!tpu.dma_semaphore, #tpu.memory_space<semaphore_mem>> -> memref<!tpu.dma_semaphore, #tpu.memory_space<semaphore_mem>>
      tpu.wait_indirect_dma semaphore(%dma_wait3A_2899 : memref<!tpu.dma_semaphore, #tpu.memory_space<semaphore_mem>>) src(%dma_wait3A_2897 : memref<3000x128xf32, #tpu.memory_space<hbm>>) dst(%dma_wait3A_2891 : memref<80x128xf32, #tpu.memory_space<vmem>>)
      %add3A_2900 = arith.constant 0 : i32
      %add3A_2901 = arith.addi %mul3A_1563, %add3A_2900 : i32
      %mul3A_2902 = arith.constant 80 : i32
      %mul3A_2903 = arith.muli %add3A_2901, %mul3A_2902 : i32
      %add3A_2904 = arith.addi %mul3A_2, %mul3A_2903 : i32
      %dma_start3A_2905 = arith.constant 0 : i32
      %dma_start3A_2906 = arith.constant 0 : i32
      %dma_start3A_2907 = arith.constant 0 : i32
      %dma_start3A_2908 = arith.constant 0 : i32
      %dma_start3A_2909 = tpu.memref_slice %arg10[%dma_start3A_2905, %dma_start3A_2907, %dma_start3A_2908] : memref<5x80x128xf32, #tpu.memory_space<vmem>> -> memref<1x80x128xf32, #tpu.memory_space<vmem>>
      %dma_start3A_2910 = tpu.memref_squeeze %dma_start3A_2909 : memref<1x80x128xf32, #tpu.memory_space<vmem>> -> memref<80x128xf32, #tpu.memory_space<vmem>>
      %dma_start3A_2911 = arith.constant 0 : i32
      %dma_start3A_2912 = tpu.memref_slice %arg5[%add3A_2904, %dma_start3A_2911] : memref<320000x128xf32, #tpu.memory_space<hbm>> -> memref<80x128xf32, #tpu.memory_space<hbm>>
      %dma_start3A_2913 = tpu.memref_slice %arg13[%dma_start3A_2906] : memref<5x!tpu.dma_semaphore, #tpu.memory_space<semaphore_mem>> -> memref<1x!tpu.dma_semaphore, #tpu.memory_space<semaphore_mem>>
      %dma_start3A_2914 = tpu.memref_squeeze %dma_start3A_2913 : memref<1x!tpu.dma_semaphore, #tpu.memory_space<semaphore_mem>> -> memref<!tpu.dma_semaphore, #tpu.memory_space<semaphore_mem>>
      %dma_start3A_2915 = arith.constant 0 : i32
      %dma_start3A_2916 = tpu.memref_slice %arg5[%add3A_2904, %dma_start3A_2915] : memref<320000x128xf32, #tpu.memory_space<hbm>> -> memref<80x128xf32, #tpu.memory_space<hbm>>
      %dma_start3A_2917 = arith.constant 0 : i32
      %dma_start3A_2918 = arith.constant 0 : i32
      %dma_start3A_2919 = tpu.memref_slice %arg10[%dma_start3A_2905, %dma_start3A_2917, %dma_start3A_2918] : memref<5x80x128xf32, #tpu.memory_space<vmem>> -> memref<1x80x128xf32, #tpu.memory_space<vmem>>
      %dma_start3A_2920 = tpu.memref_squeeze %dma_start3A_2919 : memref<1x80x128xf32, #tpu.memory_space<vmem>> -> memref<80x128xf32, #tpu.memory_space<vmem>>
      tpu.enqueue_dma source(%dma_start3A_2920 : memref<80x128xf32, #tpu.memory_space<vmem>>) target(%dma_start3A_2916 : memref<80x128xf32, #tpu.memory_space<hbm>>) target_semaphore(%dma_start3A_2914 : memref<!tpu.dma_semaphore, #tpu.memory_space<semaphore_mem>>)
      %add3A_2921 = arith.constant 0 : i32
      %add3A_2922 = arith.addi %mul3A_1563, %add3A_2921 : i32
      %mul3A_2923 = arith.constant 80 : i32
      %mul3A_2924 = arith.muli %add3A_2922, %mul3A_2923 : i32
      %add3A_2925 = arith.addi %mul3A_2, %mul3A_2924 : i32
      %dma_wait3A_2926 = arith.constant 0 : i32
      %dma_wait3A_2927 = arith.constant 0 : i32
      %dma_wait3A_2928 = arith.constant 0 : i32
      %dma_wait3A_2929 = arith.constant 0 : i32
      %dma_wait3A_2930 = tpu.memref_slice %arg10[%dma_wait3A_2926, %dma_wait3A_2928, %dma_wait3A_2929] : memref<5x80x128xf32, #tpu.memory_space<vmem>> -> memref<1x80x128xf32, #tpu.memory_space<vmem>>
      %dma_wait3A_2931 = tpu.memref_squeeze %dma_wait3A_2930 : memref<1x80x128xf32, #tpu.memory_space<vmem>> -> memref<80x128xf32, #tpu.memory_space<vmem>>
      %dma_wait3A_2932 = arith.constant 0 : i32
      %dma_wait3A_2933 = tpu.memref_slice %arg5[%add3A_2925, %dma_wait3A_2932] : memref<320000x128xf32, #tpu.memory_space<hbm>> -> memref<80x128xf32, #tpu.memory_space<hbm>>
      %dma_wait3A_2934 = tpu.memref_slice %arg13[%dma_wait3A_2927] : memref<5x!tpu.dma_semaphore, #tpu.memory_space<semaphore_mem>> -> memref<1x!tpu.dma_semaphore, #tpu.memory_space<semaphore_mem>>
      %dma_wait3A_2935 = tpu.memref_squeeze %dma_wait3A_2934 : memref<1x!tpu.dma_semaphore, #tpu.memory_space<semaphore_mem>> -> memref<!tpu.dma_semaphore, #tpu.memory_space<semaphore_mem>>
      %dma_wait3A_2936 = arith.constant 0 : i32
      %dma_wait3A_2937 = tpu.memref_slice %arg5[%add3A_2925, %dma_wait3A_2936] : memref<320000x128xf32, #tpu.memory_space<hbm>> -> memref<80x128xf32, #tpu.memory_space<hbm>>
      %dma_wait3A_2938 = arith.constant 0 : i32
      %dma_wait3A_2939 = arith.constant 0 : i32
      %dma_wait3A_2940 = tpu.memref_slice %arg10[%dma_wait3A_2926, %dma_wait3A_2938, %dma_wait3A_2939] : memref<5x80x128xf32, #tpu.memory_space<vmem>> -> memref<1x80x128xf32, #tpu.memory_space<vmem>>
      %dma_wait3A_2941 = tpu.memref_squeeze %dma_wait3A_2940 : memref<1x80x128xf32, #tpu.memory_space<vmem>> -> memref<80x128xf32, #tpu.memory_space<vmem>>
      tpu.wait_dma2 semaphore(%dma_wait3A_2935 : memref<!tpu.dma_semaphore, #tpu.memory_space<semaphore_mem>>) src(%dma_wait3A_2941 : memref<80x128xf32, #tpu.memory_space<vmem>>) dst(%dma_wait3A_2937 : memref<80x128xf32, #tpu.memory_space<hbm>>)
      %add3A_2942 = arith.constant 5 : i32
      %add3A_2943 = arith.addi %mul3A_1563, %add3A_2942 : i32
      %add3A_2944 = arith.constant 0 : i32
      %add3A_2945 = arith.addi %add3A_2943, %add3A_2944 : i32
      %dma_start3A_2946 = arith.constant 0 : i32
      %dma_start3A_2947 = arith.constant 0 : i32
      %dma_start3A_2948 = arith.constant 0 : i32
      %dma_start3A_2949 = arith.constant 0 : i32
      %dma_start3A_2950 = tpu.memref_slice %arg10[%dma_start3A_2946, %dma_start3A_2948, %dma_start3A_2949] : memref<5x80x128xf32, #tpu.memory_space<vmem>> -> memref<1x80x128xf32, #tpu.memory_space<vmem>>
      %dma_start3A_2951 = tpu.memref_squeeze %dma_start3A_2950 : memref<1x80x128xf32, #tpu.memory_space<vmem>> -> memref<80x128xf32, #tpu.memory_space<vmem>>
      %dma_start3A_2952 = arith.constant 0 : i32
      %dma_start3A_2953 = tpu.memref_slice %arg9[%add3A_2945, %dma_start3A_2952] : memref<125x80xi32, #tpu.memory_space<vmem>> -> memref<1x80xi32, #tpu.memory_space<vmem>>
      %dma_start3A_2954 = tpu.memref_squeeze %dma_start3A_2953 : memref<1x80xi32, #tpu.memory_space<vmem>> -> memref<80xi32, #tpu.memory_space<vmem>>
      %dma_start3A_2955 = arith.constant 0 : i32
      %dma_start3A_2956 = arith.constant 0 : i32
      %dma_start3A_2957 = tpu.memref_slice %arg4[%dma_start3A_2955, %dma_start3A_2956] : memref<3000x128xf32, #tpu.memory_space<hbm>> -> memref<3000x128xf32, #tpu.memory_space<hbm>>
      %dma_start3A_2958 = tpu.memref_slice %arg12[%dma_start3A_2947] : memref<5x!tpu.dma_semaphore, #tpu.memory_space<semaphore_mem>> -> memref<1x!tpu.dma_semaphore, #tpu.memory_space<semaphore_mem>>
      %dma_start3A_2959 = tpu.memref_squeeze %dma_start3A_2958 : memref<1x!tpu.dma_semaphore, #tpu.memory_space<semaphore_mem>> -> memref<!tpu.dma_semaphore, #tpu.memory_space<semaphore_mem>>
      tpu.enqueue_indirect_dma source(%dma_start3A_2957 : memref<3000x128xf32, #tpu.memory_space<hbm>>) target(%dma_start3A_2951 : memref<80x128xf32, #tpu.memory_space<vmem>>) offsets(%dma_start3A_2954 : memref<80xi32, #tpu.memory_space<vmem>>) semaphore(%dma_start3A_2959 : memref<!tpu.dma_semaphore, #tpu.memory_space<semaphore_mem>>)
      %add3A_2960 = arith.constant 1 : i32
      %add3A_2961 = arith.addi %mul3A_1563, %add3A_2960 : i32
      %dma_wait3A_2962 = arith.constant 1 : i32
      %dma_wait3A_2963 = arith.constant 1 : i32
      %dma_wait3A_2964 = arith.constant 0 : i32
      %dma_wait3A_2965 = arith.constant 0 : i32
      %dma_wait3A_2966 = tpu.memref_slice %arg10[%dma_wait3A_2962, %dma_wait3A_2964, %dma_wait3A_2965] : memref<5x80x128xf32, #tpu.memory_space<vmem>> -> memref<1x80x128xf32, #tpu.memory_space<vmem>>
      %dma_wait3A_2967 = tpu.memref_squeeze %dma_wait3A_2966 : memref<1x80x128xf32, #tpu.memory_space<vmem>> -> memref<80x128xf32, #tpu.memory_space<vmem>>
      %dma_wait3A_2968 = arith.constant 0 : i32
      %dma_wait3A_2969 = tpu.memref_slice %arg9[%add3A_2961, %dma_wait3A_2968] : memref<125x80xi32, #tpu.memory_space<vmem>> -> memref<1x80xi32, #tpu.memory_space<vmem>>
      %dma_wait3A_2970 = tpu.memref_squeeze %dma_wait3A_2969 : memref<1x80xi32, #tpu.memory_space<vmem>> -> memref<80xi32, #tpu.memory_space<vmem>>
      %dma_wait3A_2971 = arith.constant 0 : i32
      %dma_wait3A_2972 = arith.constant 0 : i32
      %dma_wait3A_2973 = tpu.memref_slice %arg4[%dma_wait3A_2971, %dma_wait3A_2972] : memref<3000x128xf32, #tpu.memory_space<hbm>> -> memref<3000x128xf32, #tpu.memory_space<hbm>>
      %dma_wait3A_2974 = tpu.memref_slice %arg12[%dma_wait3A_2963] : memref<5x!tpu.dma_semaphore, #tpu.memory_space<semaphore_mem>> -> memref<1x!tpu.dma_semaphore, #tpu.memory_space<semaphore_mem>>
      %dma_wait3A_2975 = tpu.memref_squeeze %dma_wait3A_2974 : memref<1x!tpu.dma_semaphore, #tpu.memory_space<semaphore_mem>> -> memref<!tpu.dma_semaphore, #tpu.memory_space<semaphore_mem>>
      tpu.wait_indirect_dma semaphore(%dma_wait3A_2975 : memref<!tpu.dma_semaphore, #tpu.memory_space<semaphore_mem>>) src(%dma_wait3A_2973 : memref<3000x128xf32, #tpu.memory_space<hbm>>) dst(%dma_wait3A_2967 : memref<80x128xf32, #tpu.memory_space<vmem>>)
      %add3A_2976 = arith.constant 1 : i32
      %add3A_2977 = arith.addi %mul3A_1563, %add3A_2976 : i32
      %mul3A_2978 = arith.constant 80 : i32
      %mul3A_2979 = arith.muli %add3A_2977, %mul3A_2978 : i32
      %add3A_2980 = arith.addi %mul3A_2, %mul3A_2979 : i32
      %dma_start3A_2981 = arith.constant 1 : i32
      %dma_start3A_2982 = arith.constant 1 : i32
      %dma_start3A_2983 = arith.constant 0 : i32
      %dma_start3A_2984 = arith.constant 0 : i32
      %dma_start3A_2985 = tpu.memref_slice %arg10[%dma_start3A_2981, %dma_start3A_2983, %dma_start3A_2984] : memref<5x80x128xf32, #tpu.memory_space<vmem>> -> memref<1x80x128xf32, #tpu.memory_space<vmem>>
      %dma_start3A_2986 = tpu.memref_squeeze %dma_start3A_2985 : memref<1x80x128xf32, #tpu.memory_space<vmem>> -> memref<80x128xf32, #tpu.memory_space<vmem>>
      %dma_start3A_2987 = arith.constant 0 : i32
      %dma_start3A_2988 = tpu.memref_slice %arg5[%add3A_2980, %dma_start3A_2987] : memref<320000x128xf32, #tpu.memory_space<hbm>> -> memref<80x128xf32, #tpu.memory_space<hbm>>
      %dma_start3A_2989 = tpu.memref_slice %arg13[%dma_start3A_2982] : memref<5x!tpu.dma_semaphore, #tpu.memory_space<semaphore_mem>> -> memref<1x!tpu.dma_semaphore, #tpu.memory_space<semaphore_mem>>
      %dma_start3A_2990 = tpu.memref_squeeze %dma_start3A_2989 : memref<1x!tpu.dma_semaphore, #tpu.memory_space<semaphore_mem>> -> memref<!tpu.dma_semaphore, #tpu.memory_space<semaphore_mem>>
      %dma_start3A_2991 = arith.constant 0 : i32
      %dma_start3A_2992 = tpu.memref_slice %arg5[%add3A_2980, %dma_start3A_2991] : memref<320000x128xf32, #tpu.memory_space<hbm>> -> memref<80x128xf32, #tpu.memory_space<hbm>>
      %dma_start3A_2993 = arith.constant 0 : i32
      %dma_start3A_2994 = arith.constant 0 : i32
      %dma_start3A_2995 = tpu.memref_slice %arg10[%dma_start3A_2981, %dma_start3A_2993, %dma_start3A_2994] : memref<5x80x128xf32, #tpu.memory_space<vmem>> -> memref<1x80x128xf32, #tpu.memory_space<vmem>>
      %dma_start3A_2996 = tpu.memref_squeeze %dma_start3A_2995 : memref<1x80x128xf32, #tpu.memory_space<vmem>> -> memref<80x128xf32, #tpu.memory_space<vmem>>
      tpu.enqueue_dma source(%dma_start3A_2996 : memref<80x128xf32, #tpu.memory_space<vmem>>) target(%dma_start3A_2992 : memref<80x128xf32, #tpu.memory_space<hbm>>) target_semaphore(%dma_start3A_2990 : memref<!tpu.dma_semaphore, #tpu.memory_space<semaphore_mem>>)
      %add3A_2997 = arith.constant 1 : i32
      %add3A_2998 = arith.addi %mul3A_1563, %add3A_2997 : i32
      %mul3A_2999 = arith.constant 80 : i32
      %mul3A_3000 = arith.muli %add3A_2998, %mul3A_2999 : i32
      %add3A_3001 = arith.addi %mul3A_2, %mul3A_3000 : i32
      %dma_wait3A_3002 = arith.constant 1 : i32
      %dma_wait3A_3003 = arith.constant 1 : i32
      %dma_wait3A_3004 = arith.constant 0 : i32
      %dma_wait3A_3005 = arith.constant 0 : i32
      %dma_wait3A_3006 = tpu.memref_slice %arg10[%dma_wait3A_3002, %dma_wait3A_3004, %dma_wait3A_3005] : memref<5x80x128xf32, #tpu.memory_space<vmem>> -> memref<1x80x128xf32, #tpu.memory_space<vmem>>
      %dma_wait3A_3007 = tpu.memref_squeeze %dma_wait3A_3006 : memref<1x80x128xf32, #tpu.memory_space<vmem>> -> memref<80x128xf32, #tpu.memory_space<vmem>>
      %dma_wait3A_3008 = arith.constant 0 : i32
      %dma_wait3A_3009 = tpu.memref_slice %arg5[%add3A_3001, %dma_wait3A_3008] : memref<320000x128xf32, #tpu.memory_space<hbm>> -> memref<80x128xf32, #tpu.memory_space<hbm>>
      %dma_wait3A_3010 = tpu.memref_slice %arg13[%dma_wait3A_3003] : memref<5x!tpu.dma_semaphore, #tpu.memory_space<semaphore_mem>> -> memref<1x!tpu.dma_semaphore, #tpu.memory_space<semaphore_mem>>
      %dma_wait3A_3011 = tpu.memref_squeeze %dma_wait3A_3010 : memref<1x!tpu.dma_semaphore, #tpu.memory_space<semaphore_mem>> -> memref<!tpu.dma_semaphore, #tpu.memory_space<semaphore_mem>>
      %dma_wait3A_3012 = arith.constant 0 : i32
      %dma_wait3A_3013 = tpu.memref_slice %arg5[%add3A_3001, %dma_wait3A_3012] : memref<320000x128xf32, #tpu.memory_space<hbm>> -> memref<80x128xf32, #tpu.memory_space<hbm>>
      %dma_wait3A_3014 = arith.constant 0 : i32
      %dma_wait3A_3015 = arith.constant 0 : i32
      %dma_wait3A_3016 = tpu.memref_slice %arg10[%dma_wait3A_3002, %dma_wait3A_3014, %dma_wait3A_3015] : memref<5x80x128xf32, #tpu.memory_space<vmem>> -> memref<1x80x128xf32, #tpu.memory_space<vmem>>
      %dma_wait3A_3017 = tpu.memref_squeeze %dma_wait3A_3016 : memref<1x80x128xf32, #tpu.memory_space<vmem>> -> memref<80x128xf32, #tpu.memory_space<vmem>>
      tpu.wait_dma2 semaphore(%dma_wait3A_3011 : memref<!tpu.dma_semaphore, #tpu.memory_space<semaphore_mem>>) src(%dma_wait3A_3017 : memref<80x128xf32, #tpu.memory_space<vmem>>) dst(%dma_wait3A_3013 : memref<80x128xf32, #tpu.memory_space<hbm>>)
      %add3A_3018 = arith.constant 5 : i32
      %add3A_3019 = arith.addi %mul3A_1563, %add3A_3018 : i32
      %add3A_3020 = arith.constant 1 : i32
      %add3A_3021 = arith.addi %add3A_3019, %add3A_3020 : i32
      %dma_start3A_3022 = arith.constant 1 : i32
      %dma_start3A_3023 = arith.constant 1 : i32
      %dma_start3A_3024 = arith.constant 0 : i32
      %dma_start3A_3025 = arith.constant 0 : i32
      %dma_start3A_3026 = tpu.memref_slice %arg10[%dma_start3A_3022, %dma_start3A_3024, %dma_start3A_3025] : memref<5x80x128xf32, #tpu.memory_space<vmem>> -> memref<1x80x128xf32, #tpu.memory_space<vmem>>
      %dma_start3A_3027 = tpu.memref_squeeze %dma_start3A_3026 : memref<1x80x128xf32, #tpu.memory_space<vmem>> -> memref<80x128xf32, #tpu.memory_space<vmem>>
      %dma_start3A_3028 = arith.constant 0 : i32
      %dma_start3A_3029 = tpu.memref_slice %arg9[%add3A_3021, %dma_start3A_3028] : memref<125x80xi32, #tpu.memory_space<vmem>> -> memref<1x80xi32, #tpu.memory_space<vmem>>
      %dma_start3A_3030 = tpu.memref_squeeze %dma_start3A_3029 : memref<1x80xi32, #tpu.memory_space<vmem>> -> memref<80xi32, #tpu.memory_space<vmem>>
      %dma_start3A_3031 = arith.constant 0 : i32
      %dma_start3A_3032 = arith.constant 0 : i32
      %dma_start3A_3033 = tpu.memref_slice %arg4[%dma_start3A_3031, %dma_start3A_3032] : memref<3000x128xf32, #tpu.memory_space<hbm>> -> memref<3000x128xf32, #tpu.memory_space<hbm>>
      %dma_start3A_3034 = tpu.memref_slice %arg12[%dma_start3A_3023] : memref<5x!tpu.dma_semaphore, #tpu.memory_space<semaphore_mem>> -> memref<1x!tpu.dma_semaphore, #tpu.memory_space<semaphore_mem>>
      %dma_start3A_3035 = tpu.memref_squeeze %dma_start3A_3034 : memref<1x!tpu.dma_semaphore, #tpu.memory_space<semaphore_mem>> -> memref<!tpu.dma_semaphore, #tpu.memory_space<semaphore_mem>>
      tpu.enqueue_indirect_dma source(%dma_start3A_3033 : memref<3000x128xf32, #tpu.memory_space<hbm>>) target(%dma_start3A_3027 : memref<80x128xf32, #tpu.memory_space<vmem>>) offsets(%dma_start3A_3030 : memref<80xi32, #tpu.memory_space<vmem>>) semaphore(%dma_start3A_3035 : memref<!tpu.dma_semaphore, #tpu.memory_space<semaphore_mem>>)
      %add3A_3036 = arith.constant 2 : i32
      %add3A_3037 = arith.addi %mul3A_1563, %add3A_3036 : i32
      %dma_wait3A_3038 = arith.constant 2 : i32
      %dma_wait3A_3039 = arith.constant 2 : i32
      %dma_wait3A_3040 = arith.constant 0 : i32
      %dma_wait3A_3041 = arith.constant 0 : i32
      %dma_wait3A_3042 = tpu.memref_slice %arg10[%dma_wait3A_3038, %dma_wait3A_3040, %dma_wait3A_3041] : memref<5x80x128xf32, #tpu.memory_space<vmem>> -> memref<1x80x128xf32, #tpu.memory_space<vmem>>
      %dma_wait3A_3043 = tpu.memref_squeeze %dma_wait3A_3042 : memref<1x80x128xf32, #tpu.memory_space<vmem>> -> memref<80x128xf32, #tpu.memory_space<vmem>>
      %dma_wait3A_3044 = arith.constant 0 : i32
      %dma_wait3A_3045 = tpu.memref_slice %arg9[%add3A_3037, %dma_wait3A_3044] : memref<125x80xi32, #tpu.memory_space<vmem>> -> memref<1x80xi32, #tpu.memory_space<vmem>>
      %dma_wait3A_3046 = tpu.memref_squeeze %dma_wait3A_3045 : memref<1x80xi32, #tpu.memory_space<vmem>> -> memref<80xi32, #tpu.memory_space<vmem>>
      %dma_wait3A_3047 = arith.constant 0 : i32
      %dma_wait3A_3048 = arith.constant 0 : i32
      %dma_wait3A_3049 = tpu.memref_slice %arg4[%dma_wait3A_3047, %dma_wait3A_3048] : memref<3000x128xf32, #tpu.memory_space<hbm>> -> memref<3000x128xf32, #tpu.memory_space<hbm>>
      %dma_wait3A_3050 = tpu.memref_slice %arg12[%dma_wait3A_3039] : memref<5x!tpu.dma_semaphore, #tpu.memory_space<semaphore_mem>> -> memref<1x!tpu.dma_semaphore, #tpu.memory_space<semaphore_mem>>
      %dma_wait3A_3051 = tpu.memref_squeeze %dma_wait3A_3050 : memref<1x!tpu.dma_semaphore, #tpu.memory_space<semaphore_mem>> -> memref<!tpu.dma_semaphore, #tpu.memory_space<semaphore_mem>>
      tpu.wait_indirect_dma semaphore(%dma_wait3A_3051 : memref<!tpu.dma_semaphore, #tpu.memory_space<semaphore_mem>>) src(%dma_wait3A_3049 : memref<3000x128xf32, #tpu.memory_space<hbm>>) dst(%dma_wait3A_3043 : memref<80x128xf32, #tpu.memory_space<vmem>>)
      %add3A_3052 = arith.constant 2 : i32
      %add3A_3053 = arith.addi %mul3A_1563, %add3A_3052 : i32
      %mul3A_3054 = arith.constant 80 : i32
      %mul3A_3055 = arith.muli %add3A_3053, %mul3A_3054 : i32
      %add3A_3056 = arith.addi %mul3A_2, %mul3A_3055 : i32
      %dma_start3A_3057 = arith.constant 2 : i32
      %dma_start3A_3058 = arith.constant 2 : i32
      %dma_start3A_3059 = arith.constant 0 : i32
      %dma_start3A_3060 = arith.constant 0 : i32
      %dma_start3A_3061 = tpu.memref_slice %arg10[%dma_start3A_3057, %dma_start3A_3059, %dma_start3A_3060] : memref<5x80x128xf32, #tpu.memory_space<vmem>> -> memref<1x80x128xf32, #tpu.memory_space<vmem>>
      %dma_start3A_3062 = tpu.memref_squeeze %dma_start3A_3061 : memref<1x80x128xf32, #tpu.memory_space<vmem>> -> memref<80x128xf32, #tpu.memory_space<vmem>>
      %dma_start3A_3063 = arith.constant 0 : i32
      %dma_start3A_3064 = tpu.memref_slice %arg5[%add3A_3056, %dma_start3A_3063] : memref<320000x128xf32, #tpu.memory_space<hbm>> -> memref<80x128xf32, #tpu.memory_space<hbm>>
      %dma_start3A_3065 = tpu.memref_slice %arg13[%dma_start3A_3058] : memref<5x!tpu.dma_semaphore, #tpu.memory_space<semaphore_mem>> -> memref<1x!tpu.dma_semaphore, #tpu.memory_space<semaphore_mem>>
      %dma_start3A_3066 = tpu.memref_squeeze %dma_start3A_3065 : memref<1x!tpu.dma_semaphore, #tpu.memory_space<semaphore_mem>> -> memref<!tpu.dma_semaphore, #tpu.memory_space<semaphore_mem>>
      %dma_start3A_3067 = arith.constant 0 : i32
      %dma_start3A_3068 = tpu.memref_slice %arg5[%add3A_3056, %dma_start3A_3067] : memref<320000x128xf32, #tpu.memory_space<hbm>> -> memref<80x128xf32, #tpu.memory_space<hbm>>
      %dma_start3A_3069 = arith.constant 0 : i32
      %dma_start3A_3070 = arith.constant 0 : i32
      %dma_start3A_3071 = tpu.memref_slice %arg10[%dma_start3A_3057, %dma_start3A_3069, %dma_start3A_3070] : memref<5x80x128xf32, #tpu.memory_space<vmem>> -> memref<1x80x128xf32, #tpu.memory_space<vmem>>
      %dma_start3A_3072 = tpu.memref_squeeze %dma_start3A_3071 : memref<1x80x128xf32, #tpu.memory_space<vmem>> -> memref<80x128xf32, #tpu.memory_space<vmem>>
      tpu.enqueue_dma source(%dma_start3A_3072 : memref<80x128xf32, #tpu.memory_space<vmem>>) target(%dma_start3A_3068 : memref<80x128xf32, #tpu.memory_space<hbm>>) target_semaphore(%dma_start3A_3066 : memref<!tpu.dma_semaphore, #tpu.memory_space<semaphore_mem>>)
      %add3A_3073 = arith.constant 2 : i32
      %add3A_3074 = arith.addi %mul3A_1563, %add3A_3073 : i32
      %mul3A_3075 = arith.constant 80 : i32
      %mul3A_3076 = arith.muli %add3A_3074, %mul3A_3075 : i32
      %add3A_3077 = arith.addi %mul3A_2, %mul3A_3076 : i32
      %dma_wait3A_3078 = arith.constant 2 : i32
      %dma_wait3A_3079 = arith.constant 2 : i32
      %dma_wait3A_3080 = arith.constant 0 : i32
      %dma_wait3A_3081 = arith.constant 0 : i32
      %dma_wait3A_3082 = tpu.memref_slice %arg10[%dma_wait3A_3078, %dma_wait3A_3080, %dma_wait3A_3081] : memref<5x80x128xf32, #tpu.memory_space<vmem>> -> memref<1x80x128xf32, #tpu.memory_space<vmem>>
      %dma_wait3A_3083 = tpu.memref_squeeze %dma_wait3A_3082 : memref<1x80x128xf32, #tpu.memory_space<vmem>> -> memref<80x128xf32, #tpu.memory_space<vmem>>
      %dma_wait3A_3084 = arith.constant 0 : i32
      %dma_wait3A_3085 = tpu.memref_slice %arg5[%add3A_3077, %dma_wait3A_3084] : memref<320000x128xf32, #tpu.memory_space<hbm>> -> memref<80x128xf32, #tpu.memory_space<hbm>>
      %dma_wait3A_3086 = tpu.memref_slice %arg13[%dma_wait3A_3079] : memref<5x!tpu.dma_semaphore, #tpu.memory_space<semaphore_mem>> -> memref<1x!tpu.dma_semaphore, #tpu.memory_space<semaphore_mem>>
      %dma_wait3A_3087 = tpu.memref_squeeze %dma_wait3A_3086 : memref<1x!tpu.dma_semaphore, #tpu.memory_space<semaphore_mem>> -> memref<!tpu.dma_semaphore, #tpu.memory_space<semaphore_mem>>
      %dma_wait3A_3088 = arith.constant 0 : i32
      %dma_wait3A_3089 = tpu.memref_slice %arg5[%add3A_3077, %dma_wait3A_3088] : memref<320000x128xf32, #tpu.memory_space<hbm>> -> memref<80x128xf32, #tpu.memory_space<hbm>>
      %dma_wait3A_3090 = arith.constant 0 : i32
      %dma_wait3A_3091 = arith.constant 0 : i32
      %dma_wait3A_3092 = tpu.memref_slice %arg10[%dma_wait3A_3078, %dma_wait3A_3090, %dma_wait3A_3091] : memref<5x80x128xf32, #tpu.memory_space<vmem>> -> memref<1x80x128xf32, #tpu.memory_space<vmem>>
      %dma_wait3A_3093 = tpu.memref_squeeze %dma_wait3A_3092 : memref<1x80x128xf32, #tpu.memory_space<vmem>> -> memref<80x128xf32, #tpu.memory_space<vmem>>
      tpu.wait_dma2 semaphore(%dma_wait3A_3087 : memref<!tpu.dma_semaphore, #tpu.memory_space<semaphore_mem>>) src(%dma_wait3A_3093 : memref<80x128xf32, #tpu.memory_space<vmem>>) dst(%dma_wait3A_3089 : memref<80x128xf32, #tpu.memory_space<hbm>>)
      %add3A_3094 = arith.constant 5 : i32
      %add3A_3095 = arith.addi %mul3A_1563, %add3A_3094 : i32
      %add3A_3096 = arith.constant 2 : i32
      %add3A_3097 = arith.addi %add3A_3095, %add3A_3096 : i32
      %dma_start3A_3098 = arith.constant 2 : i32
      %dma_start3A_3099 = arith.constant 2 : i32
      %dma_start3A_3100 = arith.constant 0 : i32
      %dma_start3A_3101 = arith.constant 0 : i32
      %dma_start3A_3102 = tpu.memref_slice %arg10[%dma_start3A_3098, %dma_start3A_3100, %dma_start3A_3101] : memref<5x80x128xf32, #tpu.memory_space<vmem>> -> memref<1x80x128xf32, #tpu.memory_space<vmem>>
      %dma_start3A_3103 = tpu.memref_squeeze %dma_start3A_3102 : memref<1x80x128xf32, #tpu.memory_space<vmem>> -> memref<80x128xf32, #tpu.memory_space<vmem>>
      %dma_start3A_3104 = arith.constant 0 : i32
      %dma_start3A_3105 = tpu.memref_slice %arg9[%add3A_3097, %dma_start3A_3104] : memref<125x80xi32, #tpu.memory_space<vmem>> -> memref<1x80xi32, #tpu.memory_space<vmem>>
      %dma_start3A_3106 = tpu.memref_squeeze %dma_start3A_3105 : memref<1x80xi32, #tpu.memory_space<vmem>> -> memref<80xi32, #tpu.memory_space<vmem>>
      %dma_start3A_3107 = arith.constant 0 : i32
      %dma_start3A_3108 = arith.constant 0 : i32
      %dma_start3A_3109 = tpu.memref_slice %arg4[%dma_start3A_3107, %dma_start3A_3108] : memref<3000x128xf32, #tpu.memory_space<hbm>> -> memref<3000x128xf32, #tpu.memory_space<hbm>>
      %dma_start3A_3110 = tpu.memref_slice %arg12[%dma_start3A_3099] : memref<5x!tpu.dma_semaphore, #tpu.memory_space<semaphore_mem>> -> memref<1x!tpu.dma_semaphore, #tpu.memory_space<semaphore_mem>>
      %dma_start3A_3111 = tpu.memref_squeeze %dma_start3A_3110 : memref<1x!tpu.dma_semaphore, #tpu.memory_space<semaphore_mem>> -> memref<!tpu.dma_semaphore, #tpu.memory_space<semaphore_mem>>
      tpu.enqueue_indirect_dma source(%dma_start3A_3109 : memref<3000x128xf32, #tpu.memory_space<hbm>>) target(%dma_start3A_3103 : memref<80x128xf32, #tpu.memory_space<vmem>>) offsets(%dma_start3A_3106 : memref<80xi32, #tpu.memory_space<vmem>>) semaphore(%dma_start3A_3111 : memref<!tpu.dma_semaphore, #tpu.memory_space<semaphore_mem>>)
      %add3A_3112 = arith.constant 3 : i32
      %add3A_3113 = arith.addi %mul3A_1563, %add3A_3112 : i32
      %dma_wait3A_3114 = arith.constant 3 : i32
      %dma_wait3A_3115 = arith.constant 3 : i32
      %dma_wait3A_3116 = arith.constant 0 : i32
      %dma_wait3A_3117 = arith.constant 0 : i32
      %dma_wait3A_3118 = tpu.memref_slice %arg10[%dma_wait3A_3114, %dma_wait3A_3116, %dma_wait3A_3117] : memref<5x80x128xf32, #tpu.memory_space<vmem>> -> memref<1x80x128xf32, #tpu.memory_space<vmem>>
      %dma_wait3A_3119 = tpu.memref_squeeze %dma_wait3A_3118 : memref<1x80x128xf32, #tpu.memory_space<vmem>> -> memref<80x128xf32, #tpu.memory_space<vmem>>
      %dma_wait3A_3120 = arith.constant 0 : i32
      %dma_wait3A_3121 = tpu.memref_slice %arg9[%add3A_3113, %dma_wait3A_3120] : memref<125x80xi32, #tpu.memory_space<vmem>> -> memref<1x80xi32, #tpu.memory_space<vmem>>
      %dma_wait3A_3122 = tpu.memref_squeeze %dma_wait3A_3121 : memref<1x80xi32, #tpu.memory_space<vmem>> -> memref<80xi32, #tpu.memory_space<vmem>>
      %dma_wait3A_3123 = arith.constant 0 : i32
      %dma_wait3A_3124 = arith.constant 0 : i32
      %dma_wait3A_3125 = tpu.memref_slice %arg4[%dma_wait3A_3123, %dma_wait3A_3124] : memref<3000x128xf32, #tpu.memory_space<hbm>> -> memref<3000x128xf32, #tpu.memory_space<hbm>>
      %dma_wait3A_3126 = tpu.memref_slice %arg12[%dma_wait3A_3115] : memref<5x!tpu.dma_semaphore, #tpu.memory_space<semaphore_mem>> -> memref<1x!tpu.dma_semaphore, #tpu.memory_space<semaphore_mem>>
      %dma_wait3A_3127 = tpu.memref_squeeze %dma_wait3A_3126 : memref<1x!tpu.dma_semaphore, #tpu.memory_space<semaphore_mem>> -> memref<!tpu.dma_semaphore, #tpu.memory_space<semaphore_mem>>
      tpu.wait_indirect_dma semaphore(%dma_wait3A_3127 : memref<!tpu.dma_semaphore, #tpu.memory_space<semaphore_mem>>) src(%dma_wait3A_3125 : memref<3000x128xf32, #tpu.memory_space<hbm>>) dst(%dma_wait3A_3119 : memref<80x128xf32, #tpu.memory_space<vmem>>)
      %add3A_3128 = arith.constant 3 : i32
      %add3A_3129 = arith.addi %mul3A_1563, %add3A_3128 : i32
      %mul3A_3130 = arith.constant 80 : i32
      %mul3A_3131 = arith.muli %add3A_3129, %mul3A_3130 : i32
      %add3A_3132 = arith.addi %mul3A_2, %mul3A_3131 : i32
      %dma_start3A_3133 = arith.constant 3 : i32
      %dma_start3A_3134 = arith.constant 3 : i32
      %dma_start3A_3135 = arith.constant 0 : i32
      %dma_start3A_3136 = arith.constant 0 : i32
      %dma_start3A_3137 = tpu.memref_slice %arg10[%dma_start3A_3133, %dma_start3A_3135, %dma_start3A_3136] : memref<5x80x128xf32, #tpu.memory_space<vmem>> -> memref<1x80x128xf32, #tpu.memory_space<vmem>>
      %dma_start3A_3138 = tpu.memref_squeeze %dma_start3A_3137 : memref<1x80x128xf32, #tpu.memory_space<vmem>> -> memref<80x128xf32, #tpu.memory_space<vmem>>
      %dma_start3A_3139 = arith.constant 0 : i32
      %dma_start3A_3140 = tpu.memref_slice %arg5[%add3A_3132, %dma_start3A_3139] : memref<320000x128xf32, #tpu.memory_space<hbm>> -> memref<80x128xf32, #tpu.memory_space<hbm>>
      %dma_start3A_3141 = tpu.memref_slice %arg13[%dma_start3A_3134] : memref<5x!tpu.dma_semaphore, #tpu.memory_space<semaphore_mem>> -> memref<1x!tpu.dma_semaphore, #tpu.memory_space<semaphore_mem>>
      %dma_start3A_3142 = tpu.memref_squeeze %dma_start3A_3141 : memref<1x!tpu.dma_semaphore, #tpu.memory_space<semaphore_mem>> -> memref<!tpu.dma_semaphore, #tpu.memory_space<semaphore_mem>>
      %dma_start3A_3143 = arith.constant 0 : i32
      %dma_start3A_3144 = tpu.memref_slice %arg5[%add3A_3132, %dma_start3A_3143] : memref<320000x128xf32, #tpu.memory_space<hbm>> -> memref<80x128xf32, #tpu.memory_space<hbm>>
      %dma_start3A_3145 = arith.constant 0 : i32
      %dma_start3A_3146 = arith.constant 0 : i32
      %dma_start3A_3147 = tpu.memref_slice %arg10[%dma_start3A_3133, %dma_start3A_3145, %dma_start3A_3146] : memref<5x80x128xf32, #tpu.memory_space<vmem>> -> memref<1x80x128xf32, #tpu.memory_space<vmem>>
      %dma_start3A_3148 = tpu.memref_squeeze %dma_start3A_3147 : memref<1x80x128xf32, #tpu.memory_space<vmem>> -> memref<80x128xf32, #tpu.memory_space<vmem>>
      tpu.enqueue_dma source(%dma_start3A_3148 : memref<80x128xf32, #tpu.memory_space<vmem>>) target(%dma_start3A_3144 : memref<80x128xf32, #tpu.memory_space<hbm>>) target_semaphore(%dma_start3A_3142 : memref<!tpu.dma_semaphore, #tpu.memory_space<semaphore_mem>>)
      %add3A_3149 = arith.constant 3 : i32
      %add3A_3150 = arith.addi %mul3A_1563, %add3A_3149 : i32
      %mul3A_3151 = arith.constant 80 : i32
      %mul3A_3152 = arith.muli %add3A_3150, %mul3A_3151 : i32
      %add3A_3153 = arith.addi %mul3A_2, %mul3A_3152 : i32
      %dma_wait3A_3154 = arith.constant 3 : i32
      %dma_wait3A_3155 = arith.constant 3 : i32
      %dma_wait3A_3156 = arith.constant 0 : i32
      %dma_wait3A_3157 = arith.constant 0 : i32
      %dma_wait3A_3158 = tpu.memref_slice %arg10[%dma_wait3A_3154, %dma_wait3A_3156, %dma_wait3A_3157] : memref<5x80x128xf32, #tpu.memory_space<vmem>> -> memref<1x80x128xf32, #tpu.memory_space<vmem>>
      %dma_wait3A_3159 = tpu.memref_squeeze %dma_wait3A_3158 : memref<1x80x128xf32, #tpu.memory_space<vmem>> -> memref<80x128xf32, #tpu.memory_space<vmem>>
      %dma_wait3A_3160 = arith.constant 0 : i32
      %dma_wait3A_3161 = tpu.memref_slice %arg5[%add3A_3153, %dma_wait3A_3160] : memref<320000x128xf32, #tpu.memory_space<hbm>> -> memref<80x128xf32, #tpu.memory_space<hbm>>
      %dma_wait3A_3162 = tpu.memref_slice %arg13[%dma_wait3A_3155] : memref<5x!tpu.dma_semaphore, #tpu.memory_space<semaphore_mem>> -> memref<1x!tpu.dma_semaphore, #tpu.memory_space<semaphore_mem>>
      %dma_wait3A_3163 = tpu.memref_squeeze %dma_wait3A_3162 : memref<1x!tpu.dma_semaphore, #tpu.memory_space<semaphore_mem>> -> memref<!tpu.dma_semaphore, #tpu.memory_space<semaphore_mem>>
      %dma_wait3A_3164 = arith.constant 0 : i32
      %dma_wait3A_3165 = tpu.memref_slice %arg5[%add3A_3153, %dma_wait3A_3164] : memref<320000x128xf32, #tpu.memory_space<hbm>> -> memref<80x128xf32, #tpu.memory_space<hbm>>
      %dma_wait3A_3166 = arith.constant 0 : i32
      %dma_wait3A_3167 = arith.constant 0 : i32
      %dma_wait3A_3168 = tpu.memref_slice %arg10[%dma_wait3A_3154, %dma_wait3A_3166, %dma_wait3A_3167] : memref<5x80x128xf32, #tpu.memory_space<vmem>> -> memref<1x80x128xf32, #tpu.memory_space<vmem>>
      %dma_wait3A_3169 = tpu.memref_squeeze %dma_wait3A_3168 : memref<1x80x128xf32, #tpu.memory_space<vmem>> -> memref<80x128xf32, #tpu.memory_space<vmem>>
      tpu.wait_dma2 semaphore(%dma_wait3A_3163 : memref<!tpu.dma_semaphore, #tpu.memory_space<semaphore_mem>>) src(%dma_wait3A_3169 : memref<80x128xf32, #tpu.memory_space<vmem>>) dst(%dma_wait3A_3165 : memref<80x128xf32, #tpu.memory_space<hbm>>)
      %add3A_3170 = arith.constant 5 : i32
      %add3A_3171 = arith.addi %mul3A_1563, %add3A_3170 : i32
      %add3A_3172 = arith.constant 3 : i32
      %add3A_3173 = arith.addi %add3A_3171, %add3A_3172 : i32
      %dma_start3A_3174 = arith.constant 3 : i32
      %dma_start3A_3175 = arith.constant 3 : i32
      %dma_start3A_3176 = arith.constant 0 : i32
      %dma_start3A_3177 = arith.constant 0 : i32
      %dma_start3A_3178 = tpu.memref_slice %arg10[%dma_start3A_3174, %dma_start3A_3176, %dma_start3A_3177] : memref<5x80x128xf32, #tpu.memory_space<vmem>> -> memref<1x80x128xf32, #tpu.memory_space<vmem>>
      %dma_start3A_3179 = tpu.memref_squeeze %dma_start3A_3178 : memref<1x80x128xf32, #tpu.memory_space<vmem>> -> memref<80x128xf32, #tpu.memory_space<vmem>>
      %dma_start3A_3180 = arith.constant 0 : i32
      %dma_start3A_3181 = tpu.memref_slice %arg9[%add3A_3173, %dma_start3A_3180] : memref<125x80xi32, #tpu.memory_space<vmem>> -> memref<1x80xi32, #tpu.memory_space<vmem>>
      %dma_start3A_3182 = tpu.memref_squeeze %dma_start3A_3181 : memref<1x80xi32, #tpu.memory_space<vmem>> -> memref<80xi32, #tpu.memory_space<vmem>>
      %dma_start3A_3183 = arith.constant 0 : i32
      %dma_start3A_3184 = arith.constant 0 : i32
      %dma_start3A_3185 = tpu.memref_slice %arg4[%dma_start3A_3183, %dma_start3A_3184] : memref<3000x128xf32, #tpu.memory_space<hbm>> -> memref<3000x128xf32, #tpu.memory_space<hbm>>
      %dma_start3A_3186 = tpu.memref_slice %arg12[%dma_start3A_3175] : memref<5x!tpu.dma_semaphore, #tpu.memory_space<semaphore_mem>> -> memref<1x!tpu.dma_semaphore, #tpu.memory_space<semaphore_mem>>
      %dma_start3A_3187 = tpu.memref_squeeze %dma_start3A_3186 : memref<1x!tpu.dma_semaphore, #tpu.memory_space<semaphore_mem>> -> memref<!tpu.dma_semaphore, #tpu.memory_space<semaphore_mem>>
      tpu.enqueue_indirect_dma source(%dma_start3A_3185 : memref<3000x128xf32, #tpu.memory_space<hbm>>) target(%dma_start3A_3179 : memref<80x128xf32, #tpu.memory_space<vmem>>) offsets(%dma_start3A_3182 : memref<80xi32, #tpu.memory_space<vmem>>) semaphore(%dma_start3A_3187 : memref<!tpu.dma_semaphore, #tpu.memory_space<semaphore_mem>>)
      %add3A_3188 = arith.constant 4 : i32
      %add3A_3189 = arith.addi %mul3A_1563, %add3A_3188 : i32
      %dma_wait3A_3190 = arith.constant 4 : i32
      %dma_wait3A_3191 = arith.constant 4 : i32
      %dma_wait3A_3192 = arith.constant 0 : i32
      %dma_wait3A_3193 = arith.constant 0 : i32
      %dma_wait3A_3194 = tpu.memref_slice %arg10[%dma_wait3A_3190, %dma_wait3A_3192, %dma_wait3A_3193] : memref<5x80x128xf32, #tpu.memory_space<vmem>> -> memref<1x80x128xf32, #tpu.memory_space<vmem>>
      %dma_wait3A_3195 = tpu.memref_squeeze %dma_wait3A_3194 : memref<1x80x128xf32, #tpu.memory_space<vmem>> -> memref<80x128xf32, #tpu.memory_space<vmem>>
      %dma_wait3A_3196 = arith.constant 0 : i32
      %dma_wait3A_3197 = tpu.memref_slice %arg9[%add3A_3189, %dma_wait3A_3196] : memref<125x80xi32, #tpu.memory_space<vmem>> -> memref<1x80xi32, #tpu.memory_space<vmem>>
      %dma_wait3A_3198 = tpu.memref_squeeze %dma_wait3A_3197 : memref<1x80xi32, #tpu.memory_space<vmem>> -> memref<80xi32, #tpu.memory_space<vmem>>
      %dma_wait3A_3199 = arith.constant 0 : i32
      %dma_wait3A_3200 = arith.constant 0 : i32
      %dma_wait3A_3201 = tpu.memref_slice %arg4[%dma_wait3A_3199, %dma_wait3A_3200] : memref<3000x128xf32, #tpu.memory_space<hbm>> -> memref<3000x128xf32, #tpu.memory_space<hbm>>
      %dma_wait3A_3202 = tpu.memref_slice %arg12[%dma_wait3A_3191] : memref<5x!tpu.dma_semaphore, #tpu.memory_space<semaphore_mem>> -> memref<1x!tpu.dma_semaphore, #tpu.memory_space<semaphore_mem>>
      %dma_wait3A_3203 = tpu.memref_squeeze %dma_wait3A_3202 : memref<1x!tpu.dma_semaphore, #tpu.memory_space<semaphore_mem>> -> memref<!tpu.dma_semaphore, #tpu.memory_space<semaphore_mem>>
      tpu.wait_indirect_dma semaphore(%dma_wait3A_3203 : memref<!tpu.dma_semaphore, #tpu.memory_space<semaphore_mem>>) src(%dma_wait3A_3201 : memref<3000x128xf32, #tpu.memory_space<hbm>>) dst(%dma_wait3A_3195 : memref<80x128xf32, #tpu.memory_space<vmem>>)
      %add3A_3204 = arith.constant 4 : i32
      %add3A_3205 = arith.addi %mul3A_1563, %add3A_3204 : i32
      %mul3A_3206 = arith.constant 80 : i32
      %mul3A_3207 = arith.muli %add3A_3205, %mul3A_3206 : i32
      %add3A_3208 = arith.addi %mul3A_2, %mul3A_3207 : i32
      %dma_start3A_3209 = arith.constant 4 : i32
      %dma_start3A_3210 = arith.constant 4 : i32
      %dma_start3A_3211 = arith.constant 0 : i32
      %dma_start3A_3212 = arith.constant 0 : i32
      %dma_start3A_3213 = tpu.memref_slice %arg10[%dma_start3A_3209, %dma_start3A_3211, %dma_start3A_3212] : memref<5x80x128xf32, #tpu.memory_space<vmem>> -> memref<1x80x128xf32, #tpu.memory_space<vmem>>
      %dma_start3A_3214 = tpu.memref_squeeze %dma_start3A_3213 : memref<1x80x128xf32, #tpu.memory_space<vmem>> -> memref<80x128xf32, #tpu.memory_space<vmem>>
      %dma_start3A_3215 = arith.constant 0 : i32
      %dma_start3A_3216 = tpu.memref_slice %arg5[%add3A_3208, %dma_start3A_3215] : memref<320000x128xf32, #tpu.memory_space<hbm>> -> memref<80x128xf32, #tpu.memory_space<hbm>>
      %dma_start3A_3217 = tpu.memref_slice %arg13[%dma_start3A_3210] : memref<5x!tpu.dma_semaphore, #tpu.memory_space<semaphore_mem>> -> memref<1x!tpu.dma_semaphore, #tpu.memory_space<semaphore_mem>>
      %dma_start3A_3218 = tpu.memref_squeeze %dma_start3A_3217 : memref<1x!tpu.dma_semaphore, #tpu.memory_space<semaphore_mem>> -> memref<!tpu.dma_semaphore, #tpu.memory_space<semaphore_mem>>
      %dma_start3A_3219 = arith.constant 0 : i32
      %dma_start3A_3220 = tpu.memref_slice %arg5[%add3A_3208, %dma_start3A_3219] : memref<320000x128xf32, #tpu.memory_space<hbm>> -> memref<80x128xf32, #tpu.memory_space<hbm>>
      %dma_start3A_3221 = arith.constant 0 : i32
      %dma_start3A_3222 = arith.constant 0 : i32
      %dma_start3A_3223 = tpu.memref_slice %arg10[%dma_start3A_3209, %dma_start3A_3221, %dma_start3A_3222] : memref<5x80x128xf32, #tpu.memory_space<vmem>> -> memref<1x80x128xf32, #tpu.memory_space<vmem>>
      %dma_start3A_3224 = tpu.memref_squeeze %dma_start3A_3223 : memref<1x80x128xf32, #tpu.memory_space<vmem>> -> memref<80x128xf32, #tpu.memory_space<vmem>>
      tpu.enqueue_dma source(%dma_start3A_3224 : memref<80x128xf32, #tpu.memory_space<vmem>>) target(%dma_start3A_3220 : memref<80x128xf32, #tpu.memory_space<hbm>>) target_semaphore(%dma_start3A_3218 : memref<!tpu.dma_semaphore, #tpu.memory_space<semaphore_mem>>)
      %add3A_3225 = arith.constant 4 : i32
      %add3A_3226 = arith.addi %mul3A_1563, %add3A_3225 : i32
      %mul3A_3227 = arith.constant 80 : i32
      %mul3A_3228 = arith.muli %add3A_3226, %mul3A_3227 : i32
      %add3A_3229 = arith.addi %mul3A_2, %mul3A_3228 : i32
      %dma_wait3A_3230 = arith.constant 4 : i32
      %dma_wait3A_3231 = arith.constant 4 : i32
      %dma_wait3A_3232 = arith.constant 0 : i32
      %dma_wait3A_3233 = arith.constant 0 : i32
      %dma_wait3A_3234 = tpu.memref_slice %arg10[%dma_wait3A_3230, %dma_wait3A_3232, %dma_wait3A_3233] : memref<5x80x128xf32, #tpu.memory_space<vmem>> -> memref<1x80x128xf32, #tpu.memory_space<vmem>>
      %dma_wait3A_3235 = tpu.memref_squeeze %dma_wait3A_3234 : memref<1x80x128xf32, #tpu.memory_space<vmem>> -> memref<80x128xf32, #tpu.memory_space<vmem>>
      %dma_wait3A_3236 = arith.constant 0 : i32
      %dma_wait3A_3237 = tpu.memref_slice %arg5[%add3A_3229, %dma_wait3A_3236] : memref<320000x128xf32, #tpu.memory_space<hbm>> -> memref<80x128xf32, #tpu.memory_space<hbm>>
      %dma_wait3A_3238 = tpu.memref_slice %arg13[%dma_wait3A_3231] : memref<5x!tpu.dma_semaphore, #tpu.memory_space<semaphore_mem>> -> memref<1x!tpu.dma_semaphore, #tpu.memory_space<semaphore_mem>>
      %dma_wait3A_3239 = tpu.memref_squeeze %dma_wait3A_3238 : memref<1x!tpu.dma_semaphore, #tpu.memory_space<semaphore_mem>> -> memref<!tpu.dma_semaphore, #tpu.memory_space<semaphore_mem>>
      %dma_wait3A_3240 = arith.constant 0 : i32
      %dma_wait3A_3241 = tpu.memref_slice %arg5[%add3A_3229, %dma_wait3A_3240] : memref<320000x128xf32, #tpu.memory_space<hbm>> -> memref<80x128xf32, #tpu.memory_space<hbm>>
      %dma_wait3A_3242 = arith.constant 0 : i32
      %dma_wait3A_3243 = arith.constant 0 : i32
      %dma_wait3A_3244 = tpu.memref_slice %arg10[%dma_wait3A_3230, %dma_wait3A_3242, %dma_wait3A_3243] : memref<5x80x128xf32, #tpu.memory_space<vmem>> -> memref<1x80x128xf32, #tpu.memory_space<vmem>>
      %dma_wait3A_3245 = tpu.memref_squeeze %dma_wait3A_3244 : memref<1x80x128xf32, #tpu.memory_space<vmem>> -> memref<80x128xf32, #tpu.memory_space<vmem>>
      tpu.wait_dma2 semaphore(%dma_wait3A_3239 : memref<!tpu.dma_semaphore, #tpu.memory_space<semaphore_mem>>) src(%dma_wait3A_3245 : memref<80x128xf32, #tpu.memory_space<vmem>>) dst(%dma_wait3A_3241 : memref<80x128xf32, #tpu.memory_space<hbm>>)
      %add3A_3246 = arith.constant 5 : i32
      %add3A_3247 = arith.addi %mul3A_1563, %add3A_3246 : i32
      %add3A_3248 = arith.constant 4 : i32
      %add3A_3249 = arith.addi %add3A_3247, %add3A_3248 : i32
      %dma_start3A_3250 = arith.constant 4 : i32
      %dma_start3A_3251 = arith.constant 4 : i32
      %dma_start3A_3252 = arith.constant 0 : i32
      %dma_start3A_3253 = arith.constant 0 : i32
      %dma_start3A_3254 = tpu.memref_slice %arg10[%dma_start3A_3250, %dma_start3A_3252, %dma_start3A_3253] : memref<5x80x128xf32, #tpu.memory_space<vmem>> -> memref<1x80x128xf32, #tpu.memory_space<vmem>>
      %dma_start3A_3255 = tpu.memref_squeeze %dma_start3A_3254 : memref<1x80x128xf32, #tpu.memory_space<vmem>> -> memref<80x128xf32, #tpu.memory_space<vmem>>
      %dma_start3A_3256 = arith.constant 0 : i32
      %dma_start3A_3257 = tpu.memref_slice %arg9[%add3A_3249, %dma_start3A_3256] : memref<125x80xi32, #tpu.memory_space<vmem>> -> memref<1x80xi32, #tpu.memory_space<vmem>>
      %dma_start3A_3258 = tpu.memref_squeeze %dma_start3A_3257 : memref<1x80xi32, #tpu.memory_space<vmem>> -> memref<80xi32, #tpu.memory_space<vmem>>
      %dma_start3A_3259 = arith.constant 0 : i32
      %dma_start3A_3260 = arith.constant 0 : i32
      %dma_start3A_3261 = tpu.memref_slice %arg4[%dma_start3A_3259, %dma_start3A_3260] : memref<3000x128xf32, #tpu.memory_space<hbm>> -> memref<3000x128xf32, #tpu.memory_space<hbm>>
      %dma_start3A_3262 = tpu.memref_slice %arg12[%dma_start3A_3251] : memref<5x!tpu.dma_semaphore, #tpu.memory_space<semaphore_mem>> -> memref<1x!tpu.dma_semaphore, #tpu.memory_space<semaphore_mem>>
      %dma_start3A_3263 = tpu.memref_squeeze %dma_start3A_3262 : memref<1x!tpu.dma_semaphore, #tpu.memory_space<semaphore_mem>> -> memref<!tpu.dma_semaphore, #tpu.memory_space<semaphore_mem>>
      tpu.enqueue_indirect_dma source(%dma_start3A_3261 : memref<3000x128xf32, #tpu.memory_space<hbm>>) target(%dma_start3A_3255 : memref<80x128xf32, #tpu.memory_space<vmem>>) offsets(%dma_start3A_3258 : memref<80xi32, #tpu.memory_space<vmem>>) semaphore(%dma_start3A_3263 : memref<!tpu.dma_semaphore, #tpu.memory_space<semaphore_mem>>)
      %scan3A_3264 = arith.constant 0 : i32
      scf.yield %scan3A_3264 : i32
    }
    %scan3A_1304 = arith.constant 24 : i32
    %dma_wait3A_1305 = arith.constant 120 : i32
    %dma_wait3A_1306 = arith.constant 0 : i32
    %dma_wait3A_1307 = arith.constant 0 : i32
    %dma_wait3A_1308 = arith.constant 0 : i32
    %dma_wait3A_1309 = arith.constant 0 : i32
    %dma_wait3A_1310 = tpu.memref_slice %arg10[%dma_wait3A_1306, %dma_wait3A_1308, %dma_wait3A_1309] : memref<5x80x128xf32, #tpu.memory_space<vmem>> -> memref<1x80x128xf32, #tpu.memory_space<vmem>>
    %dma_wait3A_1311 = tpu.memref_squeeze %dma_wait3A_1310 : memref<1x80x128xf32, #tpu.memory_space<vmem>> -> memref<80x128xf32, #tpu.memory_space<vmem>>
    %dma_wait3A_1312 = arith.constant 0 : i32
    %dma_wait3A_1313 = tpu.memref_slice %arg9[%dma_wait3A_1305, %dma_wait3A_1312] : memref<125x80xi32, #tpu.memory_space<vmem>> -> memref<1x80xi32, #tpu.memory_space<vmem>>
    %dma_wait3A_1314 = tpu.memref_squeeze %dma_wait3A_1313 : memref<1x80xi32, #tpu.memory_space<vmem>> -> memref<80xi32, #tpu.memory_space<vmem>>
    %dma_wait3A_1315 = arith.constant 0 : i32
    %dma_wait3A_1316 = arith.constant 0 : i32
    %dma_wait3A_1317 = tpu.memref_slice %arg4[%dma_wait3A_1315, %dma_wait3A_1316] : memref<3000x128xf32, #tpu.memory_space<hbm>> -> memref<3000x128xf32, #tpu.memory_space<hbm>>
    %dma_wait3A_1318 = tpu.memref_slice %arg12[%dma_wait3A_1307] : memref<5x!tpu.dma_semaphore, #tpu.memory_space<semaphore_mem>> -> memref<1x!tpu.dma_semaphore, #tpu.memory_space<semaphore_mem>>
    %dma_wait3A_1319 = tpu.memref_squeeze %dma_wait3A_1318 : memref<1x!tpu.dma_semaphore, #tpu.memory_space<semaphore_mem>> -> memref<!tpu.dma_semaphore, #tpu.memory_space<semaphore_mem>>
    tpu.wait_indirect_dma semaphore(%dma_wait3A_1319 : memref<!tpu.dma_semaphore, #tpu.memory_space<semaphore_mem>>) src(%dma_wait3A_1317 : memref<3000x128xf32, #tpu.memory_space<hbm>>) dst(%dma_wait3A_1311 : memref<80x128xf32, #tpu.memory_space<vmem>>)
    %add3A_1320 = arith.constant 9600 : i32
    %add3A_1321 = arith.addi %mul3A_2, %add3A_1320 : i32
    %dma_start3A_1322 = arith.constant 0 : i32
    %dma_start3A_1323 = arith.constant 0 : i32
    %dma_start3A_1324 = arith.constant 0 : i32
    %dma_start3A_1325 = arith.constant 0 : i32
    %dma_start3A_1326 = tpu.memref_slice %arg10[%dma_start3A_1322, %dma_start3A_1324, %dma_start3A_1325] : memref<5x80x128xf32, #tpu.memory_space<vmem>> -> memref<1x80x128xf32, #tpu.memory_space<vmem>>
    %dma_start3A_1327 = tpu.memref_squeeze %dma_start3A_1326 : memref<1x80x128xf32, #tpu.memory_space<vmem>> -> memref<80x128xf32, #tpu.memory_space<vmem>>
    %dma_start3A_1328 = arith.constant 0 : i32
    %dma_start3A_1329 = tpu.memref_slice %arg5[%add3A_1321, %dma_start3A_1328] : memref<320000x128xf32, #tpu.memory_space<hbm>> -> memref<80x128xf32, #tpu.memory_space<hbm>>
    %dma_start3A_1330 = tpu.memref_slice %arg13[%dma_start3A_1323] : memref<5x!tpu.dma_semaphore, #tpu.memory_space<semaphore_mem>> -> memref<1x!tpu.dma_semaphore, #tpu.memory_space<semaphore_mem>>
    %dma_start3A_1331 = tpu.memref_squeeze %dma_start3A_1330 : memref<1x!tpu.dma_semaphore, #tpu.memory_space<semaphore_mem>> -> memref<!tpu.dma_semaphore, #tpu.memory_space<semaphore_mem>>
    %dma_start3A_1332 = arith.constant 0 : i32
    %dma_start3A_1333 = tpu.memref_slice %arg5[%add3A_1321, %dma_start3A_1332] : memref<320000x128xf32, #tpu.memory_space<hbm>> -> memref<80x128xf32, #tpu.memory_space<hbm>>
    %dma_start3A_1334 = arith.constant 0 : i32
    %dma_start3A_1335 = arith.constant 0 : i32
    %dma_start3A_1336 = tpu.memref_slice %arg10[%dma_start3A_1322, %dma_start3A_1334, %dma_start3A_1335] : memref<5x80x128xf32, #tpu.memory_space<vmem>> -> memref<1x80x128xf32, #tpu.memory_space<vmem>>
    %dma_start3A_1337 = tpu.memref_squeeze %dma_start3A_1336 : memref<1x80x128xf32, #tpu.memory_space<vmem>> -> memref<80x128xf32, #tpu.memory_space<vmem>>
    tpu.enqueue_dma source(%dma_start3A_1337 : memref<80x128xf32, #tpu.memory_space<vmem>>) target(%dma_start3A_1333 : memref<80x128xf32, #tpu.memory_space<hbm>>) target_semaphore(%dma_start3A_1331 : memref<!tpu.dma_semaphore, #tpu.memory_space<semaphore_mem>>)
    %add3A_1338 = arith.constant 9600 : i32
    %add3A_1339 = arith.addi %mul3A_2, %add3A_1338 : i32
    %dma_wait3A_1340 = arith.constant 0 : i32
    %dma_wait3A_1341 = arith.constant 0 : i32
    %dma_wait3A_1342 = arith.constant 0 : i32
    %dma_wait3A_1343 = arith.constant 0 : i32
    %dma_wait3A_1344 = tpu.memref_slice %arg10[%dma_wait3A_1340, %dma_wait3A_1342, %dma_wait3A_1343] : memref<5x80x128xf32, #tpu.memory_space<vmem>> -> memref<1x80x128xf32, #tpu.memory_space<vmem>>
    %dma_wait3A_1345 = tpu.memref_squeeze %dma_wait3A_1344 : memref<1x80x128xf32, #tpu.memory_space<vmem>> -> memref<80x128xf32, #tpu.memory_space<vmem>>
    %dma_wait3A_1346 = arith.constant 0 : i32
    %dma_wait3A_1347 = tpu.memref_slice %arg5[%add3A_1339, %dma_wait3A_1346] : memref<320000x128xf32, #tpu.memory_space<hbm>> -> memref<80x128xf32, #tpu.memory_space<hbm>>
    %dma_wait3A_1348 = tpu.memref_slice %arg13[%dma_wait3A_1341] : memref<5x!tpu.dma_semaphore, #tpu.memory_space<semaphore_mem>> -> memref<1x!tpu.dma_semaphore, #tpu.memory_space<semaphore_mem>>
    %dma_wait3A_1349 = tpu.memref_squeeze %dma_wait3A_1348 : memref<1x!tpu.dma_semaphore, #tpu.memory_space<semaphore_mem>> -> memref<!tpu.dma_semaphore, #tpu.memory_space<semaphore_mem>>
    %dma_wait3A_1350 = arith.constant 0 : i32
    %dma_wait3A_1351 = tpu.memref_slice %arg5[%add3A_1339, %dma_wait3A_1350] : memref<320000x128xf32, #tpu.memory_space<hbm>> -> memref<80x128xf32, #tpu.memory_space<hbm>>
    %dma_wait3A_1352 = arith.constant 0 : i32
    %dma_wait3A_1353 = arith.constant 0 : i32
    %dma_wait3A_1354 = tpu.memref_slice %arg10[%dma_wait3A_1340, %dma_wait3A_1352, %dma_wait3A_1353] : memref<5x80x128xf32, #tpu.memory_space<vmem>> -> memref<1x80x128xf32, #tpu.memory_space<vmem>>
    %dma_wait3A_1355 = tpu.memref_squeeze %dma_wait3A_1354 : memref<1x80x128xf32, #tpu.memory_space<vmem>> -> memref<80x128xf32, #tpu.memory_space<vmem>>
    tpu.wait_dma2 semaphore(%dma_wait3A_1349 : memref<!tpu.dma_semaphore, #tpu.memory_space<semaphore_mem>>) src(%dma_wait3A_1355 : memref<80x128xf32, #tpu.memory_space<vmem>>) dst(%dma_wait3A_1351 : memref<80x128xf32, #tpu.memory_space<hbm>>)
    %dma_wait3A_1356 = arith.constant 121 : i32
    %dma_wait3A_1357 = arith.constant 1 : i32
    %dma_wait3A_1358 = arith.constant 1 : i32
    %dma_wait3A_1359 = arith.constant 0 : i32
    %dma_wait3A_1360 = arith.constant 0 : i32
    %dma_wait3A_1361 = tpu.memref_slice %arg10[%dma_wait3A_1357, %dma_wait3A_1359, %dma_wait3A_1360] : memref<5x80x128xf32, #tpu.memory_space<vmem>> -> memref<1x80x128xf32, #tpu.memory_space<vmem>>
    %dma_wait3A_1362 = tpu.memref_squeeze %dma_wait3A_1361 : memref<1x80x128xf32, #tpu.memory_space<vmem>> -> memref<80x128xf32, #tpu.memory_space<vmem>>
    %dma_wait3A_1363 = arith.constant 0 : i32
    %dma_wait3A_1364 = tpu.memref_slice %arg9[%dma_wait3A_1356, %dma_wait3A_1363] : memref<125x80xi32, #tpu.memory_space<vmem>> -> memref<1x80xi32, #tpu.memory_space<vmem>>
    %dma_wait3A_1365 = tpu.memref_squeeze %dma_wait3A_1364 : memref<1x80xi32, #tpu.memory_space<vmem>> -> memref<80xi32, #tpu.memory_space<vmem>>
    %dma_wait3A_1366 = arith.constant 0 : i32
    %dma_wait3A_1367 = arith.constant 0 : i32
    %dma_wait3A_1368 = tpu.memref_slice %arg4[%dma_wait3A_1366, %dma_wait3A_1367] : memref<3000x128xf32, #tpu.memory_space<hbm>> -> memref<3000x128xf32, #tpu.memory_space<hbm>>
    %dma_wait3A_1369 = tpu.memref_slice %arg12[%dma_wait3A_1358] : memref<5x!tpu.dma_semaphore, #tpu.memory_space<semaphore_mem>> -> memref<1x!tpu.dma_semaphore, #tpu.memory_space<semaphore_mem>>
    %dma_wait3A_1370 = tpu.memref_squeeze %dma_wait3A_1369 : memref<1x!tpu.dma_semaphore, #tpu.memory_space<semaphore_mem>> -> memref<!tpu.dma_semaphore, #tpu.memory_space<semaphore_mem>>
    tpu.wait_indirect_dma semaphore(%dma_wait3A_1370 : memref<!tpu.dma_semaphore, #tpu.memory_space<semaphore_mem>>) src(%dma_wait3A_1368 : memref<3000x128xf32, #tpu.memory_space<hbm>>) dst(%dma_wait3A_1362 : memref<80x128xf32, #tpu.memory_space<vmem>>)
    %add3A_1371 = arith.constant 9680 : i32
    %add3A_1372 = arith.addi %mul3A_2, %add3A_1371 : i32
    %dma_start3A_1373 = arith.constant 1 : i32
    %dma_start3A_1374 = arith.constant 1 : i32
    %dma_start3A_1375 = arith.constant 0 : i32
    %dma_start3A_1376 = arith.constant 0 : i32
    %dma_start3A_1377 = tpu.memref_slice %arg10[%dma_start3A_1373, %dma_start3A_1375, %dma_start3A_1376] : memref<5x80x128xf32, #tpu.memory_space<vmem>> -> memref<1x80x128xf32, #tpu.memory_space<vmem>>
    %dma_start3A_1378 = tpu.memref_squeeze %dma_start3A_1377 : memref<1x80x128xf32, #tpu.memory_space<vmem>> -> memref<80x128xf32, #tpu.memory_space<vmem>>
    %dma_start3A_1379 = arith.constant 0 : i32
    %dma_start3A_1380 = tpu.memref_slice %arg5[%add3A_1372, %dma_start3A_1379] : memref<320000x128xf32, #tpu.memory_space<hbm>> -> memref<80x128xf32, #tpu.memory_space<hbm>>
    %dma_start3A_1381 = tpu.memref_slice %arg13[%dma_start3A_1374] : memref<5x!tpu.dma_semaphore, #tpu.memory_space<semaphore_mem>> -> memref<1x!tpu.dma_semaphore, #tpu.memory_space<semaphore_mem>>
    %dma_start3A_1382 = tpu.memref_squeeze %dma_start3A_1381 : memref<1x!tpu.dma_semaphore, #tpu.memory_space<semaphore_mem>> -> memref<!tpu.dma_semaphore, #tpu.memory_space<semaphore_mem>>
    %dma_start3A_1383 = arith.constant 0 : i32
    %dma_start3A_1384 = tpu.memref_slice %arg5[%add3A_1372, %dma_start3A_1383] : memref<320000x128xf32, #tpu.memory_space<hbm>> -> memref<80x128xf32, #tpu.memory_space<hbm>>
    %dma_start3A_1385 = arith.constant 0 : i32
    %dma_start3A_1386 = arith.constant 0 : i32
    %dma_start3A_1387 = tpu.memref_slice %arg10[%dma_start3A_1373, %dma_start3A_1385, %dma_start3A_1386] : memref<5x80x128xf32, #tpu.memory_space<vmem>> -> memref<1x80x128xf32, #tpu.memory_space<vmem>>
    %dma_start3A_1388 = tpu.memref_squeeze %dma_start3A_1387 : memref<1x80x128xf32, #tpu.memory_space<vmem>> -> memref<80x128xf32, #tpu.memory_space<vmem>>
    tpu.enqueue_dma source(%dma_start3A_1388 : memref<80x128xf32, #tpu.memory_space<vmem>>) target(%dma_start3A_1384 : memref<80x128xf32, #tpu.memory_space<hbm>>) target_semaphore(%dma_start3A_1382 : memref<!tpu.dma_semaphore, #tpu.memory_space<semaphore_mem>>)
    %add3A_1389 = arith.constant 9680 : i32
    %add3A_1390 = arith.addi %mul3A_2, %add3A_1389 : i32
    %dma_wait3A_1391 = arith.constant 1 : i32
    %dma_wait3A_1392 = arith.constant 1 : i32
    %dma_wait3A_1393 = arith.constant 0 : i32
    %dma_wait3A_1394 = arith.constant 0 : i32
    %dma_wait3A_1395 = tpu.memref_slice %arg10[%dma_wait3A_1391, %dma_wait3A_1393, %dma_wait3A_1394] : memref<5x80x128xf32, #tpu.memory_space<vmem>> -> memref<1x80x128xf32, #tpu.memory_space<vmem>>
    %dma_wait3A_1396 = tpu.memref_squeeze %dma_wait3A_1395 : memref<1x80x128xf32, #tpu.memory_space<vmem>> -> memref<80x128xf32, #tpu.memory_space<vmem>>
    %dma_wait3A_1397 = arith.constant 0 : i32
    %dma_wait3A_1398 = tpu.memref_slice %arg5[%add3A_1390, %dma_wait3A_1397] : memref<320000x128xf32, #tpu.memory_space<hbm>> -> memref<80x128xf32, #tpu.memory_space<hbm>>
    %dma_wait3A_1399 = tpu.memref_slice %arg13[%dma_wait3A_1392] : memref<5x!tpu.dma_semaphore, #tpu.memory_space<semaphore_mem>> -> memref<1x!tpu.dma_semaphore, #tpu.memory_space<semaphore_mem>>
    %dma_wait3A_1400 = tpu.memref_squeeze %dma_wait3A_1399 : memref<1x!tpu.dma_semaphore, #tpu.memory_space<semaphore_mem>> -> memref<!tpu.dma_semaphore, #tpu.memory_space<semaphore_mem>>
    %dma_wait3A_1401 = arith.constant 0 : i32
    %dma_wait3A_1402 = tpu.memref_slice %arg5[%add3A_1390, %dma_wait3A_1401] : memref<320000x128xf32, #tpu.memory_space<hbm>> -> memref<80x128xf32, #tpu.memory_space<hbm>>
    %dma_wait3A_1403 = arith.constant 0 : i32
    %dma_wait3A_1404 = arith.constant 0 : i32
    %dma_wait3A_1405 = tpu.memref_slice %arg10[%dma_wait3A_1391, %dma_wait3A_1403, %dma_wait3A_1404] : memref<5x80x128xf32, #tpu.memory_space<vmem>> -> memref<1x80x128xf32, #tpu.memory_space<vmem>>
    %dma_wait3A_1406 = tpu.memref_squeeze %dma_wait3A_1405 : memref<1x80x128xf32, #tpu.memory_space<vmem>> -> memref<80x128xf32, #tpu.memory_space<vmem>>
    tpu.wait_dma2 semaphore(%dma_wait3A_1400 : memref<!tpu.dma_semaphore, #tpu.memory_space<semaphore_mem>>) src(%dma_wait3A_1406 : memref<80x128xf32, #tpu.memory_space<vmem>>) dst(%dma_wait3A_1402 : memref<80x128xf32, #tpu.memory_space<hbm>>)
    %dma_wait3A_1407 = arith.constant 122 : i32
    %dma_wait3A_1408 = arith.constant 2 : i32
    %dma_wait3A_1409 = arith.constant 2 : i32
    %dma_wait3A_1410 = arith.constant 0 : i32
    %dma_wait3A_1411 = arith.constant 0 : i32
    %dma_wait3A_1412 = tpu.memref_slice %arg10[%dma_wait3A_1408, %dma_wait3A_1410, %dma_wait3A_1411] : memref<5x80x128xf32, #tpu.memory_space<vmem>> -> memref<1x80x128xf32, #tpu.memory_space<vmem>>
    %dma_wait3A_1413 = tpu.memref_squeeze %dma_wait3A_1412 : memref<1x80x128xf32, #tpu.memory_space<vmem>> -> memref<80x128xf32, #tpu.memory_space<vmem>>
    %dma_wait3A_1414 = arith.constant 0 : i32
    %dma_wait3A_1415 = tpu.memref_slice %arg9[%dma_wait3A_1407, %dma_wait3A_1414] : memref<125x80xi32, #tpu.memory_space<vmem>> -> memref<1x80xi32, #tpu.memory_space<vmem>>
    %dma_wait3A_1416 = tpu.memref_squeeze %dma_wait3A_1415 : memref<1x80xi32, #tpu.memory_space<vmem>> -> memref<80xi32, #tpu.memory_space<vmem>>
    %dma_wait3A_1417 = arith.constant 0 : i32
    %dma_wait3A_1418 = arith.constant 0 : i32
    %dma_wait3A_1419 = tpu.memref_slice %arg4[%dma_wait3A_1417, %dma_wait3A_1418] : memref<3000x128xf32, #tpu.memory_space<hbm>> -> memref<3000x128xf32, #tpu.memory_space<hbm>>
    %dma_wait3A_1420 = tpu.memref_slice %arg12[%dma_wait3A_1409] : memref<5x!tpu.dma_semaphore, #tpu.memory_space<semaphore_mem>> -> memref<1x!tpu.dma_semaphore, #tpu.memory_space<semaphore_mem>>
    %dma_wait3A_1421 = tpu.memref_squeeze %dma_wait3A_1420 : memref<1x!tpu.dma_semaphore, #tpu.memory_space<semaphore_mem>> -> memref<!tpu.dma_semaphore, #tpu.memory_space<semaphore_mem>>
    tpu.wait_indirect_dma semaphore(%dma_wait3A_1421 : memref<!tpu.dma_semaphore, #tpu.memory_space<semaphore_mem>>) src(%dma_wait3A_1419 : memref<3000x128xf32, #tpu.memory_space<hbm>>) dst(%dma_wait3A_1413 : memref<80x128xf32, #tpu.memory_space<vmem>>)
    %add3A_1422 = arith.constant 9760 : i32
    %add3A_1423 = arith.addi %mul3A_2, %add3A_1422 : i32
    %dma_start3A_1424 = arith.constant 2 : i32
    %dma_start3A_1425 = arith.constant 2 : i32
    %dma_start3A_1426 = arith.constant 0 : i32
    %dma_start3A_1427 = arith.constant 0 : i32
    %dma_start3A_1428 = tpu.memref_slice %arg10[%dma_start3A_1424, %dma_start3A_1426, %dma_start3A_1427] : memref<5x80x128xf32, #tpu.memory_space<vmem>> -> memref<1x80x128xf32, #tpu.memory_space<vmem>>
    %dma_start3A_1429 = tpu.memref_squeeze %dma_start3A_1428 : memref<1x80x128xf32, #tpu.memory_space<vmem>> -> memref<80x128xf32, #tpu.memory_space<vmem>>
    %dma_start3A_1430 = arith.constant 0 : i32
    %dma_start3A_1431 = tpu.memref_slice %arg5[%add3A_1423, %dma_start3A_1430] : memref<320000x128xf32, #tpu.memory_space<hbm>> -> memref<80x128xf32, #tpu.memory_space<hbm>>
    %dma_start3A_1432 = tpu.memref_slice %arg13[%dma_start3A_1425] : memref<5x!tpu.dma_semaphore, #tpu.memory_space<semaphore_mem>> -> memref<1x!tpu.dma_semaphore, #tpu.memory_space<semaphore_mem>>
    %dma_start3A_1433 = tpu.memref_squeeze %dma_start3A_1432 : memref<1x!tpu.dma_semaphore, #tpu.memory_space<semaphore_mem>> -> memref<!tpu.dma_semaphore, #tpu.memory_space<semaphore_mem>>
    %dma_start3A_1434 = arith.constant 0 : i32
    %dma_start3A_1435 = tpu.memref_slice %arg5[%add3A_1423, %dma_start3A_1434] : memref<320000x128xf32, #tpu.memory_space<hbm>> -> memref<80x128xf32, #tpu.memory_space<hbm>>
    %dma_start3A_1436 = arith.constant 0 : i32
    %dma_start3A_1437 = arith.constant 0 : i32
    %dma_start3A_1438 = tpu.memref_slice %arg10[%dma_start3A_1424, %dma_start3A_1436, %dma_start3A_1437] : memref<5x80x128xf32, #tpu.memory_space<vmem>> -> memref<1x80x128xf32, #tpu.memory_space<vmem>>
    %dma_start3A_1439 = tpu.memref_squeeze %dma_start3A_1438 : memref<1x80x128xf32, #tpu.memory_space<vmem>> -> memref<80x128xf32, #tpu.memory_space<vmem>>
    tpu.enqueue_dma source(%dma_start3A_1439 : memref<80x128xf32, #tpu.memory_space<vmem>>) target(%dma_start3A_1435 : memref<80x128xf32, #tpu.memory_space<hbm>>) target_semaphore(%dma_start3A_1433 : memref<!tpu.dma_semaphore, #tpu.memory_space<semaphore_mem>>)
    %add3A_1440 = arith.constant 9760 : i32
    %add3A_1441 = arith.addi %mul3A_2, %add3A_1440 : i32
    %dma_wait3A_1442 = arith.constant 2 : i32
    %dma_wait3A_1443 = arith.constant 2 : i32
    %dma_wait3A_1444 = arith.constant 0 : i32
    %dma_wait3A_1445 = arith.constant 0 : i32
    %dma_wait3A_1446 = tpu.memref_slice %arg10[%dma_wait3A_1442, %dma_wait3A_1444, %dma_wait3A_1445] : memref<5x80x128xf32, #tpu.memory_space<vmem>> -> memref<1x80x128xf32, #tpu.memory_space<vmem>>
    %dma_wait3A_1447 = tpu.memref_squeeze %dma_wait3A_1446 : memref<1x80x128xf32, #tpu.memory_space<vmem>> -> memref<80x128xf32, #tpu.memory_space<vmem>>
    %dma_wait3A_1448 = arith.constant 0 : i32
    %dma_wait3A_1449 = tpu.memref_slice %arg5[%add3A_1441, %dma_wait3A_1448] : memref<320000x128xf32, #tpu.memory_space<hbm>> -> memref<80x128xf32, #tpu.memory_space<hbm>>
    %dma_wait3A_1450 = tpu.memref_slice %arg13[%dma_wait3A_1443] : memref<5x!tpu.dma_semaphore, #tpu.memory_space<semaphore_mem>> -> memref<1x!tpu.dma_semaphore, #tpu.memory_space<semaphore_mem>>
    %dma_wait3A_1451 = tpu.memref_squeeze %dma_wait3A_1450 : memref<1x!tpu.dma_semaphore, #tpu.memory_space<semaphore_mem>> -> memref<!tpu.dma_semaphore, #tpu.memory_space<semaphore_mem>>
    %dma_wait3A_1452 = arith.constant 0 : i32
    %dma_wait3A_1453 = tpu.memref_slice %arg5[%add3A_1441, %dma_wait3A_1452] : memref<320000x128xf32, #tpu.memory_space<hbm>> -> memref<80x128xf32, #tpu.memory_space<hbm>>
    %dma_wait3A_1454 = arith.constant 0 : i32
    %dma_wait3A_1455 = arith.constant 0 : i32
    %dma_wait3A_1456 = tpu.memref_slice %arg10[%dma_wait3A_1442, %dma_wait3A_1454, %dma_wait3A_1455] : memref<5x80x128xf32, #tpu.memory_space<vmem>> -> memref<1x80x128xf32, #tpu.memory_space<vmem>>
    %dma_wait3A_1457 = tpu.memref_squeeze %dma_wait3A_1456 : memref<1x80x128xf32, #tpu.memory_space<vmem>> -> memref<80x128xf32, #tpu.memory_space<vmem>>
    tpu.wait_dma2 semaphore(%dma_wait3A_1451 : memref<!tpu.dma_semaphore, #tpu.memory_space<semaphore_mem>>) src(%dma_wait3A_1457 : memref<80x128xf32, #tpu.memory_space<vmem>>) dst(%dma_wait3A_1453 : memref<80x128xf32, #tpu.memory_space<hbm>>)
    %dma_wait3A_1458 = arith.constant 123 : i32
    %dma_wait3A_1459 = arith.constant 3 : i32
    %dma_wait3A_1460 = arith.constant 3 : i32
    %dma_wait3A_1461 = arith.constant 0 : i32
    %dma_wait3A_1462 = arith.constant 0 : i32
    %dma_wait3A_1463 = tpu.memref_slice %arg10[%dma_wait3A_1459, %dma_wait3A_1461, %dma_wait3A_1462] : memref<5x80x128xf32, #tpu.memory_space<vmem>> -> memref<1x80x128xf32, #tpu.memory_space<vmem>>
    %dma_wait3A_1464 = tpu.memref_squeeze %dma_wait3A_1463 : memref<1x80x128xf32, #tpu.memory_space<vmem>> -> memref<80x128xf32, #tpu.memory_space<vmem>>
    %dma_wait3A_1465 = arith.constant 0 : i32
    %dma_wait3A_1466 = tpu.memref_slice %arg9[%dma_wait3A_1458, %dma_wait3A_1465] : memref<125x80xi32, #tpu.memory_space<vmem>> -> memref<1x80xi32, #tpu.memory_space<vmem>>
    %dma_wait3A_1467 = tpu.memref_squeeze %dma_wait3A_1466 : memref<1x80xi32, #tpu.memory_space<vmem>> -> memref<80xi32, #tpu.memory_space<vmem>>
    %dma_wait3A_1468 = arith.constant 0 : i32
    %dma_wait3A_1469 = arith.constant 0 : i32
    %dma_wait3A_1470 = tpu.memref_slice %arg4[%dma_wait3A_1468, %dma_wait3A_1469] : memref<3000x128xf32, #tpu.memory_space<hbm>> -> memref<3000x128xf32, #tpu.memory_space<hbm>>
    %dma_wait3A_1471 = tpu.memref_slice %arg12[%dma_wait3A_1460] : memref<5x!tpu.dma_semaphore, #tpu.memory_space<semaphore_mem>> -> memref<1x!tpu.dma_semaphore, #tpu.memory_space<semaphore_mem>>
    %dma_wait3A_1472 = tpu.memref_squeeze %dma_wait3A_1471 : memref<1x!tpu.dma_semaphore, #tpu.memory_space<semaphore_mem>> -> memref<!tpu.dma_semaphore, #tpu.memory_space<semaphore_mem>>
    tpu.wait_indirect_dma semaphore(%dma_wait3A_1472 : memref<!tpu.dma_semaphore, #tpu.memory_space<semaphore_mem>>) src(%dma_wait3A_1470 : memref<3000x128xf32, #tpu.memory_space<hbm>>) dst(%dma_wait3A_1464 : memref<80x128xf32, #tpu.memory_space<vmem>>)
    %add3A_1473 = arith.constant 9840 : i32
    %add3A_1474 = arith.addi %mul3A_2, %add3A_1473 : i32
    %dma_start3A_1475 = arith.constant 3 : i32
    %dma_start3A_1476 = arith.constant 3 : i32
    %dma_start3A_1477 = arith.constant 0 : i32
    %dma_start3A_1478 = arith.constant 0 : i32
    %dma_start3A_1479 = tpu.memref_slice %arg10[%dma_start3A_1475, %dma_start3A_1477, %dma_start3A_1478] : memref<5x80x128xf32, #tpu.memory_space<vmem>> -> memref<1x80x128xf32, #tpu.memory_space<vmem>>
    %dma_start3A_1480 = tpu.memref_squeeze %dma_start3A_1479 : memref<1x80x128xf32, #tpu.memory_space<vmem>> -> memref<80x128xf32, #tpu.memory_space<vmem>>
    %dma_start3A_1481 = arith.constant 0 : i32
    %dma_start3A_1482 = tpu.memref_slice %arg5[%add3A_1474, %dma_start3A_1481] : memref<320000x128xf32, #tpu.memory_space<hbm>> -> memref<80x128xf32, #tpu.memory_space<hbm>>
    %dma_start3A_1483 = tpu.memref_slice %arg13[%dma_start3A_1476] : memref<5x!tpu.dma_semaphore, #tpu.memory_space<semaphore_mem>> -> memref<1x!tpu.dma_semaphore, #tpu.memory_space<semaphore_mem>>
    %dma_start3A_1484 = tpu.memref_squeeze %dma_start3A_1483 : memref<1x!tpu.dma_semaphore, #tpu.memory_space<semaphore_mem>> -> memref<!tpu.dma_semaphore, #tpu.memory_space<semaphore_mem>>
    %dma_start3A_1485 = arith.constant 0 : i32
    %dma_start3A_1486 = tpu.memref_slice %arg5[%add3A_1474, %dma_start3A_1485] : memref<320000x128xf32, #tpu.memory_space<hbm>> -> memref<80x128xf32, #tpu.memory_space<hbm>>
    %dma_start3A_1487 = arith.constant 0 : i32
    %dma_start3A_1488 = arith.constant 0 : i32
    %dma_start3A_1489 = tpu.memref_slice %arg10[%dma_start3A_1475, %dma_start3A_1487, %dma_start3A_1488] : memref<5x80x128xf32, #tpu.memory_space<vmem>> -> memref<1x80x128xf32, #tpu.memory_space<vmem>>
    %dma_start3A_1490 = tpu.memref_squeeze %dma_start3A_1489 : memref<1x80x128xf32, #tpu.memory_space<vmem>> -> memref<80x128xf32, #tpu.memory_space<vmem>>
    tpu.enqueue_dma source(%dma_start3A_1490 : memref<80x128xf32, #tpu.memory_space<vmem>>) target(%dma_start3A_1486 : memref<80x128xf32, #tpu.memory_space<hbm>>) target_semaphore(%dma_start3A_1484 : memref<!tpu.dma_semaphore, #tpu.memory_space<semaphore_mem>>)
    %add3A_1491 = arith.constant 9840 : i32
    %add3A_1492 = arith.addi %mul3A_2, %add3A_1491 : i32
    %dma_wait3A_1493 = arith.constant 3 : i32
    %dma_wait3A_1494 = arith.constant 3 : i32
    %dma_wait3A_1495 = arith.constant 0 : i32
    %dma_wait3A_1496 = arith.constant 0 : i32
    %dma_wait3A_1497 = tpu.memref_slice %arg10[%dma_wait3A_1493, %dma_wait3A_1495, %dma_wait3A_1496] : memref<5x80x128xf32, #tpu.memory_space<vmem>> -> memref<1x80x128xf32, #tpu.memory_space<vmem>>
    %dma_wait3A_1498 = tpu.memref_squeeze %dma_wait3A_1497 : memref<1x80x128xf32, #tpu.memory_space<vmem>> -> memref<80x128xf32, #tpu.memory_space<vmem>>
    %dma_wait3A_1499 = arith.constant 0 : i32
    %dma_wait3A_1500 = tpu.memref_slice %arg5[%add3A_1492, %dma_wait3A_1499] : memref<320000x128xf32, #tpu.memory_space<hbm>> -> memref<80x128xf32, #tpu.memory_space<hbm>>
    %dma_wait3A_1501 = tpu.memref_slice %arg13[%dma_wait3A_1494] : memref<5x!tpu.dma_semaphore, #tpu.memory_space<semaphore_mem>> -> memref<1x!tpu.dma_semaphore, #tpu.memory_space<semaphore_mem>>
    %dma_wait3A_1502 = tpu.memref_squeeze %dma_wait3A_1501 : memref<1x!tpu.dma_semaphore, #tpu.memory_space<semaphore_mem>> -> memref<!tpu.dma_semaphore, #tpu.memory_space<semaphore_mem>>
    %dma_wait3A_1503 = arith.constant 0 : i32
    %dma_wait3A_1504 = tpu.memref_slice %arg5[%add3A_1492, %dma_wait3A_1503] : memref<320000x128xf32, #tpu.memory_space<hbm>> -> memref<80x128xf32, #tpu.memory_space<hbm>>
    %dma_wait3A_1505 = arith.constant 0 : i32
    %dma_wait3A_1506 = arith.constant 0 : i32
    %dma_wait3A_1507 = tpu.memref_slice %arg10[%dma_wait3A_1493, %dma_wait3A_1505, %dma_wait3A_1506] : memref<5x80x128xf32, #tpu.memory_space<vmem>> -> memref<1x80x128xf32, #tpu.memory_space<vmem>>
    %dma_wait3A_1508 = tpu.memref_squeeze %dma_wait3A_1507 : memref<1x80x128xf32, #tpu.memory_space<vmem>> -> memref<80x128xf32, #tpu.memory_space<vmem>>
    tpu.wait_dma2 semaphore(%dma_wait3A_1502 : memref<!tpu.dma_semaphore, #tpu.memory_space<semaphore_mem>>) src(%dma_wait3A_1508 : memref<80x128xf32, #tpu.memory_space<vmem>>) dst(%dma_wait3A_1504 : memref<80x128xf32, #tpu.memory_space<hbm>>)
    %dma_wait3A_1509 = arith.constant 124 : i32
    %dma_wait3A_1510 = arith.constant 4 : i32
    %dma_wait3A_1511 = arith.constant 4 : i32
    %dma_wait3A_1512 = arith.constant 0 : i32
    %dma_wait3A_1513 = arith.constant 0 : i32
    %dma_wait3A_1514 = tpu.memref_slice %arg10[%dma_wait3A_1510, %dma_wait3A_1512, %dma_wait3A_1513] : memref<5x80x128xf32, #tpu.memory_space<vmem>> -> memref<1x80x128xf32, #tpu.memory_space<vmem>>
    %dma_wait3A_1515 = tpu.memref_squeeze %dma_wait3A_1514 : memref<1x80x128xf32, #tpu.memory_space<vmem>> -> memref<80x128xf32, #tpu.memory_space<vmem>>
    %dma_wait3A_1516 = arith.constant 0 : i32
    %dma_wait3A_1517 = tpu.memref_slice %arg9[%dma_wait3A_1509, %dma_wait3A_1516] : memref<125x80xi32, #tpu.memory_space<vmem>> -> memref<1x80xi32, #tpu.memory_space<vmem>>
    %dma_wait3A_1518 = tpu.memref_squeeze %dma_wait3A_1517 : memref<1x80xi32, #tpu.memory_space<vmem>> -> memref<80xi32, #tpu.memory_space<vmem>>
    %dma_wait3A_1519 = arith.constant 0 : i32
    %dma_wait3A_1520 = arith.constant 0 : i32
    %dma_wait3A_1521 = tpu.memref_slice %arg4[%dma_wait3A_1519, %dma_wait3A_1520] : memref<3000x128xf32, #tpu.memory_space<hbm>> -> memref<3000x128xf32, #tpu.memory_space<hbm>>
    %dma_wait3A_1522 = tpu.memref_slice %arg12[%dma_wait3A_1511] : memref<5x!tpu.dma_semaphore, #tpu.memory_space<semaphore_mem>> -> memref<1x!tpu.dma_semaphore, #tpu.memory_space<semaphore_mem>>
    %dma_wait3A_1523 = tpu.memref_squeeze %dma_wait3A_1522 : memref<1x!tpu.dma_semaphore, #tpu.memory_space<semaphore_mem>> -> memref<!tpu.dma_semaphore, #tpu.memory_space<semaphore_mem>>
    tpu.wait_indirect_dma semaphore(%dma_wait3A_1523 : memref<!tpu.dma_semaphore, #tpu.memory_space<semaphore_mem>>) src(%dma_wait3A_1521 : memref<3000x128xf32, #tpu.memory_space<hbm>>) dst(%dma_wait3A_1515 : memref<80x128xf32, #tpu.memory_space<vmem>>)
    %add3A_1524 = arith.constant 9920 : i32
    %add3A_1525 = arith.addi %mul3A_2, %add3A_1524 : i32
    %dma_start3A_1526 = arith.constant 4 : i32
    %dma_start3A_1527 = arith.constant 4 : i32
    %dma_start3A_1528 = arith.constant 0 : i32
    %dma_start3A_1529 = arith.constant 0 : i32
    %dma_start3A_1530 = tpu.memref_slice %arg10[%dma_start3A_1526, %dma_start3A_1528, %dma_start3A_1529] : memref<5x80x128xf32, #tpu.memory_space<vmem>> -> memref<1x80x128xf32, #tpu.memory_space<vmem>>
    %dma_start3A_1531 = tpu.memref_squeeze %dma_start3A_1530 : memref<1x80x128xf32, #tpu.memory_space<vmem>> -> memref<80x128xf32, #tpu.memory_space<vmem>>
    %dma_start3A_1532 = arith.constant 0 : i32
    %dma_start3A_1533 = tpu.memref_slice %arg5[%add3A_1525, %dma_start3A_1532] : memref<320000x128xf32, #tpu.memory_space<hbm>> -> memref<80x128xf32, #tpu.memory_space<hbm>>
    %dma_start3A_1534 = tpu.memref_slice %arg13[%dma_start3A_1527] : memref<5x!tpu.dma_semaphore, #tpu.memory_space<semaphore_mem>> -> memref<1x!tpu.dma_semaphore, #tpu.memory_space<semaphore_mem>>
    %dma_start3A_1535 = tpu.memref_squeeze %dma_start3A_1534 : memref<1x!tpu.dma_semaphore, #tpu.memory_space<semaphore_mem>> -> memref<!tpu.dma_semaphore, #tpu.memory_space<semaphore_mem>>
    %dma_start3A_1536 = arith.constant 0 : i32
    %dma_start3A_1537 = tpu.memref_slice %arg5[%add3A_1525, %dma_start3A_1536] : memref<320000x128xf32, #tpu.memory_space<hbm>> -> memref<80x128xf32, #tpu.memory_space<hbm>>
    %dma_start3A_1538 = arith.constant 0 : i32
    %dma_start3A_1539 = arith.constant 0 : i32
    %dma_start3A_1540 = tpu.memref_slice %arg10[%dma_start3A_1526, %dma_start3A_1538, %dma_start3A_1539] : memref<5x80x128xf32, #tpu.memory_space<vmem>> -> memref<1x80x128xf32, #tpu.memory_space<vmem>>
    %dma_start3A_1541 = tpu.memref_squeeze %dma_start3A_1540 : memref<1x80x128xf32, #tpu.memory_space<vmem>> -> memref<80x128xf32, #tpu.memory_space<vmem>>
    tpu.enqueue_dma source(%dma_start3A_1541 : memref<80x128xf32, #tpu.memory_space<vmem>>) target(%dma_start3A_1537 : memref<80x128xf32, #tpu.memory_space<hbm>>) target_semaphore(%dma_start3A_1535 : memref<!tpu.dma_semaphore, #tpu.memory_space<semaphore_mem>>)
    %add3A_1542 = arith.constant 9920 : i32
    %add3A_1543 = arith.addi %mul3A_2, %add3A_1542 : i32
    %dma_wait3A_1544 = arith.constant 4 : i32
    %dma_wait3A_1545 = arith.constant 4 : i32
    %dma_wait3A_1546 = arith.constant 0 : i32
    %dma_wait3A_1547 = arith.constant 0 : i32
    %dma_wait3A_1548 = tpu.memref_slice %arg10[%dma_wait3A_1544, %dma_wait3A_1546, %dma_wait3A_1547] : memref<5x80x128xf32, #tpu.memory_space<vmem>> -> memref<1x80x128xf32, #tpu.memory_space<vmem>>
    %dma_wait3A_1549 = tpu.memref_squeeze %dma_wait3A_1548 : memref<1x80x128xf32, #tpu.memory_space<vmem>> -> memref<80x128xf32, #tpu.memory_space<vmem>>
    %dma_wait3A_1550 = arith.constant 0 : i32
    %dma_wait3A_1551 = tpu.memref_slice %arg5[%add3A_1543, %dma_wait3A_1550] : memref<320000x128xf32, #tpu.memory_space<hbm>> -> memref<80x128xf32, #tpu.memory_space<hbm>>
    %dma_wait3A_1552 = tpu.memref_slice %arg13[%dma_wait3A_1545] : memref<5x!tpu.dma_semaphore, #tpu.memory_space<semaphore_mem>> -> memref<1x!tpu.dma_semaphore, #tpu.memory_space<semaphore_mem>>
    %dma_wait3A_1553 = tpu.memref_squeeze %dma_wait3A_1552 : memref<1x!tpu.dma_semaphore, #tpu.memory_space<semaphore_mem>> -> memref<!tpu.dma_semaphore, #tpu.memory_space<semaphore_mem>>
    %dma_wait3A_1554 = arith.constant 0 : i32
    %dma_wait3A_1555 = tpu.memref_slice %arg5[%add3A_1543, %dma_wait3A_1554] : memref<320000x128xf32, #tpu.memory_space<hbm>> -> memref<80x128xf32, #tpu.memory_space<hbm>>
    %dma_wait3A_1556 = arith.constant 0 : i32
    %dma_wait3A_1557 = arith.constant 0 : i32
    %dma_wait3A_1558 = tpu.memref_slice %arg10[%dma_wait3A_1544, %dma_wait3A_1556, %dma_wait3A_1557] : memref<5x80x128xf32, #tpu.memory_space<vmem>> -> memref<1x80x128xf32, #tpu.memory_space<vmem>>
    %dma_wait3A_1559 = tpu.memref_squeeze %dma_wait3A_1558 : memref<1x80x128xf32, #tpu.memory_space<vmem>> -> memref<80x128xf32, #tpu.memory_space<vmem>>
    tpu.wait_dma2 semaphore(%dma_wait3A_1553 : memref<!tpu.dma_semaphore, #tpu.memory_space<semaphore_mem>>) src(%dma_wait3A_1559 : memref<80x128xf32, #tpu.memory_space<vmem>>) dst(%dma_wait3A_1555 : memref<80x128xf32, #tpu.memory_space<hbm>>)
    return
  }
}

</mosaic_0001>

<sc_bundles>
// kernel: _edge_emb.3.cloned.1.call-start
scs
__scs_entry_jumppad:
0x0: {  	(pc) =	sbr.rel $0x88, $3  }
0x1: {  	(tag) =	ssettag $0x0;
	lr =	simm.s32 $0x1  }
0x2: {  	[smem:$0x3F9E] =	sst lr;
	_ =	strace $0xD0000000  }
0x3: {  	_ = 	snop  }
0x4: {  	_ = 	snop  }
0x5: {  	_ = 	snop  }
0x6: {  	_ = 	snop  }
0x7: {  	_ = 	snop  }
__scs_overlays_trampoline_lowered:
0x8: {  	[smem:$0x3FAD] =	sst s0  }
0x9: {  	[smem:$0x3FAE] =	sst s1  }
0xa: {  	[smem:$0x3FAF] =	sst s2  }
0xb: {  	[smem:$0x3FB0] =	sst s3  }
0xc: {  	[smem:$0x3FB1] =	sst s4  }
0xd: {  	[smem:$0x3FB2] =	sst s5  }
0xe: {  	[smem:$0x3FB3] =	sst s6  }
0xf: {  	[smem:$0x3FB4] =	sst s7  }
0x10: {  	[smem:$0x3FB5] =	sst s8  }
0x11: {  	[smem:$0x3FB6] =	sst s9;
	s0 =	simm.s32 @!p0 $0x0  }
0x12: {  	s1 =	sld [smem:$0x3F9C];
	s0 =	simm.s32 @p0 $0x1  }
0x13: {  	[smem:$0x3FB7] =	sst s0;
	s0 =	simm.s32 @!p1 $0x0  }
0x14: {  	s2 =	sld [smem:$0x3F9B];
	s0 =	simm.s32 @p1 $0x1  }
0x15: {  	[smem:$0x3FB8] =	sst s0;
	s0 =	simm.s32 @!p2 $0x0  }
0x16: {  	s3 =	sld [smem:$0x3FDB];
	s0 =	simm.s32 @p2 $0x1  }
0x17: {  	s4 =	simm.s32 $0x1BF5;
	[smem:$0x3FBA] =	sst s0  }
0x18: {  	s0 =	sld [smem:$0x3F9D];
	_ =	swait.ge [sflag:s4], $0x0  }
0x19: {  	s7 =	sld [smem:$0x3F9E]  }
0x1a: {  	s8 =	sadd.s32 $0xFFFFE003, lr  }
0x1b: {  	s9 =	sadd.s32 $0xFFFFFEF7, lr;
	s5 =	simm.s32 $0xFFFFFFFF;
	p2 =	slt.u32 s8, $0xFFFFF086  }
0x1c: {  	p1 =	slt.u32 s9, $0xF7A;
	s5 =	simm.s32 @!p2 $0x0  }
0x1d: {  	s5 =	simm.s32 @p1 $0x1;
	p0 =	seq.s32 s7, s2  }
0x1e: {  	s7 =	smul.u32 @!p0 $0xF7A, s2;
	p2 =	seq.s32 @!p0 s5, $0x0  }
0x1f: {  	s9 =	smul.u32 $0xF7A, s1;
	s8 =	simm.s32 @!p0 $0x1BF5;
	p2 =	por !p2, p0  }
0x20: {  	[sflag:s8] =	ssyncset.s32 @!p0 $0xFFFFF086;
	s6 =	sadd.s32 @!p0 s3, s7;
	s7 =	simm.s32 @!p0 $0x108  }
0x21: {  	s3 =	sadd.s32 s3, s9;
	s6 =	sadd.s32 @!p0 $0x88, s6;
	s7 =	simm.s32 @p2 $0x1082  }
0x22: {  	[simem:s7], [sflag:s8] =	dma.local @!p0 [hbm:s6], $0xF7A  }
0x23: {  	s9 =	sor.u32 $0xD0000000, s2;
	s6 =	simm.s32 $0x108;
	_ =	swait.ge @!p0 [sflag:s8], $0x0  }
0x24: {  	s3 =	sadd.s32 $0x88, s3;
	s6 =	simm.s32 @!p1 $0x1082;
	[sflag:s4] =	ssyncset.s32 $0xFFFFF086  }
0x25: {  	[simem:s6], [sflag:s4] =	dma.local [hbm:s3], $0xF7A  }
0x26: {  	[smem:$0x3F9E] =	sst s1;
	(tag) =	ssettag s2;
	_ =	strace s9  }
0x27: {  	s1 =	sld [smem:$0x3FAE]  }
0x28: {  	s2 =	sld [smem:$0x3FAF]  }
0x29: {  	s4 =	sld [smem:$0x3FB1]  }
0x2a: {  	p0 =	seq.s32 s5, $0x0;
	s5 =	sld [smem:$0x3FB2]  }
0x2b: {  	s6 =	sld [smem:$0x3FB3]  }
0x2c: {  	s7 =	sld [smem:$0x3FB4]  }
0x2d: {  	s3 =	simm.s32 $0x108;
	s8 =	sld [smem:$0x3FB5]  }
0x2e: {  	s3 =	simm.s32 @!p0 $0x1082;
	s9 =	sld [smem:$0x3FB6]  }
0x2f: {  	lr =	sadd.s32 s0, s3;
	s0 =	sld [smem:$0x3FAD]  }
0x30: {  	s3 =	sld [smem:$0x3FB0]  }
0x31: {  	[smem:$0x3FB9] =	sst s10  }
0x32: {  	s10 =	sld [smem:$0x3FB7];
	_ =	sdelay $0x3  }
0x33: {  	p0 =	seq.s32 s10, $0x1;
	s10 =	sld [smem:$0x3FB9];
	_ =	sdelay $0x3  }
0x34: {  	[smem:$0x3FB9] =	sst s10  }
0x35: {  	s10 =	sld [smem:$0x3FB8];
	_ =	sdelay $0x3  }
0x36: {  	p1 =	seq.s32 s10, $0x1;
	s10 =	sld [smem:$0x3FB9];
	_ =	sdelay $0x3  }
0x37: {  	[smem:$0x3FB9] =	sst s10  }
0x38: {  	s10 =	sld [smem:$0x3FBA]  }
0x39: {  	_ = 	snop;
	(pc) =	sbr.ind lr, $3  }
0x3a: {  	_ = 	snop  }
0x3b: {  	_ = 	snop  }
0x3c: {  	p2 =	seq.s32 s10, $0x1;
	s10 =	sld [smem:$0x3FB9]  }
0x3d: {  	_ =	shalt  }
0x3e: {  	_ =	shalt  }
0x3f: {  	_ =	shalt  }
0x40: {  	_ =	shalt  }
0x41: {  	_ =	shalt  }
0x42: {  	_ =	shalt  }
0x43: {  	_ =	shalt  }
0x44: {  	_ =	shalt  }
0x45: {  	_ =	shalt  }
0x46: {  	_ =	shalt  }
0x47: {  	_ =	shalt  }
0x48: {  	_ =	shalt  }
0x49: {  	_ =	shalt  }
0x4a: {  	_ =	shalt  }
0x4b: {  	_ =	shalt  }
0x4c: {  	_ =	shalt  }
0x4d: {  	_ =	shalt  }
0x4e: {  	_ =	shalt  }
0x4f: {  	_ =	shalt  }
0x50: {  	_ =	shalt  }
0x51: {  	_ =	shalt  }
0x52: {  	_ =	shalt  }
0x53: {  	_ =	shalt  }
0x54: {  	_ =	shalt  }
0x55: {  	_ =	shalt  }
0x56: {  	_ =	shalt  }
0x57: {  	_ =	shalt  }
0x58: {  	_ =	shalt  }
0x59: {  	_ =	shalt  }
0x5a: {  	_ =	shalt  }
0x5b: {  	_ =	shalt  }
0x5c: {  	_ =	shalt  }
0x5d: {  	_ =	shalt  }
0x5e: {  	_ =	shalt  }
0x5f: {  	_ =	shalt  }
0x60: {  	_ =	shalt  }
0x61: {  	_ =	shalt  }
0x62: {  	_ =	shalt  }
0x63: {  	_ =	shalt  }
0x64: {  	_ =	shalt  }
0x65: {  	_ =	shalt  }
0x66: {  	_ =	shalt  }
0x67: {  	_ =	shalt  }
0x68: {  	_ =	shalt  }
0x69: {  	_ =	shalt  }
0x6a: {  	_ =	shalt  }
0x6b: {  	_ =	shalt  }
0x6c: {  	_ =	shalt  }
0x6d: {  	_ =	shalt  }
0x6e: {  	_ =	shalt  }
0x6f: {  	_ =	shalt  }
0x70: {  	_ =	shalt  }
0x71: {  	_ =	shalt  }
0x72: {  	_ =	shalt  }
0x73: {  	_ =	shalt  }
0x74: {  	_ =	shalt  }
0x75: {  	_ =	shalt  }
0x76: {  	_ =	shalt  }
0x77: {  	_ =	shalt  }
0x78: {  	_ =	shalt  }
0x79: {  	_ =	shalt  }
0x7a: {  	_ =	shalt  }
0x7b: {  	_ =	shalt  }
0x7c: {  	_ =	shalt  }
0x7d: {  	_ =	shalt  }
0x7e: {  	_ =	shalt  }
0x7f: {  	_ =	shalt  }
0x80: {  	_ =	shalt  }
0x81: {  	_ =	shalt  }
0x82: {  	_ =	shalt  }
0x83: {  	_ =	shalt  }
0x84: {  	_ =	shalt  }
0x85: {  	_ =	shalt  }
0x86: {  	_ =	shalt  }
0x87: {  	_ =	shalt  }
.Lfunc_end0:
.L_simem_size_0:
called_computation_lowered:
.L_overlay_start_0:
0x88: {  	s2 =	sld [smem:$0x3FD9]  }
0x89: {  	s3 =	sld [smem:$0x3FFE];
	_ =	sdelay $0x1  }
0x8a: {  	s1 =	srdreg.scid  }
0x8b: {  	s0 =	sand.u32 $0x1, s1  }
0x8c: {  	s17 =	sshll.u32 s0, $0xA;
	s2 =	sadd.s32 s3, s2  }
0x8d: {  	s2 =	sadd.s32 s2, s17  }
0x8e: {  	[smem:$0x3FC5] =	sst s2  }
0x8f: {  	_ = 	snop  }
0x90: {  	s2 =	sld [smem:$0x3FC9]  }
0x91: {  	s18 =	sld [smem:$0x3FC7]  }
0x92: {  	s4 =	sld [smem:$0x3FD0];
	(tm) =	ssettm $0x1  }
0x93: {  	s5 =	sld [smem:$0x3FFB];
	_ =	sdelay $0x3  }
0x94: {  	_ =	strace s5  }
0x95: {  	s5 =	sld [smem:$0x3FFC];
	_ =	sdelay $0x3  }
0x96: {  	_ =	strace s5  }
0x97: {  	s5 =	sld [smem:$0x3FFD];
	_ =	sdelay $0x3  }
0x98: {  	_ =	strace s5  }
0x99: {  	_ =	strace $0x8FFFFFFF  }
0x9a: {  	s19 =	sld [smem:$0x3FDB];
	_ =	sdelay $0x1  }
0x9b: {  	s6 =	simm.s32 $_scs_section_size  }
0x9c: {  	s7 =	simm.s32 $_size__tile_overlayer_lowered;
	s8 =	simm.s32 $_tile_overlayer_lowered  }
0x9d: {  	s22 =	simm.s32 $0x1BFF;
	s21 =	sshll.u32 s8, $0x1;
	s5 =	sadd.s32 s6, s19  }
0x9e: {  	s9 =	simm.s32 $0x0;
	s20 =	sshll.u32 s7, $0x1;
	s7 =	sadd.s32 s21, s5  }
0x9f: {  	[timem:s9], [sflag:s22] =	dma.local [hbm:s7], s20  }
0xa0: {  	_ =	swait.ge [sflag:s22], s20  }
0xa1: {  	s6 =	ssub.s32 $0x0, s20;
	[sflag:s22] =	ssyncset.done $0x0  }
0xa2: {  	[sflag:s22] =	ssyncadd.s32 s6;
	_ =	sdelay $0x1  }
0xa3: {  	s23 =	simm.s32 $0x1B8B  }
0xa4: {  	_ =	swait.ge [sflag:s23], $0x1  }
0xa5: {  	[sflag:s23] =	ssyncset.done $0x0  }
0xa6: {  	s25 =	simm.s32 $0x1B8E;
	s24 =	sld [smem:$0x3FFE];
	[sflag:s23] =	ssyncadd.s32 $0xFFFFFFFF  }
0xa7: {  	s26 =	simm.s32 $execute0_lowered;
	[smem:$0x3FD2] =	sst s25  }
0xa8: {  	s7 =	sshll.u32 s26, $0x1;
	_ =	strace $0x80000046;
	[dreg:$0x1] =	wrdreg $0xFFFFFFFF  }
0xa9: {  	s28 =	simm.s32 $_size_execute0_lowered;
	s5 =	sadd.s32 s5, s7;
	[dreg:$0x0] =	wrdreg $0x0  }
0xaa: {  	s7 =	sshll.u32 s28, $0x1;
	[dreg:$0x2] =	wrdreg s5  }
0xab: {  	[dreg:$0x3] =	wrdreg s7  }
0xac: {  	[dreg:$0x4] =	wrdreg $0xC0  }
0xad: {  	_ =	task [dreg:s9], $0x5FFFF  }
0xae: {  	[dreg:$0x1] =	wrdreg $0xFFFFFFFF  }
0xaf: {  	[dreg:$0x0] =	wrdreg $0x60  }
0xb0: {  	[dreg:$0x2] =	wrdreg s2  }
0xb1: {  	[dreg:$0x3] =	wrdreg s24  }
0xb2: {  	[dreg:$0x4] =	wrdreg s18  }
0xb3: {  	[dreg:$0x5] =	wrdreg s4  }
0xb4: {  	[dreg:$0x6] =	wrdreg $0x9  }
0xb5: {  	_ =	task.clear_ibuf [dreg:s9], $0x7FFFF;
	_ =	strace $0x90000046  }
0xb6: {  	s29 =	simm.s32 $0x9;
	_ =	strace $0x80000048  }
0xb7: {  	_ =	swait.ge [sflag:s29], $0x1  }
0xb8: {  	[sflag:s29] =	ssyncadd.s32 $0xFFFFFFFF  }
0xb9: {  	_ =	strace $0x90000048  }
0xba: {  	_ =	sfence  }
0xbb: {  	s30 =	sld [smem:$0x0];
	_ =	sdelay $0x2  }
0xbc: {  	s31 =	sshll.u32 s1, $0xD;
	s1 =	sshrl.u32 s1, $0x2  }
0xbd: {  	s3 =	sand.u32 $0x4000, s31;
	s1 =	sadd.s32 s1, s30  }
0xbe: {  	s0 =	sor.u32 s3, s0;
	s1 =	sshll.u32 s1, $0x11  }
0xbf: {  	s0 =	sor.u32 s1, s0  }
0xc0: {  	s0 =	sadd.s32 $0x8F2B, s0  }
0xc1: {  	[sflag:s0] =	ssyncadd.remote.s32 $0x1  }
0xc2: {  	_ =	sfence.sel $0xFFFF  }
0xc3: {  	[dreg:$0x0] =	wrdreg $0xFFFFFFFF;
	(pc) =	sbr.abs _section_cstart, $3  }
0xc4: {  	[dreg:$0x1] =	wrdreg $0xFFFFFFFF  }
0xc5: {  	_ =	task.clear_ibuf [dreg:s9], $0x2FFFF;
	_ =	strace $0x9FFFFFFF  }
0xc6: {  	(tm) =	ssettm $0x7FFFFFFF  }
0xc7: {  	_ =	shalt  }
tec
execute0_lowered:
.L_overlay_start_1:
0x0: {  	(tag) =	ssettag $0x1  }
0x1: {  	s0 =	rddreg [dreg:$0x1];
	s1 =	srdreg.scid  }
0x2: {  	s9 =	stileid.u32;
	s3 =	rddreg [dreg:$0x2]  }
0x3: {  	s5 =	rddreg [dreg:$0x3];
	s4 =	simm.s32 $0x0;
	s16 =	simm.s32 $0x1  }
0x4: {  	s17 =	simm.s32 $0x50;
	s19 =	simm.s32 $0xB680;
	s28 =	simm.s32 $0x15680  }
0x5: {  	s29 =	simm.s32 $0x2;
	s30 =	simm.s32 $0x7;
	s31 =	simm.s32 $0x3  }
0x6: {  	s14 =	simm.s32 $0x5;
	s15 =	simm.s32 $0xA;
	s18 =	simm.s32 $0x6  }
0x7: {  	s1 =	sand.u32 $0x1, s1;
	s2 =	sshll.u32 s9, $0x1;
	s22 =	smul.u32 $0x4E200, s9  }
0x8: {  	[smem:$0x7FF] =	sst s4;
	s2 =	sor.u32 s1, s2;
	s24 =	smul.u32 $0x27100, s1  }
0x9: {  	s7 =	ssub.s32 $0x2, s1;
	_ =	strace $0x80000047;
	s6 =	smul.u32 $0x2710, s2  }
0xa: {  	s1 =	simm.s32 $0x9;
	s2 =	smul.u32 $0x138800, s2;
	s8 =	sshrl.u32 s7, $0x1  }
0xb: {  	s26 =	sadd.s32 s22, s5;
	s22 =	simm.s32 $0x0;
	s6 =	sshrl.u32 s6, $0x3  }
0xc: {  	s20 =	ssub.s32 s7, s8;
	s2 =	sshrl.u32 s2, $0x3;
	s0 =	sadd.s32 s6, s0  }
0xd: {  	s12 =	smax.u32 s20, $0x1;
	s20 =	simm.s32 $0xB;
	s21 =	sadd.s32 $0x400, s0  }
0xe: {  	s2 =	sadd.s32 s5, s2;
	s0 =	sadd.s32 $0xA040, s0;
	[dreg:$0x5] =	wrdreg s21  }
0xf: {  	s23 =	sadd.s32 $0x25800, s2;
	s25 =	sadd.s32 $0x25D00, s2;
	[dreg:$0x6] =	wrdreg s0  }
0x10: {  	s9 =	sadd.s32 $0x26200, s2;
	s10 =	sadd.s32 $0x26700, s2;
	[dreg:$0x7] =	wrdreg s23  }
0x11: {  	s11 =	sadd.s32 $0x26C00, s2;
	s2 =	simm.s32 $0x8;
	[dreg:$0x8] =	wrdreg s25  }
0x12: {  	s0 =	sadd.s32 s24, s26;
	s21 =	simm.s32 $0xDE80;
	s23 =	simm.s32 $0x10680  }
0x13: {  	v0 =	vimm.s32 $0x0;
	s25 =	simm.s32 $0x12E80;
	s5 =	sadd.s32 $0x1400, s0;
	s0 =	simm.s32 $0x4  }
.LBB2_1:
0x14: {  	s6 =	rddreg [dreg:$0x0]  }
0x15: {  	[tilespmem:s4], [sflag:$0x1] =	stream.linear.gather [hbm4b:s6+s4], $0x2780, $0x38;
	[tilespmem:$0x17E80] =	vst v63  }
0x16: {  	s13 =	rddreg [dreg:$0x5];
	s7 =	simm.s32 $0x2780  }
0x17: {  	[tilespmem:s7], [sflag:$0x1] =	stream.linear.gather [hbm4b:s13+s4], $0x2710, $0x38;
	[tilespmem:$0x17E80] =	vst v63  }
0x18: {  	s24 =	rddreg [dreg:$0x6];
	s26 =	simm.s32 $0x4F00  }
0x19: {  	[tilespmem:s26], [sflag:$0x1] =	stream.linear.gather [hbm4b:s24+s4], $0x2710, $0x38;
	[tilespmem:$0x17E80] =	vst v63  }
0x1a: {  	_ =	swait.ge [sflag:s16], $0x2780  }
0x1b: {  	[sflag:s16] =	ssyncset.done $0x0  }
0x1c: {  	[sflag:s16] =	ssyncadd.s32 $0xFFFFD880  }
0x1d: {  	_ =	swait.ge [sflag:s16], $0x2710  }
0x1e: {  	[sflag:s16] =	ssyncset.done $0x0  }
0x1f: {  	[sflag:s16] =	ssyncadd.s32 $0xFFFFD8F0  }
0x20: {  	_ =	swait.ge [sflag:s16], $0x2710  }
0x21: {  	[sflag:s16] =	ssyncset.done $0x0  }
0x22: {  	[sflag:s16] =	ssyncadd.s32 $0xFFFFD8F0  }
0x23: {  	v1 =	vld [tilespmem:$0x2780]  }
0x24: {  	v2 =	vld [tilespmem:$0x4F00];
	_ =	sdelay $0x6  }
0x25: {  	v1 =	vld.idx.msk [tilespmem:v1+s4+$0x0], $0xffff  }
0x26: {  	v2 =	vld.idx.msk [tilespmem:v2+s4+$0x0], $0xffff;
	_ =	sdelay $0x4  }
0x27: {  	v3 =	vsub.s32 v1, v2  }
0x28: {  	v4 =	vsub.s32 $0x0, v3  }
0x29: {  	v3 =	vmin.u32 v3, v4  }
0x2a: {  	v3 =	vadd.s32 $0xFFFFFFFF, v3  }
0x2b: {  	v3 =	vmul.u32 v3, v3  }
0x2c: {  	v63 =	vld [tilespmem:$0x2790]  }
0x2d: {  	v6 =	vld [tilespmem:$0x4F10];
	v5 =	vshra.s32 v3, $0x1F  }
0x2e: {  	v1 =	vmul.u32 v1, v2;
	v8 =	vand.u32 $0x3, v3;
	v2 =	vshrl.u32 v5, $0x1E  }
0x2f: {  	vm0 =	vlt.s32 v3, $0x1;
	vm1 =	vne.s32 v8, $0x0;
	v2 =	vadd.s32 v2, v3  }
0x30: {  	vm0 =	vmand vm0, vm1;
	v2 =	vshra.s32 v2, $0x2  }
0x31: {  	v3 =	vsel vm0, $0xFFFFFFFF, v0;
	v1 =	vadd.s32 v1, v2  }
0x32: {  	v1 =	vadd.s32 v3, v1  }
0x33: {  	[tilespmem:$0x7680] =	vst v1  }
0x34: {  	v1 =	vld.idx.msk [tilespmem:v63+s4+$0x0], $0xffff  }
0x35: {  	v2 =	vld.idx.msk [tilespmem:v6+s4+$0x0], $0xffff;
	_ =	sdelay $0x4  }
0x36: {  	v3 =	vsub.s32 v1, v2  }
0x37: {  	v9 =	vsub.s32 $0x0, v3  }
0x38: {  	v3 =	vmin.u32 v3, v9  }
0x39: {  	v3 =	vadd.s32 $0xFFFFFFFF, v3  }
0x3a: {  	v3 =	vmul.u32 v3, v3  }
0x3b: {  	v10 =	vld [tilespmem:$0x27A0]  }
0x3c: {  	v12 =	vld [tilespmem:$0x4F20];
	v11 =	vshra.s32 v3, $0x1F  }
0x3d: {  	v1 =	vmul.u32 v1, v2;
	v13 =	vand.u32 $0x3, v3;
	v2 =	vshrl.u32 v11, $0x1E  }
0x3e: {  	vm4 =	vlt.s32 v3, $0x1;
	vm5 =	vne.s32 v13, $0x0;
	v2 =	vadd.s32 v2, v3  }
0x3f: {  	vm0 =	vmand vm4, vm5;
	v2 =	vshra.s32 v2, $0x2  }
0x40: {  	v3 =	vsel vm0, $0xFFFFFFFF, v0;
	v1 =	vadd.s32 v1, v2  }
0x41: {  	v1 =	vadd.s32 v3, v1  }
0x42: {  	[tilespmem:$0x7690] =	vst v1  }
0x43: {  	v1 =	vld.idx.msk [tilespmem:v10+s4+$0x0], $0xffff  }
0x44: {  	v2 =	vld.idx.msk [tilespmem:v12+s4+$0x0], $0xffff;
	_ =	sdelay $0x4  }
0x45: {  	v3 =	vsub.s32 v1, v2  }
0x46: {  	v14 =	vsub.s32 $0x0, v3  }
0x47: {  	v3 =	vmin.u32 v3, v14  }
0x48: {  	v3 =	vadd.s32 $0xFFFFFFFF, v3  }
0x49: {  	v3 =	vmul.u32 v3, v3  }
0x4a: {  	v15 =	vld [tilespmem:$0x27B0]  }
0x4b: {  	v17 =	vld [tilespmem:$0x4F30];
	v16 =	vshra.s32 v3, $0x1F  }
0x4c: {  	v1 =	vmul.u32 v1, v2;
	v18 =	vand.u32 $0x3, v3;
	v2 =	vshrl.u32 v16, $0x1E  }
0x4d: {  	vm6 =	vlt.s32 v3, $0x1;
	vm7 =	vne.s32 v18, $0x0;
	v2 =	vadd.s32 v2, v3  }
0x4e: {  	vm0 =	vmand vm6, vm7;
	v2 =	vshra.s32 v2, $0x2  }
0x4f: {  	v3 =	vsel vm0, $0xFFFFFFFF, v0;
	v1 =	vadd.s32 v1, v2  }
0x50: {  	v1 =	vadd.s32 v3, v1  }
0x51: {  	[tilespmem:$0x76A0] =	vst v1  }
0x52: {  	v1 =	vld.idx.msk [tilespmem:v15+s4+$0x0], $0xffff  }
0x53: {  	v2 =	vld.idx.msk [tilespmem:v17+s4+$0x0], $0xffff;
	_ =	sdelay $0x4  }
0x54: {  	v3 =	vsub.s32 v1, v2  }
0x55: {  	v19 =	vsub.s32 $0x0, v3  }
0x56: {  	v3 =	vmin.u32 v3, v19  }
0x57: {  	v3 =	vadd.s32 $0xFFFFFFFF, v3  }
0x58: {  	v3 =	vmul.u32 v3, v3  }
0x59: {  	v20 =	vld [tilespmem:$0x27C0]  }
0x5a: {  	v22 =	vld [tilespmem:$0x4F40];
	v21 =	vshra.s32 v3, $0x1F  }
0x5b: {  	v1 =	vmul.u32 v1, v2;
	v23 =	vand.u32 $0x3, v3;
	v2 =	vshrl.u32 v21, $0x1E  }
0x5c: {  	vm8 =	vlt.s32 v3, $0x1;
	vm9 =	vne.s32 v23, $0x0;
	v2 =	vadd.s32 v2, v3  }
0x5d: {  	vm0 =	vmand vm8, vm9;
	v2 =	vshra.s32 v2, $0x2  }
0x5e: {  	v3 =	vsel vm0, $0xFFFFFFFF, v0;
	v1 =	vadd.s32 v1, v2  }
0x5f: {  	v1 =	vadd.s32 v3, v1  }
0x60: {  	[tilespmem:$0x76B0] =	vst v1  }
0x61: {  	v1 =	vld.idx.msk [tilespmem:v20+s4+$0x0], $0xffff  }
0x62: {  	v2 =	vld.idx.msk [tilespmem:v22+s4+$0x0], $0xffff;
	_ =	sdelay $0x4  }
0x63: {  	v3 =	vsub.s32 v1, v2  }
0x64: {  	v24 =	vsub.s32 $0x0, v3  }
0x65: {  	v3 =	vmin.u32 v3, v24  }
0x66: {  	v3 =	vadd.s32 $0xFFFFFFFF, v3  }
0x67: {  	v3 =	vmul.u32 v3, v3;
	_ =	sdelay $0x1  }
0x68: {  	v25 =	vshra.s32 v3, $0x1F  }
0x69: {  	v1 =	vmul.u32 v1, v2;
	v26 =	vand.u32 $0x3, v3;
	v2 =	vshrl.u32 v25, $0x1E  }
0x6a: {  	vm10 =	vlt.s32 v3, $0x1;
	vm11 =	vne.s32 v26, $0x0;
	v2 =	vadd.s32 v2, v3  }
0x6b: {  	vm0 =	vmand vm10, vm11;
	v2 =	vshra.s32 v2, $0x2  }
0x6c: {  	v3 =	vsel vm0, $0xFFFFFFFF, v0;
	v1 =	vadd.s32 v1, v2  }
0x6d: {  	v1 =	vadd.s32 v3, v1  }
0x6e: {  	s7 =	simm.s32 $0x7680;
	[tilespmem:$0x76C0] =	vst v1  }
0x6f: {  	[tilespmem:s19], [sflag:$0x2] =	stream.indirect.gather [hbm4b:s3+s17], $0x80, s7, s17, $0xb8;
	[tilespmem:$0x17E80] =	vst v63  }
0x70: {  	v1 =	vld [tilespmem:$0x27D0]  }
0x71: {  	v2 =	vld [tilespmem:$0x4F50];
	_ =	sdelay $0x6  }
0x72: {  	v1 =	vld.idx.msk [tilespmem:v1+s4+$0x0], $0xffff  }
0x73: {  	v2 =	vld.idx.msk [tilespmem:v2+s4+$0x0], $0xffff;
	_ =	sdelay $0x4  }
0x74: {  	v3 =	vsub.s32 v1, v2  }
0x75: {  	v27 =	vsub.s32 $0x0, v3  }
0x76: {  	v3 =	vmin.u32 v3, v27  }
0x77: {  	v3 =	vadd.s32 $0xFFFFFFFF, v3  }
0x78: {  	v3 =	vmul.u32 v3, v3  }
0x79: {  	v28 =	vld [tilespmem:$0x27E0]  }
0x7a: {  	v30 =	vld [tilespmem:$0x4F60];
	v29 =	vshra.s32 v3, $0x1F  }
0x7b: {  	v1 =	vmul.u32 v1, v2;
	v31 =	vand.u32 $0x3, v3;
	v2 =	vshrl.u32 v29, $0x1E  }
0x7c: {  	vm12 =	vlt.s32 v3, $0x1;
	vm13 =	vne.s32 v31, $0x0;
	v2 =	vadd.s32 v2, v3  }
0x7d: {  	vm0 =	vmand vm12, vm13;
	v2 =	vshra.s32 v2, $0x2  }
0x7e: {  	v3 =	vsel vm0, $0xFFFFFFFF, v0;
	v1 =	vadd.s32 v1, v2  }
0x7f: {  	v1 =	vadd.s32 v3, v1  }
0x80: {  	[tilespmem:$0x7700] =	vst v1  }
0x81: {  	v1 =	vld.idx.msk [tilespmem:v28+s4+$0x0], $0xffff  }
0x82: {  	v2 =	vld.idx.msk [tilespmem:v30+s4+$0x0], $0xffff;
	_ =	sdelay $0x4  }
0x83: {  	v3 =	vsub.s32 v1, v2  }
0x84: {  	v32 =	vsub.s32 $0x0, v3  }
0x85: {  	v3 =	vmin.u32 v3, v32  }
0x86: {  	v3 =	vadd.s32 $0xFFFFFFFF, v3  }
0x87: {  	v3 =	vmul.u32 v3, v3  }
0x88: {  	v33 =	vld [tilespmem:$0x27F0]  }
0x89: {  	v35 =	vld [tilespmem:$0x4F70];
	v34 =	vshra.s32 v3, $0x1F  }
0x8a: {  	v1 =	vmul.u32 v1, v2;
	v36 =	vand.u32 $0x3, v3;
	v2 =	vshrl.u32 v34, $0x1E  }
0x8b: {  	vm14 =	vlt.s32 v3, $0x1;
	vm15 =	vne.s32 v36, $0x0;
	v2 =	vadd.s32 v2, v3  }
0x8c: {  	vm0 =	vmand vm14, vm15;
	v2 =	vshra.s32 v2, $0x2  }
0x8d: {  	v3 =	vsel vm0, $0xFFFFFFFF, v0;
	v1 =	vadd.s32 v1, v2  }
0x8e: {  	v1 =	vadd.s32 v3, v1  }
0x8f: {  	[tilespmem:$0x7710] =	vst v1  }
0x90: {  	v1 =	vld.idx.msk [tilespmem:v33+s4+$0x0], $0xffff  }
0x91: {  	v2 =	vld.idx.msk [tilespmem:v35+s4+$0x0], $0xffff;
	_ =	sdelay $0x4  }
0x92: {  	v3 =	vsub.s32 v1, v2  }
0x93: {  	v37 =	vsub.s32 $0x0, v3  }
0x94: {  	v3 =	vmin.u32 v3, v37  }
0x95: {  	v3 =	vadd.s32 $0xFFFFFFFF, v3  }
0x96: {  	v3 =	vmul.u32 v3, v3  }
0x97: {  	v38 =	vld [tilespmem:$0x2800]  }
0x98: {  	v40 =	vld [tilespmem:$0x4F80];
	v39 =	vshra.s32 v3, $0x1F  }
0x99: {  	v1 =	vmul.u32 v1, v2;
	v41 =	vand.u32 $0x3, v3;
	v2 =	vshrl.u32 v39, $0x1E  }
0x9a: {  	vm4 =	vlt.s32 v3, $0x1;
	vm5 =	vne.s32 v41, $0x0;
	v2 =	vadd.s32 v2, v3  }
0x9b: {  	vm0 =	vmand vm4, vm5;
	v2 =	vshra.s32 v2, $0x2  }
0x9c: {  	v3 =	vsel vm0, $0xFFFFFFFF, v0;
	v1 =	vadd.s32 v1, v2  }
0x9d: {  	v1 =	vadd.s32 v3, v1  }
0x9e: {  	[tilespmem:$0x7720] =	vst v1  }
0x9f: {  	v1 =	vld.idx.msk [tilespmem:v38+s4+$0x0], $0xffff  }
0xa0: {  	v2 =	vld.idx.msk [tilespmem:v40+s4+$0x0], $0xffff;
	_ =	sdelay $0x4  }
0xa1: {  	v3 =	vsub.s32 v1, v2  }
0xa2: {  	v42 =	vsub.s32 $0x0, v3  }
0xa3: {  	v3 =	vmin.u32 v3, v42  }
0xa4: {  	v3 =	vadd.s32 $0xFFFFFFFF, v3  }
0xa5: {  	v3 =	vmul.u32 v3, v3  }
0xa6: {  	v43 =	vld [tilespmem:$0x2810]  }
0xa7: {  	v45 =	vld [tilespmem:$0x4F90];
	v44 =	vshra.s32 v3, $0x1F  }
0xa8: {  	v1 =	vmul.u32 v1, v2;
	v46 =	vand.u32 $0x3, v3;
	v2 =	vshrl.u32 v44, $0x1E  }
0xa9: {  	vm6 =	vlt.s32 v3, $0x1;
	vm7 =	vne.s32 v46, $0x0;
	v2 =	vadd.s32 v2, v3  }
0xaa: {  	vm0 =	vmand vm6, vm7;
	v2 =	vshra.s32 v2, $0x2  }
0xab: {  	v3 =	vsel vm0, $0xFFFFFFFF, v0;
	v1 =	vadd.s32 v1, v2  }
0xac: {  	v1 =	vadd.s32 v3, v1  }
0xad: {  	[tilespmem:$0x7730] =	vst v1  }
0xae: {  	v1 =	vld.idx.msk [tilespmem:v43+s4+$0x0], $0xffff  }
0xaf: {  	v2 =	vld.idx.msk [tilespmem:v45+s4+$0x0], $0xffff;
	_ =	sdelay $0x4  }
0xb0: {  	v3 =	vsub.s32 v1, v2  }
0xb1: {  	v47 =	vsub.s32 $0x0, v3  }
0xb2: {  	v3 =	vmin.u32 v3, v47  }
0xb3: {  	v3 =	vadd.s32 $0xFFFFFFFF, v3  }
0xb4: {  	v3 =	vmul.u32 v3, v3;
	_ =	sdelay $0x1  }
0xb5: {  	v48 =	vshra.s32 v3, $0x1F  }
0xb6: {  	v1 =	vmul.u32 v1, v2;
	v49 =	vand.u32 $0x3, v3;
	v2 =	vshrl.u32 v48, $0x1E  }
0xb7: {  	vm8 =	vlt.s32 v3, $0x1;
	vm9 =	vne.s32 v49, $0x0;
	v2 =	vadd.s32 v2, v3  }
0xb8: {  	vm0 =	vmand vm8, vm9;
	v2 =	vshra.s32 v2, $0x2  }
0xb9: {  	v3 =	vsel vm0, $0xFFFFFFFF, v0;
	v1 =	vadd.s32 v1, v2  }
0xba: {  	v1 =	vadd.s32 v3, v1  }
0xbb: {  	s8 =	simm.s32 $0x7700;
	[tilespmem:$0x7740] =	vst v1  }
0xbc: {  	[tilespmem:s21], [sflag:$0x3] =	stream.indirect.gather [hbm4b:s3+s17], $0x80, s8, s17, $0xb8;
	[tilespmem:$0x17E80] =	vst v63  }
0xbd: {  	v1 =	vld [tilespmem:$0x2820]  }
0xbe: {  	v2 =	vld [tilespmem:$0x4FA0];
	_ =	sdelay $0x6  }
0xbf: {  	v1 =	vld.idx.msk [tilespmem:v1+s4+$0x0], $0xffff  }
0xc0: {  	v2 =	vld.idx.msk [tilespmem:v2+s4+$0x0], $0xffff;
	_ =	sdelay $0x4  }
0xc1: {  	v3 =	vsub.s32 v1, v2  }
0xc2: {  	v50 =	vsub.s32 $0x0, v3  }
0xc3: {  	v3 =	vmin.u32 v3, v50  }
0xc4: {  	v3 =	vadd.s32 $0xFFFFFFFF, v3  }
0xc5: {  	v3 =	vmul.u32 v3, v3  }
0xc6: {  	v51 =	vld [tilespmem:$0x2830]  }
0xc7: {  	v53 =	vld [tilespmem:$0x4FB0];
	v52 =	vshra.s32 v3, $0x1F  }
0xc8: {  	v1 =	vmul.u32 v1, v2;
	v54 =	vand.u32 $0x3, v3;
	v2 =	vshrl.u32 v52, $0x1E  }
0xc9: {  	vm10 =	vlt.s32 v3, $0x1;
	vm11 =	vne.s32 v54, $0x0;
	v2 =	vadd.s32 v2, v3  }
0xca: {  	vm0 =	vmand vm10, vm11;
	v2 =	vshra.s32 v2, $0x2  }
0xcb: {  	v3 =	vsel vm0, $0xFFFFFFFF, v0;
	v1 =	vadd.s32 v1, v2  }
0xcc: {  	v1 =	vadd.s32 v3, v1  }
0xcd: {  	[tilespmem:$0x7780] =	vst v1  }
0xce: {  	v1 =	vld.idx.msk [tilespmem:v51+s4+$0x0], $0xffff  }
0xcf: {  	v2 =	vld.idx.msk [tilespmem:v53+s4+$0x0], $0xffff;
	_ =	sdelay $0x4  }
0xd0: {  	v3 =	vsub.s32 v1, v2  }
0xd1: {  	v55 =	vsub.s32 $0x0, v3  }
0xd2: {  	v3 =	vmin.u32 v3, v55  }
0xd3: {  	v3 =	vadd.s32 $0xFFFFFFFF, v3  }
0xd4: {  	v3 =	vmul.u32 v3, v3  }
0xd5: {  	v56 =	vld [tilespmem:$0x2840]  }
0xd6: {  	v58 =	vld [tilespmem:$0x4FC0];
	v57 =	vshra.s32 v3, $0x1F  }
0xd7: {  	v1 =	vmul.u32 v1, v2;
	v59 =	vand.u32 $0x3, v3;
	v2 =	vshrl.u32 v57, $0x1E  }
0xd8: {  	vm12 =	vlt.s32 v3, $0x1;
	vm13 =	vne.s32 v59, $0x0;
	v2 =	vadd.s32 v2, v3  }
0xd9: {  	vm0 =	vmand vm12, vm13;
	v2 =	vshra.s32 v2, $0x2  }
0xda: {  	v3 =	vsel vm0, $0xFFFFFFFF, v0;
	v1 =	vadd.s32 v1, v2  }
0xdb: {  	v1 =	vadd.s32 v3, v1  }
0xdc: {  	[tilespmem:$0x7790] =	vst v1  }
0xdd: {  	v1 =	vld.idx.msk [tilespmem:v56+s4+$0x0], $0xffff  }
0xde: {  	v2 =	vld.idx.msk [tilespmem:v58+s4+$0x0], $0xffff;
	_ =	sdelay $0x4  }
0xdf: {  	v3 =	vsub.s32 v1, v2  }
0xe0: {  	v60 =	vsub.s32 $0x0, v3  }
0xe1: {  	v3 =	vmin.u32 v3, v60  }
0xe2: {  	v3 =	vadd.s32 $0xFFFFFFFF, v3  }
0xe3: {  	v3 =	vmul.u32 v3, v3  }
0xe4: {  	v61 =	vld [tilespmem:$0x2850]  }
0xe5: {  	v63 =	vld [tilespmem:$0x4FD0];
	v62 =	vshra.s32 v3, $0x1F  }
0xe6: {  	v1 =	vmul.u32 v1, v2;
	v9 =	vand.u32 $0x3, v3;
	v2 =	vshrl.u32 v62, $0x1E  }
0xe7: {  	vm14 =	vlt.s32 v3, $0x1;
	vm15 =	vne.s32 v9, $0x0;
	v2 =	vadd.s32 v2, v3  }
0xe8: {  	vm0 =	vmand vm14, vm15;
	v2 =	vshra.s32 v2, $0x2  }
0xe9: {  	v3 =	vsel vm0, $0xFFFFFFFF, v0;
	v1 =	vadd.s32 v1, v2  }
0xea: {  	v1 =	vadd.s32 v3, v1  }
0xeb: {  	[tilespmem:$0x77A0] =	vst v1  }
0xec: {  	v1 =	vld.idx.msk [tilespmem:v61+s4+$0x0], $0xffff  }
0xed: {  	v2 =	vld.idx.msk [tilespmem:v63+s4+$0x0], $0xffff;
	_ =	sdelay $0x4  }
0xee: {  	v3 =	vsub.s32 v1, v2  }
0xef: {  	v10 =	vsub.s32 $0x0, v3  }
0xf0: {  	v3 =	vmin.u32 v3, v10  }
0xf1: {  	v3 =	vadd.s32 $0xFFFFFFFF, v3  }
0xf2: {  	v3 =	vmul.u32 v3, v3  }
0xf3: {  	v11 =	vld [tilespmem:$0x2860]  }
0xf4: {  	v13 =	vld [tilespmem:$0x4FE0];
	v12 =	vshra.s32 v3, $0x1F  }
0xf5: {  	v1 =	vmul.u32 v1, v2;
	v14 =	vand.u32 $0x3, v3;
	v2 =	vshrl.u32 v12, $0x1E  }
0xf6: {  	vm4 =	vlt.s32 v3, $0x1;
	vm5 =	vne.s32 v14, $0x0;
	v2 =	vadd.s32 v2, v3  }
0xf7: {  	vm0 =	vmand vm4, vm5;
	v2 =	vshra.s32 v2, $0x2  }
0xf8: {  	v3 =	vsel vm0, $0xFFFFFFFF, v0;
	v1 =	vadd.s32 v1, v2  }
0xf9: {  	v1 =	vadd.s32 v3, v1  }
0xfa: {  	[tilespmem:$0x77B0] =	vst v1  }
0xfb: {  	v1 =	vld.idx.msk [tilespmem:v11+s4+$0x0], $0xffff  }
0xfc: {  	v2 =	vld.idx.msk [tilespmem:v13+s4+$0x0], $0xffff;
	_ =	sdelay $0x4  }
0xfd: {  	v3 =	vsub.s32 v1, v2  }
0xfe: {  	v15 =	vsub.s32 $0x0, v3  }
0xff: {  	v3 =	vmin.u32 v3, v15  }
0x100: {  	v3 =	vadd.s32 $0xFFFFFFFF, v3  }
0x101: {  	v3 =	vmul.u32 v3, v3;
	_ =	sdelay $0x1  }
0x102: {  	v16 =	vshra.s32 v3, $0x1F  }
0x103: {  	v1 =	vmul.u32 v1, v2;
	v17 =	vand.u32 $0x3, v3;
	v2 =	vshrl.u32 v16, $0x1E  }
0x104: {  	vm6 =	vlt.s32 v3, $0x1;
	vm7 =	vne.s32 v17, $0x0;
	v2 =	vadd.s32 v2, v3  }
0x105: {  	vm0 =	vmand vm6, vm7;
	v2 =	vshra.s32 v2, $0x2  }
0x106: {  	v3 =	vsel vm0, $0xFFFFFFFF, v0;
	v1 =	vadd.s32 v1, v2  }
0x107: {  	v1 =	vadd.s32 v3, v1  }
0x108: {  	s13 =	simm.s32 $0x7780;
	[tilespmem:$0x77C0] =	vst v1  }
0x109: {  	[tilespmem:s23], [sflag:$0x4] =	stream.indirect.gather [hbm4b:s3+s17], $0x80, s13, s17, $0xb8;
	[tilespmem:$0x17E80] =	vst v63  }
0x10a: {  	v1 =	vld [tilespmem:$0x2870]  }
0x10b: {  	v2 =	vld [tilespmem:$0x4FF0];
	_ =	sdelay $0x6  }
0x10c: {  	v1 =	vld.idx.msk [tilespmem:v1+s4+$0x0], $0xffff  }
0x10d: {  	v2 =	vld.idx.msk [tilespmem:v2+s4+$0x0], $0xffff;
	_ =	sdelay $0x4  }
0x10e: {  	v3 =	vsub.s32 v1, v2  }
0x10f: {  	v18 =	vsub.s32 $0x0, v3  }
0x110: {  	v3 =	vmin.u32 v3, v18  }
0x111: {  	v3 =	vadd.s32 $0xFFFFFFFF, v3  }
0x112: {  	v3 =	vmul.u32 v3, v3  }
0x113: {  	v19 =	vld [tilespmem:$0x2880]  }
0x114: {  	v21 =	vld [tilespmem:$0x5000];
	v20 =	vshra.s32 v3, $0x1F  }
0x115: {  	v1 =	vmul.u32 v1, v2;
	v22 =	vand.u32 $0x3, v3;
	v2 =	vshrl.u32 v20, $0x1E  }
0x116: {  	vm8 =	vlt.s32 v3, $0x1;
	vm9 =	vne.s32 v22, $0x0;
	v2 =	vadd.s32 v2, v3  }
0x117: {  	vm0 =	vmand vm8, vm9;
	v2 =	vshra.s32 v2, $0x2  }
0x118: {  	v3 =	vsel vm0, $0xFFFFFFFF, v0;
	v1 =	vadd.s32 v1, v2  }
0x119: {  	v1 =	vadd.s32 v3, v1  }
0x11a: {  	[tilespmem:$0x7800] =	vst v1  }
0x11b: {  	v1 =	vld.idx.msk [tilespmem:v19+s4+$0x0], $0xffff  }
0x11c: {  	v2 =	vld.idx.msk [tilespmem:v21+s4+$0x0], $0xffff;
	_ =	sdelay $0x4  }
0x11d: {  	v3 =	vsub.s32 v1, v2  }
0x11e: {  	v23 =	vsub.s32 $0x0, v3  }
0x11f: {  	v3 =	vmin.u32 v3, v23  }
0x120: {  	v3 =	vadd.s32 $0xFFFFFFFF, v3  }
0x121: {  	v3 =	vmul.u32 v3, v3  }
0x122: {  	v24 =	vld [tilespmem:$0x2890]  }
0x123: {  	v26 =	vld [tilespmem:$0x5010];
	v25 =	vshra.s32 v3, $0x1F  }
0x124: {  	v1 =	vmul.u32 v1, v2;
	v27 =	vand.u32 $0x3, v3;
	v2 =	vshrl.u32 v25, $0x1E  }
0x125: {  	vm10 =	vlt.s32 v3, $0x1;
	vm11 =	vne.s32 v27, $0x0;
	v2 =	vadd.s32 v2, v3  }
0x126: {  	vm0 =	vmand vm10, vm11;
	v2 =	vshra.s32 v2, $0x2  }
0x127: {  	v3 =	vsel vm0, $0xFFFFFFFF, v0;
	v1 =	vadd.s32 v1, v2  }
0x128: {  	v1 =	vadd.s32 v3, v1  }
0x129: {  	[tilespmem:$0x7810] =	vst v1  }
0x12a: {  	v1 =	vld.idx.msk [tilespmem:v24+s4+$0x0], $0xffff  }
0x12b: {  	v2 =	vld.idx.msk [tilespmem:v26+s4+$0x0], $0xffff;
	_ =	sdelay $0x4  }
0x12c: {  	v3 =	vsub.s32 v1, v2  }
0x12d: {  	v28 =	vsub.s32 $0x0, v3  }
0x12e: {  	v3 =	vmin.u32 v3, v28  }
0x12f: {  	v3 =	vadd.s32 $0xFFFFFFFF, v3  }
0x130: {  	v3 =	vmul.u32 v3, v3  }
0x131: {  	v29 =	vld [tilespmem:$0x28A0]  }
0x132: {  	v31 =	vld [tilespmem:$0x5020];
	v30 =	vshra.s32 v3, $0x1F  }
0x133: {  	v1 =	vmul.u32 v1, v2;
	v32 =	vand.u32 $0x3, v3;
	v2 =	vshrl.u32 v30, $0x1E  }
0x134: {  	vm12 =	vlt.s32 v3, $0x1;
	vm13 =	vne.s32 v32, $0x0;
	v2 =	vadd.s32 v2, v3  }
0x135: {  	vm0 =	vmand vm12, vm13;
	v2 =	vshra.s32 v2, $0x2  }
0x136: {  	v3 =	vsel vm0, $0xFFFFFFFF, v0;
	v1 =	vadd.s32 v1, v2  }
0x137: {  	v1 =	vadd.s32 v3, v1  }
0x138: {  	[tilespmem:$0x7820] =	vst v1  }
0x139: {  	v1 =	vld.idx.msk [tilespmem:v29+s4+$0x0], $0xffff  }
0x13a: {  	v2 =	vld.idx.msk [tilespmem:v31+s4+$0x0], $0xffff;
	_ =	sdelay $0x4  }
0x13b: {  	v3 =	vsub.s32 v1, v2  }
0x13c: {  	v33 =	vsub.s32 $0x0, v3  }
0x13d: {  	v3 =	vmin.u32 v3, v33  }
0x13e: {  	v3 =	vadd.s32 $0xFFFFFFFF, v3  }
0x13f: {  	v3 =	vmul.u32 v3, v3  }
0x140: {  	v34 =	vld [tilespmem:$0x28B0]  }
0x141: {  	v36 =	vld [tilespmem:$0x5030];
	v35 =	vshra.s32 v3, $0x1F  }
0x142: {  	v1 =	vmul.u32 v1, v2;
	v37 =	vand.u32 $0x3, v3;
	v2 =	vshrl.u32 v35, $0x1E  }
0x143: {  	vm14 =	vlt.s32 v3, $0x1;
	vm15 =	vne.s32 v37, $0x0;
	v2 =	vadd.s32 v2, v3  }
0x144: {  	vm0 =	vmand vm14, vm15;
	v2 =	vshra.s32 v2, $0x2  }
0x145: {  	v3 =	vsel vm0, $0xFFFFFFFF, v0;
	v1 =	vadd.s32 v1, v2  }
0x146: {  	v1 =	vadd.s32 v3, v1  }
0x147: {  	[tilespmem:$0x7830] =	vst v1  }
0x148: {  	v1 =	vld.idx.msk [tilespmem:v34+s4+$0x0], $0xffff  }
0x149: {  	v2 =	vld.idx.msk [tilespmem:v36+s4+$0x0], $0xffff;
	_ =	sdelay $0x4  }
0x14a: {  	v3 =	vsub.s32 v1, v2  }
0x14b: {  	v38 =	vsub.s32 $0x0, v3  }
0x14c: {  	v3 =	vmin.u32 v3, v38  }
0x14d: {  	v3 =	vadd.s32 $0xFFFFFFFF, v3  }
0x14e: {  	v3 =	vmul.u32 v3, v3;
	_ =	sdelay $0x1  }
0x14f: {  	v39 =	vshra.s32 v3, $0x1F  }
0x150: {  	v1 =	vmul.u32 v1, v2;
	v40 =	vand.u32 $0x3, v3;
	v2 =	vshrl.u32 v39, $0x1E  }
0x151: {  	vm4 =	vlt.s32 v3, $0x1;
	vm5 =	vne.s32 v40, $0x0;
	v2 =	vadd.s32 v2, v3  }
0x152: {  	vm0 =	vmand vm4, vm5;
	v2 =	vshra.s32 v2, $0x2  }
0x153: {  	v3 =	vsel vm0, $0xFFFFFFFF, v0;
	v1 =	vadd.s32 v1, v2  }
0x154: {  	v1 =	vadd.s32 v3, v1  }
0x155: {  	s24 =	simm.s32 $0x7800;
	[tilespmem:$0x7840] =	vst v1  }
0x156: {  	[tilespmem:s25], [sflag:$0x5] =	stream.indirect.gather [hbm4b:s3+s17], $0x80, s24, s17, $0xb8;
	[tilespmem:$0x17E80] =	vst v63  }
0x157: {  	v1 =	vld [tilespmem:$0x28C0]  }
0x158: {  	v2 =	vld [tilespmem:$0x5040];
	_ =	sdelay $0x6  }
0x159: {  	v1 =	vld.idx.msk [tilespmem:v1+s4+$0x0], $0xffff  }
0x15a: {  	v2 =	vld.idx.msk [tilespmem:v2+s4+$0x0], $0xffff;
	_ =	sdelay $0x4  }
0x15b: {  	v3 =	vsub.s32 v1, v2  }
0x15c: {  	v41 =	vsub.s32 $0x0, v3  }
0x15d: {  	v3 =	vmin.u32 v3, v41  }
0x15e: {  	v3 =	vadd.s32 $0xFFFFFFFF, v3  }
0x15f: {  	v3 =	vmul.u32 v3, v3  }
0x160: {  	v42 =	vld [tilespmem:$0x28D0]  }
0x161: {  	v44 =	vld [tilespmem:$0x5050];
	v43 =	vshra.s32 v3, $0x1F  }
0x162: {  	v1 =	vmul.u32 v1, v2;
	v45 =	vand.u32 $0x3, v3;
	v2 =	vshrl.u32 v43, $0x1E  }
0x163: {  	vm6 =	vlt.s32 v3, $0x1;
	vm7 =	vne.s32 v45, $0x0;
	v2 =	vadd.s32 v2, v3  }
0x164: {  	vm0 =	vmand vm6, vm7;
	v2 =	vshra.s32 v2, $0x2  }
0x165: {  	v3 =	vsel vm0, $0xFFFFFFFF, v0;
	v1 =	vadd.s32 v1, v2  }
0x166: {  	v1 =	vadd.s32 v3, v1  }
0x167: {  	[tilespmem:$0x7880] =	vst v1  }
0x168: {  	v1 =	vld.idx.msk [tilespmem:v42+s4+$0x0], $0xffff  }
0x169: {  	v2 =	vld.idx.msk [tilespmem:v44+s4+$0x0], $0xffff;
	_ =	sdelay $0x4  }
0x16a: {  	v3 =	vsub.s32 v1, v2  }
0x16b: {  	v46 =	vsub.s32 $0x0, v3  }
0x16c: {  	v3 =	vmin.u32 v3, v46  }
0x16d: {  	v3 =	vadd.s32 $0xFFFFFFFF, v3  }
0x16e: {  	v3 =	vmul.u32 v3, v3  }
0x16f: {  	v47 =	vld [tilespmem:$0x28E0]  }
0x170: {  	v49 =	vld [tilespmem:$0x5060];
	v48 =	vshra.s32 v3, $0x1F  }
0x171: {  	v1 =	vmul.u32 v1, v2;
	v50 =	vand.u32 $0x3, v3;
	v2 =	vshrl.u32 v48, $0x1E  }
0x172: {  	vm8 =	vlt.s32 v3, $0x1;
	vm9 =	vne.s32 v50, $0x0;
	v2 =	vadd.s32 v2, v3  }
0x173: {  	vm0 =	vmand vm8, vm9;
	v2 =	vshra.s32 v2, $0x2  }
0x174: {  	v3 =	vsel vm0, $0xFFFFFFFF, v0;
	v1 =	vadd.s32 v1, v2  }
0x175: {  	v1 =	vadd.s32 v3, v1  }
0x176: {  	[tilespmem:$0x7890] =	vst v1  }
0x177: {  	v1 =	vld.idx.msk [tilespmem:v47+s4+$0x0], $0xffff  }
0x178: {  	v2 =	vld.idx.msk [tilespmem:v49+s4+$0x0], $0xffff;
	_ =	sdelay $0x4  }
0x179: {  	v3 =	vsub.s32 v1, v2  }
0x17a: {  	v51 =	vsub.s32 $0x0, v3  }
0x17b: {  	v3 =	vmin.u32 v3, v51  }
0x17c: {  	v3 =	vadd.s32 $0xFFFFFFFF, v3  }
0x17d: {  	v3 =	vmul.u32 v3, v3  }
0x17e: {  	v52 =	vld [tilespmem:$0x28F0]  }
0x17f: {  	v54 =	vld [tilespmem:$0x5070];
	v53 =	vshra.s32 v3, $0x1F  }
0x180: {  	v1 =	vmul.u32 v1, v2;
	v55 =	vand.u32 $0x3, v3;
	v2 =	vshrl.u32 v53, $0x1E  }
0x181: {  	vm10 =	vlt.s32 v3, $0x1;
	vm11 =	vne.s32 v55, $0x0;
	v2 =	vadd.s32 v2, v3  }
0x182: {  	vm0 =	vmand vm10, vm11;
	v2 =	vshra.s32 v2, $0x2  }
0x183: {  	v3 =	vsel vm0, $0xFFFFFFFF, v0;
	v1 =	vadd.s32 v1, v2  }
0x184: {  	v1 =	vadd.s32 v3, v1  }
0x185: {  	[tilespmem:$0x78A0] =	vst v1  }
0x186: {  	v1 =	vld.idx.msk [tilespmem:v52+s4+$0x0], $0xffff  }
0x187: {  	v2 =	vld.idx.msk [tilespmem:v54+s4+$0x0], $0xffff;
	_ =	sdelay $0x4  }
0x188: {  	v3 =	vsub.s32 v1, v2  }
0x189: {  	v56 =	vsub.s32 $0x0, v3  }
0x18a: {  	v3 =	vmin.u32 v3, v56  }
0x18b: {  	v3 =	vadd.s32 $0xFFFFFFFF, v3  }
0x18c: {  	v3 =	vmul.u32 v3, v3  }
0x18d: {  	v57 =	vld [tilespmem:$0x2900]  }
0x18e: {  	v59 =	vld [tilespmem:$0x5080];
	v58 =	vshra.s32 v3, $0x1F  }
0x18f: {  	v1 =	vmul.u32 v1, v2;
	v60 =	vand.u32 $0x3, v3;
	v2 =	vshrl.u32 v58, $0x1E  }
0x190: {  	vm12 =	vlt.s32 v3, $0x1;
	vm13 =	vne.s32 v60, $0x0;
	v2 =	vadd.s32 v2, v3  }
0x191: {  	vm0 =	vmand vm12, vm13;
	v2 =	vshra.s32 v2, $0x2  }
0x192: {  	v1 =	vadd.s32 v1, v2;
	v2 =	vsel vm0, $0xFFFFFFFF, v0  }
0x193: {  	v1 =	vadd.s32 v2, v1  }
0x194: {  	[tilespmem:$0x78B0] =	vst v1  }
0x195: {  	v1 =	vld.idx.msk [tilespmem:v57+s4+$0x0], $0xffff  }
0x196: {  	v2 =	vld.idx.msk [tilespmem:v59+s4+$0x0], $0xffff;
	_ =	sdelay $0x4  }
0x197: {  	v3 =	vsub.s32 v1, v2  }
0x198: {  	v61 =	vsub.s32 $0x0, v3  }
0x199: {  	v3 =	vmin.u32 v3, v61  }
0x19a: {  	v3 =	vadd.s32 $0xFFFFFFFF, v3  }
0x19b: {  	v3 =	vmul.u32 v3, v3;
	_ =	sdelay $0x1  }
0x19c: {  	v62 =	vshra.s32 v3, $0x1F  }
0x19d: {  	v1 =	vmul.u32 v1, v2;
	v63 =	vand.u32 $0x3, v3;
	v2 =	vshrl.u32 v62, $0x1E  }
0x19e: {  	vm14 =	vlt.s32 v3, $0x1;
	vm15 =	vne.s32 v63, $0x0;
	v2 =	vadd.s32 v2, v3  }
0x19f: {  	vm0 =	vmand vm14, vm15;
	v2 =	vshra.s32 v2, $0x2  }
0x1a0: {  	v3 =	vsel vm0, $0xFFFFFFFF, v0;
	v1 =	vadd.s32 v1, v2  }
0x1a1: {  	v1 =	vadd.s32 v3, v1  }
0x1a2: {  	s6 =	simm.s32 $0x0;
	s26 =	simm.s32 $0x7880;
	[tilespmem:$0x78C0] =	vst v1  }
0x1a3: {  	[tilespmem:s28], [sflag:$0x6] =	stream.indirect.gather [hbm4b:s3+s17], $0x80, s26, s17, $0xb8;
	[tilespmem:$0x17E80] =	vst v63  }
0x1a4: {  	s13 =	smov.u32 s5;
	s24 =	simm.s32 $0x5210;
	s26 =	simm.s32 $0x2A90  }
.LBB2_2:
0x1a5: {  	v1 =	vld [tilespmem:s26+$0xFFFFFE80]  }
0x1a6: {  	v2 =	vld [tilespmem:s24+$0xFFFFFE80];
	_ =	sdelay $0x6  }
0x1a7: {  	v1 =	vld.idx.msk [tilespmem:v1+s4+$0x0], $0xffff  }
0x1a8: {  	v2 =	vld.idx.msk [tilespmem:v2+s4+$0x0], $0xffff;
	_ =	sdelay $0x4  }
0x1a9: {  	v3 =	vsub.s32 v1, v2  }
0x1aa: {  	v4 =	vsub.s32 $0x0, v3  }
0x1ab: {  	v3 =	vmin.u32 v3, v4  }
0x1ac: {  	v3 =	vadd.s32 $0xFFFFFFFF, v3  }
0x1ad: {  	v3 =	vmul.u32 v3, v3;
	_ =	sdelay $0x1  }
0x1ae: {  	v46 =	vshra.s32 v3, $0x1F  }
0x1af: {  	v1 =	vmul.u32 v1, v2;
	v47 =	vand.u32 $0x3, v3;
	v2 =	vshrl.u32 v46, $0x1E  }
0x1b0: {  	vm0 =	vlt.s32 v3, $0x1;
	vm1 =	vne.s32 v47, $0x0;
	v2 =	vadd.s32 v2, v3  }
0x1b1: {  	vm0 =	vmand vm0, vm1;
	v2 =	vshra.s32 v2, $0x2  }
0x1b2: {  	v3 =	vsel vm0, $0xFFFFFFFF, v0;
	v1 =	vadd.s32 v1, v2  }
0x1b3: {  	s7 =	sshra.s32 s6, $0x2;
	v1 =	vadd.s32 v3, v1  }
0x1b4: {  	[tilespmem:s7+$0x7900] =	vst v1  }
0x1b5: {  	v1 =	vld [tilespmem:s26+$0xFFFFFE90]  }
0x1b6: {  	v2 =	vld [tilespmem:s24+$0xFFFFFE90];
	_ =	sdelay $0x6  }
0x1b7: {  	v1 =	vld.idx.msk [tilespmem:v1+s4+$0x0], $0xffff  }
0x1b8: {  	v2 =	vld.idx.msk [tilespmem:v2+s4+$0x0], $0xffff;
	_ =	sdelay $0x4  }
0x1b9: {  	v3 =	vsub.s32 v1, v2  }
0x1ba: {  	v48 =	vsub.s32 $0x0, v3  }
0x1bb: {  	v3 =	vmin.u32 v3, v48  }
0x1bc: {  	v3 =	vadd.s32 $0xFFFFFFFF, v3  }
0x1bd: {  	v3 =	vmul.u32 v3, v3;
	_ =	sdelay $0x1  }
0x1be: {  	v49 =	vshra.s32 v3, $0x1F  }
0x1bf: {  	v1 =	vmul.u32 v1, v2;
	v50 =	vand.u32 $0x3, v3;
	v2 =	vshrl.u32 v49, $0x1E  }
0x1c0: {  	vm4 =	vlt.s32 v3, $0x1;
	vm5 =	vne.s32 v50, $0x0;
	v2 =	vadd.s32 v2, v3  }
0x1c1: {  	vm0 =	vmand vm4, vm5;
	v2 =	vshra.s32 v2, $0x2  }
0x1c2: {  	v3 =	vsel vm0, $0xFFFFFFFF, v0;
	v1 =	vadd.s32 v1, v2  }
0x1c3: {  	v1 =	vadd.s32 v3, v1  }
0x1c4: {  	[tilespmem:s7+$0x7910] =	vst v1  }
0x1c5: {  	v1 =	vld [tilespmem:s26+$0xFFFFFEA0]  }
0x1c6: {  	v2 =	vld [tilespmem:s24+$0xFFFFFEA0];
	_ =	sdelay $0x6  }
0x1c7: {  	v1 =	vld.idx.msk [tilespmem:v1+s4+$0x0], $0xffff  }
0x1c8: {  	v2 =	vld.idx.msk [tilespmem:v2+s4+$0x0], $0xffff;
	_ =	sdelay $0x4  }
0x1c9: {  	v3 =	vsub.s32 v1, v2  }
0x1ca: {  	v51 =	vsub.s32 $0x0, v3  }
0x1cb: {  	v3 =	vmin.u32 v3, v51  }
0x1cc: {  	v3 =	vadd.s32 $0xFFFFFFFF, v3  }
0x1cd: {  	v3 =	vmul.u32 v3, v3;
	_ =	sdelay $0x1  }
0x1ce: {  	v52 =	vshra.s32 v3, $0x1F  }
0x1cf: {  	v1 =	vmul.u32 v1, v2;
	v53 =	vand.u32 $0x3, v3;
	v2 =	vshrl.u32 v52, $0x1E  }
0x1d0: {  	vm6 =	vlt.s32 v3, $0x1;
	vm7 =	vne.s32 v53, $0x0;
	v2 =	vadd.s32 v2, v3  }
0x1d1: {  	vm0 =	vmand vm6, vm7;
	v2 =	vshra.s32 v2, $0x2  }
0x1d2: {  	v3 =	vsel vm0, $0xFFFFFFFF, v0;
	v1 =	vadd.s32 v1, v2  }
0x1d3: {  	v1 =	vadd.s32 v3, v1  }
0x1d4: {  	[tilespmem:s7+$0x7920] =	vst v1  }
0x1d5: {  	v1 =	vld [tilespmem:s26+$0xFFFFFEB0]  }
0x1d6: {  	v2 =	vld [tilespmem:s24+$0xFFFFFEB0];
	_ =	sdelay $0x6  }
0x1d7: {  	v1 =	vld.idx.msk [tilespmem:v1+s4+$0x0], $0xffff  }
0x1d8: {  	v2 =	vld.idx.msk [tilespmem:v2+s4+$0x0], $0xffff;
	_ =	sdelay $0x4  }
0x1d9: {  	v3 =	vsub.s32 v1, v2  }
0x1da: {  	v54 =	vsub.s32 $0x0, v3  }
0x1db: {  	v3 =	vmin.u32 v3, v54  }
0x1dc: {  	v3 =	vadd.s32 $0xFFFFFFFF, v3  }
0x1dd: {  	v3 =	vmul.u32 v3, v3;
	_ =	sdelay $0x1  }
0x1de: {  	v55 =	vshra.s32 v3, $0x1F  }
0x1df: {  	v1 =	vmul.u32 v1, v2;
	v56 =	vand.u32 $0x3, v3;
	v2 =	vshrl.u32 v55, $0x1E  }
0x1e0: {  	vm8 =	vlt.s32 v3, $0x1;
	vm9 =	vne.s32 v56, $0x0;
	v2 =	vadd.s32 v2, v3  }
0x1e1: {  	vm0 =	vmand vm8, vm9;
	v2 =	vshra.s32 v2, $0x2  }
0x1e2: {  	v3 =	vsel vm0, $0xFFFFFFFF, v0;
	v1 =	vadd.s32 v1, v2  }
0x1e3: {  	v1 =	vadd.s32 v3, v1  }
0x1e4: {  	[tilespmem:s7+$0x7930] =	vst v1  }
0x1e5: {  	v1 =	vld [tilespmem:s26+$0xFFFFFEC0]  }
0x1e6: {  	v2 =	vld [tilespmem:s24+$0xFFFFFEC0];
	_ =	sdelay $0x6  }
0x1e7: {  	v1 =	vld.idx.msk [tilespmem:v1+s4+$0x0], $0xffff  }
0x1e8: {  	v2 =	vld.idx.msk [tilespmem:v2+s4+$0x0], $0xffff;
	_ =	sdelay $0x4  }
0x1e9: {  	v3 =	vsub.s32 v1, v2  }
0x1ea: {  	v57 =	vsub.s32 $0x0, v3  }
0x1eb: {  	v3 =	vmin.u32 v3, v57  }
0x1ec: {  	v3 =	vadd.s32 $0xFFFFFFFF, v3  }
0x1ed: {  	v3 =	vmul.u32 v3, v3;
	_ =	sdelay $0x1  }
0x1ee: {  	v58 =	vshra.s32 v3, $0x1F  }
0x1ef: {  	v1 =	vmul.u32 v1, v2;
	v59 =	vand.u32 $0x3, v3;
	v2 =	vshrl.u32 v58, $0x1E  }
0x1f0: {  	vm10 =	vlt.s32 v3, $0x1;
	vm11 =	vne.s32 v59, $0x0;
	v2 =	vadd.s32 v2, v3  }
0x1f1: {  	vm0 =	vmand vm10, vm11;
	v2 =	vshra.s32 v2, $0x2  }
0x1f2: {  	v3 =	vsel vm0, $0xFFFFFFFF, v0;
	v1 =	vadd.s32 v1, v2  }
0x1f3: {  	v1 =	vadd.s32 v3, v1  }
0x1f4: {  	[tilespmem:s7+$0x7940] =	vst v1  }
0x1f5: {  	v1 =	vld [tilespmem:s26+$0xFFFFFED0]  }
0x1f6: {  	v2 =	vld [tilespmem:s24+$0xFFFFFED0];
	_ =	sdelay $0x6  }
0x1f7: {  	v1 =	vld.idx.msk [tilespmem:v1+s4+$0x0], $0xffff  }
0x1f8: {  	v2 =	vld.idx.msk [tilespmem:v2+s4+$0x0], $0xffff;
	_ =	sdelay $0x4  }
0x1f9: {  	v3 =	vsub.s32 v1, v2  }
0x1fa: {  	v60 =	vsub.s32 $0x0, v3  }
0x1fb: {  	v3 =	vmin.u32 v3, v60  }
0x1fc: {  	v3 =	vadd.s32 $0xFFFFFFFF, v3  }
0x1fd: {  	v3 =	vmul.u32 v3, v3;
	_ =	sdelay $0x1  }
0x1fe: {  	v61 =	vshra.s32 v3, $0x1F  }
0x1ff: {  	v1 =	vmul.u32 v1, v2;
	v62 =	vand.u32 $0x3, v3;
	v2 =	vshrl.u32 v61, $0x1E  }
0x200: {  	vm12 =	vlt.s32 v3, $0x1;
	vm13 =	vne.s32 v62, $0x0;
	v2 =	vadd.s32 v2, v3  }
0x201: {  	vm0 =	vmand vm12, vm13;
	v2 =	vshra.s32 v2, $0x2  }
0x202: {  	v3 =	vsel vm0, $0xFFFFFFFF, v0;
	v1 =	vadd.s32 v1, v2  }
0x203: {  	v1 =	vadd.s32 v3, v1  }
0x204: {  	[tilespmem:s7+$0x7980] =	vst v1  }
0x205: {  	v1 =	vld [tilespmem:s26+$0xFFFFFEE0]  }
0x206: {  	v2 =	vld [tilespmem:s24+$0xFFFFFEE0];
	_ =	sdelay $0x6  }
0x207: {  	v1 =	vld.idx.msk [tilespmem:v1+s4+$0x0], $0xffff  }
0x208: {  	v2 =	vld.idx.msk [tilespmem:v2+s4+$0x0], $0xffff;
	_ =	sdelay $0x4  }
0x209: {  	v3 =	vsub.s32 v1, v2  }
0x20a: {  	v63 =	vsub.s32 $0x0, v3  }
0x20b: {  	v3 =	vmin.u32 v3, v63  }
0x20c: {  	v3 =	vadd.s32 $0xFFFFFFFF, v3  }
0x20d: {  	v3 =	vmul.u32 v3, v3;
	_ =	sdelay $0x1  }
0x20e: {  	v8 =	vshra.s32 v3, $0x1F  }
0x20f: {  	v1 =	vmul.u32 v1, v2;
	v9 =	vand.u32 $0x3, v3;
	v2 =	vshrl.u32 v8, $0x1E  }
0x210: {  	vm14 =	vlt.s32 v3, $0x1;
	vm15 =	vne.s32 v9, $0x0;
	v2 =	vadd.s32 v2, v3  }
0x211: {  	vm0 =	vmand vm14, vm15;
	v2 =	vshra.s32 v2, $0x2  }
0x212: {  	v3 =	vsel vm0, $0xFFFFFFFF, v0;
	v1 =	vadd.s32 v1, v2  }
0x213: {  	v1 =	vadd.s32 v3, v1  }
0x214: {  	[tilespmem:s7+$0x7990] =	vst v1  }
0x215: {  	v1 =	vld [tilespmem:s26+$0xFFFFFEF0]  }
0x216: {  	v2 =	vld [tilespmem:s24+$0xFFFFFEF0];
	_ =	sdelay $0x6  }
0x217: {  	v1 =	vld.idx.msk [tilespmem:v1+s4+$0x0], $0xffff  }
0x218: {  	v2 =	vld.idx.msk [tilespmem:v2+s4+$0x0], $0xffff;
	_ =	sdelay $0x4  }
0x219: {  	v3 =	vsub.s32 v1, v2  }
0x21a: {  	v10 =	vsub.s32 $0x0, v3  }
0x21b: {  	v3 =	vmin.u32 v3, v10  }
0x21c: {  	v3 =	vadd.s32 $0xFFFFFFFF, v3  }
0x21d: {  	v3 =	vmul.u32 v3, v3;
	_ =	sdelay $0x1  }
0x21e: {  	v11 =	vshra.s32 v3, $0x1F  }
0x21f: {  	v1 =	vmul.u32 v1, v2;
	v12 =	vand.u32 $0x3, v3;
	v2 =	vshrl.u32 v11, $0x1E  }
0x220: {  	vm4 =	vlt.s32 v3, $0x1;
	vm5 =	vne.s32 v12, $0x0;
	v2 =	vadd.s32 v2, v3  }
0x221: {  	vm0 =	vmand vm4, vm5;
	v2 =	vshra.s32 v2, $0x2  }
0x222: {  	v3 =	vsel vm0, $0xFFFFFFFF, v0;
	v1 =	vadd.s32 v1, v2  }
0x223: {  	v1 =	vadd.s32 v3, v1  }
0x224: {  	[tilespmem:s7+$0x79A0] =	vst v1  }
0x225: {  	v1 =	vld [tilespmem:s26+$0xFFFFFF00]  }
0x226: {  	v2 =	vld [tilespmem:s24+$0xFFFFFF00];
	_ =	sdelay $0x6  }
0x227: {  	v1 =	vld.idx.msk [tilespmem:v1+s4+$0x0], $0xffff  }
0x228: {  	v2 =	vld.idx.msk [tilespmem:v2+s4+$0x0], $0xffff;
	_ =	sdelay $0x4  }
0x229: {  	v3 =	vsub.s32 v1, v2  }
0x22a: {  	v13 =	vsub.s32 $0x0, v3  }
0x22b: {  	v3 =	vmin.u32 v3, v13  }
0x22c: {  	v3 =	vadd.s32 $0xFFFFFFFF, v3  }
0x22d: {  	v3 =	vmul.u32 v3, v3;
	_ =	sdelay $0x1  }
0x22e: {  	v14 =	vshra.s32 v3, $0x1F  }
0x22f: {  	v1 =	vmul.u32 v1, v2;
	v15 =	vand.u32 $0x3, v3;
	v2 =	vshrl.u32 v14, $0x1E  }
0x230: {  	vm6 =	vlt.s32 v3, $0x1;
	vm7 =	vne.s32 v15, $0x0;
	v2 =	vadd.s32 v2, v3  }
0x231: {  	vm0 =	vmand vm6, vm7;
	v2 =	vshra.s32 v2, $0x2  }
0x232: {  	v3 =	vsel vm0, $0xFFFFFFFF, v0;
	v1 =	vadd.s32 v1, v2  }
0x233: {  	v1 =	vadd.s32 v3, v1  }
0x234: {  	[tilespmem:s7+$0x79B0] =	vst v1  }
0x235: {  	v1 =	vld [tilespmem:s26+$0xFFFFFF10]  }
0x236: {  	v2 =	vld [tilespmem:s24+$0xFFFFFF10];
	_ =	sdelay $0x6  }
0x237: {  	v1 =	vld.idx.msk [tilespmem:v1+s4+$0x0], $0xffff  }
0x238: {  	v2 =	vld.idx.msk [tilespmem:v2+s4+$0x0], $0xffff;
	_ =	sdelay $0x4  }
0x239: {  	v3 =	vsub.s32 v1, v2  }
0x23a: {  	v16 =	vsub.s32 $0x0, v3  }
0x23b: {  	v3 =	vmin.u32 v3, v16  }
0x23c: {  	v3 =	vadd.s32 $0xFFFFFFFF, v3  }
0x23d: {  	v3 =	vmul.u32 v3, v3;
	_ =	sdelay $0x1  }
0x23e: {  	v17 =	vshra.s32 v3, $0x1F  }
0x23f: {  	v1 =	vmul.u32 v1, v2;
	v18 =	vand.u32 $0x3, v3;
	v2 =	vshrl.u32 v17, $0x1E  }
0x240: {  	vm8 =	vlt.s32 v3, $0x1;
	vm9 =	vne.s32 v18, $0x0;
	v2 =	vadd.s32 v2, v3  }
0x241: {  	vm0 =	vmand vm8, vm9;
	v2 =	vshra.s32 v2, $0x2  }
0x242: {  	v3 =	vsel vm0, $0xFFFFFFFF, v0;
	v1 =	vadd.s32 v1, v2  }
0x243: {  	v1 =	vadd.s32 v3, v1  }
0x244: {  	[tilespmem:s7+$0x79C0] =	vst v1  }
0x245: {  	v1 =	vld [tilespmem:s26+$0xFFFFFF20]  }
0x246: {  	v2 =	vld [tilespmem:s24+$0xFFFFFF20];
	_ =	sdelay $0x6  }
0x247: {  	v1 =	vld.idx.msk [tilespmem:v1+s4+$0x0], $0xffff  }
0x248: {  	v2 =	vld.idx.msk [tilespmem:v2+s4+$0x0], $0xffff;
	_ =	sdelay $0x4  }
0x249: {  	v3 =	vsub.s32 v1, v2  }
0x24a: {  	v19 =	vsub.s32 $0x0, v3  }
0x24b: {  	v3 =	vmin.u32 v3, v19  }
0x24c: {  	v3 =	vadd.s32 $0xFFFFFFFF, v3  }
0x24d: {  	v3 =	vmul.u32 v3, v3;
	_ =	sdelay $0x1  }
0x24e: {  	v20 =	vshra.s32 v3, $0x1F  }
0x24f: {  	v1 =	vmul.u32 v1, v2;
	v21 =	vand.u32 $0x3, v3;
	v2 =	vshrl.u32 v20, $0x1E  }
0x250: {  	vm10 =	vlt.s32 v3, $0x1;
	vm11 =	vne.s32 v21, $0x0;
	v2 =	vadd.s32 v2, v3  }
0x251: {  	vm0 =	vmand vm10, vm11;
	v2 =	vshra.s32 v2, $0x2  }
0x252: {  	v3 =	vsel vm0, $0xFFFFFFFF, v0;
	v1 =	vadd.s32 v1, v2  }
0x253: {  	v1 =	vadd.s32 v3, v1  }
0x254: {  	[tilespmem:s7+$0x7A00] =	vst v1  }
0x255: {  	v1 =	vld [tilespmem:s26+$0xFFFFFF30]  }
0x256: {  	v2 =	vld [tilespmem:s24+$0xFFFFFF30];
	_ =	sdelay $0x6  }
0x257: {  	v1 =	vld.idx.msk [tilespmem:v1+s4+$0x0], $0xffff  }
0x258: {  	v2 =	vld.idx.msk [tilespmem:v2+s4+$0x0], $0xffff;
	_ =	sdelay $0x4  }
0x259: {  	v3 =	vsub.s32 v1, v2  }
0x25a: {  	v22 =	vsub.s32 $0x0, v3  }
0x25b: {  	v3 =	vmin.u32 v3, v22  }
0x25c: {  	v3 =	vadd.s32 $0xFFFFFFFF, v3  }
0x25d: {  	v3 =	vmul.u32 v3, v3;
	_ =	sdelay $0x1  }
0x25e: {  	v23 =	vshra.s32 v3, $0x1F  }
0x25f: {  	v1 =	vmul.u32 v1, v2;
	v24 =	vand.u32 $0x3, v3;
	v2 =	vshrl.u32 v23, $0x1E  }
0x260: {  	vm12 =	vlt.s32 v3, $0x1;
	vm13 =	vne.s32 v24, $0x0;
	v2 =	vadd.s32 v2, v3  }
0x261: {  	vm0 =	vmand vm12, vm13;
	v2 =	vshra.s32 v2, $0x2  }
0x262: {  	v3 =	vsel vm0, $0xFFFFFFFF, v0;
	v1 =	vadd.s32 v1, v2  }
0x263: {  	v1 =	vadd.s32 v3, v1  }
0x264: {  	[tilespmem:s7+$0x7A10] =	vst v1  }
0x265: {  	v1 =	vld [tilespmem:s26+$0xFFFFFF40]  }
0x266: {  	v2 =	vld [tilespmem:s24+$0xFFFFFF40];
	_ =	sdelay $0x6  }
0x267: {  	v1 =	vld.idx.msk [tilespmem:v1+s4+$0x0], $0xffff  }
0x268: {  	v2 =	vld.idx.msk [tilespmem:v2+s4+$0x0], $0xffff;
	_ =	sdelay $0x4  }
0x269: {  	v3 =	vsub.s32 v1, v2  }
0x26a: {  	v25 =	vsub.s32 $0x0, v3  }
0x26b: {  	v3 =	vmin.u32 v3, v25  }
0x26c: {  	v3 =	vadd.s32 $0xFFFFFFFF, v3  }
0x26d: {  	v3 =	vmul.u32 v3, v3;
	_ =	sdelay $0x1  }
0x26e: {  	v26 =	vshra.s32 v3, $0x1F  }
0x26f: {  	v1 =	vmul.u32 v1, v2;
	v27 =	vand.u32 $0x3, v3;
	v2 =	vshrl.u32 v26, $0x1E  }
0x270: {  	vm14 =	vlt.s32 v3, $0x1;
	vm15 =	vne.s32 v27, $0x0;
	v2 =	vadd.s32 v2, v3  }
0x271: {  	vm0 =	vmand vm14, vm15;
	v2 =	vshra.s32 v2, $0x2  }
0x272: {  	v3 =	vsel vm0, $0xFFFFFFFF, v0;
	v1 =	vadd.s32 v1, v2  }
0x273: {  	v1 =	vadd.s32 v3, v1  }
0x274: {  	[tilespmem:s7+$0x7A20] =	vst v1  }
0x275: {  	v1 =	vld [tilespmem:s26+$0xFFFFFF50]  }
0x276: {  	v2 =	vld [tilespmem:s24+$0xFFFFFF50];
	_ =	sdelay $0x6  }
0x277: {  	v1 =	vld.idx.msk [tilespmem:v1+s4+$0x0], $0xffff  }
0x278: {  	v2 =	vld.idx.msk [tilespmem:v2+s4+$0x0], $0xffff;
	_ =	sdelay $0x4  }
0x279: {  	v3 =	vsub.s32 v1, v2  }
0x27a: {  	v28 =	vsub.s32 $0x0, v3  }
0x27b: {  	v3 =	vmin.u32 v3, v28  }
0x27c: {  	v3 =	vadd.s32 $0xFFFFFFFF, v3  }
0x27d: {  	v3 =	vmul.u32 v3, v3;
	_ =	sdelay $0x1  }
0x27e: {  	v29 =	vshra.s32 v3, $0x1F  }
0x27f: {  	v1 =	vmul.u32 v1, v2;
	v30 =	vand.u32 $0x3, v3;
	v2 =	vshrl.u32 v29, $0x1E  }
0x280: {  	vm4 =	vlt.s32 v3, $0x1;
	vm5 =	vne.s32 v30, $0x0;
	v2 =	vadd.s32 v2, v3  }
0x281: {  	vm0 =	vmand vm4, vm5;
	v2 =	vshra.s32 v2, $0x2  }
0x282: {  	v3 =	vsel vm0, $0xFFFFFFFF, v0;
	v1 =	vadd.s32 v1, v2  }
0x283: {  	v1 =	vadd.s32 v3, v1  }
0x284: {  	[tilespmem:s7+$0x7A30] =	vst v1  }
0x285: {  	v1 =	vld [tilespmem:s26+$0xFFFFFF60]  }
0x286: {  	v2 =	vld [tilespmem:s24+$0xFFFFFF60];
	_ =	sdelay $0x6  }
0x287: {  	v1 =	vld.idx.msk [tilespmem:v1+s4+$0x0], $0xffff  }
0x288: {  	v2 =	vld.idx.msk [tilespmem:v2+s4+$0x0], $0xffff;
	_ =	sdelay $0x4  }
0x289: {  	v3 =	vsub.s32 v1, v2  }
0x28a: {  	v31 =	vsub.s32 $0x0, v3  }
0x28b: {  	v3 =	vmin.u32 v3, v31  }
0x28c: {  	v3 =	vadd.s32 $0xFFFFFFFF, v3  }
0x28d: {  	v3 =	vmul.u32 v3, v3;
	_ =	sdelay $0x1  }
0x28e: {  	v32 =	vshra.s32 v3, $0x1F  }
0x28f: {  	v1 =	vmul.u32 v1, v2;
	v33 =	vand.u32 $0x3, v3;
	v2 =	vshrl.u32 v32, $0x1E  }
0x290: {  	vm6 =	vlt.s32 v3, $0x1;
	vm7 =	vne.s32 v33, $0x0;
	v2 =	vadd.s32 v2, v3  }
0x291: {  	vm0 =	vmand vm6, vm7;
	v2 =	vshra.s32 v2, $0x2  }
0x292: {  	v3 =	vsel vm0, $0xFFFFFFFF, v0;
	v1 =	vadd.s32 v1, v2  }
0x293: {  	v1 =	vadd.s32 v3, v1  }
0x294: {  	[tilespmem:s7+$0x7A40] =	vst v1  }
0x295: {  	v1 =	vld [tilespmem:s26+$0xFFFFFF70]  }
0x296: {  	v2 =	vld [tilespmem:s24+$0xFFFFFF70];
	_ =	sdelay $0x6  }
0x297: {  	v1 =	vld.idx.msk [tilespmem:v1+s4+$0x0], $0xffff  }
0x298: {  	v2 =	vld.idx.msk [tilespmem:v2+s4+$0x0], $0xffff;
	_ =	sdelay $0x4  }
0x299: {  	v3 =	vsub.s32 v1, v2  }
0x29a: {  	v34 =	vsub.s32 $0x0, v3  }
0x29b: {  	v3 =	vmin.u32 v3, v34  }
0x29c: {  	v3 =	vadd.s32 $0xFFFFFFFF, v3  }
0x29d: {  	v3 =	vmul.u32 v3, v3;
	_ =	sdelay $0x1  }
0x29e: {  	v35 =	vshra.s32 v3, $0x1F  }
0x29f: {  	v1 =	vmul.u32 v1, v2;
	v36 =	vand.u32 $0x3, v3;
	v2 =	vshrl.u32 v35, $0x1E  }
0x2a0: {  	vm8 =	vlt.s32 v3, $0x1;
	vm9 =	vne.s32 v36, $0x0;
	v2 =	vadd.s32 v2, v3  }
0x2a1: {  	vm0 =	vmand vm8, vm9;
	v2 =	vshra.s32 v2, $0x2  }
0x2a2: {  	v3 =	vsel vm0, $0xFFFFFFFF, v0;
	v1 =	vadd.s32 v1, v2  }
0x2a3: {  	v1 =	vadd.s32 v3, v1  }
0x2a4: {  	[tilespmem:s7+$0x7A80] =	vst v1  }
0x2a5: {  	v1 =	vld [tilespmem:s26+$0xFFFFFF80]  }
0x2a6: {  	v2 =	vld [tilespmem:s24+$0xFFFFFF80];
	_ =	sdelay $0x6  }
0x2a7: {  	v1 =	vld.idx.msk [tilespmem:v1+s4+$0x0], $0xffff  }
0x2a8: {  	v2 =	vld.idx.msk [tilespmem:v2+s4+$0x0], $0xffff;
	_ =	sdelay $0x4  }
0x2a9: {  	v3 =	vsub.s32 v1, v2  }
0x2aa: {  	v37 =	vsub.s32 $0x0, v3  }
0x2ab: {  	v3 =	vmin.u32 v3, v37  }
0x2ac: {  	v3 =	vadd.s32 $0xFFFFFFFF, v3  }
0x2ad: {  	v3 =	vmul.u32 v3, v3;
	_ =	sdelay $0x1  }
0x2ae: {  	v38 =	vshra.s32 v3, $0x1F  }
0x2af: {  	v1 =	vmul.u32 v1, v2;
	v39 =	vand.u32 $0x3, v3;
	v2 =	vshrl.u32 v38, $0x1E  }
0x2b0: {  	vm10 =	vlt.s32 v3, $0x1;
	vm11 =	vne.s32 v39, $0x0;
	v2 =	vadd.s32 v2, v3  }
0x2b1: {  	vm0 =	vmand vm10, vm11;
	v2 =	vshra.s32 v2, $0x2  }
0x2b2: {  	v3 =	vsel vm0, $0xFFFFFFFF, v0;
	v1 =	vadd.s32 v1, v2  }
0x2b3: {  	v1 =	vadd.s32 v3, v1  }
0x2b4: {  	[tilespmem:s7+$0x7A90] =	vst v1  }
0x2b5: {  	v1 =	vld [tilespmem:s26+$0xFFFFFF90]  }
0x2b6: {  	v2 =	vld [tilespmem:s24+$0xFFFFFF90];
	_ =	sdelay $0x6  }
0x2b7: {  	v1 =	vld.idx.msk [tilespmem:v1+s4+$0x0], $0xffff  }
0x2b8: {  	v2 =	vld.idx.msk [tilespmem:v2+s4+$0x0], $0xffff;
	_ =	sdelay $0x4  }
0x2b9: {  	v3 =	vsub.s32 v1, v2  }
0x2ba: {  	v40 =	vsub.s32 $0x0, v3  }
0x2bb: {  	v3 =	vmin.u32 v3, v40  }
0x2bc: {  	v3 =	vadd.s32 $0xFFFFFFFF, v3  }
0x2bd: {  	v3 =	vmul.u32 v3, v3;
	_ =	sdelay $0x1  }
0x2be: {  	v41 =	vshra.s32 v3, $0x1F  }
0x2bf: {  	v1 =	vmul.u32 v1, v2;
	v42 =	vand.u32 $0x3, v3;
	v2 =	vshrl.u32 v41, $0x1E  }
0x2c0: {  	vm12 =	vlt.s32 v3, $0x1;
	vm13 =	vne.s32 v42, $0x0;
	v2 =	vadd.s32 v2, v3  }
0x2c1: {  	vm0 =	vmand vm12, vm13;
	v2 =	vshra.s32 v2, $0x2  }
0x2c2: {  	v3 =	vsel vm0, $0xFFFFFFFF, v0;
	v1 =	vadd.s32 v1, v2  }
0x2c3: {  	v1 =	vadd.s32 v3, v1  }
0x2c4: {  	[tilespmem:s7+$0x7AA0] =	vst v1  }
0x2c5: {  	v1 =	vld [tilespmem:s26+$0xFFFFFFA0]  }
0x2c6: {  	v2 =	vld [tilespmem:s24+$0xFFFFFFA0];
	_ =	sdelay $0x6  }
0x2c7: {  	v1 =	vld.idx.msk [tilespmem:v1+s4+$0x0], $0xffff  }
0x2c8: {  	v2 =	vld.idx.msk [tilespmem:v2+s4+$0x0], $0xffff;
	_ =	sdelay $0x4  }
0x2c9: {  	v3 =	vsub.s32 v1, v2  }
0x2ca: {  	v43 =	vsub.s32 $0x0, v3  }
0x2cb: {  	v3 =	vmin.u32 v3, v43  }
0x2cc: {  	v3 =	vadd.s32 $0xFFFFFFFF, v3  }
0x2cd: {  	v3 =	vmul.u32 v3, v3;
	_ =	sdelay $0x1  }
0x2ce: {  	v44 =	vshra.s32 v3, $0x1F  }
0x2cf: {  	v1 =	vmul.u32 v1, v2;
	v45 =	vand.u32 $0x3, v3;
	v2 =	vshrl.u32 v44, $0x1E  }
0x2d0: {  	vm14 =	vlt.s32 v3, $0x1;
	vm15 =	vne.s32 v45, $0x0;
	v2 =	vadd.s32 v2, v3  }
0x2d1: {  	vm0 =	vmand vm14, vm15;
	v2 =	vshra.s32 v2, $0x2  }
0x2d2: {  	v3 =	vsel vm0, $0xFFFFFFFF, v0;
	v1 =	vadd.s32 v1, v2  }
0x2d3: {  	v1 =	vadd.s32 v3, v1  }
0x2d4: {  	[tilespmem:s7+$0x7AB0] =	vst v1  }
0x2d5: {  	v1 =	vld [tilespmem:s26+$0xFFFFFFB0]  }
0x2d6: {  	v2 =	vld [tilespmem:s24+$0xFFFFFFB0];
	_ =	sdelay $0x6  }
0x2d7: {  	v1 =	vld.idx.msk [tilespmem:v1+s4+$0x0], $0xffff  }
0x2d8: {  	v2 =	vld.idx.msk [tilespmem:v2+s4+$0x0], $0xffff;
	_ =	sdelay $0x4  }
0x2d9: {  	v3 =	vsub.s32 v1, v2  }
0x2da: {  	v46 =	vsub.s32 $0x0, v3  }
0x2db: {  	v3 =	vmin.u32 v3, v46  }
0x2dc: {  	v3 =	vadd.s32 $0xFFFFFFFF, v3  }
0x2dd: {  	v3 =	vmul.u32 v3, v3;
	_ =	sdelay $0x1  }
0x2de: {  	v47 =	vshra.s32 v3, $0x1F  }
0x2df: {  	v1 =	vmul.u32 v1, v2;
	v48 =	vand.u32 $0x3, v3;
	v2 =	vshrl.u32 v47, $0x1E  }
0x2e0: {  	vm4 =	vlt.s32 v3, $0x1;
	vm5 =	vne.s32 v48, $0x0;
	v2 =	vadd.s32 v2, v3  }
0x2e1: {  	vm0 =	vmand vm4, vm5;
	v2 =	vshra.s32 v2, $0x2  }
0x2e2: {  	v3 =	vsel vm0, $0xFFFFFFFF, v0;
	v1 =	vadd.s32 v1, v2  }
0x2e3: {  	v1 =	vadd.s32 v3, v1  }
0x2e4: {  	[tilespmem:s7+$0x7AC0] =	vst v1  }
0x2e5: {  	v1 =	vld [tilespmem:s26+$0xFFFFFFC0]  }
0x2e6: {  	v2 =	vld [tilespmem:s24+$0xFFFFFFC0];
	_ =	sdelay $0x6  }
0x2e7: {  	v1 =	vld.idx.msk [tilespmem:v1+s4+$0x0], $0xffff  }
0x2e8: {  	v2 =	vld.idx.msk [tilespmem:v2+s4+$0x0], $0xffff;
	_ =	sdelay $0x4  }
0x2e9: {  	v3 =	vsub.s32 v1, v2  }
0x2ea: {  	v49 =	vsub.s32 $0x0, v3  }
0x2eb: {  	v3 =	vmin.u32 v3, v49  }
0x2ec: {  	v3 =	vadd.s32 $0xFFFFFFFF, v3  }
0x2ed: {  	v3 =	vmul.u32 v3, v3;
	_ =	sdelay $0x1  }
0x2ee: {  	v50 =	vshra.s32 v3, $0x1F  }
0x2ef: {  	v1 =	vmul.u32 v1, v2;
	v51 =	vand.u32 $0x3, v3;
	v2 =	vshrl.u32 v50, $0x1E  }
0x2f0: {  	vm6 =	vlt.s32 v3, $0x1;
	vm7 =	vne.s32 v51, $0x0;
	v2 =	vadd.s32 v2, v3  }
0x2f1: {  	vm0 =	vmand vm6, vm7;
	v2 =	vshra.s32 v2, $0x2  }
0x2f2: {  	v3 =	vsel vm0, $0xFFFFFFFF, v0;
	v1 =	vadd.s32 v1, v2  }
0x2f3: {  	v1 =	vadd.s32 v3, v1  }
0x2f4: {  	[tilespmem:s7+$0x7B00] =	vst v1  }
0x2f5: {  	v1 =	vld [tilespmem:s26+$0xFFFFFFD0]  }
0x2f6: {  	v2 =	vld [tilespmem:s24+$0xFFFFFFD0];
	_ =	sdelay $0x6  }
0x2f7: {  	v1 =	vld.idx.msk [tilespmem:v1+s4+$0x0], $0xffff  }
0x2f8: {  	v2 =	vld.idx.msk [tilespmem:v2+s4+$0x0], $0xffff;
	_ =	sdelay $0x4  }
0x2f9: {  	v3 =	vsub.s32 v1, v2  }
0x2fa: {  	v52 =	vsub.s32 $0x0, v3  }
0x2fb: {  	v3 =	vmin.u32 v3, v52  }
0x2fc: {  	v3 =	vadd.s32 $0xFFFFFFFF, v3  }
0x2fd: {  	v3 =	vmul.u32 v3, v3;
	_ =	sdelay $0x1  }
0x2fe: {  	v53 =	vshra.s32 v3, $0x1F  }
0x2ff: {  	v1 =	vmul.u32 v1, v2;
	v54 =	vand.u32 $0x3, v3;
	v2 =	vshrl.u32 v53, $0x1E  }
0x300: {  	vm8 =	vlt.s32 v3, $0x1;
	vm9 =	vne.s32 v54, $0x0;
	v2 =	vadd.s32 v2, v3  }
0x301: {  	vm0 =	vmand vm8, vm9;
	v2 =	vshra.s32 v2, $0x2  }
0x302: {  	v3 =	vsel vm0, $0xFFFFFFFF, v0;
	v1 =	vadd.s32 v1, v2  }
0x303: {  	v1 =	vadd.s32 v3, v1  }
0x304: {  	[tilespmem:s7+$0x7B10] =	vst v1  }
0x305: {  	v1 =	vld [tilespmem:s26+$0xFFFFFFE0]  }
0x306: {  	v2 =	vld [tilespmem:s24+$0xFFFFFFE0];
	_ =	sdelay $0x6  }
0x307: {  	v1 =	vld.idx.msk [tilespmem:v1+s4+$0x0], $0xffff  }
0x308: {  	v2 =	vld.idx.msk [tilespmem:v2+s4+$0x0], $0xffff;
	_ =	sdelay $0x4  }
0x309: {  	v3 =	vsub.s32 v1, v2  }
0x30a: {  	v55 =	vsub.s32 $0x0, v3  }
0x30b: {  	v3 =	vmin.u32 v3, v55  }
0x30c: {  	v3 =	vadd.s32 $0xFFFFFFFF, v3  }
0x30d: {  	v3 =	vmul.u32 v3, v3;
	_ =	sdelay $0x1  }
0x30e: {  	v56 =	vshra.s32 v3, $0x1F  }
0x30f: {  	v1 =	vmul.u32 v1, v2;
	v57 =	vand.u32 $0x3, v3;
	v2 =	vshrl.u32 v56, $0x1E  }
0x310: {  	vm10 =	vlt.s32 v3, $0x1;
	vm11 =	vne.s32 v57, $0x0;
	v2 =	vadd.s32 v2, v3  }
0x311: {  	vm0 =	vmand vm10, vm11;
	v2 =	vshra.s32 v2, $0x2  }
0x312: {  	v3 =	vsel vm0, $0xFFFFFFFF, v0;
	v1 =	vadd.s32 v1, v2  }
0x313: {  	v1 =	vadd.s32 v3, v1  }
0x314: {  	[tilespmem:s7+$0x7B20] =	vst v1  }
0x315: {  	v1 =	vld [tilespmem:s26+$0xFFFFFFF0]  }
0x316: {  	v2 =	vld [tilespmem:s24+$0xFFFFFFF0];
	_ =	sdelay $0x6  }
0x317: {  	v1 =	vld.idx.msk [tilespmem:v1+s4+$0x0], $0xffff  }
0x318: {  	v2 =	vld.idx.msk [tilespmem:v2+s4+$0x0], $0xffff;
	_ =	sdelay $0x4  }
0x319: {  	v3 =	vsub.s32 v1, v2  }
0x31a: {  	v58 =	vsub.s32 $0x0, v3  }
0x31b: {  	v3 =	vmin.u32 v3, v58  }
0x31c: {  	v3 =	vadd.s32 $0xFFFFFFFF, v3  }
0x31d: {  	v3 =	vmul.u32 v3, v3;
	_ =	sdelay $0x1  }
0x31e: {  	v59 =	vshra.s32 v3, $0x1F  }
0x31f: {  	v1 =	vmul.u32 v1, v2;
	v60 =	vand.u32 $0x3, v3;
	v2 =	vshrl.u32 v59, $0x1E  }
0x320: {  	vm12 =	vlt.s32 v3, $0x1;
	vm13 =	vne.s32 v60, $0x0;
	v2 =	vadd.s32 v2, v3  }
0x321: {  	vm0 =	vmand vm12, vm13;
	v2 =	vshra.s32 v2, $0x2  }
0x322: {  	v3 =	vsel vm0, $0xFFFFFFFF, v0;
	v1 =	vadd.s32 v1, v2  }
0x323: {  	v1 =	vadd.s32 v3, v1  }
0x324: {  	[tilespmem:s7+$0x7B30] =	vst v1  }
0x325: {  	v1 =	vld [tilespmem:s26+$0x0]  }
0x326: {  	v2 =	vld [tilespmem:s24+$0x0];
	_ =	sdelay $0x6  }
0x327: {  	v1 =	vld.idx.msk [tilespmem:v1+s4+$0x0], $0xffff  }
0x328: {  	v2 =	vld.idx.msk [tilespmem:v2+s4+$0x0], $0xffff;
	_ =	sdelay $0x4  }
0x329: {  	v3 =	vsub.s32 v1, v2  }
0x32a: {  	v61 =	vsub.s32 $0x0, v3  }
0x32b: {  	v3 =	vmin.u32 v3, v61  }
0x32c: {  	v3 =	vadd.s32 $0xFFFFFFFF, v3  }
0x32d: {  	v3 =	vmul.u32 v3, v3;
	_ =	sdelay $0x1  }
0x32e: {  	v62 =	vshra.s32 v3, $0x1F  }
0x32f: {  	v1 =	vmul.u32 v1, v2;
	v63 =	vand.u32 $0x3, v3;
	v2 =	vshrl.u32 v62, $0x1E  }
0x330: {  	vm14 =	vlt.s32 v3, $0x1;
	vm15 =	vne.s32 v63, $0x0;
	v2 =	vadd.s32 v2, v3  }
0x331: {  	vm0 =	vmand vm14, vm15;
	v2 =	vshra.s32 v2, $0x2  }
0x332: {  	v3 =	vsel vm0, $0xFFFFFFFF, v0;
	v1 =	vadd.s32 v1, v2  }
0x333: {  	v1 =	vadd.s32 v3, v1  }
0x334: {  	[tilespmem:s7+$0x7B40] =	vst v1  }
0x335: {  	_ =	swait.ge [sflag:s29], $0x2800  }
0x336: {  	[sflag:s29] =	ssyncset.done $0x0  }
0x337: {  	s8 =	sadd.s32 $0xFFFFEC00, s13;
	[sflag:s29] =	ssyncadd.s32 $0xFFFFD800  }
0x338: {  	[hbm4b:s8+s4] =	stream.linear.scatter [tilespmem:s19], [sflag:$0x7], $0x2800, $0x38;
	[tilespmem:$0x17E80] =	vst v63  }
0x339: {  	_ =	swait.ge [sflag:s30], $0x2800  }
0x33a: {  	[sflag:s30] =	ssyncset.done $0x0  }
0x33b: {  	s8 =	sadd.s32 $0x7900, s7;
	[sflag:s30] =	ssyncadd.s32 $0xFFFFD800  }
0x33c: {  	[tilespmem:s19], [sflag:$0x2] =	stream.indirect.gather [hbm4b:s3+s17], $0x80, s8, s17, $0xb8;
	[tilespmem:$0x17E80] =	vst v63  }
0x33d: {  	_ =	swait.ge [sflag:s31], $0x2800  }
0x33e: {  	[sflag:s31] =	ssyncset.done $0x0  }
0x33f: {  	s8 =	sadd.s32 $0xFFFFF100, s13;
	[sflag:s31] =	ssyncadd.s32 $0xFFFFD800  }
0x340: {  	[hbm4b:s8+s4] =	stream.linear.scatter [tilespmem:s21], [sflag:$0x8], $0x2800, $0x38;
	[tilespmem:$0x17E80] =	vst v63  }
0x341: {  	_ =	swait.ge [sflag:s2], $0x2800  }
0x342: {  	[sflag:s2] =	ssyncset.done $0x0  }
0x343: {  	s8 =	sadd.s32 $0x7980, s7;
	[sflag:s2] =	ssyncadd.s32 $0xFFFFD800  }
0x344: {  	[tilespmem:s21], [sflag:$0x3] =	stream.indirect.gather [hbm4b:s3+s17], $0x80, s8, s17, $0xb8;
	[tilespmem:$0x17E80] =	vst v63  }
0x345: {  	_ =	swait.ge [sflag:s0], $0x2800  }
0x346: {  	[sflag:s0] =	ssyncset.done $0x0  }
0x347: {  	s8 =	sadd.s32 $0xFFFFF600, s13;
	[sflag:s0] =	ssyncadd.s32 $0xFFFFD800  }
0x348: {  	[hbm4b:s8+s4] =	stream.linear.scatter [tilespmem:s23], [sflag:$0x9], $0x2800, $0x38;
	[tilespmem:$0x17E80] =	vst v63  }
0x349: {  	_ =	swait.ge [sflag:s1], $0x2800  }
0x34a: {  	[sflag:s1] =	ssyncset.done $0x0  }
0x34b: {  	s8 =	sadd.s32 $0x7A00, s7;
	[sflag:s1] =	ssyncadd.s32 $0xFFFFD800  }
0x34c: {  	[tilespmem:s23], [sflag:$0x4] =	stream.indirect.gather [hbm4b:s3+s17], $0x80, s8, s17, $0xb8;
	[tilespmem:$0x17E80] =	vst v63  }
0x34d: {  	_ =	swait.ge [sflag:s14], $0x2800  }
0x34e: {  	[sflag:s14] =	ssyncset.done $0x0  }
0x34f: {  	s8 =	sadd.s32 $0xFFFFFB00, s13;
	[sflag:s14] =	ssyncadd.s32 $0xFFFFD800  }
0x350: {  	[hbm4b:s8+s4] =	stream.linear.scatter [tilespmem:s25], [sflag:$0xA], $0x2800, $0x38;
	[tilespmem:$0x17E80] =	vst v63  }
0x351: {  	_ =	swait.ge [sflag:s15], $0x2800  }
0x352: {  	[sflag:s15] =	ssyncset.done $0x0  }
0x353: {  	s8 =	sadd.s32 $0x7A80, s7;
	[sflag:s15] =	ssyncadd.s32 $0xFFFFD800  }
0x354: {  	[tilespmem:s25], [sflag:$0x5] =	stream.indirect.gather [hbm4b:s3+s17], $0x80, s8, s17, $0xb8;
	[tilespmem:$0x17E80] =	vst v63  }
0x355: {  	_ =	swait.ge [sflag:s18], $0x2800  }
0x356: {  	[sflag:s18] =	ssyncset.done $0x0  }
0x357: {  	p0 =	sne.s32 s6, $0xE600;
	[sflag:s18] =	ssyncadd.s32 $0xFFFFD800  }
0x358: {  	[hbm4b:s13+s4] =	stream.linear.scatter [tilespmem:s28], [sflag:$0xB], $0x2800, $0x38;
	[tilespmem:$0x17E80] =	vst v63  }
.Ltmp0:
0x359: {  	_ = 	snop;
	(pc) =	sbr.rel @p0 .LBB2_2-.Ltmp0, $4  }
0x35a: {  	s6 =	sadd.s32 $0xA00, s6;
	_ =	swait.ge [sflag:s20], $0x2800  }
0x35b: {  	s24 =	sadd.s32 $0x190, s24;
	s26 =	sadd.s32 $0x190, s26;
	[sflag:s20] =	ssyncset.done $0x0  }
0x35c: {  	s7 =	sadd.s32 $0x7B00, s7;
	s13 =	sadd.s32 $0x1900, s13;
	[sflag:s20] =	ssyncadd.s32 $0xFFFFD800  }
0x35d: {  	[tilespmem:s28], [sflag:$0x6] =	stream.indirect.gather [hbm4b:s3+s17], $0x80, s7, s17, $0xb8;
	[tilespmem:$0x17E80] =	vst v63  }
0x35e: {  	_ =	swait.ge [sflag:s29], $0x2800  }
0x35f: {  	[sflag:s29] =	ssyncset.done $0x0  }
0x360: {  	s6 =	rddreg [dreg:$0x7];
	[sflag:s29] =	ssyncadd.s32 $0xFFFFD800  }
0x361: {  	[hbm4b:s6+s4] =	stream.linear.scatter [tilespmem:s19], [sflag:$0x7], $0x2800, $0x38;
	[tilespmem:$0x17E80] =	vst v63  }
0x362: {  	_ =	swait.ge [sflag:s30], $0x2800  }
0x363: {  	[sflag:s30] =	ssyncset.done $0x0  }
0x364: {  	[sflag:s30] =	ssyncadd.s32 $0xFFFFD800  }
0x365: {  	_ =	swait.ge [sflag:s31], $0x2800  }
0x366: {  	[sflag:s31] =	ssyncset.done $0x0  }
0x367: {  	s26 =	rddreg [dreg:$0x8];
	[sflag:s31] =	ssyncadd.s32 $0xFFFFD800  }
0x368: {  	[hbm4b:s26+s4] =	stream.linear.scatter [tilespmem:s21], [sflag:$0x8], $0x2800, $0x38;
	[tilespmem:$0x17E80] =	vst v63  }
0x369: {  	_ =	swait.ge [sflag:s2], $0x2800  }
0x36a: {  	[sflag:s2] =	ssyncset.done $0x0  }
0x36b: {  	[sflag:s2] =	ssyncadd.s32 $0xFFFFD800  }
0x36c: {  	_ =	swait.ge [sflag:s0], $0x2800  }
0x36d: {  	[sflag:s0] =	ssyncset.done $0x0  }
0x36e: {  	[sflag:s0] =	ssyncadd.s32 $0xFFFFD800  }
0x36f: {  	[hbm4b:s9+s4] =	stream.linear.scatter [tilespmem:s23], [sflag:$0x9], $0x2800, $0x38;
	[tilespmem:$0x17E80] =	vst v63  }
0x370: {  	_ =	swait.ge [sflag:s1], $0x2800  }
0x371: {  	[sflag:s1] =	ssyncset.done $0x0  }
0x372: {  	[sflag:s1] =	ssyncadd.s32 $0xFFFFD800  }
0x373: {  	_ =	swait.ge [sflag:s14], $0x2800  }
0x374: {  	[sflag:s14] =	ssyncset.done $0x0  }
0x375: {  	[sflag:s14] =	ssyncadd.s32 $0xFFFFD800  }
0x376: {  	[hbm4b:s10+s4] =	stream.linear.scatter [tilespmem:s25], [sflag:$0xA], $0x2800, $0x38;
	[tilespmem:$0x17E80] =	vst v63  }
0x377: {  	_ =	swait.ge [sflag:s15], $0x2800  }
0x378: {  	[sflag:s15] =	ssyncset.done $0x0  }
0x379: {  	[sflag:s15] =	ssyncadd.s32 $0xFFFFD800  }
0x37a: {  	s22 =	sadd.s32 $0x1, s22;
	_ =	swait.ge [sflag:s18], $0x2800  }
0x37b: {  	p0 =	sne.s32 s22, s12;
	[sflag:s18] =	ssyncset.done $0x0  }
.Ltmp1:
0x37c: {  	[sflag:s18] =	ssyncadd.s32 $0xFFFFD800;
	(pc) =	sbr.rel @p0 .LBB2_1-.Ltmp1, $4  }
0x37d: {  	[hbm4b:s11+s4] =	stream.linear.scatter [tilespmem:s28], [sflag:$0xB], $0x2800, $0x38;
	[tilespmem:$0x17E80] =	vst v63  }
0x37e: {  	_ =	swait.ge [sflag:s20], $0x2800  }
0x37f: {  	[sflag:s20] =	ssyncset.done $0x0  }
0x380: {  	[sflag:s20] =	ssyncadd.s32 $0xFFFFD800  }
0x381: {  	_ =	sfence.sel $0x180000  }
0x382: {  	[bflag:$0x0] =	sbarrier.arrive $0xFFFF  }
0x383: {  	_ =	strace $0x90000047  }
0x384: {  	s0 =	stileid.u32;
	[bflag:$0x2] =	sbarrier.arrive $0xFFFF  }
0x385: {  	p0 =	sne.s32 s0, $0x0;
	s0 =	rddreg [dreg:$0x4]  }
0x386: {  	s0 =	sadd.s32 @!p0 $0x100000, s0  }
0x387: {  	[sflag:s0] =	ssyncadd.tile.s32 @!p0 $0x1;
	_ =	shalt  }
.Lfunc_end2:
_tile_overlayer_lowered:
.L_overlay_start_2:
0x388: {  	(tag) =	ssettag $0x2  }
0x389: {  	s0 =	rddreg [dreg:$0x0];
	s2 =	stileid.u32  }
0x38a: {  	s1 =	rddreg [dreg:$0x1];
	p0 =	sne.s32 s2, $0x0  }
0x38b: {  	s3 =	rddreg [dreg:$0x2];
	[bflag:$0x3] =	sbarrier.arrive $0xFFFF;
	s2 =	simm.s32 @!p0 $0x1C0C  }
0x38c: {  	[timem:s3], [sflag:s2] =	dma.local @!p0 [hbm:s0], s1  }
0x38d: {  	s0 =	simm.s32 @!p0 $0xC  }
0x38e: {  	_ =	swait.ge @!p0 [sflag:s0], s1  }
0x38f: {  	s1 =	ssub.s32 @!p0 $0x0, s1;
	[sflag:s0] =	ssyncset.done @!p0 $0x0  }
0x390: {  	[sflag:s0] =	ssyncadd.s32 @!p0 s1  }
0x391: {  	[bflag:$0x3] =	sbarrier.arrive $0xFFFF  }
0x392: {  	_ =	shalt  }

</sc_bundles>
